<compile_context>
chip_gen: v7x
topology: tpu7x:2x2x1
jax: 0.10.2.dev20260603
libtpu: 0.0.44.dev20260713+nightly
codegen_flags: <defaults>
</compile_context>

<pallas_src>
import functools

import jax
import jax.numpy as jnp
from jax.experimental import pallas as pl
from jax.experimental.pallas import tpu as pltpu
from jax.experimental.pallas import tpu_sc as plsc

MASK_ID = 5
K = 3
EPS = 1e-06
NEG_INF = float("-inf")
I32_BIG = jnp.iinfo(jnp.int32).max

CH = 20000
NCH = 5
NVEC = CH // 16
GV = 25
NG = NVEC // GV
NBUF = 4
RES_W = 16


def _bmax_splat(v):
    i = jax.lax.broadcasted_iota(jnp.int32, (16,), 0)
    for d in (1, 2, 4, 8):
        v = jnp.maximum(v, v[i ^ d])
    return v


def _bmin_splat_i32(v):
    i = jax.lax.broadcasted_iota(jnp.int32, (16,), 0)
    for d in (1, 2, 4, 8):
        v = jnp.minimum(v, v[i ^ d])
    return v


def _sc_topk_body(x_hbm, topv_hbm, topi_hbm, buf0, buf1, buf2, buf3,
                  resv, resi, sem0, sem1, sem2, sem3, *, rows_pw, nw):
    nc = 2
    wid = jax.lax.axis_index("s") * nc + jax.lax.axis_index("c")
    iota = jax.lax.broadcasted_iota(jnp.int32, (16,), 0)
    neg16 = jnp.full((16,), NEG_INF, jnp.float32)
    big16 = jnp.full((16,), I32_BIG, jnp.int32)
    bufs = (buf0, buf1, buf2, buf3)
    sems = (sem0, sem1, sem2, sem3)

    def extract_and_merge(buf, c, g, st):
        b0 = c * CH + g * (GV * 16)
        lb = g * (GV * 16)
        rem1 = jnp.int32(-1)
        rem2 = jnp.int32(-1)
        cand = []
        for _ in range(K):
            def maxpass(i, m, rem1=rem1, rem2=rem2):
                v = buf[pl.ds(lb + i * 16, 16)]
                gi = (b0 + i * 16) + iota
                keep = (gi != rem1) & (gi != rem2)
                return jnp.maximum(m, jnp.where(keep, v, NEG_INF))

            mvec = jax.lax.fori_loop(0, GV, maxpass, neg16)
            mv = _bmax_splat(mvec)[0]

            def ipass(i, iv, mv=mv, rem1=rem1, rem2=rem2):
                v = buf[pl.ds(lb + i * 16, 16)]
                gi = (b0 + i * 16) + iota
                ok = (v == mv) & (gi != rem1) & (gi != rem2)
                return jnp.minimum(iv, jnp.where(ok, gi, I32_BIG))

            ivec = jax.lax.fori_loop(0, GV, ipass, big16)
            mi = _bmin_splat_i32(ivec)[0]
            cand.append((mv, mi))
            rem2 = rem1
            rem1 = mi

        vs = [st[0], st[1], st[2], cand[0][0], cand[1][0], cand[2][0]]
        ix = [st[3], st[4], st[5], cand[0][1], cand[1][1], cand[2][1]]
        outv, outi = [], []
        for _ in range(K):
            bv, bi = vs[0], ix[0]
            for t in range(1, 6):
                better = (vs[t] > bv) | ((vs[t] == bv) & (ix[t] < bi))
                bv = jnp.where(better, vs[t], bv)
                bi = jnp.where(better, ix[t], bi)
            outv.append(bv)
            outi.append(bi)
            vs = [jnp.where((vs[t] == bv) & (ix[t] == bi),
                            jnp.float32(NEG_INF), vs[t]) for t in range(6)]
        return (outv[0], outv[1], outv[2], outi[0], outi[1], outi[2])

    NCHAIN = 5

    def process_chunk(buf, c, st):
        def grp(g, st2):
            gb = g * (GV * 16)
            mgs = [neg16] * NCHAIN
            for i in range(GV):
                mgs[i % NCHAIN] = jnp.maximum(
                    mgs[i % NCHAIN], buf[pl.ds(gb + i * 16, 16)])
            mg = mgs[0]
            for t in range(1, NCHAIN):
                mg = jnp.maximum(mg, mgs[t])
            sg = _bmax_splat(mg)[0]
            return jax.lax.cond(
                sg > st2[2],
                lambda s: extract_and_merge(buf, c, g, s),
                lambda s: s, st2)

        return jax.lax.fori_loop(0, NG, grp, st)

    def row_body(k, carry):
        row = wid * rows_pw + k

        rbase = row * (NCH * CH)

        def start(c, slot):
            return pltpu.async_copy(
                x_hbm.at[pl.ds(rbase + c * CH, CH)], bufs[slot], sems[slot])

        st = (jnp.float32(NEG_INF), jnp.float32(NEG_INF),
              jnp.float32(NEG_INF), jnp.int32(0), jnp.int32(0), jnp.int32(0))
        hs = [None] * NBUF
        for c in range(min(NBUF, NCH)):
            hs[c] = start(c, c)
        for c in range(NCH):
            hs[c % NBUF].wait()
            st = process_chunk(bufs[c % NBUF], c, st)
            nxt = c + NBUF
            if nxt < NCH:
                hs[nxt % NBUF] = start(nxt, nxt % NBUF)

        t1, t2, t3, i1, i2, i3 = st
        resv[k] = jnp.where(iota == 0, t1,
                            jnp.where(iota == 1, t2,
                                      jnp.where(iota == 2, t3,
                                                jnp.float32(0.0))))
        resi[k] = jnp.where(iota == 0, i1,
                            jnp.where(iota == 1, i2,
                                      jnp.where(iota == 2, i3,
                                                jnp.int32(0))))
        return carry

    jax.lax.fori_loop(0, rows_pw, row_body, jnp.int32(0))
    pltpu.sync_copy(resv, topv_hbm.at[pl.ds(wid * rows_pw, rows_pw)])
    pltpu.sync_copy(resi, topi_hbm.at[pl.ds(wid * rows_pw, rows_pw)])


def _sc_topk(x2):
    n_rows, v = x2.shape
    assert v == NCH * CH
    xf = x2.reshape(n_rows * v)
    info = plsc.get_sparse_core_info()
    nw = info.num_cores * info.num_subcores
    rows_pw = n_rows // nw
    mesh = plsc.VectorSubcoreMesh(core_axis_name="c", subcore_axis_name="s")
    body = functools.partial(_sc_topk_body, rows_pw=rows_pw, nw=nw)
    fn = pl.kernel(
        body,
        mesh=mesh,
        out_type=[
            jax.ShapeDtypeStruct((n_rows, RES_W), jnp.float32),
            jax.ShapeDtypeStruct((n_rows, RES_W), jnp.int32),
        ],
        scratch_types=[
            pltpu.VMEM((CH,), jnp.float32),
            pltpu.VMEM((CH,), jnp.float32),
            pltpu.VMEM((CH,), jnp.float32),
            pltpu.VMEM((CH,), jnp.float32),
            pltpu.VMEM((rows_pw, RES_W), jnp.float32),
            pltpu.VMEM((rows_pw, RES_W), jnp.int32),
            pltpu.SemaphoreType.DMA,
            pltpu.SemaphoreType.DMA,
            pltpu.SemaphoreType.DMA,
            pltpu.SemaphoreType.DMA,
        ],
    )
    return fn(xf)


def _tc_entropy_body(x_ref, s_out, w_out, s_acc, w_acc, *, n_rows, cv, nv,
                     v_total):
    j = pl.program_id(0)

    @pl.when(j == 0)
    def _init():
        s_acc[...] = jnp.zeros_like(s_acc)
        w_acc[...] = jnp.zeros_like(w_acc)

    @pl.when(j < nv - 1)
    def _main():
        x = x_ref[...]
        e = jnp.exp(x)
        s_acc[...] += e
        w_acc[...] += x * e

    @pl.when(j == nv - 1)
    def _last():
        x = x_ref[...]
        col = j * cv + jax.lax.broadcasted_iota(jnp.int32, (n_rows, cv), 1)
        valid = col < v_total
        e = jnp.where(valid, jnp.exp(x), 0.0)
        s_acc[...] += e
        w_acc[...] += jnp.where(valid, x * e, 0.0)
        s_out[...] = jnp.sum(s_acc[...], axis=1, keepdims=True)
        w_out[...] = jnp.sum(w_acc[...], axis=1, keepdims=True)


def _tc_entropy(x2):
    n_rows, v = x2.shape
    cv = 2048
    nv = (v + cv - 1) // cv
    body = functools.partial(_tc_entropy_body, n_rows=n_rows, cv=cv, nv=nv,
                             v_total=v)
    return pl.pallas_call(
        body,
        grid=(nv,),
        in_specs=[pl.BlockSpec((n_rows, cv), lambda j: (0, j))],
        out_specs=[
            pl.BlockSpec((n_rows, 1), lambda j: (0, 0)),
            pl.BlockSpec((n_rows, 1), lambda j: (0, 0)),
        ],
        out_shape=[
            jax.ShapeDtypeStruct((n_rows, 1), jnp.float32),
            jax.ShapeDtypeStruct((n_rows, 1), jnp.float32),
        ],
        scratch_shapes=[
            pltpu.VMEM((n_rows, cv), jnp.float32),
            pltpu.VMEM((n_rows, cv), jnp.float32),
        ],
    )(x2)


def _assemble_body(ids_ref, params_ref, s_ref, w_ref, tv_ref, ti_ref,
                   out_idx_ref, out_prob_ref):
    S = s_ref[...]
    W = w_ref[...]
    ne = W / S - jnp.log(S)
    scale = params_ref[0, 0]
    centre = params_ref[0, 1]
    steep = params_ref[0, 2]
    ids = ids_ref[...]
    maskp = ids == MASK_ID
    lam = scale * jax.nn.sigmoid(steep * (ne - centre))
    lam = jnp.where(maskp, lam, 0.0)
    tv = tv_ref[:, 0:K]
    ti = jnp.where(maskp, ti_ref[:, 0:K], 0)
    et = jnp.exp(tv - jnp.max(tv, axis=1, keepdims=True))
    tp = et / jnp.sum(et, axis=1, keepdims=True)
    out_idx_ref[...] = jnp.concatenate([ids, ti], axis=1)
    out_prob_ref[...] = jnp.concatenate([1.0 - lam, lam * tp], axis=1)


def _assemble(ids2, params, S, W, topv, topi):
    n_rows = ids2.shape[0]
    return pl.pallas_call(
        _assemble_body,
        in_specs=[
            pl.BlockSpec((n_rows, 1), lambda: (0, 0)),
            pl.BlockSpec(memory_space=pltpu.SMEM),
            pl.BlockSpec((n_rows, 1), lambda: (0, 0)),
            pl.BlockSpec((n_rows, 1), lambda: (0, 0)),
            pl.BlockSpec((n_rows, RES_W), lambda: (0, 0)),
            pl.BlockSpec((n_rows, RES_W), lambda: (0, 0)),
        ],
        out_specs=[
            pl.BlockSpec((n_rows, 1 + K), lambda: (0, 0)),
            pl.BlockSpec((n_rows, 1 + K), lambda: (0, 0)),
        ],
        out_shape=[
            jax.ShapeDtypeStruct((n_rows, 1 + K), jnp.int32),
            jax.ShapeDtypeStruct((n_rows, 1 + K), jnp.float32),
        ],
    )(ids2, params, S, W, topv, topi)


def kernel(input_ids, logits_prelim, raw_scale, raw_centre_neg, raw_steep,
           raw_temperature):
    B, T, V = logits_prelim.shape
    n_rows = B * T

    x2 = logits_prelim.reshape(n_rows, V)
    ids2 = input_ids.reshape(n_rows, 1).astype(jnp.int32)
    scale = jax.nn.sigmoid(raw_scale)
    centre = -jax.nn.softplus(raw_centre_neg) - EPS
    steep = jax.nn.softplus(raw_steep) + EPS
    params = jnp.stack([scale, centre, steep]).reshape(1, 3)

    topv, topi = _sc_topk(x2)
    S, W = _tc_entropy(x2)
    out_idx, out_prob = _assemble(ids2, params, S, W, topv, topi)

    final_indices = out_idx.reshape(B, T, 1 + K)
    final_probs = out_prob.reshape(B, T, 1 + K)
    return final_indices, final_probs

# --- scband reference (transcript-rebuilt; emitter-appended) ---
"""Pipeline reference for scband-transparency-head-520 (READ-ONLY COPY).

The authoritative reference and input builder live on the scoring server;
editing this copy changes nothing except your own understanding.
"""

import jax, jax.numpy as jnp
import numpy as np

MASK_TOKEN_ID = 5
MIXINPUTS_K = 3
EPS = 1e-06


def setup_inputs(seed: int = 0) -> dict:
    key = jax.random.key(seed)
    k1, k2 = jax.random.split(key)
    B, T, V = 32, 8, 100000
    input_ids = jax.random.randint(k1, (B, T), 0, 10).astype(jnp.int64)
    logits_prelim = jax.random.normal(k2, (B, T, V), dtype=jnp.float32)
    # learned scalar parameters (match torch init: init_scale=0.0, init_centre=-0.75,
    # init_steep=10/1.5, init_temperature=1.0)
    raw_scale = jnp.asarray(np.log(1e-06 / (1.0 - 1e-06)), dtype=jnp.float32)  # torch.logit(0.0, eps=1e-6)
    raw_centre_neg = jnp.asarray(np.log(np.expm1(0.75)), dtype=jnp.float32)
    raw_steep = jnp.asarray(np.log(np.expm1(10.0 / 1.5)), dtype=jnp.float32)
    raw_temperature = jnp.asarray(np.log(np.expm1(1.0)), dtype=jnp.float32)
    return {
        'input_ids': input_ids,
        'logits_prelim': logits_prelim,
        'raw_scale': raw_scale,
        'raw_centre_neg': raw_centre_neg,
        'raw_steep': raw_steep,
        'raw_temperature': raw_temperature,
    }


def reference(input_ids, logits_prelim, raw_scale, raw_centre_neg, raw_steep, raw_temperature):
    # transparency_alg = 'mixinputs_with_topk' (default) -> temperature = 1.0
    scale = jax.nn.sigmoid(raw_scale)
    centre = -jax.nn.softplus(raw_centre_neg) - EPS
    steepness = jax.nn.softplus(raw_steep) + EPS
    temperature = 1.0

    # neg entropy and probabilities
    p_full = jax.nn.softmax(logits_prelim / temperature, axis=-1)
    logp = jnp.log(p_full + 1e-10)
    neg_entropy = jnp.sum(p_full * logp, axis=-1)  # [B, T]

    mask_positions = input_ids == MASK_TOKEN_ID  # [B, T]
    lam = scale * jax.nn.sigmoid(steepness * (neg_entropy - centre))
    lam = jnp.where(mask_positions, lam, jnp.zeros_like(lam))
    lam = lam[..., None]  # [B, T, 1]

    # top-k over full vocab (torch computes it only on masked rows and scatters;
    # equivalent: compute everywhere and zero out non-masked rows)
    topk_logits, topk_indices = jax.lax.top_k(logits_prelim, MIXINPUTS_K)
    topk_probs = jax.nn.softmax(topk_logits.astype(jnp.float32), axis=-1).astype(logits_prelim.dtype)
    m3 = mask_positions[..., None]
    topk_indices = jnp.where(m3, topk_indices, jnp.zeros_like(topk_indices))
    topk_probs = jnp.where(m3, topk_probs, jnp.zeros_like(topk_probs))

    indices_onehot = input_ids[..., None]                        # [B, T, 1]
    probs_onehot = 1.0 - lam                                     # [B, T, 1]
    final_indices = jnp.concatenate([indices_onehot, topk_indices.astype(input_ids.dtype)], axis=-1)
    final_probs = jnp.concatenate([probs_onehot, lam * topk_probs], axis=-1)
    return final_indices, final_probs

if __name__ == "__main__":
    import jax
    _d = setup_inputs()
    print(jax.jit(kernel)(*tuple(_d.values())))

</pallas_src>

<mosaic_0001>
#map = affine_map<(d0, d1) -> (0)>
#map1 = affine_map<(d0, d1) -> (0, 0)>
module attributes {stable_mosaic.version = 14 : i64} {
  func.func @_sc_topk_body(%arg0: i32, %arg1: i32, %arg2: memref<25600000xf32, #tpu.memory_space<hbm>>, %arg3: memref<256x16xf32, #tpu.memory_space<hbm>>, %arg4: memref<256x16xi32, #tpu.memory_space<hbm>>, %arg5: memref<20000xf32, #tpu.memory_space<vmem>>, %arg6: memref<20000xf32, #tpu.memory_space<vmem>>, %arg7: memref<20000xf32, #tpu.memory_space<vmem>>, %arg8: memref<20000xf32, #tpu.memory_space<vmem>>, %arg9: memref<8x16xf32, #tpu.memory_space<vmem>>, %arg10: memref<8x16xi32, #tpu.memory_space<vmem>>, %arg11: memref<!tpu.dma_semaphore, #tpu.memory_space<semaphore_mem>>, %arg12: memref<!tpu.dma_semaphore, #tpu.memory_space<semaphore_mem>>, %arg13: memref<!tpu.dma_semaphore, #tpu.memory_space<semaphore_mem>>, %arg14: memref<!tpu.dma_semaphore, #tpu.memory_space<semaphore_mem>>) attributes {dimension_semantics = [#tpu.dimension_semantics<core_parallel>, #tpu.dimension_semantics<subcore_parallel>], iteration_bounds = array<i64: 2, 16>, scalar_prefetch = 0 : i64, scratch_operands = 10 : i64, tpu.core_type = #tpu.core_type<sc_vector_subcore>, window_params = [{transform_indices = #map}, {transform_indices = #map1}, {transform_indices = #map1}]} {
    %mul3A = arith.constant 2 : i32
    %mul3A_0 = arith.muli %arg1, %mul3A : i32
    %add3A = arith.addi %mul3A_0, %arg0 : i32
    %iota3A = tpu.iota {dimensions = array<i32: 0>} : vector<16xi32>
    %broadcast_in_dim3A = arith.constant 0xFF800000 : f32
    %broadcast_in_dim3A_1 = vector.broadcast %broadcast_in_dim3A : f32 to vector<16xf32>
    %broadcast_in_dim3A_2 = arith.constant 2147483647 : i32
    %broadcast_in_dim3A_3 = vector.broadcast %broadcast_in_dim3A_2 : i32 to vector<16xi32>
    %scan3A = arith.constant 0 : i32
    %scan3A_4 = arith.constant 0 : i32
    %scan3A_5 = arith.constant 8 : i32
    %scan3A_6 = arith.addi %scan3A_4, %scan3A_5 : i32
    %scan3A_7 = arith.constant 1 : i32
    scf.for %scan3A_13 = %scan3A_4 to %scan3A_6 step %scan3A_7  : i32 {
      %mul3A_14 = arith.constant 8 : i32
      %mul3A_15 = arith.muli %add3A, %mul3A_14 : i32
      %add3A_16 = arith.addi %mul3A_15, %scan3A_13 : i32
      %mul3A_17 = arith.constant 100000 : i32
      %mul3A_18 = arith.muli %add3A_16, %mul3A_17 : i32
      %add3A_19 = arith.constant 0 : i32
      %add3A_20 = arith.addi %mul3A_18, %add3A_19 : i32
      %dma_start3A = tpu.memref_slice %arg2[%add3A_20] : memref<25600000xf32, #tpu.memory_space<hbm>> -> memref<20000xf32, #tpu.memory_space<hbm>>
      %dma_start3A_21 = tpu.memref_slice %arg2[%add3A_20] : memref<25600000xf32, #tpu.memory_space<hbm>> -> memref<20000xf32, #tpu.memory_space<hbm>>
      tpu.enqueue_dma source(%dma_start3A_21 : memref<20000xf32, #tpu.memory_space<hbm>>) target(%arg5 : memref<20000xf32, #tpu.memory_space<vmem>>) target_semaphore(%arg11 : memref<!tpu.dma_semaphore, #tpu.memory_space<semaphore_mem>>)
      %add3A_22 = arith.constant 20000 : i32
      %add3A_23 = arith.addi %mul3A_18, %add3A_22 : i32
      %dma_start3A_24 = tpu.memref_slice %arg2[%add3A_23] : memref<25600000xf32, #tpu.memory_space<hbm>> -> memref<20000xf32, #tpu.memory_space<hbm>>
      %dma_start3A_25 = tpu.memref_slice %arg2[%add3A_23] : memref<25600000xf32, #tpu.memory_space<hbm>> -> memref<20000xf32, #tpu.memory_space<hbm>>
      tpu.enqueue_dma source(%dma_start3A_25 : memref<20000xf32, #tpu.memory_space<hbm>>) target(%arg6 : memref<20000xf32, #tpu.memory_space<vmem>>) target_semaphore(%arg12 : memref<!tpu.dma_semaphore, #tpu.memory_space<semaphore_mem>>)
      %add3A_26 = arith.constant 40000 : i32
      %add3A_27 = arith.addi %mul3A_18, %add3A_26 : i32
      %dma_start3A_28 = tpu.memref_slice %arg2[%add3A_27] : memref<25600000xf32, #tpu.memory_space<hbm>> -> memref<20000xf32, #tpu.memory_space<hbm>>
      %dma_start3A_29 = tpu.memref_slice %arg2[%add3A_27] : memref<25600000xf32, #tpu.memory_space<hbm>> -> memref<20000xf32, #tpu.memory_space<hbm>>
      tpu.enqueue_dma source(%dma_start3A_29 : memref<20000xf32, #tpu.memory_space<hbm>>) target(%arg7 : memref<20000xf32, #tpu.memory_space<vmem>>) target_semaphore(%arg13 : memref<!tpu.dma_semaphore, #tpu.memory_space<semaphore_mem>>)
      %add3A_30 = arith.constant 60000 : i32
      %add3A_31 = arith.addi %mul3A_18, %add3A_30 : i32
      %dma_start3A_32 = tpu.memref_slice %arg2[%add3A_31] : memref<25600000xf32, #tpu.memory_space<hbm>> -> memref<20000xf32, #tpu.memory_space<hbm>>
      %dma_start3A_33 = tpu.memref_slice %arg2[%add3A_31] : memref<25600000xf32, #tpu.memory_space<hbm>> -> memref<20000xf32, #tpu.memory_space<hbm>>
      tpu.enqueue_dma source(%dma_start3A_33 : memref<20000xf32, #tpu.memory_space<hbm>>) target(%arg8 : memref<20000xf32, #tpu.memory_space<vmem>>) target_semaphore(%arg14 : memref<!tpu.dma_semaphore, #tpu.memory_space<semaphore_mem>>)
      %dma_wait3A = tpu.memref_slice %arg2[%add3A_20] : memref<25600000xf32, #tpu.memory_space<hbm>> -> memref<20000xf32, #tpu.memory_space<hbm>>
      %dma_wait3A_34 = tpu.memref_slice %arg2[%add3A_20] : memref<25600000xf32, #tpu.memory_space<hbm>> -> memref<20000xf32, #tpu.memory_space<hbm>>
      tpu.wait_dma2 semaphore(%arg11 : memref<!tpu.dma_semaphore, #tpu.memory_space<semaphore_mem>>) src(%dma_wait3A_34 : memref<20000xf32, #tpu.memory_space<hbm>>) dst(%arg5 : memref<20000xf32, #tpu.memory_space<vmem>>)
      %scan3A_35 = arith.constant 0xFF800000 : f32
      %scan3A_36 = arith.constant 0xFF800000 : f32
      %scan3A_37 = arith.constant 0xFF800000 : f32
      %scan3A_38 = arith.constant 0 : i32
      %scan3A_39 = arith.constant 0 : i32
      %scan3A_40 = arith.constant 0 : i32
      %scan3A_41 = arith.constant 0 : i32
      %scan3A_42 = arith.constant 50 : i32
      %scan3A_43 = arith.addi %scan3A_41, %scan3A_42 : i32
      %scan3A_44 = arith.constant 1 : i32
      %scan3A_45:6 = scf.for %scan3A_123 = %scan3A_41 to %scan3A_43 step %scan3A_44 iter_args(%scan3A_124 = %scan3A_35, %scan3A_125 = %scan3A_36, %scan3A_126 = %scan3A_37, %scan3A_127 = %scan3A_38, %scan3A_128 = %scan3A_39, %scan3A_129 = %scan3A_40) -> (f32, f32, f32, i32, i32, i32)  : i32 {
        %mul3A_130 = arith.constant 400 : i32
        %mul3A_131 = arith.muli %scan3A_123, %mul3A_130 : i32
        %add3A_132 = arith.constant 0 : i32
        %add3A_133 = arith.addi %mul3A_131, %add3A_132 : i32
        %get3A = arith.index_cast %add3A_133 : i32 to index
        %get3A_134 = tpu.vector_load %arg5[%get3A] {strides = array<i32>} : memref<20000xf32, #tpu.memory_space<vmem>>, vector<16xf32>,
        %get3A_135 = vector.shape_cast %get3A_134 : vector<16xf32> to vector<16xf32>
        %max3A = arith.maximumf %broadcast_in_dim3A_1, %get3A_135 : vector<16xf32>
        %add3A_136 = arith.constant 16 : i32
        %add3A_137 = arith.addi %mul3A_131, %add3A_136 : i32
        %get3A_138 = arith.index_cast %add3A_137 : i32 to index
        %get3A_139 = tpu.vector_load %arg5[%get3A_138] {strides = array<i32>} : memref<20000xf32, #tpu.memory_space<vmem>>, vector<16xf32>,
        %get3A_140 = vector.shape_cast %get3A_139 : vector<16xf32> to vector<16xf32>
        %max3A_141 = arith.maximumf %broadcast_in_dim3A_1, %get3A_140 : vector<16xf32>
        %add3A_142 = arith.constant 32 : i32
        %add3A_143 = arith.addi %mul3A_131, %add3A_142 : i32
        %get3A_144 = arith.index_cast %add3A_143 : i32 to index
        %get3A_145 = tpu.vector_load %arg5[%get3A_144] {strides = array<i32>} : memref<20000xf32, #tpu.memory_space<vmem>>, vector<16xf32>,
        %get3A_146 = vector.shape_cast %get3A_145 : vector<16xf32> to vector<16xf32>
        %max3A_147 = arith.maximumf %broadcast_in_dim3A_1, %get3A_146 : vector<16xf32>
        %add3A_148 = arith.constant 48 : i32
        %add3A_149 = arith.addi %mul3A_131, %add3A_148 : i32
        %get3A_150 = arith.index_cast %add3A_149 : i32 to index
        %get3A_151 = tpu.vector_load %arg5[%get3A_150] {strides = array<i32>} : memref<20000xf32, #tpu.memory_space<vmem>>, vector<16xf32>,
        %get3A_152 = vector.shape_cast %get3A_151 : vector<16xf32> to vector<16xf32>
        %max3A_153 = arith.maximumf %broadcast_in_dim3A_1, %get3A_152 : vector<16xf32>
        %add3A_154 = arith.constant 64 : i32
        %add3A_155 = arith.addi %mul3A_131, %add3A_154 : i32
        %get3A_156 = arith.index_cast %add3A_155 : i32 to index
        %get3A_157 = tpu.vector_load %arg5[%get3A_156] {strides = array<i32>} : memref<20000xf32, #tpu.memory_space<vmem>>, vector<16xf32>,
        %get3A_158 = vector.shape_cast %get3A_157 : vector<16xf32> to vector<16xf32>
        %max3A_159 = arith.maximumf %broadcast_in_dim3A_1, %get3A_158 : vector<16xf32>
        %add3A_160 = arith.constant 80 : i32
        %add3A_161 = arith.addi %mul3A_131, %add3A_160 : i32
        %get3A_162 = arith.index_cast %add3A_161 : i32 to index
        %get3A_163 = tpu.vector_load %arg5[%get3A_162] {strides = array<i32>} : memref<20000xf32, #tpu.memory_space<vmem>>, vector<16xf32>,
        %get3A_164 = vector.shape_cast %get3A_163 : vector<16xf32> to vector<16xf32>
        %max3A_165 = arith.maximumf %max3A, %get3A_164 : vector<16xf32>
        %add3A_166 = arith.constant 96 : i32
        %add3A_167 = arith.addi %mul3A_131, %add3A_166 : i32
        %get3A_168 = arith.index_cast %add3A_167 : i32 to index
        %get3A_169 = tpu.vector_load %arg5[%get3A_168] {strides = array<i32>} : memref<20000xf32, #tpu.memory_space<vmem>>, vector<16xf32>,
        %get3A_170 = vector.shape_cast %get3A_169 : vector<16xf32> to vector<16xf32>
        %max3A_171 = arith.maximumf %max3A_141, %get3A_170 : vector<16xf32>
        %add3A_172 = arith.constant 112 : i32
        %add3A_173 = arith.addi %mul3A_131, %add3A_172 : i32
        %get3A_174 = arith.index_cast %add3A_173 : i32 to index
        %get3A_175 = tpu.vector_load %arg5[%get3A_174] {strides = array<i32>} : memref<20000xf32, #tpu.memory_space<vmem>>, vector<16xf32>,
        %get3A_176 = vector.shape_cast %get3A_175 : vector<16xf32> to vector<16xf32>
        %max3A_177 = arith.maximumf %max3A_147, %get3A_176 : vector<16xf32>
        %add3A_178 = arith.constant 128 : i32
        %add3A_179 = arith.addi %mul3A_131, %add3A_178 : i32
        %get3A_180 = arith.index_cast %add3A_179 : i32 to index
        %get3A_181 = tpu.vector_load %arg5[%get3A_180] {strides = array<i32>} : memref<20000xf32, #tpu.memory_space<vmem>>, vector<16xf32>,
        %get3A_182 = vector.shape_cast %get3A_181 : vector<16xf32> to vector<16xf32>
        %max3A_183 = arith.maximumf %max3A_153, %get3A_182 : vector<16xf32>
        %add3A_184 = arith.constant 144 : i32
        %add3A_185 = arith.addi %mul3A_131, %add3A_184 : i32
        %get3A_186 = arith.index_cast %add3A_185 : i32 to index
        %get3A_187 = tpu.vector_load %arg5[%get3A_186] {strides = array<i32>} : memref<20000xf32, #tpu.memory_space<vmem>>, vector<16xf32>,
        %get3A_188 = vector.shape_cast %get3A_187 : vector<16xf32> to vector<16xf32>
        %max3A_189 = arith.maximumf %max3A_159, %get3A_188 : vector<16xf32>
        %add3A_190 = arith.constant 160 : i32
        %add3A_191 = arith.addi %mul3A_131, %add3A_190 : i32
        %get3A_192 = arith.index_cast %add3A_191 : i32 to index
        %get3A_193 = tpu.vector_load %arg5[%get3A_192] {strides = array<i32>} : memref<20000xf32, #tpu.memory_space<vmem>>, vector<16xf32>,
        %get3A_194 = vector.shape_cast %get3A_193 : vector<16xf32> to vector<16xf32>
        %max3A_195 = arith.maximumf %max3A_165, %get3A_194 : vector<16xf32>
        %add3A_196 = arith.constant 176 : i32
        %add3A_197 = arith.addi %mul3A_131, %add3A_196 : i32
        %get3A_198 = arith.index_cast %add3A_197 : i32 to index
        %get3A_199 = tpu.vector_load %arg5[%get3A_198] {strides = array<i32>} : memref<20000xf32, #tpu.memory_space<vmem>>, vector<16xf32>,
        %get3A_200 = vector.shape_cast %get3A_199 : vector<16xf32> to vector<16xf32>
        %max3A_201 = arith.maximumf %max3A_171, %get3A_200 : vector<16xf32>
        %add3A_202 = arith.constant 192 : i32
        %add3A_203 = arith.addi %mul3A_131, %add3A_202 : i32
        %get3A_204 = arith.index_cast %add3A_203 : i32 to index
        %get3A_205 = tpu.vector_load %arg5[%get3A_204] {strides = array<i32>} : memref<20000xf32, #tpu.memory_space<vmem>>, vector<16xf32>,
        %get3A_206 = vector.shape_cast %get3A_205 : vector<16xf32> to vector<16xf32>
        %max3A_207 = arith.maximumf %max3A_177, %get3A_206 : vector<16xf32>
        %add3A_208 = arith.constant 208 : i32
        %add3A_209 = arith.addi %mul3A_131, %add3A_208 : i32
        %get3A_210 = arith.index_cast %add3A_209 : i32 to index
        %get3A_211 = tpu.vector_load %arg5[%get3A_210] {strides = array<i32>} : memref<20000xf32, #tpu.memory_space<vmem>>, vector<16xf32>,
        %get3A_212 = vector.shape_cast %get3A_211 : vector<16xf32> to vector<16xf32>
        %max3A_213 = arith.maximumf %max3A_183, %get3A_212 : vector<16xf32>
        %add3A_214 = arith.constant 224 : i32
        %add3A_215 = arith.addi %mul3A_131, %add3A_214 : i32
        %get3A_216 = arith.index_cast %add3A_215 : i32 to index
        %get3A_217 = tpu.vector_load %arg5[%get3A_216] {strides = array<i32>} : memref<20000xf32, #tpu.memory_space<vmem>>, vector<16xf32>,
        %get3A_218 = vector.shape_cast %get3A_217 : vector<16xf32> to vector<16xf32>
        %max3A_219 = arith.maximumf %max3A_189, %get3A_218 : vector<16xf32>
        %add3A_220 = arith.constant 240 : i32
        %add3A_221 = arith.addi %mul3A_131, %add3A_220 : i32
        %get3A_222 = arith.index_cast %add3A_221 : i32 to index
        %get3A_223 = tpu.vector_load %arg5[%get3A_222] {strides = array<i32>} : memref<20000xf32, #tpu.memory_space<vmem>>, vector<16xf32>,
        %get3A_224 = vector.shape_cast %get3A_223 : vector<16xf32> to vector<16xf32>
        %max3A_225 = arith.maximumf %max3A_195, %get3A_224 : vector<16xf32>
        %add3A_226 = arith.constant 256 : i32
        %add3A_227 = arith.addi %mul3A_131, %add3A_226 : i32
        %get3A_228 = arith.index_cast %add3A_227 : i32 to index
        %get3A_229 = tpu.vector_load %arg5[%get3A_228] {strides = array<i32>} : memref<20000xf32, #tpu.memory_space<vmem>>, vector<16xf32>,
        %get3A_230 = vector.shape_cast %get3A_229 : vector<16xf32> to vector<16xf32>
        %max3A_231 = arith.maximumf %max3A_201, %get3A_230 : vector<16xf32>
        %add3A_232 = arith.constant 272 : i32
        %add3A_233 = arith.addi %mul3A_131, %add3A_232 : i32
        %get3A_234 = arith.index_cast %add3A_233 : i32 to index
        %get3A_235 = tpu.vector_load %arg5[%get3A_234] {strides = array<i32>} : memref<20000xf32, #tpu.memory_space<vmem>>, vector<16xf32>,
        %get3A_236 = vector.shape_cast %get3A_235 : vector<16xf32> to vector<16xf32>
        %max3A_237 = arith.maximumf %max3A_207, %get3A_236 : vector<16xf32>
        %add3A_238 = arith.constant 288 : i32
        %add3A_239 = arith.addi %mul3A_131, %add3A_238 : i32
        %get3A_240 = arith.index_cast %add3A_239 : i32 to index
        %get3A_241 = tpu.vector_load %arg5[%get3A_240] {strides = array<i32>} : memref<20000xf32, #tpu.memory_space<vmem>>, vector<16xf32>,
        %get3A_242 = vector.shape_cast %get3A_241 : vector<16xf32> to vector<16xf32>
        %max3A_243 = arith.maximumf %max3A_213, %get3A_242 : vector<16xf32>
        %add3A_244 = arith.constant 304 : i32
        %add3A_245 = arith.addi %mul3A_131, %add3A_244 : i32
        %get3A_246 = arith.index_cast %add3A_245 : i32 to index
        %get3A_247 = tpu.vector_load %arg5[%get3A_246] {strides = array<i32>} : memref<20000xf32, #tpu.memory_space<vmem>>, vector<16xf32>,
        %get3A_248 = vector.shape_cast %get3A_247 : vector<16xf32> to vector<16xf32>
        %max3A_249 = arith.maximumf %max3A_219, %get3A_248 : vector<16xf32>
        %add3A_250 = arith.constant 320 : i32
        %add3A_251 = arith.addi %mul3A_131, %add3A_250 : i32
        %get3A_252 = arith.index_cast %add3A_251 : i32 to index
        %get3A_253 = tpu.vector_load %arg5[%get3A_252] {strides = array<i32>} : memref<20000xf32, #tpu.memory_space<vmem>>, vector<16xf32>,
        %get3A_254 = vector.shape_cast %get3A_253 : vector<16xf32> to vector<16xf32>
        %max3A_255 = arith.maximumf %max3A_225, %get3A_254 : vector<16xf32>
        %add3A_256 = arith.constant 336 : i32
        %add3A_257 = arith.addi %mul3A_131, %add3A_256 : i32
        %get3A_258 = arith.index_cast %add3A_257 : i32 to index
        %get3A_259 = tpu.vector_load %arg5[%get3A_258] {strides = array<i32>} : memref<20000xf32, #tpu.memory_space<vmem>>, vector<16xf32>,
        %get3A_260 = vector.shape_cast %get3A_259 : vector<16xf32> to vector<16xf32>
        %max3A_261 = arith.maximumf %max3A_231, %get3A_260 : vector<16xf32>
        %add3A_262 = arith.constant 352 : i32
        %add3A_263 = arith.addi %mul3A_131, %add3A_262 : i32
        %get3A_264 = arith.index_cast %add3A_263 : i32 to index
        %get3A_265 = tpu.vector_load %arg5[%get3A_264] {strides = array<i32>} : memref<20000xf32, #tpu.memory_space<vmem>>, vector<16xf32>,
        %get3A_266 = vector.shape_cast %get3A_265 : vector<16xf32> to vector<16xf32>
        %max3A_267 = arith.maximumf %max3A_237, %get3A_266 : vector<16xf32>
        %add3A_268 = arith.constant 368 : i32
        %add3A_269 = arith.addi %mul3A_131, %add3A_268 : i32
        %get3A_270 = arith.index_cast %add3A_269 : i32 to index
        %get3A_271 = tpu.vector_load %arg5[%get3A_270] {strides = array<i32>} : memref<20000xf32, #tpu.memory_space<vmem>>, vector<16xf32>,
        %get3A_272 = vector.shape_cast %get3A_271 : vector<16xf32> to vector<16xf32>
        %max3A_273 = arith.maximumf %max3A_243, %get3A_272 : vector<16xf32>
        %add3A_274 = arith.constant 384 : i32
        %add3A_275 = arith.addi %mul3A_131, %add3A_274 : i32
        %get3A_276 = arith.index_cast %add3A_275 : i32 to index
        %get3A_277 = tpu.vector_load %arg5[%get3A_276] {strides = array<i32>} : memref<20000xf32, #tpu.memory_space<vmem>>, vector<16xf32>,
        %get3A_278 = vector.shape_cast %get3A_277 : vector<16xf32> to vector<16xf32>
        %max3A_279 = arith.maximumf %max3A_249, %get3A_278 : vector<16xf32>
        %max3A_280 = arith.maximumf %max3A_255, %max3A_261 : vector<16xf32>
        %max3A_281 = arith.maximumf %max3A_280, %max3A_267 : vector<16xf32>
        %max3A_282 = arith.maximumf %max3A_281, %max3A_273 : vector<16xf32>
        %max3A_283 = arith.maximumf %max3A_282, %max3A_279 : vector<16xf32>
        %iota3A_284 = tpu.iota {dimensions = array<i32: 0>} : vector<16xi32>
        %xor3A = arith.constant 1 : i32
        %xor3A_285 = vector.broadcast %xor3A : i32 to vector<16xi32>
        %xor3A_286 = arith.xori %iota3A_284, %xor3A_285 : vector<16xi32>
        %lt3A = arith.constant 0 : i32
        %lt3A_287 = vector.broadcast %lt3A : i32 to vector<16xi32>
        %lt3A_288 = arith.cmpi slt, %xor3A_286, %lt3A_287 : vector<16xi32>
        %add3A_289 = arith.constant 16 : i32
        %add3A_290 = vector.broadcast %add3A_289 : i32 to vector<16xi32>
        %add3A_291 = arith.addi %xor3A_286, %add3A_290 : vector<16xi32>
        %select_n3A_292 = arith.select %lt3A_288, %add3A_291, %xor3A_286 : vector<16xi1>, vector<16xi32>
        %broadcast_in_dim3A_293 = vector.shape_cast %select_n3A_292 : vector<16xi32> to vector<16x1xi32>
        %gather3A = vector.shape_cast %broadcast_in_dim3A_293 : vector<16x1xi32> to vector<16xi32>
        %gather3A_294 = tpu.dynamic_gather %max3A_283[%gather3A] in [0] : vector<16xf32>, vector<16xi32> -> vector<16xf32>
        %max3A_295 = arith.maximumf %max3A_283, %gather3A_294 : vector<16xf32>
        %xor3A_296 = arith.constant 2 : i32
        %xor3A_297 = vector.broadcast %xor3A_296 : i32 to vector<16xi32>
        %xor3A_298 = arith.xori %iota3A_284, %xor3A_297 : vector<16xi32>
        %lt3A_299 = arith.constant 0 : i32
        %lt3A_300 = vector.broadcast %lt3A_299 : i32 to vector<16xi32>
        %lt3A_301 = arith.cmpi slt, %xor3A_298, %lt3A_300 : vector<16xi32>
        %add3A_302 = arith.constant 16 : i32
        %add3A_303 = vector.broadcast %add3A_302 : i32 to vector<16xi32>
        %add3A_304 = arith.addi %xor3A_298, %add3A_303 : vector<16xi32>
        %select_n3A_305 = arith.select %lt3A_301, %add3A_304, %xor3A_298 : vector<16xi1>, vector<16xi32>
        %broadcast_in_dim3A_306 = vector.shape_cast %select_n3A_305 : vector<16xi32> to vector<16x1xi32>
        %gather3A_307 = vector.shape_cast %broadcast_in_dim3A_306 : vector<16x1xi32> to vector<16xi32>
        %gather3A_308 = tpu.dynamic_gather %max3A_295[%gather3A_307] in [0] : vector<16xf32>, vector<16xi32> -> vector<16xf32>
        %max3A_309 = arith.maximumf %max3A_295, %gather3A_308 : vector<16xf32>
        %xor3A_310 = arith.constant 4 : i32
        %xor3A_311 = vector.broadcast %xor3A_310 : i32 to vector<16xi32>
        %xor3A_312 = arith.xori %iota3A_284, %xor3A_311 : vector<16xi32>
        %lt3A_313 = arith.constant 0 : i32
        %lt3A_314 = vector.broadcast %lt3A_313 : i32 to vector<16xi32>
        %lt3A_315 = arith.cmpi slt, %xor3A_312, %lt3A_314 : vector<16xi32>
        %add3A_316 = arith.constant 16 : i32
        %add3A_317 = vector.broadcast %add3A_316 : i32 to vector<16xi32>
        %add3A_318 = arith.addi %xor3A_312, %add3A_317 : vector<16xi32>
        %select_n3A_319 = arith.select %lt3A_315, %add3A_318, %xor3A_312 : vector<16xi1>, vector<16xi32>
        %broadcast_in_dim3A_320 = vector.shape_cast %select_n3A_319 : vector<16xi32> to vector<16x1xi32>
        %gather3A_321 = vector.shape_cast %broadcast_in_dim3A_320 : vector<16x1xi32> to vector<16xi32>
        %gather3A_322 = tpu.dynamic_gather %max3A_309[%gather3A_321] in [0] : vector<16xf32>, vector<16xi32> -> vector<16xf32>
        %max3A_323 = arith.maximumf %max3A_309, %gather3A_322 : vector<16xf32>
        %xor3A_324 = arith.constant 8 : i32
        %xor3A_325 = vector.broadcast %xor3A_324 : i32 to vector<16xi32>
        %xor3A_326 = arith.xori %iota3A_284, %xor3A_325 : vector<16xi32>
        %lt3A_327 = arith.constant 0 : i32
        %lt3A_328 = vector.broadcast %lt3A_327 : i32 to vector<16xi32>
        %lt3A_329 = arith.cmpi slt, %xor3A_326, %lt3A_328 : vector<16xi32>
        %add3A_330 = arith.constant 16 : i32
        %add3A_331 = vector.broadcast %add3A_330 : i32 to vector<16xi32>
        %add3A_332 = arith.addi %xor3A_326, %add3A_331 : vector<16xi32>
        %select_n3A_333 = arith.select %lt3A_329, %add3A_332, %xor3A_326 : vector<16xi1>, vector<16xi32>
        %broadcast_in_dim3A_334 = vector.shape_cast %select_n3A_333 : vector<16xi32> to vector<16x1xi32>
        %gather3A_335 = vector.shape_cast %broadcast_in_dim3A_334 : vector<16x1xi32> to vector<16xi32>
        %gather3A_336 = tpu.dynamic_gather %max3A_323[%gather3A_335] in [0] : vector<16xf32>, vector<16xi32> -> vector<16xf32>
        %max3A_337 = arith.maximumf %max3A_323, %gather3A_336 : vector<16xf32>
        %slice3A = vector.extract_strided_slice %max3A_337 {offsets = [0], sizes = [1], strides = [1]} : vector<16xf32> to vector<1xf32>
        %squeeze3A = vector.extract %slice3A[0] : f32 from vector<1xf32>
        %gt3A = arith.cmpf ogt, %squeeze3A, %scan3A_126 : f32
        %convert_element_type3A = arith.extui %gt3A : i1 to i32
        %cond3A = arith.constant 0 : i32
        %cond3A_338 = arith.cmpi ne, %convert_element_type3A, %cond3A : i32
        %cond3A_339:6 = scf.if %cond3A_338 -> (f32, f32, f32, i32, i32, i32) {
          %mul3A_340 = arith.constant 400 : i32
          %mul3A_341 = arith.muli %scan3A_123, %mul3A_340 : i32
          %add3A_342 = arith.constant 0 : i32
          %add3A_343 = arith.addi %add3A_342, %mul3A_341 : i32
          %mul3A_344 = arith.constant 400 : i32
          %mul3A_345 = arith.muli %scan3A_123, %mul3A_344 : i32
          %scan3A_346 = arith.constant -1 : i32
          %scan3A_347 = arith.constant -1 : i32
          %scan3A_348 = arith.constant 0 : i32
          %scan3A_349 = arith.constant 25 : i32
          %scan3A_350 = arith.addi %scan3A_348, %scan3A_349 : i32
          %scan3A_351 = arith.constant 1 : i32
          %scan3A_352 = scf.for %scan3A_934 = %scan3A_348 to %scan3A_350 step %scan3A_351 iter_args(%scan3A_935 = %broadcast_in_dim3A_1) -> (vector<16xf32>)  : i32 {
            %mul3A_936 = arith.constant 16 : i32
            %mul3A_937 = arith.muli %scan3A_934, %mul3A_936 : i32
            %add3A_938 = arith.addi %mul3A_345, %mul3A_937 : i32
            %get3A_939 = arith.index_cast %add3A_938 : i32 to index
            %get3A_940 = tpu.vector_load %arg5[%get3A_939] {strides = array<i32>} : memref<20000xf32, #tpu.memory_space<vmem>>, vector<16xf32>,
            %get3A_941 = vector.shape_cast %get3A_940 : vector<16xf32> to vector<16xf32>
            %mul3A_942 = arith.constant 16 : i32
            %mul3A_943 = arith.muli %scan3A_934, %mul3A_942 : i32
            %add3A_944 = arith.addi %add3A_343, %mul3A_943 : i32
            %add3A_945 = vector.broadcast %add3A_944 : i32 to vector<16xi32>
            %add3A_946 = arith.addi %add3A_945, %iota3A : vector<16xi32>
            %ne3A = vector.broadcast %scan3A_346 : i32 to vector<16xi32>
            %ne3A_947 = arith.cmpi ne, %add3A_946, %ne3A : vector<16xi32>
            %ne3A_948 = vector.broadcast %scan3A_347 : i32 to vector<16xi32>
            %ne3A_949 = arith.cmpi ne, %add3A_946, %ne3A_948 : vector<16xi32>
            %and3A_950 = arith.andi %ne3A_947, %ne3A_949 : vector<16xi1>
            %jit3A_951 = arith.constant 0xFF800000 : f32
            %broadcast_in_dim3A_952 = vector.broadcast %jit3A_951 : f32 to vector<16xf32>
            %select_n3A_953 = arith.select %and3A_950, %get3A_941, %broadcast_in_dim3A_952 : vector<16xi1>, vector<16xf32>
            %max3A_954 = arith.maximumf %scan3A_935, %select_n3A_953 : vector<16xf32>
            scf.yield %max3A_954 : vector<16xf32>
          }
          %scan3A_353 = arith.constant 25 : i32
          %iota3A_354 = tpu.iota {dimensions = array<i32: 0>} : vector<16xi32>
          %xor3A_355 = arith.constant 1 : i32
          %xor3A_356 = vector.broadcast %xor3A_355 : i32 to vector<16xi32>
          %xor3A_357 = arith.xori %iota3A_354, %xor3A_356 : vector<16xi32>
          %lt3A_358 = arith.constant 0 : i32
          %lt3A_359 = vector.broadcast %lt3A_358 : i32 to vector<16xi32>
          %lt3A_360 = arith.cmpi slt, %xor3A_357, %lt3A_359 : vector<16xi32>
          %add3A_361 = arith.constant 16 : i32
          %add3A_362 = vector.broadcast %add3A_361 : i32 to vector<16xi32>
          %add3A_363 = arith.addi %xor3A_357, %add3A_362 : vector<16xi32>
          %select_n3A_364 = arith.select %lt3A_360, %add3A_363, %xor3A_357 : vector<16xi1>, vector<16xi32>
          %broadcast_in_dim3A_365 = vector.shape_cast %select_n3A_364 : vector<16xi32> to vector<16x1xi32>
          %gather3A_366 = vector.shape_cast %broadcast_in_dim3A_365 : vector<16x1xi32> to vector<16xi32>
          %gather3A_367 = tpu.dynamic_gather %scan3A_352[%gather3A_366] in [0] : vector<16xf32>, vector<16xi32> -> vector<16xf32>
          %max3A_368 = arith.maximumf %scan3A_352, %gather3A_367 : vector<16xf32>
          %xor3A_369 = arith.constant 2 : i32
          %xor3A_370 = vector.broadcast %xor3A_369 : i32 to vector<16xi32>
          %xor3A_371 = arith.xori %iota3A_354, %xor3A_370 : vector<16xi32>
          %lt3A_372 = arith.constant 0 : i32
          %lt3A_373 = vector.broadcast %lt3A_372 : i32 to vector<16xi32>
          %lt3A_374 = arith.cmpi slt, %xor3A_371, %lt3A_373 : vector<16xi32>
          %add3A_375 = arith.constant 16 : i32
          %add3A_376 = vector.broadcast %add3A_375 : i32 to vector<16xi32>
          %add3A_377 = arith.addi %xor3A_371, %add3A_376 : vector<16xi32>
          %select_n3A_378 = arith.select %lt3A_374, %add3A_377, %xor3A_371 : vector<16xi1>, vector<16xi32>
          %broadcast_in_dim3A_379 = vector.shape_cast %select_n3A_378 : vector<16xi32> to vector<16x1xi32>
          %gather3A_380 = vector.shape_cast %broadcast_in_dim3A_379 : vector<16x1xi32> to vector<16xi32>
          %gather3A_381 = tpu.dynamic_gather %max3A_368[%gather3A_380] in [0] : vector<16xf32>, vector<16xi32> -> vector<16xf32>
          %max3A_382 = arith.maximumf %max3A_368, %gather3A_381 : vector<16xf32>
          %xor3A_383 = arith.constant 4 : i32
          %xor3A_384 = vector.broadcast %xor3A_383 : i32 to vector<16xi32>
          %xor3A_385 = arith.xori %iota3A_354, %xor3A_384 : vector<16xi32>
          %lt3A_386 = arith.constant 0 : i32
          %lt3A_387 = vector.broadcast %lt3A_386 : i32 to vector<16xi32>
          %lt3A_388 = arith.cmpi slt, %xor3A_385, %lt3A_387 : vector<16xi32>
          %add3A_389 = arith.constant 16 : i32
          %add3A_390 = vector.broadcast %add3A_389 : i32 to vector<16xi32>
          %add3A_391 = arith.addi %xor3A_385, %add3A_390 : vector<16xi32>
          %select_n3A_392 = arith.select %lt3A_388, %add3A_391, %xor3A_385 : vector<16xi1>, vector<16xi32>
          %broadcast_in_dim3A_393 = vector.shape_cast %select_n3A_392 : vector<16xi32> to vector<16x1xi32>
          %gather3A_394 = vector.shape_cast %broadcast_in_dim3A_393 : vector<16x1xi32> to vector<16xi32>
          %gather3A_395 = tpu.dynamic_gather %max3A_382[%gather3A_394] in [0] : vector<16xf32>, vector<16xi32> -> vector<16xf32>
          %max3A_396 = arith.maximumf %max3A_382, %gather3A_395 : vector<16xf32>
          %xor3A_397 = arith.constant 8 : i32
          %xor3A_398 = vector.broadcast %xor3A_397 : i32 to vector<16xi32>
          %xor3A_399 = arith.xori %iota3A_354, %xor3A_398 : vector<16xi32>
          %lt3A_400 = arith.constant 0 : i32
          %lt3A_401 = vector.broadcast %lt3A_400 : i32 to vector<16xi32>
          %lt3A_402 = arith.cmpi slt, %xor3A_399, %lt3A_401 : vector<16xi32>
          %add3A_403 = arith.constant 16 : i32
          %add3A_404 = vector.broadcast %add3A_403 : i32 to vector<16xi32>
          %add3A_405 = arith.addi %xor3A_399, %add3A_404 : vector<16xi32>
          %select_n3A_406 = arith.select %lt3A_402, %add3A_405, %xor3A_399 : vector<16xi1>, vector<16xi32>
          %broadcast_in_dim3A_407 = vector.shape_cast %select_n3A_406 : vector<16xi32> to vector<16x1xi32>
          %gather3A_408 = vector.shape_cast %broadcast_in_dim3A_407 : vector<16x1xi32> to vector<16xi32>
          %gather3A_409 = tpu.dynamic_gather %max3A_396[%gather3A_408] in [0] : vector<16xf32>, vector<16xi32> -> vector<16xf32>
          %max3A_410 = arith.maximumf %max3A_396, %gather3A_409 : vector<16xf32>
          %slice3A_411 = vector.extract_strided_slice %max3A_410 {offsets = [0], sizes = [1], strides = [1]} : vector<16xf32> to vector<1xf32>
          %squeeze3A_412 = vector.extract %slice3A_411[0] : f32 from vector<1xf32>
          %scan3A_413 = arith.constant -1 : i32
          %scan3A_414 = arith.constant -1 : i32
          %scan3A_415 = arith.constant 0 : i32
          %scan3A_416 = arith.constant 25 : i32
          %scan3A_417 = arith.addi %scan3A_415, %scan3A_416 : i32
          %scan3A_418 = arith.constant 1 : i32
          %scan3A_419 = scf.for %scan3A_934 = %scan3A_415 to %scan3A_417 step %scan3A_418 iter_args(%scan3A_935 = %broadcast_in_dim3A_3) -> (vector<16xi32>)  : i32 {
            %mul3A_936 = arith.constant 16 : i32
            %mul3A_937 = arith.muli %scan3A_934, %mul3A_936 : i32
            %add3A_938 = arith.addi %mul3A_345, %mul3A_937 : i32
            %get3A_939 = arith.index_cast %add3A_938 : i32 to index
            %get3A_940 = tpu.vector_load %arg5[%get3A_939] {strides = array<i32>} : memref<20000xf32, #tpu.memory_space<vmem>>, vector<16xf32>,
            %get3A_941 = vector.shape_cast %get3A_940 : vector<16xf32> to vector<16xf32>
            %mul3A_942 = arith.constant 16 : i32
            %mul3A_943 = arith.muli %scan3A_934, %mul3A_942 : i32
            %add3A_944 = arith.addi %add3A_343, %mul3A_943 : i32
            %add3A_945 = vector.broadcast %add3A_944 : i32 to vector<16xi32>
            %add3A_946 = arith.addi %add3A_945, %iota3A : vector<16xi32>
            %eq3A_947 = vector.broadcast %squeeze3A_412 : f32 to vector<16xf32>
            %eq3A_948 = arith.cmpf oeq, %get3A_941, %eq3A_947 : vector<16xf32>
            %ne3A = vector.broadcast %scan3A_413 : i32 to vector<16xi32>
            %ne3A_949 = arith.cmpi ne, %add3A_946, %ne3A : vector<16xi32>
            %and3A_950 = arith.andi %eq3A_948, %ne3A_949 : vector<16xi1>
            %ne3A_951 = vector.broadcast %scan3A_414 : i32 to vector<16xi32>
            %ne3A_952 = arith.cmpi ne, %add3A_946, %ne3A_951 : vector<16xi32>
            %and3A_953 = arith.andi %and3A_950, %ne3A_952 : vector<16xi1>
            %jit3A_954 = arith.constant 2147483647 : i32
            %broadcast_in_dim3A_955 = vector.broadcast %jit3A_954 : i32 to vector<16xi32>
            %select_n3A_956 = arith.select %and3A_953, %add3A_946, %broadcast_in_dim3A_955 : vector<16xi1>, vector<16xi32>
            %min3A_957 = arith.minsi %scan3A_935, %select_n3A_956 : vector<16xi32>
            scf.yield %min3A_957 : vector<16xi32>
          }
          %scan3A_420 = arith.constant 25 : i32
          %iota3A_421 = tpu.iota {dimensions = array<i32: 0>} : vector<16xi32>
          %xor3A_422 = arith.constant 1 : i32
          %xor3A_423 = vector.broadcast %xor3A_422 : i32 to vector<16xi32>
          %xor3A_424 = arith.xori %iota3A_421, %xor3A_423 : vector<16xi32>
          %lt3A_425 = arith.constant 0 : i32
          %lt3A_426 = vector.broadcast %lt3A_425 : i32 to vector<16xi32>
          %lt3A_427 = arith.cmpi slt, %xor3A_424, %lt3A_426 : vector<16xi32>
          %add3A_428 = arith.constant 16 : i32
          %add3A_429 = vector.broadcast %add3A_428 : i32 to vector<16xi32>
          %add3A_430 = arith.addi %xor3A_424, %add3A_429 : vector<16xi32>
          %select_n3A_431 = arith.select %lt3A_427, %add3A_430, %xor3A_424 : vector<16xi1>, vector<16xi32>
          %broadcast_in_dim3A_432 = vector.shape_cast %select_n3A_431 : vector<16xi32> to vector<16x1xi32>
          %gather3A_433 = vector.shape_cast %broadcast_in_dim3A_432 : vector<16x1xi32> to vector<16xi32>
          %gather3A_434 = tpu.dynamic_gather %scan3A_419[%gather3A_433] in [0] : vector<16xi32>, vector<16xi32> -> vector<16xi32>
          %min3A = arith.minsi %scan3A_419, %gather3A_434 : vector<16xi32>
          %xor3A_435 = arith.constant 2 : i32
          %xor3A_436 = vector.broadcast %xor3A_435 : i32 to vector<16xi32>
          %xor3A_437 = arith.xori %iota3A_421, %xor3A_436 : vector<16xi32>
          %lt3A_438 = arith.constant 0 : i32
          %lt3A_439 = vector.broadcast %lt3A_438 : i32 to vector<16xi32>
          %lt3A_440 = arith.cmpi slt, %xor3A_437, %lt3A_439 : vector<16xi32>
          %add3A_441 = arith.constant 16 : i32
          %add3A_442 = vector.broadcast %add3A_441 : i32 to vector<16xi32>
          %add3A_443 = arith.addi %xor3A_437, %add3A_442 : vector<16xi32>
          %select_n3A_444 = arith.select %lt3A_440, %add3A_443, %xor3A_437 : vector<16xi1>, vector<16xi32>
          %broadcast_in_dim3A_445 = vector.shape_cast %select_n3A_444 : vector<16xi32> to vector<16x1xi32>
          %gather3A_446 = vector.shape_cast %broadcast_in_dim3A_445 : vector<16x1xi32> to vector<16xi32>
          %gather3A_447 = tpu.dynamic_gather %min3A[%gather3A_446] in [0] : vector<16xi32>, vector<16xi32> -> vector<16xi32>
          %min3A_448 = arith.minsi %min3A, %gather3A_447 : vector<16xi32>
          %xor3A_449 = arith.constant 4 : i32
          %xor3A_450 = vector.broadcast %xor3A_449 : i32 to vector<16xi32>
          %xor3A_451 = arith.xori %iota3A_421, %xor3A_450 : vector<16xi32>
          %lt3A_452 = arith.constant 0 : i32
          %lt3A_453 = vector.broadcast %lt3A_452 : i32 to vector<16xi32>
          %lt3A_454 = arith.cmpi slt, %xor3A_451, %lt3A_453 : vector<16xi32>
          %add3A_455 = arith.constant 16 : i32
          %add3A_456 = vector.broadcast %add3A_455 : i32 to vector<16xi32>
          %add3A_457 = arith.addi %xor3A_451, %add3A_456 : vector<16xi32>
          %select_n3A_458 = arith.select %lt3A_454, %add3A_457, %xor3A_451 : vector<16xi1>, vector<16xi32>
          %broadcast_in_dim3A_459 = vector.shape_cast %select_n3A_458 : vector<16xi32> to vector<16x1xi32>
          %gather3A_460 = vector.shape_cast %broadcast_in_dim3A_459 : vector<16x1xi32> to vector<16xi32>
          %gather3A_461 = tpu.dynamic_gather %min3A_448[%gather3A_460] in [0] : vector<16xi32>, vector<16xi32> -> vector<16xi32>
          %min3A_462 = arith.minsi %min3A_448, %gather3A_461 : vector<16xi32>
          %xor3A_463 = arith.constant 8 : i32
          %xor3A_464 = vector.broadcast %xor3A_463 : i32 to vector<16xi32>
          %xor3A_465 = arith.xori %iota3A_421, %xor3A_464 : vector<16xi32>
          %lt3A_466 = arith.constant 0 : i32
          %lt3A_467 = vector.broadcast %lt3A_466 : i32 to vector<16xi32>
          %lt3A_468 = arith.cmpi slt, %xor3A_465, %lt3A_467 : vector<16xi32>
          %add3A_469 = arith.constant 16 : i32
          %add3A_470 = vector.broadcast %add3A_469 : i32 to vector<16xi32>
          %add3A_471 = arith.addi %xor3A_465, %add3A_470 : vector<16xi32>
          %select_n3A_472 = arith.select %lt3A_468, %add3A_471, %xor3A_465 : vector<16xi1>, vector<16xi32>
          %broadcast_in_dim3A_473 = vector.shape_cast %select_n3A_472 : vector<16xi32> to vector<16x1xi32>
          %gather3A_474 = vector.shape_cast %broadcast_in_dim3A_473 : vector<16x1xi32> to vector<16xi32>
          %gather3A_475 = tpu.dynamic_gather %min3A_462[%gather3A_474] in [0] : vector<16xi32>, vector<16xi32> -> vector<16xi32>
          %min3A_476 = arith.minsi %min3A_462, %gather3A_475 : vector<16xi32>
          %slice3A_477 = vector.extract_strided_slice %min3A_476 {offsets = [0], sizes = [1], strides = [1]} : vector<16xi32> to vector<1xi32>
          %squeeze3A_478 = vector.extract %slice3A_477[0] : i32 from vector<1xi32>
          %scan3A_479 = arith.constant -1 : i32
          %scan3A_480 = arith.constant 0 : i32
          %scan3A_481 = arith.constant 25 : i32
          %scan3A_482 = arith.addi %scan3A_480, %scan3A_481 : i32
          %scan3A_483 = arith.constant 1 : i32
          %scan3A_484 = scf.for %scan3A_934 = %scan3A_480 to %scan3A_482 step %scan3A_483 iter_args(%scan3A_935 = %broadcast_in_dim3A_1) -> (vector<16xf32>)  : i32 {
            %mul3A_936 = arith.constant 16 : i32
            %mul3A_937 = arith.muli %scan3A_934, %mul3A_936 : i32
            %add3A_938 = arith.addi %mul3A_345, %mul3A_937 : i32
            %get3A_939 = arith.index_cast %add3A_938 : i32 to index
            %get3A_940 = tpu.vector_load %arg5[%get3A_939] {strides = array<i32>} : memref<20000xf32, #tpu.memory_space<vmem>>, vector<16xf32>,
            %get3A_941 = vector.shape_cast %get3A_940 : vector<16xf32> to vector<16xf32>
            %mul3A_942 = arith.constant 16 : i32
            %mul3A_943 = arith.muli %scan3A_934, %mul3A_942 : i32
            %add3A_944 = arith.addi %add3A_343, %mul3A_943 : i32
            %add3A_945 = vector.broadcast %add3A_944 : i32 to vector<16xi32>
            %add3A_946 = arith.addi %add3A_945, %iota3A : vector<16xi32>
            %ne3A = vector.broadcast %squeeze3A_478 : i32 to vector<16xi32>
            %ne3A_947 = arith.cmpi ne, %add3A_946, %ne3A : vector<16xi32>
            %ne3A_948 = vector.broadcast %scan3A_479 : i32 to vector<16xi32>
            %ne3A_949 = arith.cmpi ne, %add3A_946, %ne3A_948 : vector<16xi32>
            %and3A_950 = arith.andi %ne3A_947, %ne3A_949 : vector<16xi1>
            %jit3A_951 = arith.constant 0xFF800000 : f32
            %broadcast_in_dim3A_952 = vector.broadcast %jit3A_951 : f32 to vector<16xf32>
            %select_n3A_953 = arith.select %and3A_950, %get3A_941, %broadcast_in_dim3A_952 : vector<16xi1>, vector<16xf32>
            %max3A_954 = arith.maximumf %scan3A_935, %select_n3A_953 : vector<16xf32>
            scf.yield %max3A_954 : vector<16xf32>
          }
          %scan3A_485 = arith.constant 25 : i32
          %iota3A_486 = tpu.iota {dimensions = array<i32: 0>} : vector<16xi32>
          %xor3A_487 = arith.constant 1 : i32
          %xor3A_488 = vector.broadcast %xor3A_487 : i32 to vector<16xi32>
          %xor3A_489 = arith.xori %iota3A_486, %xor3A_488 : vector<16xi32>
          %lt3A_490 = arith.constant 0 : i32
          %lt3A_491 = vector.broadcast %lt3A_490 : i32 to vector<16xi32>
          %lt3A_492 = arith.cmpi slt, %xor3A_489, %lt3A_491 : vector<16xi32>
          %add3A_493 = arith.constant 16 : i32
          %add3A_494 = vector.broadcast %add3A_493 : i32 to vector<16xi32>
          %add3A_495 = arith.addi %xor3A_489, %add3A_494 : vector<16xi32>
          %select_n3A_496 = arith.select %lt3A_492, %add3A_495, %xor3A_489 : vector<16xi1>, vector<16xi32>
          %broadcast_in_dim3A_497 = vector.shape_cast %select_n3A_496 : vector<16xi32> to vector<16x1xi32>
          %gather3A_498 = vector.shape_cast %broadcast_in_dim3A_497 : vector<16x1xi32> to vector<16xi32>
          %gather3A_499 = tpu.dynamic_gather %scan3A_484[%gather3A_498] in [0] : vector<16xf32>, vector<16xi32> -> vector<16xf32>
          %max3A_500 = arith.maximumf %scan3A_484, %gather3A_499 : vector<16xf32>
          %xor3A_501 = arith.constant 2 : i32
          %xor3A_502 = vector.broadcast %xor3A_501 : i32 to vector<16xi32>
          %xor3A_503 = arith.xori %iota3A_486, %xor3A_502 : vector<16xi32>
          %lt3A_504 = arith.constant 0 : i32
          %lt3A_505 = vector.broadcast %lt3A_504 : i32 to vector<16xi32>
          %lt3A_506 = arith.cmpi slt, %xor3A_503, %lt3A_505 : vector<16xi32>
          %add3A_507 = arith.constant 16 : i32
          %add3A_508 = vector.broadcast %add3A_507 : i32 to vector<16xi32>
          %add3A_509 = arith.addi %xor3A_503, %add3A_508 : vector<16xi32>
          %select_n3A_510 = arith.select %lt3A_506, %add3A_509, %xor3A_503 : vector<16xi1>, vector<16xi32>
          %broadcast_in_dim3A_511 = vector.shape_cast %select_n3A_510 : vector<16xi32> to vector<16x1xi32>
          %gather3A_512 = vector.shape_cast %broadcast_in_dim3A_511 : vector<16x1xi32> to vector<16xi32>
          %gather3A_513 = tpu.dynamic_gather %max3A_500[%gather3A_512] in [0] : vector<16xf32>, vector<16xi32> -> vector<16xf32>
          %max3A_514 = arith.maximumf %max3A_500, %gather3A_513 : vector<16xf32>
          %xor3A_515 = arith.constant 4 : i32
          %xor3A_516 = vector.broadcast %xor3A_515 : i32 to vector<16xi32>
          %xor3A_517 = arith.xori %iota3A_486, %xor3A_516 : vector<16xi32>
          %lt3A_518 = arith.constant 0 : i32
          %lt3A_519 = vector.broadcast %lt3A_518 : i32 to vector<16xi32>
          %lt3A_520 = arith.cmpi slt, %xor3A_517, %lt3A_519 : vector<16xi32>
          %add3A_521 = arith.constant 16 : i32
          %add3A_522 = vector.broadcast %add3A_521 : i32 to vector<16xi32>
          %add3A_523 = arith.addi %xor3A_517, %add3A_522 : vector<16xi32>
          %select_n3A_524 = arith.select %lt3A_520, %add3A_523, %xor3A_517 : vector<16xi1>, vector<16xi32>
          %broadcast_in_dim3A_525 = vector.shape_cast %select_n3A_524 : vector<16xi32> to vector<16x1xi32>
          %gather3A_526 = vector.shape_cast %broadcast_in_dim3A_525 : vector<16x1xi32> to vector<16xi32>
          %gather3A_527 = tpu.dynamic_gather %max3A_514[%gather3A_526] in [0] : vector<16xf32>, vector<16xi32> -> vector<16xf32>
          %max3A_528 = arith.maximumf %max3A_514, %gather3A_527 : vector<16xf32>
          %xor3A_529 = arith.constant 8 : i32
          %xor3A_530 = vector.broadcast %xor3A_529 : i32 to vector<16xi32>
          %xor3A_531 = arith.xori %iota3A_486, %xor3A_530 : vector<16xi32>
          %lt3A_532 = arith.constant 0 : i32
          %lt3A_533 = vector.broadcast %lt3A_532 : i32 to vector<16xi32>
          %lt3A_534 = arith.cmpi slt, %xor3A_531, %lt3A_533 : vector<16xi32>
          %add3A_535 = arith.constant 16 : i32
          %add3A_536 = vector.broadcast %add3A_535 : i32 to vector<16xi32>
          %add3A_537 = arith.addi %xor3A_531, %add3A_536 : vector<16xi32>
          %select_n3A_538 = arith.select %lt3A_534, %add3A_537, %xor3A_531 : vector<16xi1>, vector<16xi32>
          %broadcast_in_dim3A_539 = vector.shape_cast %select_n3A_538 : vector<16xi32> to vector<16x1xi32>
          %gather3A_540 = vector.shape_cast %broadcast_in_dim3A_539 : vector<16x1xi32> to vector<16xi32>
          %gather3A_541 = tpu.dynamic_gather %max3A_528[%gather3A_540] in [0] : vector<16xf32>, vector<16xi32> -> vector<16xf32>
          %max3A_542 = arith.maximumf %max3A_528, %gather3A_541 : vector<16xf32>
          %slice3A_543 = vector.extract_strided_slice %max3A_542 {offsets = [0], sizes = [1], strides = [1]} : vector<16xf32> to vector<1xf32>
          %squeeze3A_544 = vector.extract %slice3A_543[0] : f32 from vector<1xf32>
          %scan3A_545 = arith.constant -1 : i32
          %scan3A_546 = arith.constant 0 : i32
          %scan3A_547 = arith.constant 25 : i32
          %scan3A_548 = arith.addi %scan3A_546, %scan3A_547 : i32
          %scan3A_549 = arith.constant 1 : i32
          %scan3A_550 = scf.for %scan3A_934 = %scan3A_546 to %scan3A_548 step %scan3A_549 iter_args(%scan3A_935 = %broadcast_in_dim3A_3) -> (vector<16xi32>)  : i32 {
            %mul3A_936 = arith.constant 16 : i32
            %mul3A_937 = arith.muli %scan3A_934, %mul3A_936 : i32
            %add3A_938 = arith.addi %mul3A_345, %mul3A_937 : i32
            %get3A_939 = arith.index_cast %add3A_938 : i32 to index
            %get3A_940 = tpu.vector_load %arg5[%get3A_939] {strides = array<i32>} : memref<20000xf32, #tpu.memory_space<vmem>>, vector<16xf32>,
            %get3A_941 = vector.shape_cast %get3A_940 : vector<16xf32> to vector<16xf32>
            %mul3A_942 = arith.constant 16 : i32
            %mul3A_943 = arith.muli %scan3A_934, %mul3A_942 : i32
            %add3A_944 = arith.addi %add3A_343, %mul3A_943 : i32
            %add3A_945 = vector.broadcast %add3A_944 : i32 to vector<16xi32>
            %add3A_946 = arith.addi %add3A_945, %iota3A : vector<16xi32>
            %eq3A_947 = vector.broadcast %squeeze3A_544 : f32 to vector<16xf32>
            %eq3A_948 = arith.cmpf oeq, %get3A_941, %eq3A_947 : vector<16xf32>
            %ne3A = vector.broadcast %squeeze3A_478 : i32 to vector<16xi32>
            %ne3A_949 = arith.cmpi ne, %add3A_946, %ne3A : vector<16xi32>
            %and3A_950 = arith.andi %eq3A_948, %ne3A_949 : vector<16xi1>
            %ne3A_951 = vector.broadcast %scan3A_545 : i32 to vector<16xi32>
            %ne3A_952 = arith.cmpi ne, %add3A_946, %ne3A_951 : vector<16xi32>
            %and3A_953 = arith.andi %and3A_950, %ne3A_952 : vector<16xi1>
            %jit3A_954 = arith.constant 2147483647 : i32
            %broadcast_in_dim3A_955 = vector.broadcast %jit3A_954 : i32 to vector<16xi32>
            %select_n3A_956 = arith.select %and3A_953, %add3A_946, %broadcast_in_dim3A_955 : vector<16xi1>, vector<16xi32>
            %min3A_957 = arith.minsi %scan3A_935, %select_n3A_956 : vector<16xi32>
            scf.yield %min3A_957 : vector<16xi32>
          }
          %scan3A_551 = arith.constant 25 : i32
          %iota3A_552 = tpu.iota {dimensions = array<i32: 0>} : vector<16xi32>
          %xor3A_553 = arith.constant 1 : i32
          %xor3A_554 = vector.broadcast %xor3A_553 : i32 to vector<16xi32>
          %xor3A_555 = arith.xori %iota3A_552, %xor3A_554 : vector<16xi32>
          %lt3A_556 = arith.constant 0 : i32
          %lt3A_557 = vector.broadcast %lt3A_556 : i32 to vector<16xi32>
          %lt3A_558 = arith.cmpi slt, %xor3A_555, %lt3A_557 : vector<16xi32>
          %add3A_559 = arith.constant 16 : i32
          %add3A_560 = vector.broadcast %add3A_559 : i32 to vector<16xi32>
          %add3A_561 = arith.addi %xor3A_555, %add3A_560 : vector<16xi32>
          %select_n3A_562 = arith.select %lt3A_558, %add3A_561, %xor3A_555 : vector<16xi1>, vector<16xi32>
          %broadcast_in_dim3A_563 = vector.shape_cast %select_n3A_562 : vector<16xi32> to vector<16x1xi32>
          %gather3A_564 = vector.shape_cast %broadcast_in_dim3A_563 : vector<16x1xi32> to vector<16xi32>
          %gather3A_565 = tpu.dynamic_gather %scan3A_550[%gather3A_564] in [0] : vector<16xi32>, vector<16xi32> -> vector<16xi32>
          %min3A_566 = arith.minsi %scan3A_550, %gather3A_565 : vector<16xi32>
          %xor3A_567 = arith.constant 2 : i32
          %xor3A_568 = vector.broadcast %xor3A_567 : i32 to vector<16xi32>
          %xor3A_569 = arith.xori %iota3A_552, %xor3A_568 : vector<16xi32>
          %lt3A_570 = arith.constant 0 : i32
          %lt3A_571 = vector.broadcast %lt3A_570 : i32 to vector<16xi32>
          %lt3A_572 = arith.cmpi slt, %xor3A_569, %lt3A_571 : vector<16xi32>
          %add3A_573 = arith.constant 16 : i32
          %add3A_574 = vector.broadcast %add3A_573 : i32 to vector<16xi32>
          %add3A_575 = arith.addi %xor3A_569, %add3A_574 : vector<16xi32>
          %select_n3A_576 = arith.select %lt3A_572, %add3A_575, %xor3A_569 : vector<16xi1>, vector<16xi32>
          %broadcast_in_dim3A_577 = vector.shape_cast %select_n3A_576 : vector<16xi32> to vector<16x1xi32>
          %gather3A_578 = vector.shape_cast %broadcast_in_dim3A_577 : vector<16x1xi32> to vector<16xi32>
          %gather3A_579 = tpu.dynamic_gather %min3A_566[%gather3A_578] in [0] : vector<16xi32>, vector<16xi32> -> vector<16xi32>
          %min3A_580 = arith.minsi %min3A_566, %gather3A_579 : vector<16xi32>
          %xor3A_581 = arith.constant 4 : i32
          %xor3A_582 = vector.broadcast %xor3A_581 : i32 to vector<16xi32>
          %xor3A_583 = arith.xori %iota3A_552, %xor3A_582 : vector<16xi32>
          %lt3A_584 = arith.constant 0 : i32
          %lt3A_585 = vector.broadcast %lt3A_584 : i32 to vector<16xi32>
          %lt3A_586 = arith.cmpi slt, %xor3A_583, %lt3A_585 : vector<16xi32>
          %add3A_587 = arith.constant 16 : i32
          %add3A_588 = vector.broadcast %add3A_587 : i32 to vector<16xi32>
          %add3A_589 = arith.addi %xor3A_583, %add3A_588 : vector<16xi32>
          %select_n3A_590 = arith.select %lt3A_586, %add3A_589, %xor3A_583 : vector<16xi1>, vector<16xi32>
          %broadcast_in_dim3A_591 = vector.shape_cast %select_n3A_590 : vector<16xi32> to vector<16x1xi32>
          %gather3A_592 = vector.shape_cast %broadcast_in_dim3A_591 : vector<16x1xi32> to vector<16xi32>
          %gather3A_593 = tpu.dynamic_gather %min3A_580[%gather3A_592] in [0] : vector<16xi32>, vector<16xi32> -> vector<16xi32>
          %min3A_594 = arith.minsi %min3A_580, %gather3A_593 : vector<16xi32>
          %xor3A_595 = arith.constant 8 : i32
          %xor3A_596 = vector.broadcast %xor3A_595 : i32 to vector<16xi32>
          %xor3A_597 = arith.xori %iota3A_552, %xor3A_596 : vector<16xi32>
          %lt3A_598 = arith.constant 0 : i32
          %lt3A_599 = vector.broadcast %lt3A_598 : i32 to vector<16xi32>
          %lt3A_600 = arith.cmpi slt, %xor3A_597, %lt3A_599 : vector<16xi32>
          %add3A_601 = arith.constant 16 : i32
          %add3A_602 = vector.broadcast %add3A_601 : i32 to vector<16xi32>
          %add3A_603 = arith.addi %xor3A_597, %add3A_602 : vector<16xi32>
          %select_n3A_604 = arith.select %lt3A_600, %add3A_603, %xor3A_597 : vector<16xi1>, vector<16xi32>
          %broadcast_in_dim3A_605 = vector.shape_cast %select_n3A_604 : vector<16xi32> to vector<16x1xi32>
          %gather3A_606 = vector.shape_cast %broadcast_in_dim3A_605 : vector<16x1xi32> to vector<16xi32>
          %gather3A_607 = tpu.dynamic_gather %min3A_594[%gather3A_606] in [0] : vector<16xi32>, vector<16xi32> -> vector<16xi32>
          %min3A_608 = arith.minsi %min3A_594, %gather3A_607 : vector<16xi32>
          %slice3A_609 = vector.extract_strided_slice %min3A_608 {offsets = [0], sizes = [1], strides = [1]} : vector<16xi32> to vector<1xi32>
          %squeeze3A_610 = vector.extract %slice3A_609[0] : i32 from vector<1xi32>
          %scan3A_611 = arith.constant 0 : i32
          %scan3A_612 = arith.constant 25 : i32
          %scan3A_613 = arith.addi %scan3A_611, %scan3A_612 : i32
          %scan3A_614 = arith.constant 1 : i32
          %scan3A_615 = scf.for %scan3A_934 = %scan3A_611 to %scan3A_613 step %scan3A_614 iter_args(%scan3A_935 = %broadcast_in_dim3A_1) -> (vector<16xf32>)  : i32 {
            %mul3A_936 = arith.constant 16 : i32
            %mul3A_937 = arith.muli %scan3A_934, %mul3A_936 : i32
            %add3A_938 = arith.addi %mul3A_345, %mul3A_937 : i32
            %get3A_939 = arith.index_cast %add3A_938 : i32 to index
            %get3A_940 = tpu.vector_load %arg5[%get3A_939] {strides = array<i32>} : memref<20000xf32, #tpu.memory_space<vmem>>, vector<16xf32>,
            %get3A_941 = vector.shape_cast %get3A_940 : vector<16xf32> to vector<16xf32>
            %mul3A_942 = arith.constant 16 : i32
            %mul3A_943 = arith.muli %scan3A_934, %mul3A_942 : i32
            %add3A_944 = arith.addi %add3A_343, %mul3A_943 : i32
            %add3A_945 = vector.broadcast %add3A_944 : i32 to vector<16xi32>
            %add3A_946 = arith.addi %add3A_945, %iota3A : vector<16xi32>
            %ne3A = vector.broadcast %squeeze3A_610 : i32 to vector<16xi32>
            %ne3A_947 = arith.cmpi ne, %add3A_946, %ne3A : vector<16xi32>
            %ne3A_948 = vector.broadcast %squeeze3A_478 : i32 to vector<16xi32>
            %ne3A_949 = arith.cmpi ne, %add3A_946, %ne3A_948 : vector<16xi32>
            %and3A_950 = arith.andi %ne3A_947, %ne3A_949 : vector<16xi1>
            %jit3A_951 = arith.constant 0xFF800000 : f32
            %broadcast_in_dim3A_952 = vector.broadcast %jit3A_951 : f32 to vector<16xf32>
            %select_n3A_953 = arith.select %and3A_950, %get3A_941, %broadcast_in_dim3A_952 : vector<16xi1>, vector<16xf32>
            %max3A_954 = arith.maximumf %scan3A_935, %select_n3A_953 : vector<16xf32>
            scf.yield %max3A_954 : vector<16xf32>
          }
          %scan3A_616 = arith.constant 25 : i32
          %iota3A_617 = tpu.iota {dimensions = array<i32: 0>} : vector<16xi32>
          %xor3A_618 = arith.constant 1 : i32
          %xor3A_619 = vector.broadcast %xor3A_618 : i32 to vector<16xi32>
          %xor3A_620 = arith.xori %iota3A_617, %xor3A_619 : vector<16xi32>
          %lt3A_621 = arith.constant 0 : i32
          %lt3A_622 = vector.broadcast %lt3A_621 : i32 to vector<16xi32>
          %lt3A_623 = arith.cmpi slt, %xor3A_620, %lt3A_622 : vector<16xi32>
          %add3A_624 = arith.constant 16 : i32
          %add3A_625 = vector.broadcast %add3A_624 : i32 to vector<16xi32>
          %add3A_626 = arith.addi %xor3A_620, %add3A_625 : vector<16xi32>
          %select_n3A_627 = arith.select %lt3A_623, %add3A_626, %xor3A_620 : vector<16xi1>, vector<16xi32>
          %broadcast_in_dim3A_628 = vector.shape_cast %select_n3A_627 : vector<16xi32> to vector<16x1xi32>
          %gather3A_629 = vector.shape_cast %broadcast_in_dim3A_628 : vector<16x1xi32> to vector<16xi32>
          %gather3A_630 = tpu.dynamic_gather %scan3A_615[%gather3A_629] in [0] : vector<16xf32>, vector<16xi32> -> vector<16xf32>
          %max3A_631 = arith.maximumf %scan3A_615, %gather3A_630 : vector<16xf32>
          %xor3A_632 = arith.constant 2 : i32
          %xor3A_633 = vector.broadcast %xor3A_632 : i32 to vector<16xi32>
          %xor3A_634 = arith.xori %iota3A_617, %xor3A_633 : vector<16xi32>
          %lt3A_635 = arith.constant 0 : i32
          %lt3A_636 = vector.broadcast %lt3A_635 : i32 to vector<16xi32>
          %lt3A_637 = arith.cmpi slt, %xor3A_634, %lt3A_636 : vector<16xi32>
          %add3A_638 = arith.constant 16 : i32
          %add3A_639 = vector.broadcast %add3A_638 : i32 to vector<16xi32>
          %add3A_640 = arith.addi %xor3A_634, %add3A_639 : vector<16xi32>
          %select_n3A_641 = arith.select %lt3A_637, %add3A_640, %xor3A_634 : vector<16xi1>, vector<16xi32>
          %broadcast_in_dim3A_642 = vector.shape_cast %select_n3A_641 : vector<16xi32> to vector<16x1xi32>
          %gather3A_643 = vector.shape_cast %broadcast_in_dim3A_642 : vector<16x1xi32> to vector<16xi32>
          %gather3A_644 = tpu.dynamic_gather %max3A_631[%gather3A_643] in [0] : vector<16xf32>, vector<16xi32> -> vector<16xf32>
          %max3A_645 = arith.maximumf %max3A_631, %gather3A_644 : vector<16xf32>
          %xor3A_646 = arith.constant 4 : i32
          %xor3A_647 = vector.broadcast %xor3A_646 : i32 to vector<16xi32>
          %xor3A_648 = arith.xori %iota3A_617, %xor3A_647 : vector<16xi32>
          %lt3A_649 = arith.constant 0 : i32
          %lt3A_650 = vector.broadcast %lt3A_649 : i32 to vector<16xi32>
          %lt3A_651 = arith.cmpi slt, %xor3A_648, %lt3A_650 : vector<16xi32>
          %add3A_652 = arith.constant 16 : i32
          %add3A_653 = vector.broadcast %add3A_652 : i32 to vector<16xi32>
          %add3A_654 = arith.addi %xor3A_648, %add3A_653 : vector<16xi32>
          %select_n3A_655 = arith.select %lt3A_651, %add3A_654, %xor3A_648 : vector<16xi1>, vector<16xi32>
          %broadcast_in_dim3A_656 = vector.shape_cast %select_n3A_655 : vector<16xi32> to vector<16x1xi32>
          %gather3A_657 = vector.shape_cast %broadcast_in_dim3A_656 : vector<16x1xi32> to vector<16xi32>
          %gather3A_658 = tpu.dynamic_gather %max3A_645[%gather3A_657] in [0] : vector<16xf32>, vector<16xi32> -> vector<16xf32>
          %max3A_659 = arith.maximumf %max3A_645, %gather3A_658 : vector<16xf32>
          %xor3A_660 = arith.constant 8 : i32
          %xor3A_661 = vector.broadcast %xor3A_660 : i32 to vector<16xi32>
          %xor3A_662 = arith.xori %iota3A_617, %xor3A_661 : vector<16xi32>
          %lt3A_663 = arith.constant 0 : i32
          %lt3A_664 = vector.broadcast %lt3A_663 : i32 to vector<16xi32>
          %lt3A_665 = arith.cmpi slt, %xor3A_662, %lt3A_664 : vector<16xi32>
          %add3A_666 = arith.constant 16 : i32
          %add3A_667 = vector.broadcast %add3A_666 : i32 to vector<16xi32>
          %add3A_668 = arith.addi %xor3A_662, %add3A_667 : vector<16xi32>
          %select_n3A_669 = arith.select %lt3A_665, %add3A_668, %xor3A_662 : vector<16xi1>, vector<16xi32>
          %broadcast_in_dim3A_670 = vector.shape_cast %select_n3A_669 : vector<16xi32> to vector<16x1xi32>
          %gather3A_671 = vector.shape_cast %broadcast_in_dim3A_670 : vector<16x1xi32> to vector<16xi32>
          %gather3A_672 = tpu.dynamic_gather %max3A_659[%gather3A_671] in [0] : vector<16xf32>, vector<16xi32> -> vector<16xf32>
          %max3A_673 = arith.maximumf %max3A_659, %gather3A_672 : vector<16xf32>
          %slice3A_674 = vector.extract_strided_slice %max3A_673 {offsets = [0], sizes = [1], strides = [1]} : vector<16xf32> to vector<1xf32>
          %squeeze3A_675 = vector.extract %slice3A_674[0] : f32 from vector<1xf32>
          %scan3A_676 = arith.constant 0 : i32
          %scan3A_677 = arith.constant 25 : i32
          %scan3A_678 = arith.addi %scan3A_676, %scan3A_677 : i32
          %scan3A_679 = arith.constant 1 : i32
          %scan3A_680 = scf.for %scan3A_934 = %scan3A_676 to %scan3A_678 step %scan3A_679 iter_args(%scan3A_935 = %broadcast_in_dim3A_3) -> (vector<16xi32>)  : i32 {
            %mul3A_936 = arith.constant 16 : i32
            %mul3A_937 = arith.muli %scan3A_934, %mul3A_936 : i32
            %add3A_938 = arith.addi %mul3A_345, %mul3A_937 : i32
            %get3A_939 = arith.index_cast %add3A_938 : i32 to index
            %get3A_940 = tpu.vector_load %arg5[%get3A_939] {strides = array<i32>} : memref<20000xf32, #tpu.memory_space<vmem>>, vector<16xf32>,
            %get3A_941 = vector.shape_cast %get3A_940 : vector<16xf32> to vector<16xf32>
            %mul3A_942 = arith.constant 16 : i32
            %mul3A_943 = arith.muli %scan3A_934, %mul3A_942 : i32
            %add3A_944 = arith.addi %add3A_343, %mul3A_943 : i32
            %add3A_945 = vector.broadcast %add3A_944 : i32 to vector<16xi32>
            %add3A_946 = arith.addi %add3A_945, %iota3A : vector<16xi32>
            %eq3A_947 = vector.broadcast %squeeze3A_675 : f32 to vector<16xf32>
            %eq3A_948 = arith.cmpf oeq, %get3A_941, %eq3A_947 : vector<16xf32>
            %ne3A = vector.broadcast %squeeze3A_610 : i32 to vector<16xi32>
            %ne3A_949 = arith.cmpi ne, %add3A_946, %ne3A : vector<16xi32>
            %and3A_950 = arith.andi %eq3A_948, %ne3A_949 : vector<16xi1>
            %ne3A_951 = vector.broadcast %squeeze3A_478 : i32 to vector<16xi32>
            %ne3A_952 = arith.cmpi ne, %add3A_946, %ne3A_951 : vector<16xi32>
            %and3A_953 = arith.andi %and3A_950, %ne3A_952 : vector<16xi1>
            %jit3A_954 = arith.constant 2147483647 : i32
            %broadcast_in_dim3A_955 = vector.broadcast %jit3A_954 : i32 to vector<16xi32>
            %select_n3A_956 = arith.select %and3A_953, %add3A_946, %broadcast_in_dim3A_955 : vector<16xi1>, vector<16xi32>
            %min3A_957 = arith.minsi %scan3A_935, %select_n3A_956 : vector<16xi32>
            scf.yield %min3A_957 : vector<16xi32>
          }
          %scan3A_681 = arith.constant 25 : i32
          %iota3A_682 = tpu.iota {dimensions = array<i32: 0>} : vector<16xi32>
          %xor3A_683 = arith.constant 1 : i32
          %xor3A_684 = vector.broadcast %xor3A_683 : i32 to vector<16xi32>
          %xor3A_685 = arith.xori %iota3A_682, %xor3A_684 : vector<16xi32>
          %lt3A_686 = arith.constant 0 : i32
          %lt3A_687 = vector.broadcast %lt3A_686 : i32 to vector<16xi32>
          %lt3A_688 = arith.cmpi slt, %xor3A_685, %lt3A_687 : vector<16xi32>
          %add3A_689 = arith.constant 16 : i32
          %add3A_690 = vector.broadcast %add3A_689 : i32 to vector<16xi32>
          %add3A_691 = arith.addi %xor3A_685, %add3A_690 : vector<16xi32>
          %select_n3A_692 = arith.select %lt3A_688, %add3A_691, %xor3A_685 : vector<16xi1>, vector<16xi32>
          %broadcast_in_dim3A_693 = vector.shape_cast %select_n3A_692 : vector<16xi32> to vector<16x1xi32>
          %gather3A_694 = vector.shape_cast %broadcast_in_dim3A_693 : vector<16x1xi32> to vector<16xi32>
          %gather3A_695 = tpu.dynamic_gather %scan3A_680[%gather3A_694] in [0] : vector<16xi32>, vector<16xi32> -> vector<16xi32>
          %min3A_696 = arith.minsi %scan3A_680, %gather3A_695 : vector<16xi32>
          %xor3A_697 = arith.constant 2 : i32
          %xor3A_698 = vector.broadcast %xor3A_697 : i32 to vector<16xi32>
          %xor3A_699 = arith.xori %iota3A_682, %xor3A_698 : vector<16xi32>
          %lt3A_700 = arith.constant 0 : i32
          %lt3A_701 = vector.broadcast %lt3A_700 : i32 to vector<16xi32>
          %lt3A_702 = arith.cmpi slt, %xor3A_699, %lt3A_701 : vector<16xi32>
          %add3A_703 = arith.constant 16 : i32
          %add3A_704 = vector.broadcast %add3A_703 : i32 to vector<16xi32>
          %add3A_705 = arith.addi %xor3A_699, %add3A_704 : vector<16xi32>
          %select_n3A_706 = arith.select %lt3A_702, %add3A_705, %xor3A_699 : vector<16xi1>, vector<16xi32>
          %broadcast_in_dim3A_707 = vector.shape_cast %select_n3A_706 : vector<16xi32> to vector<16x1xi32>
          %gather3A_708 = vector.shape_cast %broadcast_in_dim3A_707 : vector<16x1xi32> to vector<16xi32>
          %gather3A_709 = tpu.dynamic_gather %min3A_696[%gather3A_708] in [0] : vector<16xi32>, vector<16xi32> -> vector<16xi32>
          %min3A_710 = arith.minsi %min3A_696, %gather3A_709 : vector<16xi32>
          %xor3A_711 = arith.constant 4 : i32
          %xor3A_712 = vector.broadcast %xor3A_711 : i32 to vector<16xi32>
          %xor3A_713 = arith.xori %iota3A_682, %xor3A_712 : vector<16xi32>
          %lt3A_714 = arith.constant 0 : i32
          %lt3A_715 = vector.broadcast %lt3A_714 : i32 to vector<16xi32>
          %lt3A_716 = arith.cmpi slt, %xor3A_713, %lt3A_715 : vector<16xi32>
          %add3A_717 = arith.constant 16 : i32
          %add3A_718 = vector.broadcast %add3A_717 : i32 to vector<16xi32>
          %add3A_719 = arith.addi %xor3A_713, %add3A_718 : vector<16xi32>
          %select_n3A_720 = arith.select %lt3A_716, %add3A_719, %xor3A_713 : vector<16xi1>, vector<16xi32>
          %broadcast_in_dim3A_721 = vector.shape_cast %select_n3A_720 : vector<16xi32> to vector<16x1xi32>
          %gather3A_722 = vector.shape_cast %broadcast_in_dim3A_721 : vector<16x1xi32> to vector<16xi32>
          %gather3A_723 = tpu.dynamic_gather %min3A_710[%gather3A_722] in [0] : vector<16xi32>, vector<16xi32> -> vector<16xi32>
          %min3A_724 = arith.minsi %min3A_710, %gather3A_723 : vector<16xi32>
          %xor3A_725 = arith.constant 8 : i32
          %xor3A_726 = vector.broadcast %xor3A_725 : i32 to vector<16xi32>
          %xor3A_727 = arith.xori %iota3A_682, %xor3A_726 : vector<16xi32>
          %lt3A_728 = arith.constant 0 : i32
          %lt3A_729 = vector.broadcast %lt3A_728 : i32 to vector<16xi32>
          %lt3A_730 = arith.cmpi slt, %xor3A_727, %lt3A_729 : vector<16xi32>
          %add3A_731 = arith.constant 16 : i32
          %add3A_732 = vector.broadcast %add3A_731 : i32 to vector<16xi32>
          %add3A_733 = arith.addi %xor3A_727, %add3A_732 : vector<16xi32>
          %select_n3A_734 = arith.select %lt3A_730, %add3A_733, %xor3A_727 : vector<16xi1>, vector<16xi32>
          %broadcast_in_dim3A_735 = vector.shape_cast %select_n3A_734 : vector<16xi32> to vector<16x1xi32>
          %gather3A_736 = vector.shape_cast %broadcast_in_dim3A_735 : vector<16x1xi32> to vector<16xi32>
          %gather3A_737 = tpu.dynamic_gather %min3A_724[%gather3A_736] in [0] : vector<16xi32>, vector<16xi32> -> vector<16xi32>
          %min3A_738 = arith.minsi %min3A_724, %gather3A_737 : vector<16xi32>
          %slice3A_739 = vector.extract_strided_slice %min3A_738 {offsets = [0], sizes = [1], strides = [1]} : vector<16xi32> to vector<1xi32>
          %squeeze3A_740 = vector.extract %slice3A_739[0] : i32 from vector<1xi32>
          %gt3A_741 = arith.cmpf ogt, %scan3A_125, %scan3A_124 : f32
          %eq3A_742 = arith.cmpf oeq, %scan3A_125, %scan3A_124 : f32
          %lt3A_743 = arith.cmpi slt, %scan3A_128, %scan3A_127 : i32
          %and3A = arith.andi %eq3A_742, %lt3A_743 : i1
          %or3A = arith.ori %gt3A_741, %and3A : i1
          %select_n3A_744 = arith.select %or3A, %scan3A_125, %scan3A_124 : f32
          %select_n3A_745 = arith.select %or3A, %scan3A_128, %scan3A_127 : i32
          %gt3A_746 = arith.cmpf ogt, %scan3A_126, %select_n3A_744 : f32
          %eq3A_747 = arith.cmpf oeq, %scan3A_126, %select_n3A_744 : f32
          %lt3A_748 = arith.cmpi slt, %scan3A_129, %select_n3A_745 : i32
          %and3A_749 = arith.andi %eq3A_747, %lt3A_748 : i1
          %or3A_750 = arith.ori %gt3A_746, %and3A_749 : i1
          %select_n3A_751 = arith.select %or3A_750, %scan3A_126, %select_n3A_744 : f32
          %select_n3A_752 = arith.select %or3A_750, %scan3A_129, %select_n3A_745 : i32
          %gt3A_753 = arith.cmpf ogt, %squeeze3A_412, %select_n3A_751 : f32
          %eq3A_754 = arith.cmpf oeq, %squeeze3A_412, %select_n3A_751 : f32
          %lt3A_755 = arith.cmpi slt, %squeeze3A_478, %select_n3A_752 : i32
          %and3A_756 = arith.andi %eq3A_754, %lt3A_755 : i1
          %or3A_757 = arith.ori %gt3A_753, %and3A_756 : i1
          %select_n3A_758 = arith.select %or3A_757, %squeeze3A_412, %select_n3A_751 : f32
          %select_n3A_759 = arith.select %or3A_757, %squeeze3A_478, %select_n3A_752 : i32
          %gt3A_760 = arith.cmpf ogt, %squeeze3A_544, %select_n3A_758 : f32
          %eq3A_761 = arith.cmpf oeq, %squeeze3A_544, %select_n3A_758 : f32
          %lt3A_762 = arith.cmpi slt, %squeeze3A_610, %select_n3A_759 : i32
          %and3A_763 = arith.andi %eq3A_761, %lt3A_762 : i1
          %or3A_764 = arith.ori %gt3A_760, %and3A_763 : i1
          %select_n3A_765 = arith.select %or3A_764, %squeeze3A_544, %select_n3A_758 : f32
          %select_n3A_766 = arith.select %or3A_764, %squeeze3A_610, %select_n3A_759 : i32
          %gt3A_767 = arith.cmpf ogt, %squeeze3A_675, %select_n3A_765 : f32
          %eq3A_768 = arith.cmpf oeq, %squeeze3A_675, %select_n3A_765 : f32
          %lt3A_769 = arith.cmpi slt, %squeeze3A_740, %select_n3A_766 : i32
          %and3A_770 = arith.andi %eq3A_768, %lt3A_769 : i1
          %or3A_771 = arith.ori %gt3A_767, %and3A_770 : i1
          %select_n3A_772 = arith.select %or3A_771, %squeeze3A_675, %select_n3A_765 : f32
          %select_n3A_773 = arith.select %or3A_771, %squeeze3A_740, %select_n3A_766 : i32
          %eq3A_774 = arith.cmpf oeq, %scan3A_124, %select_n3A_772 : f32
          %eq3A_775 = arith.cmpi eq, %scan3A_127, %select_n3A_773 : i32
          %and3A_776 = arith.andi %eq3A_774, %eq3A_775 : i1
          %jit3A_777 = arith.constant 0xFF800000 : f32
          %select_n3A_778 = arith.select %and3A_776, %jit3A_777, %scan3A_124 : f32
          %eq3A_779 = arith.cmpf oeq, %scan3A_125, %select_n3A_772 : f32
          %eq3A_780 = arith.cmpi eq, %scan3A_128, %select_n3A_773 : i32
          %and3A_781 = arith.andi %eq3A_779, %eq3A_780 : i1
          %jit3A_782 = arith.constant 0xFF800000 : f32
          %select_n3A_783 = arith.select %and3A_781, %jit3A_782, %scan3A_125 : f32
          %eq3A_784 = arith.cmpf oeq, %scan3A_126, %select_n3A_772 : f32
          %eq3A_785 = arith.cmpi eq, %scan3A_129, %select_n3A_773 : i32
          %and3A_786 = arith.andi %eq3A_784, %eq3A_785 : i1
          %jit3A_787 = arith.constant 0xFF800000 : f32
          %select_n3A_788 = arith.select %and3A_786, %jit3A_787, %scan3A_126 : f32
          %eq3A_789 = arith.cmpf oeq, %squeeze3A_412, %select_n3A_772 : f32
          %eq3A_790 = arith.cmpi eq, %squeeze3A_478, %select_n3A_773 : i32
          %and3A_791 = arith.andi %eq3A_789, %eq3A_790 : i1
          %jit3A_792 = arith.constant 0xFF800000 : f32
          %select_n3A_793 = arith.select %and3A_791, %jit3A_792, %squeeze3A_412 : f32
          %eq3A_794 = arith.cmpf oeq, %squeeze3A_544, %select_n3A_772 : f32
          %eq3A_795 = arith.cmpi eq, %squeeze3A_610, %select_n3A_773 : i32
          %and3A_796 = arith.andi %eq3A_794, %eq3A_795 : i1
          %jit3A_797 = arith.constant 0xFF800000 : f32
          %select_n3A_798 = arith.select %and3A_796, %jit3A_797, %squeeze3A_544 : f32
          %eq3A_799 = arith.cmpf oeq, %squeeze3A_675, %select_n3A_772 : f32
          %eq3A_800 = arith.cmpi eq, %squeeze3A_740, %select_n3A_773 : i32
          %and3A_801 = arith.andi %eq3A_799, %eq3A_800 : i1
          %jit3A_802 = arith.constant 0xFF800000 : f32
          %select_n3A_803 = arith.select %and3A_801, %jit3A_802, %squeeze3A_675 : f32
          %gt3A_804 = arith.cmpf ogt, %select_n3A_783, %select_n3A_778 : f32
          %eq3A_805 = arith.cmpf oeq, %select_n3A_783, %select_n3A_778 : f32
          %lt3A_806 = arith.cmpi slt, %scan3A_128, %scan3A_127 : i32
          %and3A_807 = arith.andi %eq3A_805, %lt3A_806 : i1
          %or3A_808 = arith.ori %gt3A_804, %and3A_807 : i1
          %select_n3A_809 = arith.select %or3A_808, %select_n3A_783, %select_n3A_778 : f32
          %select_n3A_810 = arith.select %or3A_808, %scan3A_128, %scan3A_127 : i32
          %gt3A_811 = arith.cmpf ogt, %select_n3A_788, %select_n3A_809 : f32
          %eq3A_812 = arith.cmpf oeq, %select_n3A_788, %select_n3A_809 : f32
          %lt3A_813 = arith.cmpi slt, %scan3A_129, %select_n3A_810 : i32
          %and3A_814 = arith.andi %eq3A_812, %lt3A_813 : i1
          %or3A_815 = arith.ori %gt3A_811, %and3A_814 : i1
          %select_n3A_816 = arith.select %or3A_815, %select_n3A_788, %select_n3A_809 : f32
          %select_n3A_817 = arith.select %or3A_815, %scan3A_129, %select_n3A_810 : i32
          %gt3A_818 = arith.cmpf ogt, %select_n3A_793, %select_n3A_816 : f32
          %eq3A_819 = arith.cmpf oeq, %select_n3A_793, %select_n3A_816 : f32
          %lt3A_820 = arith.cmpi slt, %squeeze3A_478, %select_n3A_817 : i32
          %and3A_821 = arith.andi %eq3A_819, %lt3A_820 : i1
          %or3A_822 = arith.ori %gt3A_818, %and3A_821 : i1
          %select_n3A_823 = arith.select %or3A_822, %select_n3A_793, %select_n3A_816 : f32
          %select_n3A_824 = arith.select %or3A_822, %squeeze3A_478, %select_n3A_817 : i32
          %gt3A_825 = arith.cmpf ogt, %select_n3A_798, %select_n3A_823 : f32
          %eq3A_826 = arith.cmpf oeq, %select_n3A_798, %select_n3A_823 : f32
          %lt3A_827 = arith.cmpi slt, %squeeze3A_610, %select_n3A_824 : i32
          %and3A_828 = arith.andi %eq3A_826, %lt3A_827 : i1
          %or3A_829 = arith.ori %gt3A_825, %and3A_828 : i1
          %select_n3A_830 = arith.select %or3A_829, %select_n3A_798, %select_n3A_823 : f32
          %select_n3A_831 = arith.select %or3A_829, %squeeze3A_610, %select_n3A_824 : i32
          %gt3A_832 = arith.cmpf ogt, %select_n3A_803, %select_n3A_830 : f32
          %eq3A_833 = arith.cmpf oeq, %select_n3A_803, %select_n3A_830 : f32
          %lt3A_834 = arith.cmpi slt, %squeeze3A_740, %select_n3A_831 : i32
          %and3A_835 = arith.andi %eq3A_833, %lt3A_834 : i1
          %or3A_836 = arith.ori %gt3A_832, %and3A_835 : i1
          %select_n3A_837 = arith.select %or3A_836, %select_n3A_803, %select_n3A_830 : f32
          %select_n3A_838 = arith.select %or3A_836, %squeeze3A_740, %select_n3A_831 : i32
          %eq3A_839 = arith.cmpf oeq, %select_n3A_778, %select_n3A_837 : f32
          %eq3A_840 = arith.cmpi eq, %scan3A_127, %select_n3A_838 : i32
          %and3A_841 = arith.andi %eq3A_839, %eq3A_840 : i1
          %jit3A_842 = arith.constant 0xFF800000 : f32
          %select_n3A_843 = arith.select %and3A_841, %jit3A_842, %select_n3A_778 : f32
          %eq3A_844 = arith.cmpf oeq, %select_n3A_783, %select_n3A_837 : f32
          %eq3A_845 = arith.cmpi eq, %scan3A_128, %select_n3A_838 : i32
          %and3A_846 = arith.andi %eq3A_844, %eq3A_845 : i1
          %jit3A_847 = arith.constant 0xFF800000 : f32
          %select_n3A_848 = arith.select %and3A_846, %jit3A_847, %select_n3A_783 : f32
          %eq3A_849 = arith.cmpf oeq, %select_n3A_788, %select_n3A_837 : f32
          %eq3A_850 = arith.cmpi eq, %scan3A_129, %select_n3A_838 : i32
          %and3A_851 = arith.andi %eq3A_849, %eq3A_850 : i1
          %jit3A_852 = arith.constant 0xFF800000 : f32
          %select_n3A_853 = arith.select %and3A_851, %jit3A_852, %select_n3A_788 : f32
          %eq3A_854 = arith.cmpf oeq, %select_n3A_793, %select_n3A_837 : f32
          %eq3A_855 = arith.cmpi eq, %squeeze3A_478, %select_n3A_838 : i32
          %and3A_856 = arith.andi %eq3A_854, %eq3A_855 : i1
          %jit3A_857 = arith.constant 0xFF800000 : f32
          %select_n3A_858 = arith.select %and3A_856, %jit3A_857, %select_n3A_793 : f32
          %eq3A_859 = arith.cmpf oeq, %select_n3A_798, %select_n3A_837 : f32
          %eq3A_860 = arith.cmpi eq, %squeeze3A_610, %select_n3A_838 : i32
          %and3A_861 = arith.andi %eq3A_859, %eq3A_860 : i1
          %jit3A_862 = arith.constant 0xFF800000 : f32
          %select_n3A_863 = arith.select %and3A_861, %jit3A_862, %select_n3A_798 : f32
          %eq3A_864 = arith.cmpf oeq, %select_n3A_803, %select_n3A_837 : f32
          %eq3A_865 = arith.cmpi eq, %squeeze3A_740, %select_n3A_838 : i32
          %and3A_866 = arith.andi %eq3A_864, %eq3A_865 : i1
          %jit3A_867 = arith.constant 0xFF800000 : f32
          %select_n3A_868 = arith.select %and3A_866, %jit3A_867, %select_n3A_803 : f32
          %gt3A_869 = arith.cmpf ogt, %select_n3A_848, %select_n3A_843 : f32
          %eq3A_870 = arith.cmpf oeq, %select_n3A_848, %select_n3A_843 : f32
          %lt3A_871 = arith.cmpi slt, %scan3A_128, %scan3A_127 : i32
          %and3A_872 = arith.andi %eq3A_870, %lt3A_871 : i1
          %or3A_873 = arith.ori %gt3A_869, %and3A_872 : i1
          %select_n3A_874 = arith.select %or3A_873, %select_n3A_848, %select_n3A_843 : f32
          %select_n3A_875 = arith.select %or3A_873, %scan3A_128, %scan3A_127 : i32
          %gt3A_876 = arith.cmpf ogt, %select_n3A_853, %select_n3A_874 : f32
          %eq3A_877 = arith.cmpf oeq, %select_n3A_853, %select_n3A_874 : f32
          %lt3A_878 = arith.cmpi slt, %scan3A_129, %select_n3A_875 : i32
          %and3A_879 = arith.andi %eq3A_877, %lt3A_878 : i1
          %or3A_880 = arith.ori %gt3A_876, %and3A_879 : i1
          %select_n3A_881 = arith.select %or3A_880, %select_n3A_853, %select_n3A_874 : f32
          %select_n3A_882 = arith.select %or3A_880, %scan3A_129, %select_n3A_875 : i32
          %gt3A_883 = arith.cmpf ogt, %select_n3A_858, %select_n3A_881 : f32
          %eq3A_884 = arith.cmpf oeq, %select_n3A_858, %select_n3A_881 : f32
          %lt3A_885 = arith.cmpi slt, %squeeze3A_478, %select_n3A_882 : i32
          %and3A_886 = arith.andi %eq3A_884, %lt3A_885 : i1
          %or3A_887 = arith.ori %gt3A_883, %and3A_886 : i1
          %select_n3A_888 = arith.select %or3A_887, %select_n3A_858, %select_n3A_881 : f32
          %select_n3A_889 = arith.select %or3A_887, %squeeze3A_478, %select_n3A_882 : i32
          %gt3A_890 = arith.cmpf ogt, %select_n3A_863, %select_n3A_888 : f32
          %eq3A_891 = arith.cmpf oeq, %select_n3A_863, %select_n3A_888 : f32
          %lt3A_892 = arith.cmpi slt, %squeeze3A_610, %select_n3A_889 : i32
          %and3A_893 = arith.andi %eq3A_891, %lt3A_892 : i1
          %or3A_894 = arith.ori %gt3A_890, %and3A_893 : i1
          %select_n3A_895 = arith.select %or3A_894, %select_n3A_863, %select_n3A_888 : f32
          %select_n3A_896 = arith.select %or3A_894, %squeeze3A_610, %select_n3A_889 : i32
          %gt3A_897 = arith.cmpf ogt, %select_n3A_868, %select_n3A_895 : f32
          %eq3A_898 = arith.cmpf oeq, %select_n3A_868, %select_n3A_895 : f32
          %lt3A_899 = arith.cmpi slt, %squeeze3A_740, %select_n3A_896 : i32
          %and3A_900 = arith.andi %eq3A_898, %lt3A_899 : i1
          %or3A_901 = arith.ori %gt3A_897, %and3A_900 : i1
          %select_n3A_902 = arith.select %or3A_901, %select_n3A_868, %select_n3A_895 : f32
          %select_n3A_903 = arith.select %or3A_901, %squeeze3A_740, %select_n3A_896 : i32
          %eq3A_904 = arith.cmpf oeq, %select_n3A_843, %select_n3A_902 : f32
          %eq3A_905 = arith.cmpi eq, %scan3A_127, %select_n3A_903 : i32
          %and3A_906 = arith.andi %eq3A_904, %eq3A_905 : i1
          %jit3A_907 = arith.constant 0xFF800000 : f32
          %select_n3A_908 = arith.select %and3A_906, %jit3A_907, %select_n3A_843 : f32
          %eq3A_909 = arith.cmpf oeq, %select_n3A_848, %select_n3A_902 : f32
          %eq3A_910 = arith.cmpi eq, %scan3A_128, %select_n3A_903 : i32
          %and3A_911 = arith.andi %eq3A_909, %eq3A_910 : i1
          %jit3A_912 = arith.constant 0xFF800000 : f32
          %select_n3A_913 = arith.select %and3A_911, %jit3A_912, %select_n3A_848 : f32
          %eq3A_914 = arith.cmpf oeq, %select_n3A_853, %select_n3A_902 : f32
          %eq3A_915 = arith.cmpi eq, %scan3A_129, %select_n3A_903 : i32
          %and3A_916 = arith.andi %eq3A_914, %eq3A_915 : i1
          %jit3A_917 = arith.constant 0xFF800000 : f32
          %select_n3A_918 = arith.select %and3A_916, %jit3A_917, %select_n3A_853 : f32
          %eq3A_919 = arith.cmpf oeq, %select_n3A_858, %select_n3A_902 : f32
          %eq3A_920 = arith.cmpi eq, %squeeze3A_478, %select_n3A_903 : i32
          %and3A_921 = arith.andi %eq3A_919, %eq3A_920 : i1
          %jit3A_922 = arith.constant 0xFF800000 : f32
          %select_n3A_923 = arith.select %and3A_921, %jit3A_922, %select_n3A_858 : f32
          %eq3A_924 = arith.cmpf oeq, %select_n3A_863, %select_n3A_902 : f32
          %eq3A_925 = arith.cmpi eq, %squeeze3A_610, %select_n3A_903 : i32
          %and3A_926 = arith.andi %eq3A_924, %eq3A_925 : i1
          %jit3A_927 = arith.constant 0xFF800000 : f32
          %select_n3A_928 = arith.select %and3A_926, %jit3A_927, %select_n3A_863 : f32
          %eq3A_929 = arith.cmpf oeq, %select_n3A_868, %select_n3A_902 : f32
          %eq3A_930 = arith.cmpi eq, %squeeze3A_740, %select_n3A_903 : i32
          %and3A_931 = arith.andi %eq3A_929, %eq3A_930 : i1
          %jit3A_932 = arith.constant 0xFF800000 : f32
          %select_n3A_933 = arith.select %and3A_931, %jit3A_932, %select_n3A_868 : f32
          scf.yield %select_n3A_772, %select_n3A_837, %select_n3A_902, %select_n3A_773, %select_n3A_838, %select_n3A_903 : f32, f32, f32, i32, i32, i32
        } else {
          scf.yield %scan3A_124, %scan3A_125, %scan3A_126, %scan3A_127, %scan3A_128, %scan3A_129 : f32, f32, f32, i32, i32, i32
        }
        scf.yield %cond3A_339#0, %cond3A_339#1, %cond3A_339#2, %cond3A_339#3, %cond3A_339#4, %cond3A_339#5 : f32, f32, f32, i32, i32, i32
      }
      %scan3A_46 = arith.constant 50 : i32
      %add3A_47 = arith.constant 80000 : i32
      %add3A_48 = arith.addi %mul3A_18, %add3A_47 : i32
      %dma_start3A_49 = tpu.memref_slice %arg2[%add3A_48] : memref<25600000xf32, #tpu.memory_space<hbm>> -> memref<20000xf32, #tpu.memory_space<hbm>>
      %dma_start3A_50 = tpu.memref_slice %arg2[%add3A_48] : memref<25600000xf32, #tpu.memory_space<hbm>> -> memref<20000xf32, #tpu.memory_space<hbm>>
      tpu.enqueue_dma source(%dma_start3A_50 : memref<20000xf32, #tpu.memory_space<hbm>>) target(%arg5 : memref<20000xf32, #tpu.memory_space<vmem>>) target_semaphore(%arg11 : memref<!tpu.dma_semaphore, #tpu.memory_space<semaphore_mem>>)
      %dma_wait3A_51 = tpu.memref_slice %arg2[%add3A_23] : memref<25600000xf32, #tpu.memory_space<hbm>> -> memref<20000xf32, #tpu.memory_space<hbm>>
      %dma_wait3A_52 = tpu.memref_slice %arg2[%add3A_23] : memref<25600000xf32, #tpu.memory_space<hbm>> -> memref<20000xf32, #tpu.memory_space<hbm>>
      tpu.wait_dma2 semaphore(%arg12 : memref<!tpu.dma_semaphore, #tpu.memory_space<semaphore_mem>>) src(%dma_wait3A_52 : memref<20000xf32, #tpu.memory_space<hbm>>) dst(%arg6 : memref<20000xf32, #tpu.memory_space<vmem>>)
      %scan3A_53 = arith.constant 0 : i32
      %scan3A_54 = arith.constant 50 : i32
      %scan3A_55 = arith.addi %scan3A_53, %scan3A_54 : i32
      %scan3A_56 = arith.constant 1 : i32
      %scan3A_57:6 = scf.for %scan3A_123 = %scan3A_53 to %scan3A_55 step %scan3A_56 iter_args(%scan3A_124 = %scan3A_45#0, %scan3A_125 = %scan3A_45#1, %scan3A_126 = %scan3A_45#2, %scan3A_127 = %scan3A_45#3, %scan3A_128 = %scan3A_45#4, %scan3A_129 = %scan3A_45#5) -> (f32, f32, f32, i32, i32, i32)  : i32 {
        %mul3A_130 = arith.constant 400 : i32
        %mul3A_131 = arith.muli %scan3A_123, %mul3A_130 : i32
        %add3A_132 = arith.constant 0 : i32
        %add3A_133 = arith.addi %mul3A_131, %add3A_132 : i32
        %get3A = arith.index_cast %add3A_133 : i32 to index
        %get3A_134 = tpu.vector_load %arg6[%get3A] {strides = array<i32>} : memref<20000xf32, #tpu.memory_space<vmem>>, vector<16xf32>,
        %get3A_135 = vector.shape_cast %get3A_134 : vector<16xf32> to vector<16xf32>
        %max3A = arith.maximumf %broadcast_in_dim3A_1, %get3A_135 : vector<16xf32>
        %add3A_136 = arith.constant 16 : i32
        %add3A_137 = arith.addi %mul3A_131, %add3A_136 : i32
        %get3A_138 = arith.index_cast %add3A_137 : i32 to index
        %get3A_139 = tpu.vector_load %arg6[%get3A_138] {strides = array<i32>} : memref<20000xf32, #tpu.memory_space<vmem>>, vector<16xf32>,
        %get3A_140 = vector.shape_cast %get3A_139 : vector<16xf32> to vector<16xf32>
        %max3A_141 = arith.maximumf %broadcast_in_dim3A_1, %get3A_140 : vector<16xf32>
        %add3A_142 = arith.constant 32 : i32
        %add3A_143 = arith.addi %mul3A_131, %add3A_142 : i32
        %get3A_144 = arith.index_cast %add3A_143 : i32 to index
        %get3A_145 = tpu.vector_load %arg6[%get3A_144] {strides = array<i32>} : memref<20000xf32, #tpu.memory_space<vmem>>, vector<16xf32>,
        %get3A_146 = vector.shape_cast %get3A_145 : vector<16xf32> to vector<16xf32>
        %max3A_147 = arith.maximumf %broadcast_in_dim3A_1, %get3A_146 : vector<16xf32>
        %add3A_148 = arith.constant 48 : i32
        %add3A_149 = arith.addi %mul3A_131, %add3A_148 : i32
        %get3A_150 = arith.index_cast %add3A_149 : i32 to index
        %get3A_151 = tpu.vector_load %arg6[%get3A_150] {strides = array<i32>} : memref<20000xf32, #tpu.memory_space<vmem>>, vector<16xf32>,
        %get3A_152 = vector.shape_cast %get3A_151 : vector<16xf32> to vector<16xf32>
        %max3A_153 = arith.maximumf %broadcast_in_dim3A_1, %get3A_152 : vector<16xf32>
        %add3A_154 = arith.constant 64 : i32
        %add3A_155 = arith.addi %mul3A_131, %add3A_154 : i32
        %get3A_156 = arith.index_cast %add3A_155 : i32 to index
        %get3A_157 = tpu.vector_load %arg6[%get3A_156] {strides = array<i32>} : memref<20000xf32, #tpu.memory_space<vmem>>, vector<16xf32>,
        %get3A_158 = vector.shape_cast %get3A_157 : vector<16xf32> to vector<16xf32>
        %max3A_159 = arith.maximumf %broadcast_in_dim3A_1, %get3A_158 : vector<16xf32>
        %add3A_160 = arith.constant 80 : i32
        %add3A_161 = arith.addi %mul3A_131, %add3A_160 : i32
        %get3A_162 = arith.index_cast %add3A_161 : i32 to index
        %get3A_163 = tpu.vector_load %arg6[%get3A_162] {strides = array<i32>} : memref<20000xf32, #tpu.memory_space<vmem>>, vector<16xf32>,
        %get3A_164 = vector.shape_cast %get3A_163 : vector<16xf32> to vector<16xf32>
        %max3A_165 = arith.maximumf %max3A, %get3A_164 : vector<16xf32>
        %add3A_166 = arith.constant 96 : i32
        %add3A_167 = arith.addi %mul3A_131, %add3A_166 : i32
        %get3A_168 = arith.index_cast %add3A_167 : i32 to index
        %get3A_169 = tpu.vector_load %arg6[%get3A_168] {strides = array<i32>} : memref<20000xf32, #tpu.memory_space<vmem>>, vector<16xf32>,
        %get3A_170 = vector.shape_cast %get3A_169 : vector<16xf32> to vector<16xf32>
        %max3A_171 = arith.maximumf %max3A_141, %get3A_170 : vector<16xf32>
        %add3A_172 = arith.constant 112 : i32
        %add3A_173 = arith.addi %mul3A_131, %add3A_172 : i32
        %get3A_174 = arith.index_cast %add3A_173 : i32 to index
        %get3A_175 = tpu.vector_load %arg6[%get3A_174] {strides = array<i32>} : memref<20000xf32, #tpu.memory_space<vmem>>, vector<16xf32>,
        %get3A_176 = vector.shape_cast %get3A_175 : vector<16xf32> to vector<16xf32>
        %max3A_177 = arith.maximumf %max3A_147, %get3A_176 : vector<16xf32>
        %add3A_178 = arith.constant 128 : i32
        %add3A_179 = arith.addi %mul3A_131, %add3A_178 : i32
        %get3A_180 = arith.index_cast %add3A_179 : i32 to index
        %get3A_181 = tpu.vector_load %arg6[%get3A_180] {strides = array<i32>} : memref<20000xf32, #tpu.memory_space<vmem>>, vector<16xf32>,
        %get3A_182 = vector.shape_cast %get3A_181 : vector<16xf32> to vector<16xf32>
        %max3A_183 = arith.maximumf %max3A_153, %get3A_182 : vector<16xf32>
        %add3A_184 = arith.constant 144 : i32
        %add3A_185 = arith.addi %mul3A_131, %add3A_184 : i32
        %get3A_186 = arith.index_cast %add3A_185 : i32 to index
        %get3A_187 = tpu.vector_load %arg6[%get3A_186] {strides = array<i32>} : memref<20000xf32, #tpu.memory_space<vmem>>, vector<16xf32>,
        %get3A_188 = vector.shape_cast %get3A_187 : vector<16xf32> to vector<16xf32>
        %max3A_189 = arith.maximumf %max3A_159, %get3A_188 : vector<16xf32>
        %add3A_190 = arith.constant 160 : i32
        %add3A_191 = arith.addi %mul3A_131, %add3A_190 : i32
        %get3A_192 = arith.index_cast %add3A_191 : i32 to index
        %get3A_193 = tpu.vector_load %arg6[%get3A_192] {strides = array<i32>} : memref<20000xf32, #tpu.memory_space<vmem>>, vector<16xf32>,
        %get3A_194 = vector.shape_cast %get3A_193 : vector<16xf32> to vector<16xf32>
        %max3A_195 = arith.maximumf %max3A_165, %get3A_194 : vector<16xf32>
        %add3A_196 = arith.constant 176 : i32
        %add3A_197 = arith.addi %mul3A_131, %add3A_196 : i32
        %get3A_198 = arith.index_cast %add3A_197 : i32 to index
        %get3A_199 = tpu.vector_load %arg6[%get3A_198] {strides = array<i32>} : memref<20000xf32, #tpu.memory_space<vmem>>, vector<16xf32>,
        %get3A_200 = vector.shape_cast %get3A_199 : vector<16xf32> to vector<16xf32>
        %max3A_201 = arith.maximumf %max3A_171, %get3A_200 : vector<16xf32>
        %add3A_202 = arith.constant 192 : i32
        %add3A_203 = arith.addi %mul3A_131, %add3A_202 : i32
        %get3A_204 = arith.index_cast %add3A_203 : i32 to index
        %get3A_205 = tpu.vector_load %arg6[%get3A_204] {strides = array<i32>} : memref<20000xf32, #tpu.memory_space<vmem>>, vector<16xf32>,
        %get3A_206 = vector.shape_cast %get3A_205 : vector<16xf32> to vector<16xf32>
        %max3A_207 = arith.maximumf %max3A_177, %get3A_206 : vector<16xf32>
        %add3A_208 = arith.constant 208 : i32
        %add3A_209 = arith.addi %mul3A_131, %add3A_208 : i32
        %get3A_210 = arith.index_cast %add3A_209 : i32 to index
        %get3A_211 = tpu.vector_load %arg6[%get3A_210] {strides = array<i32>} : memref<20000xf32, #tpu.memory_space<vmem>>, vector<16xf32>,
        %get3A_212 = vector.shape_cast %get3A_211 : vector<16xf32> to vector<16xf32>
        %max3A_213 = arith.maximumf %max3A_183, %get3A_212 : vector<16xf32>
        %add3A_214 = arith.constant 224 : i32
        %add3A_215 = arith.addi %mul3A_131, %add3A_214 : i32
        %get3A_216 = arith.index_cast %add3A_215 : i32 to index
        %get3A_217 = tpu.vector_load %arg6[%get3A_216] {strides = array<i32>} : memref<20000xf32, #tpu.memory_space<vmem>>, vector<16xf32>,
        %get3A_218 = vector.shape_cast %get3A_217 : vector<16xf32> to vector<16xf32>
        %max3A_219 = arith.maximumf %max3A_189, %get3A_218 : vector<16xf32>
        %add3A_220 = arith.constant 240 : i32
        %add3A_221 = arith.addi %mul3A_131, %add3A_220 : i32
        %get3A_222 = arith.index_cast %add3A_221 : i32 to index
        %get3A_223 = tpu.vector_load %arg6[%get3A_222] {strides = array<i32>} : memref<20000xf32, #tpu.memory_space<vmem>>, vector<16xf32>,
        %get3A_224 = vector.shape_cast %get3A_223 : vector<16xf32> to vector<16xf32>
        %max3A_225 = arith.maximumf %max3A_195, %get3A_224 : vector<16xf32>
        %add3A_226 = arith.constant 256 : i32
        %add3A_227 = arith.addi %mul3A_131, %add3A_226 : i32
        %get3A_228 = arith.index_cast %add3A_227 : i32 to index
        %get3A_229 = tpu.vector_load %arg6[%get3A_228] {strides = array<i32>} : memref<20000xf32, #tpu.memory_space<vmem>>, vector<16xf32>,
        %get3A_230 = vector.shape_cast %get3A_229 : vector<16xf32> to vector<16xf32>
        %max3A_231 = arith.maximumf %max3A_201, %get3A_230 : vector<16xf32>
        %add3A_232 = arith.constant 272 : i32
        %add3A_233 = arith.addi %mul3A_131, %add3A_232 : i32
        %get3A_234 = arith.index_cast %add3A_233 : i32 to index
        %get3A_235 = tpu.vector_load %arg6[%get3A_234] {strides = array<i32>} : memref<20000xf32, #tpu.memory_space<vmem>>, vector<16xf32>,
        %get3A_236 = vector.shape_cast %get3A_235 : vector<16xf32> to vector<16xf32>
        %max3A_237 = arith.maximumf %max3A_207, %get3A_236 : vector<16xf32>
        %add3A_238 = arith.constant 288 : i32
        %add3A_239 = arith.addi %mul3A_131, %add3A_238 : i32
        %get3A_240 = arith.index_cast %add3A_239 : i32 to index
        %get3A_241 = tpu.vector_load %arg6[%get3A_240] {strides = array<i32>} : memref<20000xf32, #tpu.memory_space<vmem>>, vector<16xf32>,
        %get3A_242 = vector.shape_cast %get3A_241 : vector<16xf32> to vector<16xf32>
        %max3A_243 = arith.maximumf %max3A_213, %get3A_242 : vector<16xf32>
        %add3A_244 = arith.constant 304 : i32
        %add3A_245 = arith.addi %mul3A_131, %add3A_244 : i32
        %get3A_246 = arith.index_cast %add3A_245 : i32 to index
        %get3A_247 = tpu.vector_load %arg6[%get3A_246] {strides = array<i32>} : memref<20000xf32, #tpu.memory_space<vmem>>, vector<16xf32>,
        %get3A_248 = vector.shape_cast %get3A_247 : vector<16xf32> to vector<16xf32>
        %max3A_249 = arith.maximumf %max3A_219, %get3A_248 : vector<16xf32>
        %add3A_250 = arith.constant 320 : i32
        %add3A_251 = arith.addi %mul3A_131, %add3A_250 : i32
        %get3A_252 = arith.index_cast %add3A_251 : i32 to index
        %get3A_253 = tpu.vector_load %arg6[%get3A_252] {strides = array<i32>} : memref<20000xf32, #tpu.memory_space<vmem>>, vector<16xf32>,
        %get3A_254 = vector.shape_cast %get3A_253 : vector<16xf32> to vector<16xf32>
        %max3A_255 = arith.maximumf %max3A_225, %get3A_254 : vector<16xf32>
        %add3A_256 = arith.constant 336 : i32
        %add3A_257 = arith.addi %mul3A_131, %add3A_256 : i32
        %get3A_258 = arith.index_cast %add3A_257 : i32 to index
        %get3A_259 = tpu.vector_load %arg6[%get3A_258] {strides = array<i32>} : memref<20000xf32, #tpu.memory_space<vmem>>, vector<16xf32>,
        %get3A_260 = vector.shape_cast %get3A_259 : vector<16xf32> to vector<16xf32>
        %max3A_261 = arith.maximumf %max3A_231, %get3A_260 : vector<16xf32>
        %add3A_262 = arith.constant 352 : i32
        %add3A_263 = arith.addi %mul3A_131, %add3A_262 : i32
        %get3A_264 = arith.index_cast %add3A_263 : i32 to index
        %get3A_265 = tpu.vector_load %arg6[%get3A_264] {strides = array<i32>} : memref<20000xf32, #tpu.memory_space<vmem>>, vector<16xf32>,
        %get3A_266 = vector.shape_cast %get3A_265 : vector<16xf32> to vector<16xf32>
        %max3A_267 = arith.maximumf %max3A_237, %get3A_266 : vector<16xf32>
        %add3A_268 = arith.constant 368 : i32
        %add3A_269 = arith.addi %mul3A_131, %add3A_268 : i32
        %get3A_270 = arith.index_cast %add3A_269 : i32 to index
        %get3A_271 = tpu.vector_load %arg6[%get3A_270] {strides = array<i32>} : memref<20000xf32, #tpu.memory_space<vmem>>, vector<16xf32>,
        %get3A_272 = vector.shape_cast %get3A_271 : vector<16xf32> to vector<16xf32>
        %max3A_273 = arith.maximumf %max3A_243, %get3A_272 : vector<16xf32>
        %add3A_274 = arith.constant 384 : i32
        %add3A_275 = arith.addi %mul3A_131, %add3A_274 : i32
        %get3A_276 = arith.index_cast %add3A_275 : i32 to index
        %get3A_277 = tpu.vector_load %arg6[%get3A_276] {strides = array<i32>} : memref<20000xf32, #tpu.memory_space<vmem>>, vector<16xf32>,
        %get3A_278 = vector.shape_cast %get3A_277 : vector<16xf32> to vector<16xf32>
        %max3A_279 = arith.maximumf %max3A_249, %get3A_278 : vector<16xf32>
        %max3A_280 = arith.maximumf %max3A_255, %max3A_261 : vector<16xf32>
        %max3A_281 = arith.maximumf %max3A_280, %max3A_267 : vector<16xf32>
        %max3A_282 = arith.maximumf %max3A_281, %max3A_273 : vector<16xf32>
        %max3A_283 = arith.maximumf %max3A_282, %max3A_279 : vector<16xf32>
        %iota3A_284 = tpu.iota {dimensions = array<i32: 0>} : vector<16xi32>
        %xor3A = arith.constant 1 : i32
        %xor3A_285 = vector.broadcast %xor3A : i32 to vector<16xi32>
        %xor3A_286 = arith.xori %iota3A_284, %xor3A_285 : vector<16xi32>
        %lt3A = arith.constant 0 : i32
        %lt3A_287 = vector.broadcast %lt3A : i32 to vector<16xi32>
        %lt3A_288 = arith.cmpi slt, %xor3A_286, %lt3A_287 : vector<16xi32>
        %add3A_289 = arith.constant 16 : i32
        %add3A_290 = vector.broadcast %add3A_289 : i32 to vector<16xi32>
        %add3A_291 = arith.addi %xor3A_286, %add3A_290 : vector<16xi32>
        %select_n3A_292 = arith.select %lt3A_288, %add3A_291, %xor3A_286 : vector<16xi1>, vector<16xi32>
        %broadcast_in_dim3A_293 = vector.shape_cast %select_n3A_292 : vector<16xi32> to vector<16x1xi32>
        %gather3A = vector.shape_cast %broadcast_in_dim3A_293 : vector<16x1xi32> to vector<16xi32>
        %gather3A_294 = tpu.dynamic_gather %max3A_283[%gather3A] in [0] : vector<16xf32>, vector<16xi32> -> vector<16xf32>
        %max3A_295 = arith.maximumf %max3A_283, %gather3A_294 : vector<16xf32>
        %xor3A_296 = arith.constant 2 : i32
        %xor3A_297 = vector.broadcast %xor3A_296 : i32 to vector<16xi32>
        %xor3A_298 = arith.xori %iota3A_284, %xor3A_297 : vector<16xi32>
        %lt3A_299 = arith.constant 0 : i32
        %lt3A_300 = vector.broadcast %lt3A_299 : i32 to vector<16xi32>
        %lt3A_301 = arith.cmpi slt, %xor3A_298, %lt3A_300 : vector<16xi32>
        %add3A_302 = arith.constant 16 : i32
        %add3A_303 = vector.broadcast %add3A_302 : i32 to vector<16xi32>
        %add3A_304 = arith.addi %xor3A_298, %add3A_303 : vector<16xi32>
        %select_n3A_305 = arith.select %lt3A_301, %add3A_304, %xor3A_298 : vector<16xi1>, vector<16xi32>
        %broadcast_in_dim3A_306 = vector.shape_cast %select_n3A_305 : vector<16xi32> to vector<16x1xi32>
        %gather3A_307 = vector.shape_cast %broadcast_in_dim3A_306 : vector<16x1xi32> to vector<16xi32>
        %gather3A_308 = tpu.dynamic_gather %max3A_295[%gather3A_307] in [0] : vector<16xf32>, vector<16xi32> -> vector<16xf32>
        %max3A_309 = arith.maximumf %max3A_295, %gather3A_308 : vector<16xf32>
        %xor3A_310 = arith.constant 4 : i32
        %xor3A_311 = vector.broadcast %xor3A_310 : i32 to vector<16xi32>
        %xor3A_312 = arith.xori %iota3A_284, %xor3A_311 : vector<16xi32>
        %lt3A_313 = arith.constant 0 : i32
        %lt3A_314 = vector.broadcast %lt3A_313 : i32 to vector<16xi32>
        %lt3A_315 = arith.cmpi slt, %xor3A_312, %lt3A_314 : vector<16xi32>
        %add3A_316 = arith.constant 16 : i32
        %add3A_317 = vector.broadcast %add3A_316 : i32 to vector<16xi32>
        %add3A_318 = arith.addi %xor3A_312, %add3A_317 : vector<16xi32>
        %select_n3A_319 = arith.select %lt3A_315, %add3A_318, %xor3A_312 : vector<16xi1>, vector<16xi32>
        %broadcast_in_dim3A_320 = vector.shape_cast %select_n3A_319 : vector<16xi32> to vector<16x1xi32>
        %gather3A_321 = vector.shape_cast %broadcast_in_dim3A_320 : vector<16x1xi32> to vector<16xi32>
        %gather3A_322 = tpu.dynamic_gather %max3A_309[%gather3A_321] in [0] : vector<16xf32>, vector<16xi32> -> vector<16xf32>
        %max3A_323 = arith.maximumf %max3A_309, %gather3A_322 : vector<16xf32>
        %xor3A_324 = arith.constant 8 : i32
        %xor3A_325 = vector.broadcast %xor3A_324 : i32 to vector<16xi32>
        %xor3A_326 = arith.xori %iota3A_284, %xor3A_325 : vector<16xi32>
        %lt3A_327 = arith.constant 0 : i32
        %lt3A_328 = vector.broadcast %lt3A_327 : i32 to vector<16xi32>
        %lt3A_329 = arith.cmpi slt, %xor3A_326, %lt3A_328 : vector<16xi32>
        %add3A_330 = arith.constant 16 : i32
        %add3A_331 = vector.broadcast %add3A_330 : i32 to vector<16xi32>
        %add3A_332 = arith.addi %xor3A_326, %add3A_331 : vector<16xi32>
        %select_n3A_333 = arith.select %lt3A_329, %add3A_332, %xor3A_326 : vector<16xi1>, vector<16xi32>
        %broadcast_in_dim3A_334 = vector.shape_cast %select_n3A_333 : vector<16xi32> to vector<16x1xi32>
        %gather3A_335 = vector.shape_cast %broadcast_in_dim3A_334 : vector<16x1xi32> to vector<16xi32>
        %gather3A_336 = tpu.dynamic_gather %max3A_323[%gather3A_335] in [0] : vector<16xf32>, vector<16xi32> -> vector<16xf32>
        %max3A_337 = arith.maximumf %max3A_323, %gather3A_336 : vector<16xf32>
        %slice3A = vector.extract_strided_slice %max3A_337 {offsets = [0], sizes = [1], strides = [1]} : vector<16xf32> to vector<1xf32>
        %squeeze3A = vector.extract %slice3A[0] : f32 from vector<1xf32>
        %gt3A = arith.cmpf ogt, %squeeze3A, %scan3A_126 : f32
        %convert_element_type3A = arith.extui %gt3A : i1 to i32
        %cond3A = arith.constant 0 : i32
        %cond3A_338 = arith.cmpi ne, %convert_element_type3A, %cond3A : i32
        %cond3A_339:6 = scf.if %cond3A_338 -> (f32, f32, f32, i32, i32, i32) {
          %mul3A_340 = arith.constant 400 : i32
          %mul3A_341 = arith.muli %scan3A_123, %mul3A_340 : i32
          %add3A_342 = arith.constant 20000 : i32
          %add3A_343 = arith.addi %add3A_342, %mul3A_341 : i32
          %mul3A_344 = arith.constant 400 : i32
          %mul3A_345 = arith.muli %scan3A_123, %mul3A_344 : i32
          %scan3A_346 = arith.constant -1 : i32
          %scan3A_347 = arith.constant -1 : i32
          %scan3A_348 = arith.constant 0 : i32
          %scan3A_349 = arith.constant 25 : i32
          %scan3A_350 = arith.addi %scan3A_348, %scan3A_349 : i32
          %scan3A_351 = arith.constant 1 : i32
          %scan3A_352 = scf.for %scan3A_934 = %scan3A_348 to %scan3A_350 step %scan3A_351 iter_args(%scan3A_935 = %broadcast_in_dim3A_1) -> (vector<16xf32>)  : i32 {
            %mul3A_936 = arith.constant 16 : i32
            %mul3A_937 = arith.muli %scan3A_934, %mul3A_936 : i32
            %add3A_938 = arith.addi %mul3A_345, %mul3A_937 : i32
            %get3A_939 = arith.index_cast %add3A_938 : i32 to index
            %get3A_940 = tpu.vector_load %arg6[%get3A_939] {strides = array<i32>} : memref<20000xf32, #tpu.memory_space<vmem>>, vector<16xf32>,
            %get3A_941 = vector.shape_cast %get3A_940 : vector<16xf32> to vector<16xf32>
            %mul3A_942 = arith.constant 16 : i32
            %mul3A_943 = arith.muli %scan3A_934, %mul3A_942 : i32
            %add3A_944 = arith.addi %add3A_343, %mul3A_943 : i32
            %add3A_945 = vector.broadcast %add3A_944 : i32 to vector<16xi32>
            %add3A_946 = arith.addi %add3A_945, %iota3A : vector<16xi32>
            %ne3A = vector.broadcast %scan3A_346 : i32 to vector<16xi32>
            %ne3A_947 = arith.cmpi ne, %add3A_946, %ne3A : vector<16xi32>
            %ne3A_948 = vector.broadcast %scan3A_347 : i32 to vector<16xi32>
            %ne3A_949 = arith.cmpi ne, %add3A_946, %ne3A_948 : vector<16xi32>
            %and3A_950 = arith.andi %ne3A_947, %ne3A_949 : vector<16xi1>
            %jit3A_951 = arith.constant 0xFF800000 : f32
            %broadcast_in_dim3A_952 = vector.broadcast %jit3A_951 : f32 to vector<16xf32>
            %select_n3A_953 = arith.select %and3A_950, %get3A_941, %broadcast_in_dim3A_952 : vector<16xi1>, vector<16xf32>
            %max3A_954 = arith.maximumf %scan3A_935, %select_n3A_953 : vector<16xf32>
            scf.yield %max3A_954 : vector<16xf32>
          }
          %scan3A_353 = arith.constant 25 : i32
          %iota3A_354 = tpu.iota {dimensions = array<i32: 0>} : vector<16xi32>
          %xor3A_355 = arith.constant 1 : i32
          %xor3A_356 = vector.broadcast %xor3A_355 : i32 to vector<16xi32>
          %xor3A_357 = arith.xori %iota3A_354, %xor3A_356 : vector<16xi32>
          %lt3A_358 = arith.constant 0 : i32
          %lt3A_359 = vector.broadcast %lt3A_358 : i32 to vector<16xi32>
          %lt3A_360 = arith.cmpi slt, %xor3A_357, %lt3A_359 : vector<16xi32>
          %add3A_361 = arith.constant 16 : i32
          %add3A_362 = vector.broadcast %add3A_361 : i32 to vector<16xi32>
          %add3A_363 = arith.addi %xor3A_357, %add3A_362 : vector<16xi32>
          %select_n3A_364 = arith.select %lt3A_360, %add3A_363, %xor3A_357 : vector<16xi1>, vector<16xi32>
          %broadcast_in_dim3A_365 = vector.shape_cast %select_n3A_364 : vector<16xi32> to vector<16x1xi32>
          %gather3A_366 = vector.shape_cast %broadcast_in_dim3A_365 : vector<16x1xi32> to vector<16xi32>
          %gather3A_367 = tpu.dynamic_gather %scan3A_352[%gather3A_366] in [0] : vector<16xf32>, vector<16xi32> -> vector<16xf32>
          %max3A_368 = arith.maximumf %scan3A_352, %gather3A_367 : vector<16xf32>
          %xor3A_369 = arith.constant 2 : i32
          %xor3A_370 = vector.broadcast %xor3A_369 : i32 to vector<16xi32>
          %xor3A_371 = arith.xori %iota3A_354, %xor3A_370 : vector<16xi32>
          %lt3A_372 = arith.constant 0 : i32
          %lt3A_373 = vector.broadcast %lt3A_372 : i32 to vector<16xi32>
          %lt3A_374 = arith.cmpi slt, %xor3A_371, %lt3A_373 : vector<16xi32>
          %add3A_375 = arith.constant 16 : i32
          %add3A_376 = vector.broadcast %add3A_375 : i32 to vector<16xi32>
          %add3A_377 = arith.addi %xor3A_371, %add3A_376 : vector<16xi32>
          %select_n3A_378 = arith.select %lt3A_374, %add3A_377, %xor3A_371 : vector<16xi1>, vector<16xi32>
          %broadcast_in_dim3A_379 = vector.shape_cast %select_n3A_378 : vector<16xi32> to vector<16x1xi32>
          %gather3A_380 = vector.shape_cast %broadcast_in_dim3A_379 : vector<16x1xi32> to vector<16xi32>
          %gather3A_381 = tpu.dynamic_gather %max3A_368[%gather3A_380] in [0] : vector<16xf32>, vector<16xi32> -> vector<16xf32>
          %max3A_382 = arith.maximumf %max3A_368, %gather3A_381 : vector<16xf32>
          %xor3A_383 = arith.constant 4 : i32
          %xor3A_384 = vector.broadcast %xor3A_383 : i32 to vector<16xi32>
          %xor3A_385 = arith.xori %iota3A_354, %xor3A_384 : vector<16xi32>
          %lt3A_386 = arith.constant 0 : i32
          %lt3A_387 = vector.broadcast %lt3A_386 : i32 to vector<16xi32>
          %lt3A_388 = arith.cmpi slt, %xor3A_385, %lt3A_387 : vector<16xi32>
          %add3A_389 = arith.constant 16 : i32
          %add3A_390 = vector.broadcast %add3A_389 : i32 to vector<16xi32>
          %add3A_391 = arith.addi %xor3A_385, %add3A_390 : vector<16xi32>
          %select_n3A_392 = arith.select %lt3A_388, %add3A_391, %xor3A_385 : vector<16xi1>, vector<16xi32>
          %broadcast_in_dim3A_393 = vector.shape_cast %select_n3A_392 : vector<16xi32> to vector<16x1xi32>
          %gather3A_394 = vector.shape_cast %broadcast_in_dim3A_393 : vector<16x1xi32> to vector<16xi32>
          %gather3A_395 = tpu.dynamic_gather %max3A_382[%gather3A_394] in [0] : vector<16xf32>, vector<16xi32> -> vector<16xf32>
          %max3A_396 = arith.maximumf %max3A_382, %gather3A_395 : vector<16xf32>
          %xor3A_397 = arith.constant 8 : i32
          %xor3A_398 = vector.broadcast %xor3A_397 : i32 to vector<16xi32>
          %xor3A_399 = arith.xori %iota3A_354, %xor3A_398 : vector<16xi32>
          %lt3A_400 = arith.constant 0 : i32
          %lt3A_401 = vector.broadcast %lt3A_400 : i32 to vector<16xi32>
          %lt3A_402 = arith.cmpi slt, %xor3A_399, %lt3A_401 : vector<16xi32>
          %add3A_403 = arith.constant 16 : i32
          %add3A_404 = vector.broadcast %add3A_403 : i32 to vector<16xi32>
          %add3A_405 = arith.addi %xor3A_399, %add3A_404 : vector<16xi32>
          %select_n3A_406 = arith.select %lt3A_402, %add3A_405, %xor3A_399 : vector<16xi1>, vector<16xi32>
          %broadcast_in_dim3A_407 = vector.shape_cast %select_n3A_406 : vector<16xi32> to vector<16x1xi32>
          %gather3A_408 = vector.shape_cast %broadcast_in_dim3A_407 : vector<16x1xi32> to vector<16xi32>
          %gather3A_409 = tpu.dynamic_gather %max3A_396[%gather3A_408] in [0] : vector<16xf32>, vector<16xi32> -> vector<16xf32>
          %max3A_410 = arith.maximumf %max3A_396, %gather3A_409 : vector<16xf32>
          %slice3A_411 = vector.extract_strided_slice %max3A_410 {offsets = [0], sizes = [1], strides = [1]} : vector<16xf32> to vector<1xf32>
          %squeeze3A_412 = vector.extract %slice3A_411[0] : f32 from vector<1xf32>
          %scan3A_413 = arith.constant -1 : i32
          %scan3A_414 = arith.constant -1 : i32
          %scan3A_415 = arith.constant 0 : i32
          %scan3A_416 = arith.constant 25 : i32
          %scan3A_417 = arith.addi %scan3A_415, %scan3A_416 : i32
          %scan3A_418 = arith.constant 1 : i32
          %scan3A_419 = scf.for %scan3A_934 = %scan3A_415 to %scan3A_417 step %scan3A_418 iter_args(%scan3A_935 = %broadcast_in_dim3A_3) -> (vector<16xi32>)  : i32 {
            %mul3A_936 = arith.constant 16 : i32
            %mul3A_937 = arith.muli %scan3A_934, %mul3A_936 : i32
            %add3A_938 = arith.addi %mul3A_345, %mul3A_937 : i32
            %get3A_939 = arith.index_cast %add3A_938 : i32 to index
            %get3A_940 = tpu.vector_load %arg6[%get3A_939] {strides = array<i32>} : memref<20000xf32, #tpu.memory_space<vmem>>, vector<16xf32>,
            %get3A_941 = vector.shape_cast %get3A_940 : vector<16xf32> to vector<16xf32>
            %mul3A_942 = arith.constant 16 : i32
            %mul3A_943 = arith.muli %scan3A_934, %mul3A_942 : i32
            %add3A_944 = arith.addi %add3A_343, %mul3A_943 : i32
            %add3A_945 = vector.broadcast %add3A_944 : i32 to vector<16xi32>
            %add3A_946 = arith.addi %add3A_945, %iota3A : vector<16xi32>
            %eq3A_947 = vector.broadcast %squeeze3A_412 : f32 to vector<16xf32>
            %eq3A_948 = arith.cmpf oeq, %get3A_941, %eq3A_947 : vector<16xf32>
            %ne3A = vector.broadcast %scan3A_413 : i32 to vector<16xi32>
            %ne3A_949 = arith.cmpi ne, %add3A_946, %ne3A : vector<16xi32>
            %and3A_950 = arith.andi %eq3A_948, %ne3A_949 : vector<16xi1>
            %ne3A_951 = vector.broadcast %scan3A_414 : i32 to vector<16xi32>
            %ne3A_952 = arith.cmpi ne, %add3A_946, %ne3A_951 : vector<16xi32>
            %and3A_953 = arith.andi %and3A_950, %ne3A_952 : vector<16xi1>
            %jit3A_954 = arith.constant 2147483647 : i32
            %broadcast_in_dim3A_955 = vector.broadcast %jit3A_954 : i32 to vector<16xi32>
            %select_n3A_956 = arith.select %and3A_953, %add3A_946, %broadcast_in_dim3A_955 : vector<16xi1>, vector<16xi32>
            %min3A_957 = arith.minsi %scan3A_935, %select_n3A_956 : vector<16xi32>
            scf.yield %min3A_957 : vector<16xi32>
          }
          %scan3A_420 = arith.constant 25 : i32
          %iota3A_421 = tpu.iota {dimensions = array<i32: 0>} : vector<16xi32>
          %xor3A_422 = arith.constant 1 : i32
          %xor3A_423 = vector.broadcast %xor3A_422 : i32 to vector<16xi32>
          %xor3A_424 = arith.xori %iota3A_421, %xor3A_423 : vector<16xi32>
          %lt3A_425 = arith.constant 0 : i32
          %lt3A_426 = vector.broadcast %lt3A_425 : i32 to vector<16xi32>
          %lt3A_427 = arith.cmpi slt, %xor3A_424, %lt3A_426 : vector<16xi32>
          %add3A_428 = arith.constant 16 : i32
          %add3A_429 = vector.broadcast %add3A_428 : i32 to vector<16xi32>
          %add3A_430 = arith.addi %xor3A_424, %add3A_429 : vector<16xi32>
          %select_n3A_431 = arith.select %lt3A_427, %add3A_430, %xor3A_424 : vector<16xi1>, vector<16xi32>
          %broadcast_in_dim3A_432 = vector.shape_cast %select_n3A_431 : vector<16xi32> to vector<16x1xi32>
          %gather3A_433 = vector.shape_cast %broadcast_in_dim3A_432 : vector<16x1xi32> to vector<16xi32>
          %gather3A_434 = tpu.dynamic_gather %scan3A_419[%gather3A_433] in [0] : vector<16xi32>, vector<16xi32> -> vector<16xi32>
          %min3A = arith.minsi %scan3A_419, %gather3A_434 : vector<16xi32>
          %xor3A_435 = arith.constant 2 : i32
          %xor3A_436 = vector.broadcast %xor3A_435 : i32 to vector<16xi32>
          %xor3A_437 = arith.xori %iota3A_421, %xor3A_436 : vector<16xi32>
          %lt3A_438 = arith.constant 0 : i32
          %lt3A_439 = vector.broadcast %lt3A_438 : i32 to vector<16xi32>
          %lt3A_440 = arith.cmpi slt, %xor3A_437, %lt3A_439 : vector<16xi32>
          %add3A_441 = arith.constant 16 : i32
          %add3A_442 = vector.broadcast %add3A_441 : i32 to vector<16xi32>
          %add3A_443 = arith.addi %xor3A_437, %add3A_442 : vector<16xi32>
          %select_n3A_444 = arith.select %lt3A_440, %add3A_443, %xor3A_437 : vector<16xi1>, vector<16xi32>
          %broadcast_in_dim3A_445 = vector.shape_cast %select_n3A_444 : vector<16xi32> to vector<16x1xi32>
          %gather3A_446 = vector.shape_cast %broadcast_in_dim3A_445 : vector<16x1xi32> to vector<16xi32>
          %gather3A_447 = tpu.dynamic_gather %min3A[%gather3A_446] in [0] : vector<16xi32>, vector<16xi32> -> vector<16xi32>
          %min3A_448 = arith.minsi %min3A, %gather3A_447 : vector<16xi32>
          %xor3A_449 = arith.constant 4 : i32
          %xor3A_450 = vector.broadcast %xor3A_449 : i32 to vector<16xi32>
          %xor3A_451 = arith.xori %iota3A_421, %xor3A_450 : vector<16xi32>
          %lt3A_452 = arith.constant 0 : i32
          %lt3A_453 = vector.broadcast %lt3A_452 : i32 to vector<16xi32>
          %lt3A_454 = arith.cmpi slt, %xor3A_451, %lt3A_453 : vector<16xi32>
          %add3A_455 = arith.constant 16 : i32
          %add3A_456 = vector.broadcast %add3A_455 : i32 to vector<16xi32>
          %add3A_457 = arith.addi %xor3A_451, %add3A_456 : vector<16xi32>
          %select_n3A_458 = arith.select %lt3A_454, %add3A_457, %xor3A_451 : vector<16xi1>, vector<16xi32>
          %broadcast_in_dim3A_459 = vector.shape_cast %select_n3A_458 : vector<16xi32> to vector<16x1xi32>
          %gather3A_460 = vector.shape_cast %broadcast_in_dim3A_459 : vector<16x1xi32> to vector<16xi32>
          %gather3A_461 = tpu.dynamic_gather %min3A_448[%gather3A_460] in [0] : vector<16xi32>, vector<16xi32> -> vector<16xi32>
          %min3A_462 = arith.minsi %min3A_448, %gather3A_461 : vector<16xi32>
          %xor3A_463 = arith.constant 8 : i32
          %xor3A_464 = vector.broadcast %xor3A_463 : i32 to vector<16xi32>
          %xor3A_465 = arith.xori %iota3A_421, %xor3A_464 : vector<16xi32>
          %lt3A_466 = arith.constant 0 : i32
          %lt3A_467 = vector.broadcast %lt3A_466 : i32 to vector<16xi32>
          %lt3A_468 = arith.cmpi slt, %xor3A_465, %lt3A_467 : vector<16xi32>
          %add3A_469 = arith.constant 16 : i32
          %add3A_470 = vector.broadcast %add3A_469 : i32 to vector<16xi32>
          %add3A_471 = arith.addi %xor3A_465, %add3A_470 : vector<16xi32>
          %select_n3A_472 = arith.select %lt3A_468, %add3A_471, %xor3A_465 : vector<16xi1>, vector<16xi32>
          %broadcast_in_dim3A_473 = vector.shape_cast %select_n3A_472 : vector<16xi32> to vector<16x1xi32>
          %gather3A_474 = vector.shape_cast %broadcast_in_dim3A_473 : vector<16x1xi32> to vector<16xi32>
          %gather3A_475 = tpu.dynamic_gather %min3A_462[%gather3A_474] in [0] : vector<16xi32>, vector<16xi32> -> vector<16xi32>
          %min3A_476 = arith.minsi %min3A_462, %gather3A_475 : vector<16xi32>
          %slice3A_477 = vector.extract_strided_slice %min3A_476 {offsets = [0], sizes = [1], strides = [1]} : vector<16xi32> to vector<1xi32>
          %squeeze3A_478 = vector.extract %slice3A_477[0] : i32 from vector<1xi32>
          %scan3A_479 = arith.constant -1 : i32
          %scan3A_480 = arith.constant 0 : i32
          %scan3A_481 = arith.constant 25 : i32
          %scan3A_482 = arith.addi %scan3A_480, %scan3A_481 : i32
          %scan3A_483 = arith.constant 1 : i32
          %scan3A_484 = scf.for %scan3A_934 = %scan3A_480 to %scan3A_482 step %scan3A_483 iter_args(%scan3A_935 = %broadcast_in_dim3A_1) -> (vector<16xf32>)  : i32 {
            %mul3A_936 = arith.constant 16 : i32
            %mul3A_937 = arith.muli %scan3A_934, %mul3A_936 : i32
            %add3A_938 = arith.addi %mul3A_345, %mul3A_937 : i32
            %get3A_939 = arith.index_cast %add3A_938 : i32 to index
            %get3A_940 = tpu.vector_load %arg6[%get3A_939] {strides = array<i32>} : memref<20000xf32, #tpu.memory_space<vmem>>, vector<16xf32>,
            %get3A_941 = vector.shape_cast %get3A_940 : vector<16xf32> to vector<16xf32>
            %mul3A_942 = arith.constant 16 : i32
            %mul3A_943 = arith.muli %scan3A_934, %mul3A_942 : i32
            %add3A_944 = arith.addi %add3A_343, %mul3A_943 : i32
            %add3A_945 = vector.broadcast %add3A_944 : i32 to vector<16xi32>
            %add3A_946 = arith.addi %add3A_945, %iota3A : vector<16xi32>
            %ne3A = vector.broadcast %squeeze3A_478 : i32 to vector<16xi32>
            %ne3A_947 = arith.cmpi ne, %add3A_946, %ne3A : vector<16xi32>
            %ne3A_948 = vector.broadcast %scan3A_479 : i32 to vector<16xi32>
            %ne3A_949 = arith.cmpi ne, %add3A_946, %ne3A_948 : vector<16xi32>
            %and3A_950 = arith.andi %ne3A_947, %ne3A_949 : vector<16xi1>
            %jit3A_951 = arith.constant 0xFF800000 : f32
            %broadcast_in_dim3A_952 = vector.broadcast %jit3A_951 : f32 to vector<16xf32>
            %select_n3A_953 = arith.select %and3A_950, %get3A_941, %broadcast_in_dim3A_952 : vector<16xi1>, vector<16xf32>
            %max3A_954 = arith.maximumf %scan3A_935, %select_n3A_953 : vector<16xf32>
            scf.yield %max3A_954 : vector<16xf32>
          }
          %scan3A_485 = arith.constant 25 : i32
          %iota3A_486 = tpu.iota {dimensions = array<i32: 0>} : vector<16xi32>
          %xor3A_487 = arith.constant 1 : i32
          %xor3A_488 = vector.broadcast %xor3A_487 : i32 to vector<16xi32>
          %xor3A_489 = arith.xori %iota3A_486, %xor3A_488 : vector<16xi32>
          %lt3A_490 = arith.constant 0 : i32
          %lt3A_491 = vector.broadcast %lt3A_490 : i32 to vector<16xi32>
          %lt3A_492 = arith.cmpi slt, %xor3A_489, %lt3A_491 : vector<16xi32>
          %add3A_493 = arith.constant 16 : i32
          %add3A_494 = vector.broadcast %add3A_493 : i32 to vector<16xi32>
          %add3A_495 = arith.addi %xor3A_489, %add3A_494 : vector<16xi32>
          %select_n3A_496 = arith.select %lt3A_492, %add3A_495, %xor3A_489 : vector<16xi1>, vector<16xi32>
          %broadcast_in_dim3A_497 = vector.shape_cast %select_n3A_496 : vector<16xi32> to vector<16x1xi32>
          %gather3A_498 = vector.shape_cast %broadcast_in_dim3A_497 : vector<16x1xi32> to vector<16xi32>
          %gather3A_499 = tpu.dynamic_gather %scan3A_484[%gather3A_498] in [0] : vector<16xf32>, vector<16xi32> -> vector<16xf32>
          %max3A_500 = arith.maximumf %scan3A_484, %gather3A_499 : vector<16xf32>
          %xor3A_501 = arith.constant 2 : i32
          %xor3A_502 = vector.broadcast %xor3A_501 : i32 to vector<16xi32>
          %xor3A_503 = arith.xori %iota3A_486, %xor3A_502 : vector<16xi32>
          %lt3A_504 = arith.constant 0 : i32
          %lt3A_505 = vector.broadcast %lt3A_504 : i32 to vector<16xi32>
          %lt3A_506 = arith.cmpi slt, %xor3A_503, %lt3A_505 : vector<16xi32>
          %add3A_507 = arith.constant 16 : i32
          %add3A_508 = vector.broadcast %add3A_507 : i32 to vector<16xi32>
          %add3A_509 = arith.addi %xor3A_503, %add3A_508 : vector<16xi32>
          %select_n3A_510 = arith.select %lt3A_506, %add3A_509, %xor3A_503 : vector<16xi1>, vector<16xi32>
          %broadcast_in_dim3A_511 = vector.shape_cast %select_n3A_510 : vector<16xi32> to vector<16x1xi32>
          %gather3A_512 = vector.shape_cast %broadcast_in_dim3A_511 : vector<16x1xi32> to vector<16xi32>
          %gather3A_513 = tpu.dynamic_gather %max3A_500[%gather3A_512] in [0] : vector<16xf32>, vector<16xi32> -> vector<16xf32>
          %max3A_514 = arith.maximumf %max3A_500, %gather3A_513 : vector<16xf32>
          %xor3A_515 = arith.constant 4 : i32
          %xor3A_516 = vector.broadcast %xor3A_515 : i32 to vector<16xi32>
          %xor3A_517 = arith.xori %iota3A_486, %xor3A_516 : vector<16xi32>
          %lt3A_518 = arith.constant 0 : i32
          %lt3A_519 = vector.broadcast %lt3A_518 : i32 to vector<16xi32>
          %lt3A_520 = arith.cmpi slt, %xor3A_517, %lt3A_519 : vector<16xi32>
          %add3A_521 = arith.constant 16 : i32
          %add3A_522 = vector.broadcast %add3A_521 : i32 to vector<16xi32>
          %add3A_523 = arith.addi %xor3A_517, %add3A_522 : vector<16xi32>
          %select_n3A_524 = arith.select %lt3A_520, %add3A_523, %xor3A_517 : vector<16xi1>, vector<16xi32>
          %broadcast_in_dim3A_525 = vector.shape_cast %select_n3A_524 : vector<16xi32> to vector<16x1xi32>
          %gather3A_526 = vector.shape_cast %broadcast_in_dim3A_525 : vector<16x1xi32> to vector<16xi32>
          %gather3A_527 = tpu.dynamic_gather %max3A_514[%gather3A_526] in [0] : vector<16xf32>, vector<16xi32> -> vector<16xf32>
          %max3A_528 = arith.maximumf %max3A_514, %gather3A_527 : vector<16xf32>
          %xor3A_529 = arith.constant 8 : i32
          %xor3A_530 = vector.broadcast %xor3A_529 : i32 to vector<16xi32>
          %xor3A_531 = arith.xori %iota3A_486, %xor3A_530 : vector<16xi32>
          %lt3A_532 = arith.constant 0 : i32
          %lt3A_533 = vector.broadcast %lt3A_532 : i32 to vector<16xi32>
          %lt3A_534 = arith.cmpi slt, %xor3A_531, %lt3A_533 : vector<16xi32>
          %add3A_535 = arith.constant 16 : i32
          %add3A_536 = vector.broadcast %add3A_535 : i32 to vector<16xi32>
          %add3A_537 = arith.addi %xor3A_531, %add3A_536 : vector<16xi32>
          %select_n3A_538 = arith.select %lt3A_534, %add3A_537, %xor3A_531 : vector<16xi1>, vector<16xi32>
          %broadcast_in_dim3A_539 = vector.shape_cast %select_n3A_538 : vector<16xi32> to vector<16x1xi32>
          %gather3A_540 = vector.shape_cast %broadcast_in_dim3A_539 : vector<16x1xi32> to vector<16xi32>
          %gather3A_541 = tpu.dynamic_gather %max3A_528[%gather3A_540] in [0] : vector<16xf32>, vector<16xi32> -> vector<16xf32>
          %max3A_542 = arith.maximumf %max3A_528, %gather3A_541 : vector<16xf32>
          %slice3A_543 = vector.extract_strided_slice %max3A_542 {offsets = [0], sizes = [1], strides = [1]} : vector<16xf32> to vector<1xf32>
          %squeeze3A_544 = vector.extract %slice3A_543[0] : f32 from vector<1xf32>
          %scan3A_545 = arith.constant -1 : i32
          %scan3A_546 = arith.constant 0 : i32
          %scan3A_547 = arith.constant 25 : i32
          %scan3A_548 = arith.addi %scan3A_546, %scan3A_547 : i32
          %scan3A_549 = arith.constant 1 : i32
          %scan3A_550 = scf.for %scan3A_934 = %scan3A_546 to %scan3A_548 step %scan3A_549 iter_args(%scan3A_935 = %broadcast_in_dim3A_3) -> (vector<16xi32>)  : i32 {
            %mul3A_936 = arith.constant 16 : i32
            %mul3A_937 = arith.muli %scan3A_934, %mul3A_936 : i32
            %add3A_938 = arith.addi %mul3A_345, %mul3A_937 : i32
            %get3A_939 = arith.index_cast %add3A_938 : i32 to index
            %get3A_940 = tpu.vector_load %arg6[%get3A_939] {strides = array<i32>} : memref<20000xf32, #tpu.memory_space<vmem>>, vector<16xf32>,
            %get3A_941 = vector.shape_cast %get3A_940 : vector<16xf32> to vector<16xf32>
            %mul3A_942 = arith.constant 16 : i32
            %mul3A_943 = arith.muli %scan3A_934, %mul3A_942 : i32
            %add3A_944 = arith.addi %add3A_343, %mul3A_943 : i32
            %add3A_945 = vector.broadcast %add3A_944 : i32 to vector<16xi32>
            %add3A_946 = arith.addi %add3A_945, %iota3A : vector<16xi32>
            %eq3A_947 = vector.broadcast %squeeze3A_544 : f32 to vector<16xf32>
            %eq3A_948 = arith.cmpf oeq, %get3A_941, %eq3A_947 : vector<16xf32>
            %ne3A = vector.broadcast %squeeze3A_478 : i32 to vector<16xi32>
            %ne3A_949 = arith.cmpi ne, %add3A_946, %ne3A : vector<16xi32>
            %and3A_950 = arith.andi %eq3A_948, %ne3A_949 : vector<16xi1>
            %ne3A_951 = vector.broadcast %scan3A_545 : i32 to vector<16xi32>
            %ne3A_952 = arith.cmpi ne, %add3A_946, %ne3A_951 : vector<16xi32>
            %and3A_953 = arith.andi %and3A_950, %ne3A_952 : vector<16xi1>
            %jit3A_954 = arith.constant 2147483647 : i32
            %broadcast_in_dim3A_955 = vector.broadcast %jit3A_954 : i32 to vector<16xi32>
            %select_n3A_956 = arith.select %and3A_953, %add3A_946, %broadcast_in_dim3A_955 : vector<16xi1>, vector<16xi32>
            %min3A_957 = arith.minsi %scan3A_935, %select_n3A_956 : vector<16xi32>
            scf.yield %min3A_957 : vector<16xi32>
          }
          %scan3A_551 = arith.constant 25 : i32
          %iota3A_552 = tpu.iota {dimensions = array<i32: 0>} : vector<16xi32>
          %xor3A_553 = arith.constant 1 : i32
          %xor3A_554 = vector.broadcast %xor3A_553 : i32 to vector<16xi32>
          %xor3A_555 = arith.xori %iota3A_552, %xor3A_554 : vector<16xi32>
          %lt3A_556 = arith.constant 0 : i32
          %lt3A_557 = vector.broadcast %lt3A_556 : i32 to vector<16xi32>
          %lt3A_558 = arith.cmpi slt, %xor3A_555, %lt3A_557 : vector<16xi32>
          %add3A_559 = arith.constant 16 : i32
          %add3A_560 = vector.broadcast %add3A_559 : i32 to vector<16xi32>
          %add3A_561 = arith.addi %xor3A_555, %add3A_560 : vector<16xi32>
          %select_n3A_562 = arith.select %lt3A_558, %add3A_561, %xor3A_555 : vector<16xi1>, vector<16xi32>
          %broadcast_in_dim3A_563 = vector.shape_cast %select_n3A_562 : vector<16xi32> to vector<16x1xi32>
          %gather3A_564 = vector.shape_cast %broadcast_in_dim3A_563 : vector<16x1xi32> to vector<16xi32>
          %gather3A_565 = tpu.dynamic_gather %scan3A_550[%gather3A_564] in [0] : vector<16xi32>, vector<16xi32> -> vector<16xi32>
          %min3A_566 = arith.minsi %scan3A_550, %gather3A_565 : vector<16xi32>
          %xor3A_567 = arith.constant 2 : i32
          %xor3A_568 = vector.broadcast %xor3A_567 : i32 to vector<16xi32>
          %xor3A_569 = arith.xori %iota3A_552, %xor3A_568 : vector<16xi32>
          %lt3A_570 = arith.constant 0 : i32
          %lt3A_571 = vector.broadcast %lt3A_570 : i32 to vector<16xi32>
          %lt3A_572 = arith.cmpi slt, %xor3A_569, %lt3A_571 : vector<16xi32>
          %add3A_573 = arith.constant 16 : i32
          %add3A_574 = vector.broadcast %add3A_573 : i32 to vector<16xi32>
          %add3A_575 = arith.addi %xor3A_569, %add3A_574 : vector<16xi32>
          %select_n3A_576 = arith.select %lt3A_572, %add3A_575, %xor3A_569 : vector<16xi1>, vector<16xi32>
          %broadcast_in_dim3A_577 = vector.shape_cast %select_n3A_576 : vector<16xi32> to vector<16x1xi32>
          %gather3A_578 = vector.shape_cast %broadcast_in_dim3A_577 : vector<16x1xi32> to vector<16xi32>
          %gather3A_579 = tpu.dynamic_gather %min3A_566[%gather3A_578] in [0] : vector<16xi32>, vector<16xi32> -> vector<16xi32>
          %min3A_580 = arith.minsi %min3A_566, %gather3A_579 : vector<16xi32>
          %xor3A_581 = arith.constant 4 : i32
          %xor3A_582 = vector.broadcast %xor3A_581 : i32 to vector<16xi32>
          %xor3A_583 = arith.xori %iota3A_552, %xor3A_582 : vector<16xi32>
          %lt3A_584 = arith.constant 0 : i32
          %lt3A_585 = vector.broadcast %lt3A_584 : i32 to vector<16xi32>
          %lt3A_586 = arith.cmpi slt, %xor3A_583, %lt3A_585 : vector<16xi32>
          %add3A_587 = arith.constant 16 : i32
          %add3A_588 = vector.broadcast %add3A_587 : i32 to vector<16xi32>
          %add3A_589 = arith.addi %xor3A_583, %add3A_588 : vector<16xi32>
          %select_n3A_590 = arith.select %lt3A_586, %add3A_589, %xor3A_583 : vector<16xi1>, vector<16xi32>
          %broadcast_in_dim3A_591 = vector.shape_cast %select_n3A_590 : vector<16xi32> to vector<16x1xi32>
          %gather3A_592 = vector.shape_cast %broadcast_in_dim3A_591 : vector<16x1xi32> to vector<16xi32>
          %gather3A_593 = tpu.dynamic_gather %min3A_580[%gather3A_592] in [0] : vector<16xi32>, vector<16xi32> -> vector<16xi32>
          %min3A_594 = arith.minsi %min3A_580, %gather3A_593 : vector<16xi32>
          %xor3A_595 = arith.constant 8 : i32
          %xor3A_596 = vector.broadcast %xor3A_595 : i32 to vector<16xi32>
          %xor3A_597 = arith.xori %iota3A_552, %xor3A_596 : vector<16xi32>
          %lt3A_598 = arith.constant 0 : i32
          %lt3A_599 = vector.broadcast %lt3A_598 : i32 to vector<16xi32>
          %lt3A_600 = arith.cmpi slt, %xor3A_597, %lt3A_599 : vector<16xi32>
          %add3A_601 = arith.constant 16 : i32
          %add3A_602 = vector.broadcast %add3A_601 : i32 to vector<16xi32>
          %add3A_603 = arith.addi %xor3A_597, %add3A_602 : vector<16xi32>
          %select_n3A_604 = arith.select %lt3A_600, %add3A_603, %xor3A_597 : vector<16xi1>, vector<16xi32>
          %broadcast_in_dim3A_605 = vector.shape_cast %select_n3A_604 : vector<16xi32> to vector<16x1xi32>
          %gather3A_606 = vector.shape_cast %broadcast_in_dim3A_605 : vector<16x1xi32> to vector<16xi32>
          %gather3A_607 = tpu.dynamic_gather %min3A_594[%gather3A_606] in [0] : vector<16xi32>, vector<16xi32> -> vector<16xi32>
          %min3A_608 = arith.minsi %min3A_594, %gather3A_607 : vector<16xi32>
          %slice3A_609 = vector.extract_strided_slice %min3A_608 {offsets = [0], sizes = [1], strides = [1]} : vector<16xi32> to vector<1xi32>
          %squeeze3A_610 = vector.extract %slice3A_609[0] : i32 from vector<1xi32>
          %scan3A_611 = arith.constant 0 : i32
          %scan3A_612 = arith.constant 25 : i32
          %scan3A_613 = arith.addi %scan3A_611, %scan3A_612 : i32
          %scan3A_614 = arith.constant 1 : i32
          %scan3A_615 = scf.for %scan3A_934 = %scan3A_611 to %scan3A_613 step %scan3A_614 iter_args(%scan3A_935 = %broadcast_in_dim3A_1) -> (vector<16xf32>)  : i32 {
            %mul3A_936 = arith.constant 16 : i32
            %mul3A_937 = arith.muli %scan3A_934, %mul3A_936 : i32
            %add3A_938 = arith.addi %mul3A_345, %mul3A_937 : i32
            %get3A_939 = arith.index_cast %add3A_938 : i32 to index
            %get3A_940 = tpu.vector_load %arg6[%get3A_939] {strides = array<i32>} : memref<20000xf32, #tpu.memory_space<vmem>>, vector<16xf32>,
            %get3A_941 = vector.shape_cast %get3A_940 : vector<16xf32> to vector<16xf32>
            %mul3A_942 = arith.constant 16 : i32
            %mul3A_943 = arith.muli %scan3A_934, %mul3A_942 : i32
            %add3A_944 = arith.addi %add3A_343, %mul3A_943 : i32
            %add3A_945 = vector.broadcast %add3A_944 : i32 to vector<16xi32>
            %add3A_946 = arith.addi %add3A_945, %iota3A : vector<16xi32>
            %ne3A = vector.broadcast %squeeze3A_610 : i32 to vector<16xi32>
            %ne3A_947 = arith.cmpi ne, %add3A_946, %ne3A : vector<16xi32>
            %ne3A_948 = vector.broadcast %squeeze3A_478 : i32 to vector<16xi32>
            %ne3A_949 = arith.cmpi ne, %add3A_946, %ne3A_948 : vector<16xi32>
            %and3A_950 = arith.andi %ne3A_947, %ne3A_949 : vector<16xi1>
            %jit3A_951 = arith.constant 0xFF800000 : f32
            %broadcast_in_dim3A_952 = vector.broadcast %jit3A_951 : f32 to vector<16xf32>
            %select_n3A_953 = arith.select %and3A_950, %get3A_941, %broadcast_in_dim3A_952 : vector<16xi1>, vector<16xf32>
            %max3A_954 = arith.maximumf %scan3A_935, %select_n3A_953 : vector<16xf32>
            scf.yield %max3A_954 : vector<16xf32>
          }
          %scan3A_616 = arith.constant 25 : i32
          %iota3A_617 = tpu.iota {dimensions = array<i32: 0>} : vector<16xi32>
          %xor3A_618 = arith.constant 1 : i32
          %xor3A_619 = vector.broadcast %xor3A_618 : i32 to vector<16xi32>
          %xor3A_620 = arith.xori %iota3A_617, %xor3A_619 : vector<16xi32>
          %lt3A_621 = arith.constant 0 : i32
          %lt3A_622 = vector.broadcast %lt3A_621 : i32 to vector<16xi32>
          %lt3A_623 = arith.cmpi slt, %xor3A_620, %lt3A_622 : vector<16xi32>
          %add3A_624 = arith.constant 16 : i32
          %add3A_625 = vector.broadcast %add3A_624 : i32 to vector<16xi32>
          %add3A_626 = arith.addi %xor3A_620, %add3A_625 : vector<16xi32>
          %select_n3A_627 = arith.select %lt3A_623, %add3A_626, %xor3A_620 : vector<16xi1>, vector<16xi32>
          %broadcast_in_dim3A_628 = vector.shape_cast %select_n3A_627 : vector<16xi32> to vector<16x1xi32>
          %gather3A_629 = vector.shape_cast %broadcast_in_dim3A_628 : vector<16x1xi32> to vector<16xi32>
          %gather3A_630 = tpu.dynamic_gather %scan3A_615[%gather3A_629] in [0] : vector<16xf32>, vector<16xi32> -> vector<16xf32>
          %max3A_631 = arith.maximumf %scan3A_615, %gather3A_630 : vector<16xf32>
          %xor3A_632 = arith.constant 2 : i32
          %xor3A_633 = vector.broadcast %xor3A_632 : i32 to vector<16xi32>
          %xor3A_634 = arith.xori %iota3A_617, %xor3A_633 : vector<16xi32>
          %lt3A_635 = arith.constant 0 : i32
          %lt3A_636 = vector.broadcast %lt3A_635 : i32 to vector<16xi32>
          %lt3A_637 = arith.cmpi slt, %xor3A_634, %lt3A_636 : vector<16xi32>
          %add3A_638 = arith.constant 16 : i32
          %add3A_639 = vector.broadcast %add3A_638 : i32 to vector<16xi32>
          %add3A_640 = arith.addi %xor3A_634, %add3A_639 : vector<16xi32>
          %select_n3A_641 = arith.select %lt3A_637, %add3A_640, %xor3A_634 : vector<16xi1>, vector<16xi32>
          %broadcast_in_dim3A_642 = vector.shape_cast %select_n3A_641 : vector<16xi32> to vector<16x1xi32>
          %gather3A_643 = vector.shape_cast %broadcast_in_dim3A_642 : vector<16x1xi32> to vector<16xi32>
          %gather3A_644 = tpu.dynamic_gather %max3A_631[%gather3A_643] in [0] : vector<16xf32>, vector<16xi32> -> vector<16xf32>
          %max3A_645 = arith.maximumf %max3A_631, %gather3A_644 : vector<16xf32>
          %xor3A_646 = arith.constant 4 : i32
          %xor3A_647 = vector.broadcast %xor3A_646 : i32 to vector<16xi32>
          %xor3A_648 = arith.xori %iota3A_617, %xor3A_647 : vector<16xi32>
          %lt3A_649 = arith.constant 0 : i32
          %lt3A_650 = vector.broadcast %lt3A_649 : i32 to vector<16xi32>
          %lt3A_651 = arith.cmpi slt, %xor3A_648, %lt3A_650 : vector<16xi32>
          %add3A_652 = arith.constant 16 : i32
          %add3A_653 = vector.broadcast %add3A_652 : i32 to vector<16xi32>
          %add3A_654 = arith.addi %xor3A_648, %add3A_653 : vector<16xi32>
          %select_n3A_655 = arith.select %lt3A_651, %add3A_654, %xor3A_648 : vector<16xi1>, vector<16xi32>
          %broadcast_in_dim3A_656 = vector.shape_cast %select_n3A_655 : vector<16xi32> to vector<16x1xi32>
          %gather3A_657 = vector.shape_cast %broadcast_in_dim3A_656 : vector<16x1xi32> to vector<16xi32>
          %gather3A_658 = tpu.dynamic_gather %max3A_645[%gather3A_657] in [0] : vector<16xf32>, vector<16xi32> -> vector<16xf32>
          %max3A_659 = arith.maximumf %max3A_645, %gather3A_658 : vector<16xf32>
          %xor3A_660 = arith.constant 8 : i32
          %xor3A_661 = vector.broadcast %xor3A_660 : i32 to vector<16xi32>
          %xor3A_662 = arith.xori %iota3A_617, %xor3A_661 : vector<16xi32>
          %lt3A_663 = arith.constant 0 : i32
          %lt3A_664 = vector.broadcast %lt3A_663 : i32 to vector<16xi32>
          %lt3A_665 = arith.cmpi slt, %xor3A_662, %lt3A_664 : vector<16xi32>
          %add3A_666 = arith.constant 16 : i32
          %add3A_667 = vector.broadcast %add3A_666 : i32 to vector<16xi32>
          %add3A_668 = arith.addi %xor3A_662, %add3A_667 : vector<16xi32>
          %select_n3A_669 = arith.select %lt3A_665, %add3A_668, %xor3A_662 : vector<16xi1>, vector<16xi32>
          %broadcast_in_dim3A_670 = vector.shape_cast %select_n3A_669 : vector<16xi32> to vector<16x1xi32>
          %gather3A_671 = vector.shape_cast %broadcast_in_dim3A_670 : vector<16x1xi32> to vector<16xi32>
          %gather3A_672 = tpu.dynamic_gather %max3A_659[%gather3A_671] in [0] : vector<16xf32>, vector<16xi32> -> vector<16xf32>
          %max3A_673 = arith.maximumf %max3A_659, %gather3A_672 : vector<16xf32>
          %slice3A_674 = vector.extract_strided_slice %max3A_673 {offsets = [0], sizes = [1], strides = [1]} : vector<16xf32> to vector<1xf32>
          %squeeze3A_675 = vector.extract %slice3A_674[0] : f32 from vector<1xf32>
          %scan3A_676 = arith.constant 0 : i32
          %scan3A_677 = arith.constant 25 : i32
          %scan3A_678 = arith.addi %scan3A_676, %scan3A_677 : i32
          %scan3A_679 = arith.constant 1 : i32
          %scan3A_680 = scf.for %scan3A_934 = %scan3A_676 to %scan3A_678 step %scan3A_679 iter_args(%scan3A_935 = %broadcast_in_dim3A_3) -> (vector<16xi32>)  : i32 {
            %mul3A_936 = arith.constant 16 : i32
            %mul3A_937 = arith.muli %scan3A_934, %mul3A_936 : i32
            %add3A_938 = arith.addi %mul3A_345, %mul3A_937 : i32
            %get3A_939 = arith.index_cast %add3A_938 : i32 to index
            %get3A_940 = tpu.vector_load %arg6[%get3A_939] {strides = array<i32>} : memref<20000xf32, #tpu.memory_space<vmem>>, vector<16xf32>,
            %get3A_941 = vector.shape_cast %get3A_940 : vector<16xf32> to vector<16xf32>
            %mul3A_942 = arith.constant 16 : i32
            %mul3A_943 = arith.muli %scan3A_934, %mul3A_942 : i32
            %add3A_944 = arith.addi %add3A_343, %mul3A_943 : i32
            %add3A_945 = vector.broadcast %add3A_944 : i32 to vector<16xi32>
            %add3A_946 = arith.addi %add3A_945, %iota3A : vector<16xi32>
            %eq3A_947 = vector.broadcast %squeeze3A_675 : f32 to vector<16xf32>
            %eq3A_948 = arith.cmpf oeq, %get3A_941, %eq3A_947 : vector<16xf32>
            %ne3A = vector.broadcast %squeeze3A_610 : i32 to vector<16xi32>
            %ne3A_949 = arith.cmpi ne, %add3A_946, %ne3A : vector<16xi32>
            %and3A_950 = arith.andi %eq3A_948, %ne3A_949 : vector<16xi1>
            %ne3A_951 = vector.broadcast %squeeze3A_478 : i32 to vector<16xi32>
            %ne3A_952 = arith.cmpi ne, %add3A_946, %ne3A_951 : vector<16xi32>
            %and3A_953 = arith.andi %and3A_950, %ne3A_952 : vector<16xi1>
            %jit3A_954 = arith.constant 2147483647 : i32
            %broadcast_in_dim3A_955 = vector.broadcast %jit3A_954 : i32 to vector<16xi32>
            %select_n3A_956 = arith.select %and3A_953, %add3A_946, %broadcast_in_dim3A_955 : vector<16xi1>, vector<16xi32>
            %min3A_957 = arith.minsi %scan3A_935, %select_n3A_956 : vector<16xi32>
            scf.yield %min3A_957 : vector<16xi32>
          }
          %scan3A_681 = arith.constant 25 : i32
          %iota3A_682 = tpu.iota {dimensions = array<i32: 0>} : vector<16xi32>
          %xor3A_683 = arith.constant 1 : i32
          %xor3A_684 = vector.broadcast %xor3A_683 : i32 to vector<16xi32>
          %xor3A_685 = arith.xori %iota3A_682, %xor3A_684 : vector<16xi32>
          %lt3A_686 = arith.constant 0 : i32
          %lt3A_687 = vector.broadcast %lt3A_686 : i32 to vector<16xi32>
          %lt3A_688 = arith.cmpi slt, %xor3A_685, %lt3A_687 : vector<16xi32>
          %add3A_689 = arith.constant 16 : i32
          %add3A_690 = vector.broadcast %add3A_689 : i32 to vector<16xi32>
          %add3A_691 = arith.addi %xor3A_685, %add3A_690 : vector<16xi32>
          %select_n3A_692 = arith.select %lt3A_688, %add3A_691, %xor3A_685 : vector<16xi1>, vector<16xi32>
          %broadcast_in_dim3A_693 = vector.shape_cast %select_n3A_692 : vector<16xi32> to vector<16x1xi32>
          %gather3A_694 = vector.shape_cast %broadcast_in_dim3A_693 : vector<16x1xi32> to vector<16xi32>
          %gather3A_695 = tpu.dynamic_gather %scan3A_680[%gather3A_694] in [0] : vector<16xi32>, vector<16xi32> -> vector<16xi32>
          %min3A_696 = arith.minsi %scan3A_680, %gather3A_695 : vector<16xi32>
          %xor3A_697 = arith.constant 2 : i32
          %xor3A_698 = vector.broadcast %xor3A_697 : i32 to vector<16xi32>
          %xor3A_699 = arith.xori %iota3A_682, %xor3A_698 : vector<16xi32>
          %lt3A_700 = arith.constant 0 : i32
          %lt3A_701 = vector.broadcast %lt3A_700 : i32 to vector<16xi32>
          %lt3A_702 = arith.cmpi slt, %xor3A_699, %lt3A_701 : vector<16xi32>
          %add3A_703 = arith.constant 16 : i32
          %add3A_704 = vector.broadcast %add3A_703 : i32 to vector<16xi32>
          %add3A_705 = arith.addi %xor3A_699, %add3A_704 : vector<16xi32>
          %select_n3A_706 = arith.select %lt3A_702, %add3A_705, %xor3A_699 : vector<16xi1>, vector<16xi32>
          %broadcast_in_dim3A_707 = vector.shape_cast %select_n3A_706 : vector<16xi32> to vector<16x1xi32>
          %gather3A_708 = vector.shape_cast %broadcast_in_dim3A_707 : vector<16x1xi32> to vector<16xi32>
          %gather3A_709 = tpu.dynamic_gather %min3A_696[%gather3A_708] in [0] : vector<16xi32>, vector<16xi32> -> vector<16xi32>
          %min3A_710 = arith.minsi %min3A_696, %gather3A_709 : vector<16xi32>
          %xor3A_711 = arith.constant 4 : i32
          %xor3A_712 = vector.broadcast %xor3A_711 : i32 to vector<16xi32>
          %xor3A_713 = arith.xori %iota3A_682, %xor3A_712 : vector<16xi32>
          %lt3A_714 = arith.constant 0 : i32
          %lt3A_715 = vector.broadcast %lt3A_714 : i32 to vector<16xi32>
          %lt3A_716 = arith.cmpi slt, %xor3A_713, %lt3A_715 : vector<16xi32>
          %add3A_717 = arith.constant 16 : i32
          %add3A_718 = vector.broadcast %add3A_717 : i32 to vector<16xi32>
          %add3A_719 = arith.addi %xor3A_713, %add3A_718 : vector<16xi32>
          %select_n3A_720 = arith.select %lt3A_716, %add3A_719, %xor3A_713 : vector<16xi1>, vector<16xi32>
          %broadcast_in_dim3A_721 = vector.shape_cast %select_n3A_720 : vector<16xi32> to vector<16x1xi32>
          %gather3A_722 = vector.shape_cast %broadcast_in_dim3A_721 : vector<16x1xi32> to vector<16xi32>
          %gather3A_723 = tpu.dynamic_gather %min3A_710[%gather3A_722] in [0] : vector<16xi32>, vector<16xi32> -> vector<16xi32>
          %min3A_724 = arith.minsi %min3A_710, %gather3A_723 : vector<16xi32>
          %xor3A_725 = arith.constant 8 : i32
          %xor3A_726 = vector.broadcast %xor3A_725 : i32 to vector<16xi32>
          %xor3A_727 = arith.xori %iota3A_682, %xor3A_726 : vector<16xi32>
          %lt3A_728 = arith.constant 0 : i32
          %lt3A_729 = vector.broadcast %lt3A_728 : i32 to vector<16xi32>
          %lt3A_730 = arith.cmpi slt, %xor3A_727, %lt3A_729 : vector<16xi32>
          %add3A_731 = arith.constant 16 : i32
          %add3A_732 = vector.broadcast %add3A_731 : i32 to vector<16xi32>
          %add3A_733 = arith.addi %xor3A_727, %add3A_732 : vector<16xi32>
          %select_n3A_734 = arith.select %lt3A_730, %add3A_733, %xor3A_727 : vector<16xi1>, vector<16xi32>
          %broadcast_in_dim3A_735 = vector.shape_cast %select_n3A_734 : vector<16xi32> to vector<16x1xi32>
          %gather3A_736 = vector.shape_cast %broadcast_in_dim3A_735 : vector<16x1xi32> to vector<16xi32>
          %gather3A_737 = tpu.dynamic_gather %min3A_724[%gather3A_736] in [0] : vector<16xi32>, vector<16xi32> -> vector<16xi32>
          %min3A_738 = arith.minsi %min3A_724, %gather3A_737 : vector<16xi32>
          %slice3A_739 = vector.extract_strided_slice %min3A_738 {offsets = [0], sizes = [1], strides = [1]} : vector<16xi32> to vector<1xi32>
          %squeeze3A_740 = vector.extract %slice3A_739[0] : i32 from vector<1xi32>
          %gt3A_741 = arith.cmpf ogt, %scan3A_125, %scan3A_124 : f32
          %eq3A_742 = arith.cmpf oeq, %scan3A_125, %scan3A_124 : f32
          %lt3A_743 = arith.cmpi slt, %scan3A_128, %scan3A_127 : i32
          %and3A = arith.andi %eq3A_742, %lt3A_743 : i1
          %or3A = arith.ori %gt3A_741, %and3A : i1
          %select_n3A_744 = arith.select %or3A, %scan3A_125, %scan3A_124 : f32
          %select_n3A_745 = arith.select %or3A, %scan3A_128, %scan3A_127 : i32
          %gt3A_746 = arith.cmpf ogt, %scan3A_126, %select_n3A_744 : f32
          %eq3A_747 = arith.cmpf oeq, %scan3A_126, %select_n3A_744 : f32
          %lt3A_748 = arith.cmpi slt, %scan3A_129, %select_n3A_745 : i32
          %and3A_749 = arith.andi %eq3A_747, %lt3A_748 : i1
          %or3A_750 = arith.ori %gt3A_746, %and3A_749 : i1
          %select_n3A_751 = arith.select %or3A_750, %scan3A_126, %select_n3A_744 : f32
          %select_n3A_752 = arith.select %or3A_750, %scan3A_129, %select_n3A_745 : i32
          %gt3A_753 = arith.cmpf ogt, %squeeze3A_412, %select_n3A_751 : f32
          %eq3A_754 = arith.cmpf oeq, %squeeze3A_412, %select_n3A_751 : f32
          %lt3A_755 = arith.cmpi slt, %squeeze3A_478, %select_n3A_752 : i32
          %and3A_756 = arith.andi %eq3A_754, %lt3A_755 : i1
          %or3A_757 = arith.ori %gt3A_753, %and3A_756 : i1
          %select_n3A_758 = arith.select %or3A_757, %squeeze3A_412, %select_n3A_751 : f32
          %select_n3A_759 = arith.select %or3A_757, %squeeze3A_478, %select_n3A_752 : i32
          %gt3A_760 = arith.cmpf ogt, %squeeze3A_544, %select_n3A_758 : f32
          %eq3A_761 = arith.cmpf oeq, %squeeze3A_544, %select_n3A_758 : f32
          %lt3A_762 = arith.cmpi slt, %squeeze3A_610, %select_n3A_759 : i32
          %and3A_763 = arith.andi %eq3A_761, %lt3A_762 : i1
          %or3A_764 = arith.ori %gt3A_760, %and3A_763 : i1
          %select_n3A_765 = arith.select %or3A_764, %squeeze3A_544, %select_n3A_758 : f32
          %select_n3A_766 = arith.select %or3A_764, %squeeze3A_610, %select_n3A_759 : i32
          %gt3A_767 = arith.cmpf ogt, %squeeze3A_675, %select_n3A_765 : f32
          %eq3A_768 = arith.cmpf oeq, %squeeze3A_675, %select_n3A_765 : f32
          %lt3A_769 = arith.cmpi slt, %squeeze3A_740, %select_n3A_766 : i32
          %and3A_770 = arith.andi %eq3A_768, %lt3A_769 : i1
          %or3A_771 = arith.ori %gt3A_767, %and3A_770 : i1
          %select_n3A_772 = arith.select %or3A_771, %squeeze3A_675, %select_n3A_765 : f32
          %select_n3A_773 = arith.select %or3A_771, %squeeze3A_740, %select_n3A_766 : i32
          %eq3A_774 = arith.cmpf oeq, %scan3A_124, %select_n3A_772 : f32
          %eq3A_775 = arith.cmpi eq, %scan3A_127, %select_n3A_773 : i32
          %and3A_776 = arith.andi %eq3A_774, %eq3A_775 : i1
          %jit3A_777 = arith.constant 0xFF800000 : f32
          %select_n3A_778 = arith.select %and3A_776, %jit3A_777, %scan3A_124 : f32
          %eq3A_779 = arith.cmpf oeq, %scan3A_125, %select_n3A_772 : f32
          %eq3A_780 = arith.cmpi eq, %scan3A_128, %select_n3A_773 : i32
          %and3A_781 = arith.andi %eq3A_779, %eq3A_780 : i1
          %jit3A_782 = arith.constant 0xFF800000 : f32
          %select_n3A_783 = arith.select %and3A_781, %jit3A_782, %scan3A_125 : f32
          %eq3A_784 = arith.cmpf oeq, %scan3A_126, %select_n3A_772 : f32
          %eq3A_785 = arith.cmpi eq, %scan3A_129, %select_n3A_773 : i32
          %and3A_786 = arith.andi %eq3A_784, %eq3A_785 : i1
          %jit3A_787 = arith.constant 0xFF800000 : f32
          %select_n3A_788 = arith.select %and3A_786, %jit3A_787, %scan3A_126 : f32
          %eq3A_789 = arith.cmpf oeq, %squeeze3A_412, %select_n3A_772 : f32
          %eq3A_790 = arith.cmpi eq, %squeeze3A_478, %select_n3A_773 : i32
          %and3A_791 = arith.andi %eq3A_789, %eq3A_790 : i1
          %jit3A_792 = arith.constant 0xFF800000 : f32
          %select_n3A_793 = arith.select %and3A_791, %jit3A_792, %squeeze3A_412 : f32
          %eq3A_794 = arith.cmpf oeq, %squeeze3A_544, %select_n3A_772 : f32
          %eq3A_795 = arith.cmpi eq, %squeeze3A_610, %select_n3A_773 : i32
          %and3A_796 = arith.andi %eq3A_794, %eq3A_795 : i1
          %jit3A_797 = arith.constant 0xFF800000 : f32
          %select_n3A_798 = arith.select %and3A_796, %jit3A_797, %squeeze3A_544 : f32
          %eq3A_799 = arith.cmpf oeq, %squeeze3A_675, %select_n3A_772 : f32
          %eq3A_800 = arith.cmpi eq, %squeeze3A_740, %select_n3A_773 : i32
          %and3A_801 = arith.andi %eq3A_799, %eq3A_800 : i1
          %jit3A_802 = arith.constant 0xFF800000 : f32
          %select_n3A_803 = arith.select %and3A_801, %jit3A_802, %squeeze3A_675 : f32
          %gt3A_804 = arith.cmpf ogt, %select_n3A_783, %select_n3A_778 : f32
          %eq3A_805 = arith.cmpf oeq, %select_n3A_783, %select_n3A_778 : f32
          %lt3A_806 = arith.cmpi slt, %scan3A_128, %scan3A_127 : i32
          %and3A_807 = arith.andi %eq3A_805, %lt3A_806 : i1
          %or3A_808 = arith.ori %gt3A_804, %and3A_807 : i1
          %select_n3A_809 = arith.select %or3A_808, %select_n3A_783, %select_n3A_778 : f32
          %select_n3A_810 = arith.select %or3A_808, %scan3A_128, %scan3A_127 : i32
          %gt3A_811 = arith.cmpf ogt, %select_n3A_788, %select_n3A_809 : f32
          %eq3A_812 = arith.cmpf oeq, %select_n3A_788, %select_n3A_809 : f32
          %lt3A_813 = arith.cmpi slt, %scan3A_129, %select_n3A_810 : i32
          %and3A_814 = arith.andi %eq3A_812, %lt3A_813 : i1
          %or3A_815 = arith.ori %gt3A_811, %and3A_814 : i1
          %select_n3A_816 = arith.select %or3A_815, %select_n3A_788, %select_n3A_809 : f32
          %select_n3A_817 = arith.select %or3A_815, %scan3A_129, %select_n3A_810 : i32
          %gt3A_818 = arith.cmpf ogt, %select_n3A_793, %select_n3A_816 : f32
          %eq3A_819 = arith.cmpf oeq, %select_n3A_793, %select_n3A_816 : f32
          %lt3A_820 = arith.cmpi slt, %squeeze3A_478, %select_n3A_817 : i32
          %and3A_821 = arith.andi %eq3A_819, %lt3A_820 : i1
          %or3A_822 = arith.ori %gt3A_818, %and3A_821 : i1
          %select_n3A_823 = arith.select %or3A_822, %select_n3A_793, %select_n3A_816 : f32
          %select_n3A_824 = arith.select %or3A_822, %squeeze3A_478, %select_n3A_817 : i32
          %gt3A_825 = arith.cmpf ogt, %select_n3A_798, %select_n3A_823 : f32
          %eq3A_826 = arith.cmpf oeq, %select_n3A_798, %select_n3A_823 : f32
          %lt3A_827 = arith.cmpi slt, %squeeze3A_610, %select_n3A_824 : i32
          %and3A_828 = arith.andi %eq3A_826, %lt3A_827 : i1
          %or3A_829 = arith.ori %gt3A_825, %and3A_828 : i1
          %select_n3A_830 = arith.select %or3A_829, %select_n3A_798, %select_n3A_823 : f32
          %select_n3A_831 = arith.select %or3A_829, %squeeze3A_610, %select_n3A_824 : i32
          %gt3A_832 = arith.cmpf ogt, %select_n3A_803, %select_n3A_830 : f32
          %eq3A_833 = arith.cmpf oeq, %select_n3A_803, %select_n3A_830 : f32
          %lt3A_834 = arith.cmpi slt, %squeeze3A_740, %select_n3A_831 : i32
          %and3A_835 = arith.andi %eq3A_833, %lt3A_834 : i1
          %or3A_836 = arith.ori %gt3A_832, %and3A_835 : i1
          %select_n3A_837 = arith.select %or3A_836, %select_n3A_803, %select_n3A_830 : f32
          %select_n3A_838 = arith.select %or3A_836, %squeeze3A_740, %select_n3A_831 : i32
          %eq3A_839 = arith.cmpf oeq, %select_n3A_778, %select_n3A_837 : f32
          %eq3A_840 = arith.cmpi eq, %scan3A_127, %select_n3A_838 : i32
          %and3A_841 = arith.andi %eq3A_839, %eq3A_840 : i1
          %jit3A_842 = arith.constant 0xFF800000 : f32
          %select_n3A_843 = arith.select %and3A_841, %jit3A_842, %select_n3A_778 : f32
          %eq3A_844 = arith.cmpf oeq, %select_n3A_783, %select_n3A_837 : f32
          %eq3A_845 = arith.cmpi eq, %scan3A_128, %select_n3A_838 : i32
          %and3A_846 = arith.andi %eq3A_844, %eq3A_845 : i1
          %jit3A_847 = arith.constant 0xFF800000 : f32
          %select_n3A_848 = arith.select %and3A_846, %jit3A_847, %select_n3A_783 : f32
          %eq3A_849 = arith.cmpf oeq, %select_n3A_788, %select_n3A_837 : f32
          %eq3A_850 = arith.cmpi eq, %scan3A_129, %select_n3A_838 : i32
          %and3A_851 = arith.andi %eq3A_849, %eq3A_850 : i1
          %jit3A_852 = arith.constant 0xFF800000 : f32
          %select_n3A_853 = arith.select %and3A_851, %jit3A_852, %select_n3A_788 : f32
          %eq3A_854 = arith.cmpf oeq, %select_n3A_793, %select_n3A_837 : f32
          %eq3A_855 = arith.cmpi eq, %squeeze3A_478, %select_n3A_838 : i32
          %and3A_856 = arith.andi %eq3A_854, %eq3A_855 : i1
          %jit3A_857 = arith.constant 0xFF800000 : f32
          %select_n3A_858 = arith.select %and3A_856, %jit3A_857, %select_n3A_793 : f32
          %eq3A_859 = arith.cmpf oeq, %select_n3A_798, %select_n3A_837 : f32
          %eq3A_860 = arith.cmpi eq, %squeeze3A_610, %select_n3A_838 : i32
          %and3A_861 = arith.andi %eq3A_859, %eq3A_860 : i1
          %jit3A_862 = arith.constant 0xFF800000 : f32
          %select_n3A_863 = arith.select %and3A_861, %jit3A_862, %select_n3A_798 : f32
          %eq3A_864 = arith.cmpf oeq, %select_n3A_803, %select_n3A_837 : f32
          %eq3A_865 = arith.cmpi eq, %squeeze3A_740, %select_n3A_838 : i32
          %and3A_866 = arith.andi %eq3A_864, %eq3A_865 : i1
          %jit3A_867 = arith.constant 0xFF800000 : f32
          %select_n3A_868 = arith.select %and3A_866, %jit3A_867, %select_n3A_803 : f32
          %gt3A_869 = arith.cmpf ogt, %select_n3A_848, %select_n3A_843 : f32
          %eq3A_870 = arith.cmpf oeq, %select_n3A_848, %select_n3A_843 : f32
          %lt3A_871 = arith.cmpi slt, %scan3A_128, %scan3A_127 : i32
          %and3A_872 = arith.andi %eq3A_870, %lt3A_871 : i1
          %or3A_873 = arith.ori %gt3A_869, %and3A_872 : i1
          %select_n3A_874 = arith.select %or3A_873, %select_n3A_848, %select_n3A_843 : f32
          %select_n3A_875 = arith.select %or3A_873, %scan3A_128, %scan3A_127 : i32
          %gt3A_876 = arith.cmpf ogt, %select_n3A_853, %select_n3A_874 : f32
          %eq3A_877 = arith.cmpf oeq, %select_n3A_853, %select_n3A_874 : f32
          %lt3A_878 = arith.cmpi slt, %scan3A_129, %select_n3A_875 : i32
          %and3A_879 = arith.andi %eq3A_877, %lt3A_878 : i1
          %or3A_880 = arith.ori %gt3A_876, %and3A_879 : i1
          %select_n3A_881 = arith.select %or3A_880, %select_n3A_853, %select_n3A_874 : f32
          %select_n3A_882 = arith.select %or3A_880, %scan3A_129, %select_n3A_875 : i32
          %gt3A_883 = arith.cmpf ogt, %select_n3A_858, %select_n3A_881 : f32
          %eq3A_884 = arith.cmpf oeq, %select_n3A_858, %select_n3A_881 : f32
          %lt3A_885 = arith.cmpi slt, %squeeze3A_478, %select_n3A_882 : i32
          %and3A_886 = arith.andi %eq3A_884, %lt3A_885 : i1
          %or3A_887 = arith.ori %gt3A_883, %and3A_886 : i1
          %select_n3A_888 = arith.select %or3A_887, %select_n3A_858, %select_n3A_881 : f32
          %select_n3A_889 = arith.select %or3A_887, %squeeze3A_478, %select_n3A_882 : i32
          %gt3A_890 = arith.cmpf ogt, %select_n3A_863, %select_n3A_888 : f32
          %eq3A_891 = arith.cmpf oeq, %select_n3A_863, %select_n3A_888 : f32
          %lt3A_892 = arith.cmpi slt, %squeeze3A_610, %select_n3A_889 : i32
          %and3A_893 = arith.andi %eq3A_891, %lt3A_892 : i1
          %or3A_894 = arith.ori %gt3A_890, %and3A_893 : i1
          %select_n3A_895 = arith.select %or3A_894, %select_n3A_863, %select_n3A_888 : f32
          %select_n3A_896 = arith.select %or3A_894, %squeeze3A_610, %select_n3A_889 : i32
          %gt3A_897 = arith.cmpf ogt, %select_n3A_868, %select_n3A_895 : f32
          %eq3A_898 = arith.cmpf oeq, %select_n3A_868, %select_n3A_895 : f32
          %lt3A_899 = arith.cmpi slt, %squeeze3A_740, %select_n3A_896 : i32
          %and3A_900 = arith.andi %eq3A_898, %lt3A_899 : i1
          %or3A_901 = arith.ori %gt3A_897, %and3A_900 : i1
          %select_n3A_902 = arith.select %or3A_901, %select_n3A_868, %select_n3A_895 : f32
          %select_n3A_903 = arith.select %or3A_901, %squeeze3A_740, %select_n3A_896 : i32
          %eq3A_904 = arith.cmpf oeq, %select_n3A_843, %select_n3A_902 : f32
          %eq3A_905 = arith.cmpi eq, %scan3A_127, %select_n3A_903 : i32
          %and3A_906 = arith.andi %eq3A_904, %eq3A_905 : i1
          %jit3A_907 = arith.constant 0xFF800000 : f32
          %select_n3A_908 = arith.select %and3A_906, %jit3A_907, %select_n3A_843 : f32
          %eq3A_909 = arith.cmpf oeq, %select_n3A_848, %select_n3A_902 : f32
          %eq3A_910 = arith.cmpi eq, %scan3A_128, %select_n3A_903 : i32
          %and3A_911 = arith.andi %eq3A_909, %eq3A_910 : i1
          %jit3A_912 = arith.constant 0xFF800000 : f32
          %select_n3A_913 = arith.select %and3A_911, %jit3A_912, %select_n3A_848 : f32
          %eq3A_914 = arith.cmpf oeq, %select_n3A_853, %select_n3A_902 : f32
          %eq3A_915 = arith.cmpi eq, %scan3A_129, %select_n3A_903 : i32
          %and3A_916 = arith.andi %eq3A_914, %eq3A_915 : i1
          %jit3A_917 = arith.constant 0xFF800000 : f32
          %select_n3A_918 = arith.select %and3A_916, %jit3A_917, %select_n3A_853 : f32
          %eq3A_919 = arith.cmpf oeq, %select_n3A_858, %select_n3A_902 : f32
          %eq3A_920 = arith.cmpi eq, %squeeze3A_478, %select_n3A_903 : i32
          %and3A_921 = arith.andi %eq3A_919, %eq3A_920 : i1
          %jit3A_922 = arith.constant 0xFF800000 : f32
          %select_n3A_923 = arith.select %and3A_921, %jit3A_922, %select_n3A_858 : f32
          %eq3A_924 = arith.cmpf oeq, %select_n3A_863, %select_n3A_902 : f32
          %eq3A_925 = arith.cmpi eq, %squeeze3A_610, %select_n3A_903 : i32
          %and3A_926 = arith.andi %eq3A_924, %eq3A_925 : i1
          %jit3A_927 = arith.constant 0xFF800000 : f32
          %select_n3A_928 = arith.select %and3A_926, %jit3A_927, %select_n3A_863 : f32
          %eq3A_929 = arith.cmpf oeq, %select_n3A_868, %select_n3A_902 : f32
          %eq3A_930 = arith.cmpi eq, %squeeze3A_740, %select_n3A_903 : i32
          %and3A_931 = arith.andi %eq3A_929, %eq3A_930 : i1
          %jit3A_932 = arith.constant 0xFF800000 : f32
          %select_n3A_933 = arith.select %and3A_931, %jit3A_932, %select_n3A_868 : f32
          scf.yield %select_n3A_772, %select_n3A_837, %select_n3A_902, %select_n3A_773, %select_n3A_838, %select_n3A_903 : f32, f32, f32, i32, i32, i32
        } else {
          scf.yield %scan3A_124, %scan3A_125, %scan3A_126, %scan3A_127, %scan3A_128, %scan3A_129 : f32, f32, f32, i32, i32, i32
        }
        scf.yield %cond3A_339#0, %cond3A_339#1, %cond3A_339#2, %cond3A_339#3, %cond3A_339#4, %cond3A_339#5 : f32, f32, f32, i32, i32, i32
      }
      %scan3A_58 = arith.constant 50 : i32
      %dma_wait3A_59 = tpu.memref_slice %arg2[%add3A_27] : memref<25600000xf32, #tpu.memory_space<hbm>> -> memref<20000xf32, #tpu.memory_space<hbm>>
      %dma_wait3A_60 = tpu.memref_slice %arg2[%add3A_27] : memref<25600000xf32, #tpu.memory_space<hbm>> -> memref<20000xf32, #tpu.memory_space<hbm>>
      tpu.wait_dma2 semaphore(%arg13 : memref<!tpu.dma_semaphore, #tpu.memory_space<semaphore_mem>>) src(%dma_wait3A_60 : memref<20000xf32, #tpu.memory_space<hbm>>) dst(%arg7 : memref<20000xf32, #tpu.memory_space<vmem>>)
      %scan3A_61 = arith.constant 0 : i32
      %scan3A_62 = arith.constant 50 : i32
      %scan3A_63 = arith.addi %scan3A_61, %scan3A_62 : i32
      %scan3A_64 = arith.constant 1 : i32
      %scan3A_65:6 = scf.for %scan3A_123 = %scan3A_61 to %scan3A_63 step %scan3A_64 iter_args(%scan3A_124 = %scan3A_57#0, %scan3A_125 = %scan3A_57#1, %scan3A_126 = %scan3A_57#2, %scan3A_127 = %scan3A_57#3, %scan3A_128 = %scan3A_57#4, %scan3A_129 = %scan3A_57#5) -> (f32, f32, f32, i32, i32, i32)  : i32 {
        %mul3A_130 = arith.constant 400 : i32
        %mul3A_131 = arith.muli %scan3A_123, %mul3A_130 : i32
        %add3A_132 = arith.constant 0 : i32
        %add3A_133 = arith.addi %mul3A_131, %add3A_132 : i32
        %get3A = arith.index_cast %add3A_133 : i32 to index
        %get3A_134 = tpu.vector_load %arg7[%get3A] {strides = array<i32>} : memref<20000xf32, #tpu.memory_space<vmem>>, vector<16xf32>,
        %get3A_135 = vector.shape_cast %get3A_134 : vector<16xf32> to vector<16xf32>
        %max3A = arith.maximumf %broadcast_in_dim3A_1, %get3A_135 : vector<16xf32>
        %add3A_136 = arith.constant 16 : i32
        %add3A_137 = arith.addi %mul3A_131, %add3A_136 : i32
        %get3A_138 = arith.index_cast %add3A_137 : i32 to index
        %get3A_139 = tpu.vector_load %arg7[%get3A_138] {strides = array<i32>} : memref<20000xf32, #tpu.memory_space<vmem>>, vector<16xf32>,
        %get3A_140 = vector.shape_cast %get3A_139 : vector<16xf32> to vector<16xf32>
        %max3A_141 = arith.maximumf %broadcast_in_dim3A_1, %get3A_140 : vector<16xf32>
        %add3A_142 = arith.constant 32 : i32
        %add3A_143 = arith.addi %mul3A_131, %add3A_142 : i32
        %get3A_144 = arith.index_cast %add3A_143 : i32 to index
        %get3A_145 = tpu.vector_load %arg7[%get3A_144] {strides = array<i32>} : memref<20000xf32, #tpu.memory_space<vmem>>, vector<16xf32>,
        %get3A_146 = vector.shape_cast %get3A_145 : vector<16xf32> to vector<16xf32>
        %max3A_147 = arith.maximumf %broadcast_in_dim3A_1, %get3A_146 : vector<16xf32>
        %add3A_148 = arith.constant 48 : i32
        %add3A_149 = arith.addi %mul3A_131, %add3A_148 : i32
        %get3A_150 = arith.index_cast %add3A_149 : i32 to index
        %get3A_151 = tpu.vector_load %arg7[%get3A_150] {strides = array<i32>} : memref<20000xf32, #tpu.memory_space<vmem>>, vector<16xf32>,
        %get3A_152 = vector.shape_cast %get3A_151 : vector<16xf32> to vector<16xf32>
        %max3A_153 = arith.maximumf %broadcast_in_dim3A_1, %get3A_152 : vector<16xf32>
        %add3A_154 = arith.constant 64 : i32
        %add3A_155 = arith.addi %mul3A_131, %add3A_154 : i32
        %get3A_156 = arith.index_cast %add3A_155 : i32 to index
        %get3A_157 = tpu.vector_load %arg7[%get3A_156] {strides = array<i32>} : memref<20000xf32, #tpu.memory_space<vmem>>, vector<16xf32>,
        %get3A_158 = vector.shape_cast %get3A_157 : vector<16xf32> to vector<16xf32>
        %max3A_159 = arith.maximumf %broadcast_in_dim3A_1, %get3A_158 : vector<16xf32>
        %add3A_160 = arith.constant 80 : i32
        %add3A_161 = arith.addi %mul3A_131, %add3A_160 : i32
        %get3A_162 = arith.index_cast %add3A_161 : i32 to index
        %get3A_163 = tpu.vector_load %arg7[%get3A_162] {strides = array<i32>} : memref<20000xf32, #tpu.memory_space<vmem>>, vector<16xf32>,
        %get3A_164 = vector.shape_cast %get3A_163 : vector<16xf32> to vector<16xf32>
        %max3A_165 = arith.maximumf %max3A, %get3A_164 : vector<16xf32>
        %add3A_166 = arith.constant 96 : i32
        %add3A_167 = arith.addi %mul3A_131, %add3A_166 : i32
        %get3A_168 = arith.index_cast %add3A_167 : i32 to index
        %get3A_169 = tpu.vector_load %arg7[%get3A_168] {strides = array<i32>} : memref<20000xf32, #tpu.memory_space<vmem>>, vector<16xf32>,
        %get3A_170 = vector.shape_cast %get3A_169 : vector<16xf32> to vector<16xf32>
        %max3A_171 = arith.maximumf %max3A_141, %get3A_170 : vector<16xf32>
        %add3A_172 = arith.constant 112 : i32
        %add3A_173 = arith.addi %mul3A_131, %add3A_172 : i32
        %get3A_174 = arith.index_cast %add3A_173 : i32 to index
        %get3A_175 = tpu.vector_load %arg7[%get3A_174] {strides = array<i32>} : memref<20000xf32, #tpu.memory_space<vmem>>, vector<16xf32>,
        %get3A_176 = vector.shape_cast %get3A_175 : vector<16xf32> to vector<16xf32>
        %max3A_177 = arith.maximumf %max3A_147, %get3A_176 : vector<16xf32>
        %add3A_178 = arith.constant 128 : i32
        %add3A_179 = arith.addi %mul3A_131, %add3A_178 : i32
        %get3A_180 = arith.index_cast %add3A_179 : i32 to index
        %get3A_181 = tpu.vector_load %arg7[%get3A_180] {strides = array<i32>} : memref<20000xf32, #tpu.memory_space<vmem>>, vector<16xf32>,
        %get3A_182 = vector.shape_cast %get3A_181 : vector<16xf32> to vector<16xf32>
        %max3A_183 = arith.maximumf %max3A_153, %get3A_182 : vector<16xf32>
        %add3A_184 = arith.constant 144 : i32
        %add3A_185 = arith.addi %mul3A_131, %add3A_184 : i32
        %get3A_186 = arith.index_cast %add3A_185 : i32 to index
        %get3A_187 = tpu.vector_load %arg7[%get3A_186] {strides = array<i32>} : memref<20000xf32, #tpu.memory_space<vmem>>, vector<16xf32>,
        %get3A_188 = vector.shape_cast %get3A_187 : vector<16xf32> to vector<16xf32>
        %max3A_189 = arith.maximumf %max3A_159, %get3A_188 : vector<16xf32>
        %add3A_190 = arith.constant 160 : i32
        %add3A_191 = arith.addi %mul3A_131, %add3A_190 : i32
        %get3A_192 = arith.index_cast %add3A_191 : i32 to index
        %get3A_193 = tpu.vector_load %arg7[%get3A_192] {strides = array<i32>} : memref<20000xf32, #tpu.memory_space<vmem>>, vector<16xf32>,
        %get3A_194 = vector.shape_cast %get3A_193 : vector<16xf32> to vector<16xf32>
        %max3A_195 = arith.maximumf %max3A_165, %get3A_194 : vector<16xf32>
        %add3A_196 = arith.constant 176 : i32
        %add3A_197 = arith.addi %mul3A_131, %add3A_196 : i32
        %get3A_198 = arith.index_cast %add3A_197 : i32 to index
        %get3A_199 = tpu.vector_load %arg7[%get3A_198] {strides = array<i32>} : memref<20000xf32, #tpu.memory_space<vmem>>, vector<16xf32>,
        %get3A_200 = vector.shape_cast %get3A_199 : vector<16xf32> to vector<16xf32>
        %max3A_201 = arith.maximumf %max3A_171, %get3A_200 : vector<16xf32>
        %add3A_202 = arith.constant 192 : i32
        %add3A_203 = arith.addi %mul3A_131, %add3A_202 : i32
        %get3A_204 = arith.index_cast %add3A_203 : i32 to index
        %get3A_205 = tpu.vector_load %arg7[%get3A_204] {strides = array<i32>} : memref<20000xf32, #tpu.memory_space<vmem>>, vector<16xf32>,
        %get3A_206 = vector.shape_cast %get3A_205 : vector<16xf32> to vector<16xf32>
        %max3A_207 = arith.maximumf %max3A_177, %get3A_206 : vector<16xf32>
        %add3A_208 = arith.constant 208 : i32
        %add3A_209 = arith.addi %mul3A_131, %add3A_208 : i32
        %get3A_210 = arith.index_cast %add3A_209 : i32 to index
        %get3A_211 = tpu.vector_load %arg7[%get3A_210] {strides = array<i32>} : memref<20000xf32, #tpu.memory_space<vmem>>, vector<16xf32>,
        %get3A_212 = vector.shape_cast %get3A_211 : vector<16xf32> to vector<16xf32>
        %max3A_213 = arith.maximumf %max3A_183, %get3A_212 : vector<16xf32>
        %add3A_214 = arith.constant 224 : i32
        %add3A_215 = arith.addi %mul3A_131, %add3A_214 : i32
        %get3A_216 = arith.index_cast %add3A_215 : i32 to index
        %get3A_217 = tpu.vector_load %arg7[%get3A_216] {strides = array<i32>} : memref<20000xf32, #tpu.memory_space<vmem>>, vector<16xf32>,
        %get3A_218 = vector.shape_cast %get3A_217 : vector<16xf32> to vector<16xf32>
        %max3A_219 = arith.maximumf %max3A_189, %get3A_218 : vector<16xf32>
        %add3A_220 = arith.constant 240 : i32
        %add3A_221 = arith.addi %mul3A_131, %add3A_220 : i32
        %get3A_222 = arith.index_cast %add3A_221 : i32 to index
        %get3A_223 = tpu.vector_load %arg7[%get3A_222] {strides = array<i32>} : memref<20000xf32, #tpu.memory_space<vmem>>, vector<16xf32>,
        %get3A_224 = vector.shape_cast %get3A_223 : vector<16xf32> to vector<16xf32>
        %max3A_225 = arith.maximumf %max3A_195, %get3A_224 : vector<16xf32>
        %add3A_226 = arith.constant 256 : i32
        %add3A_227 = arith.addi %mul3A_131, %add3A_226 : i32
        %get3A_228 = arith.index_cast %add3A_227 : i32 to index
        %get3A_229 = tpu.vector_load %arg7[%get3A_228] {strides = array<i32>} : memref<20000xf32, #tpu.memory_space<vmem>>, vector<16xf32>,
        %get3A_230 = vector.shape_cast %get3A_229 : vector<16xf32> to vector<16xf32>
        %max3A_231 = arith.maximumf %max3A_201, %get3A_230 : vector<16xf32>
        %add3A_232 = arith.constant 272 : i32
        %add3A_233 = arith.addi %mul3A_131, %add3A_232 : i32
        %get3A_234 = arith.index_cast %add3A_233 : i32 to index
        %get3A_235 = tpu.vector_load %arg7[%get3A_234] {strides = array<i32>} : memref<20000xf32, #tpu.memory_space<vmem>>, vector<16xf32>,
        %get3A_236 = vector.shape_cast %get3A_235 : vector<16xf32> to vector<16xf32>
        %max3A_237 = arith.maximumf %max3A_207, %get3A_236 : vector<16xf32>
        %add3A_238 = arith.constant 288 : i32
        %add3A_239 = arith.addi %mul3A_131, %add3A_238 : i32
        %get3A_240 = arith.index_cast %add3A_239 : i32 to index
        %get3A_241 = tpu.vector_load %arg7[%get3A_240] {strides = array<i32>} : memref<20000xf32, #tpu.memory_space<vmem>>, vector<16xf32>,
        %get3A_242 = vector.shape_cast %get3A_241 : vector<16xf32> to vector<16xf32>
        %max3A_243 = arith.maximumf %max3A_213, %get3A_242 : vector<16xf32>
        %add3A_244 = arith.constant 304 : i32
        %add3A_245 = arith.addi %mul3A_131, %add3A_244 : i32
        %get3A_246 = arith.index_cast %add3A_245 : i32 to index
        %get3A_247 = tpu.vector_load %arg7[%get3A_246] {strides = array<i32>} : memref<20000xf32, #tpu.memory_space<vmem>>, vector<16xf32>,
        %get3A_248 = vector.shape_cast %get3A_247 : vector<16xf32> to vector<16xf32>
        %max3A_249 = arith.maximumf %max3A_219, %get3A_248 : vector<16xf32>
        %add3A_250 = arith.constant 320 : i32
        %add3A_251 = arith.addi %mul3A_131, %add3A_250 : i32
        %get3A_252 = arith.index_cast %add3A_251 : i32 to index
        %get3A_253 = tpu.vector_load %arg7[%get3A_252] {strides = array<i32>} : memref<20000xf32, #tpu.memory_space<vmem>>, vector<16xf32>,
        %get3A_254 = vector.shape_cast %get3A_253 : vector<16xf32> to vector<16xf32>
        %max3A_255 = arith.maximumf %max3A_225, %get3A_254 : vector<16xf32>
        %add3A_256 = arith.constant 336 : i32
        %add3A_257 = arith.addi %mul3A_131, %add3A_256 : i32
        %get3A_258 = arith.index_cast %add3A_257 : i32 to index
        %get3A_259 = tpu.vector_load %arg7[%get3A_258] {strides = array<i32>} : memref<20000xf32, #tpu.memory_space<vmem>>, vector<16xf32>,
        %get3A_260 = vector.shape_cast %get3A_259 : vector<16xf32> to vector<16xf32>
        %max3A_261 = arith.maximumf %max3A_231, %get3A_260 : vector<16xf32>
        %add3A_262 = arith.constant 352 : i32
        %add3A_263 = arith.addi %mul3A_131, %add3A_262 : i32
        %get3A_264 = arith.index_cast %add3A_263 : i32 to index
        %get3A_265 = tpu.vector_load %arg7[%get3A_264] {strides = array<i32>} : memref<20000xf32, #tpu.memory_space<vmem>>, vector<16xf32>,
        %get3A_266 = vector.shape_cast %get3A_265 : vector<16xf32> to vector<16xf32>
        %max3A_267 = arith.maximumf %max3A_237, %get3A_266 : vector<16xf32>
        %add3A_268 = arith.constant 368 : i32
        %add3A_269 = arith.addi %mul3A_131, %add3A_268 : i32
        %get3A_270 = arith.index_cast %add3A_269 : i32 to index
        %get3A_271 = tpu.vector_load %arg7[%get3A_270] {strides = array<i32>} : memref<20000xf32, #tpu.memory_space<vmem>>, vector<16xf32>,
        %get3A_272 = vector.shape_cast %get3A_271 : vector<16xf32> to vector<16xf32>
        %max3A_273 = arith.maximumf %max3A_243, %get3A_272 : vector<16xf32>
        %add3A_274 = arith.constant 384 : i32
        %add3A_275 = arith.addi %mul3A_131, %add3A_274 : i32
        %get3A_276 = arith.index_cast %add3A_275 : i32 to index
        %get3A_277 = tpu.vector_load %arg7[%get3A_276] {strides = array<i32>} : memref<20000xf32, #tpu.memory_space<vmem>>, vector<16xf32>,
        %get3A_278 = vector.shape_cast %get3A_277 : vector<16xf32> to vector<16xf32>
        %max3A_279 = arith.maximumf %max3A_249, %get3A_278 : vector<16xf32>
        %max3A_280 = arith.maximumf %max3A_255, %max3A_261 : vector<16xf32>
        %max3A_281 = arith.maximumf %max3A_280, %max3A_267 : vector<16xf32>
        %max3A_282 = arith.maximumf %max3A_281, %max3A_273 : vector<16xf32>
        %max3A_283 = arith.maximumf %max3A_282, %max3A_279 : vector<16xf32>
        %iota3A_284 = tpu.iota {dimensions = array<i32: 0>} : vector<16xi32>
        %xor3A = arith.constant 1 : i32
        %xor3A_285 = vector.broadcast %xor3A : i32 to vector<16xi32>
        %xor3A_286 = arith.xori %iota3A_284, %xor3A_285 : vector<16xi32>
        %lt3A = arith.constant 0 : i32
        %lt3A_287 = vector.broadcast %lt3A : i32 to vector<16xi32>
        %lt3A_288 = arith.cmpi slt, %xor3A_286, %lt3A_287 : vector<16xi32>
        %add3A_289 = arith.constant 16 : i32
        %add3A_290 = vector.broadcast %add3A_289 : i32 to vector<16xi32>
        %add3A_291 = arith.addi %xor3A_286, %add3A_290 : vector<16xi32>
        %select_n3A_292 = arith.select %lt3A_288, %add3A_291, %xor3A_286 : vector<16xi1>, vector<16xi32>
        %broadcast_in_dim3A_293 = vector.shape_cast %select_n3A_292 : vector<16xi32> to vector<16x1xi32>
        %gather3A = vector.shape_cast %broadcast_in_dim3A_293 : vector<16x1xi32> to vector<16xi32>
        %gather3A_294 = tpu.dynamic_gather %max3A_283[%gather3A] in [0] : vector<16xf32>, vector<16xi32> -> vector<16xf32>
        %max3A_295 = arith.maximumf %max3A_283, %gather3A_294 : vector<16xf32>
        %xor3A_296 = arith.constant 2 : i32
        %xor3A_297 = vector.broadcast %xor3A_296 : i32 to vector<16xi32>
        %xor3A_298 = arith.xori %iota3A_284, %xor3A_297 : vector<16xi32>
        %lt3A_299 = arith.constant 0 : i32
        %lt3A_300 = vector.broadcast %lt3A_299 : i32 to vector<16xi32>
        %lt3A_301 = arith.cmpi slt, %xor3A_298, %lt3A_300 : vector<16xi32>
        %add3A_302 = arith.constant 16 : i32
        %add3A_303 = vector.broadcast %add3A_302 : i32 to vector<16xi32>
        %add3A_304 = arith.addi %xor3A_298, %add3A_303 : vector<16xi32>
        %select_n3A_305 = arith.select %lt3A_301, %add3A_304, %xor3A_298 : vector<16xi1>, vector<16xi32>
        %broadcast_in_dim3A_306 = vector.shape_cast %select_n3A_305 : vector<16xi32> to vector<16x1xi32>
        %gather3A_307 = vector.shape_cast %broadcast_in_dim3A_306 : vector<16x1xi32> to vector<16xi32>
        %gather3A_308 = tpu.dynamic_gather %max3A_295[%gather3A_307] in [0] : vector<16xf32>, vector<16xi32> -> vector<16xf32>
        %max3A_309 = arith.maximumf %max3A_295, %gather3A_308 : vector<16xf32>
        %xor3A_310 = arith.constant 4 : i32
        %xor3A_311 = vector.broadcast %xor3A_310 : i32 to vector<16xi32>
        %xor3A_312 = arith.xori %iota3A_284, %xor3A_311 : vector<16xi32>
        %lt3A_313 = arith.constant 0 : i32
        %lt3A_314 = vector.broadcast %lt3A_313 : i32 to vector<16xi32>
        %lt3A_315 = arith.cmpi slt, %xor3A_312, %lt3A_314 : vector<16xi32>
        %add3A_316 = arith.constant 16 : i32
        %add3A_317 = vector.broadcast %add3A_316 : i32 to vector<16xi32>
        %add3A_318 = arith.addi %xor3A_312, %add3A_317 : vector<16xi32>
        %select_n3A_319 = arith.select %lt3A_315, %add3A_318, %xor3A_312 : vector<16xi1>, vector<16xi32>
        %broadcast_in_dim3A_320 = vector.shape_cast %select_n3A_319 : vector<16xi32> to vector<16x1xi32>
        %gather3A_321 = vector.shape_cast %broadcast_in_dim3A_320 : vector<16x1xi32> to vector<16xi32>
        %gather3A_322 = tpu.dynamic_gather %max3A_309[%gather3A_321] in [0] : vector<16xf32>, vector<16xi32> -> vector<16xf32>
        %max3A_323 = arith.maximumf %max3A_309, %gather3A_322 : vector<16xf32>
        %xor3A_324 = arith.constant 8 : i32
        %xor3A_325 = vector.broadcast %xor3A_324 : i32 to vector<16xi32>
        %xor3A_326 = arith.xori %iota3A_284, %xor3A_325 : vector<16xi32>
        %lt3A_327 = arith.constant 0 : i32
        %lt3A_328 = vector.broadcast %lt3A_327 : i32 to vector<16xi32>
        %lt3A_329 = arith.cmpi slt, %xor3A_326, %lt3A_328 : vector<16xi32>
        %add3A_330 = arith.constant 16 : i32
        %add3A_331 = vector.broadcast %add3A_330 : i32 to vector<16xi32>
        %add3A_332 = arith.addi %xor3A_326, %add3A_331 : vector<16xi32>
        %select_n3A_333 = arith.select %lt3A_329, %add3A_332, %xor3A_326 : vector<16xi1>, vector<16xi32>
        %broadcast_in_dim3A_334 = vector.shape_cast %select_n3A_333 : vector<16xi32> to vector<16x1xi32>
        %gather3A_335 = vector.shape_cast %broadcast_in_dim3A_334 : vector<16x1xi32> to vector<16xi32>
        %gather3A_336 = tpu.dynamic_gather %max3A_323[%gather3A_335] in [0] : vector<16xf32>, vector<16xi32> -> vector<16xf32>
        %max3A_337 = arith.maximumf %max3A_323, %gather3A_336 : vector<16xf32>
        %slice3A = vector.extract_strided_slice %max3A_337 {offsets = [0], sizes = [1], strides = [1]} : vector<16xf32> to vector<1xf32>
        %squeeze3A = vector.extract %slice3A[0] : f32 from vector<1xf32>
        %gt3A = arith.cmpf ogt, %squeeze3A, %scan3A_126 : f32
        %convert_element_type3A = arith.extui %gt3A : i1 to i32
        %cond3A = arith.constant 0 : i32
        %cond3A_338 = arith.cmpi ne, %convert_element_type3A, %cond3A : i32
        %cond3A_339:6 = scf.if %cond3A_338 -> (f32, f32, f32, i32, i32, i32) {
          %mul3A_340 = arith.constant 400 : i32
          %mul3A_341 = arith.muli %scan3A_123, %mul3A_340 : i32
          %add3A_342 = arith.constant 40000 : i32
          %add3A_343 = arith.addi %add3A_342, %mul3A_341 : i32
          %mul3A_344 = arith.constant 400 : i32
          %mul3A_345 = arith.muli %scan3A_123, %mul3A_344 : i32
          %scan3A_346 = arith.constant -1 : i32
          %scan3A_347 = arith.constant -1 : i32
          %scan3A_348 = arith.constant 0 : i32
          %scan3A_349 = arith.constant 25 : i32
          %scan3A_350 = arith.addi %scan3A_348, %scan3A_349 : i32
          %scan3A_351 = arith.constant 1 : i32
          %scan3A_352 = scf.for %scan3A_934 = %scan3A_348 to %scan3A_350 step %scan3A_351 iter_args(%scan3A_935 = %broadcast_in_dim3A_1) -> (vector<16xf32>)  : i32 {
            %mul3A_936 = arith.constant 16 : i32
            %mul3A_937 = arith.muli %scan3A_934, %mul3A_936 : i32
            %add3A_938 = arith.addi %mul3A_345, %mul3A_937 : i32
            %get3A_939 = arith.index_cast %add3A_938 : i32 to index
            %get3A_940 = tpu.vector_load %arg7[%get3A_939] {strides = array<i32>} : memref<20000xf32, #tpu.memory_space<vmem>>, vector<16xf32>,
            %get3A_941 = vector.shape_cast %get3A_940 : vector<16xf32> to vector<16xf32>
            %mul3A_942 = arith.constant 16 : i32
            %mul3A_943 = arith.muli %scan3A_934, %mul3A_942 : i32
            %add3A_944 = arith.addi %add3A_343, %mul3A_943 : i32
            %add3A_945 = vector.broadcast %add3A_944 : i32 to vector<16xi32>
            %add3A_946 = arith.addi %add3A_945, %iota3A : vector<16xi32>
            %ne3A = vector.broadcast %scan3A_346 : i32 to vector<16xi32>
            %ne3A_947 = arith.cmpi ne, %add3A_946, %ne3A : vector<16xi32>
            %ne3A_948 = vector.broadcast %scan3A_347 : i32 to vector<16xi32>
            %ne3A_949 = arith.cmpi ne, %add3A_946, %ne3A_948 : vector<16xi32>
            %and3A_950 = arith.andi %ne3A_947, %ne3A_949 : vector<16xi1>
            %jit3A_951 = arith.constant 0xFF800000 : f32
            %broadcast_in_dim3A_952 = vector.broadcast %jit3A_951 : f32 to vector<16xf32>
            %select_n3A_953 = arith.select %and3A_950, %get3A_941, %broadcast_in_dim3A_952 : vector<16xi1>, vector<16xf32>
            %max3A_954 = arith.maximumf %scan3A_935, %select_n3A_953 : vector<16xf32>
            scf.yield %max3A_954 : vector<16xf32>
          }
          %scan3A_353 = arith.constant 25 : i32
          %iota3A_354 = tpu.iota {dimensions = array<i32: 0>} : vector<16xi32>
          %xor3A_355 = arith.constant 1 : i32
          %xor3A_356 = vector.broadcast %xor3A_355 : i32 to vector<16xi32>
          %xor3A_357 = arith.xori %iota3A_354, %xor3A_356 : vector<16xi32>
          %lt3A_358 = arith.constant 0 : i32
          %lt3A_359 = vector.broadcast %lt3A_358 : i32 to vector<16xi32>
          %lt3A_360 = arith.cmpi slt, %xor3A_357, %lt3A_359 : vector<16xi32>
          %add3A_361 = arith.constant 16 : i32
          %add3A_362 = vector.broadcast %add3A_361 : i32 to vector<16xi32>
          %add3A_363 = arith.addi %xor3A_357, %add3A_362 : vector<16xi32>
          %select_n3A_364 = arith.select %lt3A_360, %add3A_363, %xor3A_357 : vector<16xi1>, vector<16xi32>
          %broadcast_in_dim3A_365 = vector.shape_cast %select_n3A_364 : vector<16xi32> to vector<16x1xi32>
          %gather3A_366 = vector.shape_cast %broadcast_in_dim3A_365 : vector<16x1xi32> to vector<16xi32>
          %gather3A_367 = tpu.dynamic_gather %scan3A_352[%gather3A_366] in [0] : vector<16xf32>, vector<16xi32> -> vector<16xf32>
          %max3A_368 = arith.maximumf %scan3A_352, %gather3A_367 : vector<16xf32>
          %xor3A_369 = arith.constant 2 : i32
          %xor3A_370 = vector.broadcast %xor3A_369 : i32 to vector<16xi32>
          %xor3A_371 = arith.xori %iota3A_354, %xor3A_370 : vector<16xi32>
          %lt3A_372 = arith.constant 0 : i32
          %lt3A_373 = vector.broadcast %lt3A_372 : i32 to vector<16xi32>
          %lt3A_374 = arith.cmpi slt, %xor3A_371, %lt3A_373 : vector<16xi32>
          %add3A_375 = arith.constant 16 : i32
          %add3A_376 = vector.broadcast %add3A_375 : i32 to vector<16xi32>
          %add3A_377 = arith.addi %xor3A_371, %add3A_376 : vector<16xi32>
          %select_n3A_378 = arith.select %lt3A_374, %add3A_377, %xor3A_371 : vector<16xi1>, vector<16xi32>
          %broadcast_in_dim3A_379 = vector.shape_cast %select_n3A_378 : vector<16xi32> to vector<16x1xi32>
          %gather3A_380 = vector.shape_cast %broadcast_in_dim3A_379 : vector<16x1xi32> to vector<16xi32>
          %gather3A_381 = tpu.dynamic_gather %max3A_368[%gather3A_380] in [0] : vector<16xf32>, vector<16xi32> -> vector<16xf32>
          %max3A_382 = arith.maximumf %max3A_368, %gather3A_381 : vector<16xf32>
          %xor3A_383 = arith.constant 4 : i32
          %xor3A_384 = vector.broadcast %xor3A_383 : i32 to vector<16xi32>
          %xor3A_385 = arith.xori %iota3A_354, %xor3A_384 : vector<16xi32>
          %lt3A_386 = arith.constant 0 : i32
          %lt3A_387 = vector.broadcast %lt3A_386 : i32 to vector<16xi32>
          %lt3A_388 = arith.cmpi slt, %xor3A_385, %lt3A_387 : vector<16xi32>
          %add3A_389 = arith.constant 16 : i32
          %add3A_390 = vector.broadcast %add3A_389 : i32 to vector<16xi32>
          %add3A_391 = arith.addi %xor3A_385, %add3A_390 : vector<16xi32>
          %select_n3A_392 = arith.select %lt3A_388, %add3A_391, %xor3A_385 : vector<16xi1>, vector<16xi32>
          %broadcast_in_dim3A_393 = vector.shape_cast %select_n3A_392 : vector<16xi32> to vector<16x1xi32>
          %gather3A_394 = vector.shape_cast %broadcast_in_dim3A_393 : vector<16x1xi32> to vector<16xi32>
          %gather3A_395 = tpu.dynamic_gather %max3A_382[%gather3A_394] in [0] : vector<16xf32>, vector<16xi32> -> vector<16xf32>
          %max3A_396 = arith.maximumf %max3A_382, %gather3A_395 : vector<16xf32>
          %xor3A_397 = arith.constant 8 : i32
          %xor3A_398 = vector.broadcast %xor3A_397 : i32 to vector<16xi32>
          %xor3A_399 = arith.xori %iota3A_354, %xor3A_398 : vector<16xi32>
          %lt3A_400 = arith.constant 0 : i32
          %lt3A_401 = vector.broadcast %lt3A_400 : i32 to vector<16xi32>
          %lt3A_402 = arith.cmpi slt, %xor3A_399, %lt3A_401 : vector<16xi32>
          %add3A_403 = arith.constant 16 : i32
          %add3A_404 = vector.broadcast %add3A_403 : i32 to vector<16xi32>
          %add3A_405 = arith.addi %xor3A_399, %add3A_404 : vector<16xi32>
          %select_n3A_406 = arith.select %lt3A_402, %add3A_405, %xor3A_399 : vector<16xi1>, vector<16xi32>
          %broadcast_in_dim3A_407 = vector.shape_cast %select_n3A_406 : vector<16xi32> to vector<16x1xi32>
          %gather3A_408 = vector.shape_cast %broadcast_in_dim3A_407 : vector<16x1xi32> to vector<16xi32>
          %gather3A_409 = tpu.dynamic_gather %max3A_396[%gather3A_408] in [0] : vector<16xf32>, vector<16xi32> -> vector<16xf32>
          %max3A_410 = arith.maximumf %max3A_396, %gather3A_409 : vector<16xf32>
          %slice3A_411 = vector.extract_strided_slice %max3A_410 {offsets = [0], sizes = [1], strides = [1]} : vector<16xf32> to vector<1xf32>
          %squeeze3A_412 = vector.extract %slice3A_411[0] : f32 from vector<1xf32>
          %scan3A_413 = arith.constant -1 : i32
          %scan3A_414 = arith.constant -1 : i32
          %scan3A_415 = arith.constant 0 : i32
          %scan3A_416 = arith.constant 25 : i32
          %scan3A_417 = arith.addi %scan3A_415, %scan3A_416 : i32
          %scan3A_418 = arith.constant 1 : i32
          %scan3A_419 = scf.for %scan3A_934 = %scan3A_415 to %scan3A_417 step %scan3A_418 iter_args(%scan3A_935 = %broadcast_in_dim3A_3) -> (vector<16xi32>)  : i32 {
            %mul3A_936 = arith.constant 16 : i32
            %mul3A_937 = arith.muli %scan3A_934, %mul3A_936 : i32
            %add3A_938 = arith.addi %mul3A_345, %mul3A_937 : i32
            %get3A_939 = arith.index_cast %add3A_938 : i32 to index
            %get3A_940 = tpu.vector_load %arg7[%get3A_939] {strides = array<i32>} : memref<20000xf32, #tpu.memory_space<vmem>>, vector<16xf32>,
            %get3A_941 = vector.shape_cast %get3A_940 : vector<16xf32> to vector<16xf32>
            %mul3A_942 = arith.constant 16 : i32
            %mul3A_943 = arith.muli %scan3A_934, %mul3A_942 : i32
            %add3A_944 = arith.addi %add3A_343, %mul3A_943 : i32
            %add3A_945 = vector.broadcast %add3A_944 : i32 to vector<16xi32>
            %add3A_946 = arith.addi %add3A_945, %iota3A : vector<16xi32>
            %eq3A_947 = vector.broadcast %squeeze3A_412 : f32 to vector<16xf32>
            %eq3A_948 = arith.cmpf oeq, %get3A_941, %eq3A_947 : vector<16xf32>
            %ne3A = vector.broadcast %scan3A_413 : i32 to vector<16xi32>
            %ne3A_949 = arith.cmpi ne, %add3A_946, %ne3A : vector<16xi32>
            %and3A_950 = arith.andi %eq3A_948, %ne3A_949 : vector<16xi1>
            %ne3A_951 = vector.broadcast %scan3A_414 : i32 to vector<16xi32>
            %ne3A_952 = arith.cmpi ne, %add3A_946, %ne3A_951 : vector<16xi32>
            %and3A_953 = arith.andi %and3A_950, %ne3A_952 : vector<16xi1>
            %jit3A_954 = arith.constant 2147483647 : i32
            %broadcast_in_dim3A_955 = vector.broadcast %jit3A_954 : i32 to vector<16xi32>
            %select_n3A_956 = arith.select %and3A_953, %add3A_946, %broadcast_in_dim3A_955 : vector<16xi1>, vector<16xi32>
            %min3A_957 = arith.minsi %scan3A_935, %select_n3A_956 : vector<16xi32>
            scf.yield %min3A_957 : vector<16xi32>
          }
          %scan3A_420 = arith.constant 25 : i32
          %iota3A_421 = tpu.iota {dimensions = array<i32: 0>} : vector<16xi32>
          %xor3A_422 = arith.constant 1 : i32
          %xor3A_423 = vector.broadcast %xor3A_422 : i32 to vector<16xi32>
          %xor3A_424 = arith.xori %iota3A_421, %xor3A_423 : vector<16xi32>
          %lt3A_425 = arith.constant 0 : i32
          %lt3A_426 = vector.broadcast %lt3A_425 : i32 to vector<16xi32>
          %lt3A_427 = arith.cmpi slt, %xor3A_424, %lt3A_426 : vector<16xi32>
          %add3A_428 = arith.constant 16 : i32
          %add3A_429 = vector.broadcast %add3A_428 : i32 to vector<16xi32>
          %add3A_430 = arith.addi %xor3A_424, %add3A_429 : vector<16xi32>
          %select_n3A_431 = arith.select %lt3A_427, %add3A_430, %xor3A_424 : vector<16xi1>, vector<16xi32>
          %broadcast_in_dim3A_432 = vector.shape_cast %select_n3A_431 : vector<16xi32> to vector<16x1xi32>
          %gather3A_433 = vector.shape_cast %broadcast_in_dim3A_432 : vector<16x1xi32> to vector<16xi32>
          %gather3A_434 = tpu.dynamic_gather %scan3A_419[%gather3A_433] in [0] : vector<16xi32>, vector<16xi32> -> vector<16xi32>
          %min3A = arith.minsi %scan3A_419, %gather3A_434 : vector<16xi32>
          %xor3A_435 = arith.constant 2 : i32
          %xor3A_436 = vector.broadcast %xor3A_435 : i32 to vector<16xi32>
          %xor3A_437 = arith.xori %iota3A_421, %xor3A_436 : vector<16xi32>
          %lt3A_438 = arith.constant 0 : i32
          %lt3A_439 = vector.broadcast %lt3A_438 : i32 to vector<16xi32>
          %lt3A_440 = arith.cmpi slt, %xor3A_437, %lt3A_439 : vector<16xi32>
          %add3A_441 = arith.constant 16 : i32
          %add3A_442 = vector.broadcast %add3A_441 : i32 to vector<16xi32>
          %add3A_443 = arith.addi %xor3A_437, %add3A_442 : vector<16xi32>
          %select_n3A_444 = arith.select %lt3A_440, %add3A_443, %xor3A_437 : vector<16xi1>, vector<16xi32>
          %broadcast_in_dim3A_445 = vector.shape_cast %select_n3A_444 : vector<16xi32> to vector<16x1xi32>
          %gather3A_446 = vector.shape_cast %broadcast_in_dim3A_445 : vector<16x1xi32> to vector<16xi32>
          %gather3A_447 = tpu.dynamic_gather %min3A[%gather3A_446] in [0] : vector<16xi32>, vector<16xi32> -> vector<16xi32>
          %min3A_448 = arith.minsi %min3A, %gather3A_447 : vector<16xi32>
          %xor3A_449 = arith.constant 4 : i32
          %xor3A_450 = vector.broadcast %xor3A_449 : i32 to vector<16xi32>
          %xor3A_451 = arith.xori %iota3A_421, %xor3A_450 : vector<16xi32>
          %lt3A_452 = arith.constant 0 : i32
          %lt3A_453 = vector.broadcast %lt3A_452 : i32 to vector<16xi32>
          %lt3A_454 = arith.cmpi slt, %xor3A_451, %lt3A_453 : vector<16xi32>
          %add3A_455 = arith.constant 16 : i32
          %add3A_456 = vector.broadcast %add3A_455 : i32 to vector<16xi32>
          %add3A_457 = arith.addi %xor3A_451, %add3A_456 : vector<16xi32>
          %select_n3A_458 = arith.select %lt3A_454, %add3A_457, %xor3A_451 : vector<16xi1>, vector<16xi32>
          %broadcast_in_dim3A_459 = vector.shape_cast %select_n3A_458 : vector<16xi32> to vector<16x1xi32>
          %gather3A_460 = vector.shape_cast %broadcast_in_dim3A_459 : vector<16x1xi32> to vector<16xi32>
          %gather3A_461 = tpu.dynamic_gather %min3A_448[%gather3A_460] in [0] : vector<16xi32>, vector<16xi32> -> vector<16xi32>
          %min3A_462 = arith.minsi %min3A_448, %gather3A_461 : vector<16xi32>
          %xor3A_463 = arith.constant 8 : i32
          %xor3A_464 = vector.broadcast %xor3A_463 : i32 to vector<16xi32>
          %xor3A_465 = arith.xori %iota3A_421, %xor3A_464 : vector<16xi32>
          %lt3A_466 = arith.constant 0 : i32
          %lt3A_467 = vector.broadcast %lt3A_466 : i32 to vector<16xi32>
          %lt3A_468 = arith.cmpi slt, %xor3A_465, %lt3A_467 : vector<16xi32>
          %add3A_469 = arith.constant 16 : i32
          %add3A_470 = vector.broadcast %add3A_469 : i32 to vector<16xi32>
          %add3A_471 = arith.addi %xor3A_465, %add3A_470 : vector<16xi32>
          %select_n3A_472 = arith.select %lt3A_468, %add3A_471, %xor3A_465 : vector<16xi1>, vector<16xi32>
          %broadcast_in_dim3A_473 = vector.shape_cast %select_n3A_472 : vector<16xi32> to vector<16x1xi32>
          %gather3A_474 = vector.shape_cast %broadcast_in_dim3A_473 : vector<16x1xi32> to vector<16xi32>
          %gather3A_475 = tpu.dynamic_gather %min3A_462[%gather3A_474] in [0] : vector<16xi32>, vector<16xi32> -> vector<16xi32>
          %min3A_476 = arith.minsi %min3A_462, %gather3A_475 : vector<16xi32>
          %slice3A_477 = vector.extract_strided_slice %min3A_476 {offsets = [0], sizes = [1], strides = [1]} : vector<16xi32> to vector<1xi32>
          %squeeze3A_478 = vector.extract %slice3A_477[0] : i32 from vector<1xi32>
          %scan3A_479 = arith.constant -1 : i32
          %scan3A_480 = arith.constant 0 : i32
          %scan3A_481 = arith.constant 25 : i32
          %scan3A_482 = arith.addi %scan3A_480, %scan3A_481 : i32
          %scan3A_483 = arith.constant 1 : i32
          %scan3A_484 = scf.for %scan3A_934 = %scan3A_480 to %scan3A_482 step %scan3A_483 iter_args(%scan3A_935 = %broadcast_in_dim3A_1) -> (vector<16xf32>)  : i32 {
            %mul3A_936 = arith.constant 16 : i32
            %mul3A_937 = arith.muli %scan3A_934, %mul3A_936 : i32
            %add3A_938 = arith.addi %mul3A_345, %mul3A_937 : i32
            %get3A_939 = arith.index_cast %add3A_938 : i32 to index
            %get3A_940 = tpu.vector_load %arg7[%get3A_939] {strides = array<i32>} : memref<20000xf32, #tpu.memory_space<vmem>>, vector<16xf32>,
            %get3A_941 = vector.shape_cast %get3A_940 : vector<16xf32> to vector<16xf32>
            %mul3A_942 = arith.constant 16 : i32
            %mul3A_943 = arith.muli %scan3A_934, %mul3A_942 : i32
            %add3A_944 = arith.addi %add3A_343, %mul3A_943 : i32
            %add3A_945 = vector.broadcast %add3A_944 : i32 to vector<16xi32>
            %add3A_946 = arith.addi %add3A_945, %iota3A : vector<16xi32>
            %ne3A = vector.broadcast %squeeze3A_478 : i32 to vector<16xi32>
            %ne3A_947 = arith.cmpi ne, %add3A_946, %ne3A : vector<16xi32>
            %ne3A_948 = vector.broadcast %scan3A_479 : i32 to vector<16xi32>
            %ne3A_949 = arith.cmpi ne, %add3A_946, %ne3A_948 : vector<16xi32>
            %and3A_950 = arith.andi %ne3A_947, %ne3A_949 : vector<16xi1>
            %jit3A_951 = arith.constant 0xFF800000 : f32
            %broadcast_in_dim3A_952 = vector.broadcast %jit3A_951 : f32 to vector<16xf32>
            %select_n3A_953 = arith.select %and3A_950, %get3A_941, %broadcast_in_dim3A_952 : vector<16xi1>, vector<16xf32>
            %max3A_954 = arith.maximumf %scan3A_935, %select_n3A_953 : vector<16xf32>
            scf.yield %max3A_954 : vector<16xf32>
          }
          %scan3A_485 = arith.constant 25 : i32
          %iota3A_486 = tpu.iota {dimensions = array<i32: 0>} : vector<16xi32>
          %xor3A_487 = arith.constant 1 : i32
          %xor3A_488 = vector.broadcast %xor3A_487 : i32 to vector<16xi32>
          %xor3A_489 = arith.xori %iota3A_486, %xor3A_488 : vector<16xi32>
          %lt3A_490 = arith.constant 0 : i32
          %lt3A_491 = vector.broadcast %lt3A_490 : i32 to vector<16xi32>
          %lt3A_492 = arith.cmpi slt, %xor3A_489, %lt3A_491 : vector<16xi32>
          %add3A_493 = arith.constant 16 : i32
          %add3A_494 = vector.broadcast %add3A_493 : i32 to vector<16xi32>
          %add3A_495 = arith.addi %xor3A_489, %add3A_494 : vector<16xi32>
          %select_n3A_496 = arith.select %lt3A_492, %add3A_495, %xor3A_489 : vector<16xi1>, vector<16xi32>
          %broadcast_in_dim3A_497 = vector.shape_cast %select_n3A_496 : vector<16xi32> to vector<16x1xi32>
          %gather3A_498 = vector.shape_cast %broadcast_in_dim3A_497 : vector<16x1xi32> to vector<16xi32>
          %gather3A_499 = tpu.dynamic_gather %scan3A_484[%gather3A_498] in [0] : vector<16xf32>, vector<16xi32> -> vector<16xf32>
          %max3A_500 = arith.maximumf %scan3A_484, %gather3A_499 : vector<16xf32>
          %xor3A_501 = arith.constant 2 : i32
          %xor3A_502 = vector.broadcast %xor3A_501 : i32 to vector<16xi32>
          %xor3A_503 = arith.xori %iota3A_486, %xor3A_502 : vector<16xi32>
          %lt3A_504 = arith.constant 0 : i32
          %lt3A_505 = vector.broadcast %lt3A_504 : i32 to vector<16xi32>
          %lt3A_506 = arith.cmpi slt, %xor3A_503, %lt3A_505 : vector<16xi32>
          %add3A_507 = arith.constant 16 : i32
          %add3A_508 = vector.broadcast %add3A_507 : i32 to vector<16xi32>
          %add3A_509 = arith.addi %xor3A_503, %add3A_508 : vector<16xi32>
          %select_n3A_510 = arith.select %lt3A_506, %add3A_509, %xor3A_503 : vector<16xi1>, vector<16xi32>
          %broadcast_in_dim3A_511 = vector.shape_cast %select_n3A_510 : vector<16xi32> to vector<16x1xi32>
          %gather3A_512 = vector.shape_cast %broadcast_in_dim3A_511 : vector<16x1xi32> to vector<16xi32>
          %gather3A_513 = tpu.dynamic_gather %max3A_500[%gather3A_512] in [0] : vector<16xf32>, vector<16xi32> -> vector<16xf32>
          %max3A_514 = arith.maximumf %max3A_500, %gather3A_513 : vector<16xf32>
          %xor3A_515 = arith.constant 4 : i32
          %xor3A_516 = vector.broadcast %xor3A_515 : i32 to vector<16xi32>
          %xor3A_517 = arith.xori %iota3A_486, %xor3A_516 : vector<16xi32>
          %lt3A_518 = arith.constant 0 : i32
          %lt3A_519 = vector.broadcast %lt3A_518 : i32 to vector<16xi32>
          %lt3A_520 = arith.cmpi slt, %xor3A_517, %lt3A_519 : vector<16xi32>
          %add3A_521 = arith.constant 16 : i32
          %add3A_522 = vector.broadcast %add3A_521 : i32 to vector<16xi32>
          %add3A_523 = arith.addi %xor3A_517, %add3A_522 : vector<16xi32>
          %select_n3A_524 = arith.select %lt3A_520, %add3A_523, %xor3A_517 : vector<16xi1>, vector<16xi32>
          %broadcast_in_dim3A_525 = vector.shape_cast %select_n3A_524 : vector<16xi32> to vector<16x1xi32>
          %gather3A_526 = vector.shape_cast %broadcast_in_dim3A_525 : vector<16x1xi32> to vector<16xi32>
          %gather3A_527 = tpu.dynamic_gather %max3A_514[%gather3A_526] in [0] : vector<16xf32>, vector<16xi32> -> vector<16xf32>
          %max3A_528 = arith.maximumf %max3A_514, %gather3A_527 : vector<16xf32>
          %xor3A_529 = arith.constant 8 : i32
          %xor3A_530 = vector.broadcast %xor3A_529 : i32 to vector<16xi32>
          %xor3A_531 = arith.xori %iota3A_486, %xor3A_530 : vector<16xi32>
          %lt3A_532 = arith.constant 0 : i32
          %lt3A_533 = vector.broadcast %lt3A_532 : i32 to vector<16xi32>
          %lt3A_534 = arith.cmpi slt, %xor3A_531, %lt3A_533 : vector<16xi32>
          %add3A_535 = arith.constant 16 : i32
          %add3A_536 = vector.broadcast %add3A_535 : i32 to vector<16xi32>
          %add3A_537 = arith.addi %xor3A_531, %add3A_536 : vector<16xi32>
          %select_n3A_538 = arith.select %lt3A_534, %add3A_537, %xor3A_531 : vector<16xi1>, vector<16xi32>
          %broadcast_in_dim3A_539 = vector.shape_cast %select_n3A_538 : vector<16xi32> to vector<16x1xi32>
          %gather3A_540 = vector.shape_cast %broadcast_in_dim3A_539 : vector<16x1xi32> to vector<16xi32>
          %gather3A_541 = tpu.dynamic_gather %max3A_528[%gather3A_540] in [0] : vector<16xf32>, vector<16xi32> -> vector<16xf32>
          %max3A_542 = arith.maximumf %max3A_528, %gather3A_541 : vector<16xf32>
          %slice3A_543 = vector.extract_strided_slice %max3A_542 {offsets = [0], sizes = [1], strides = [1]} : vector<16xf32> to vector<1xf32>
          %squeeze3A_544 = vector.extract %slice3A_543[0] : f32 from vector<1xf32>
          %scan3A_545 = arith.constant -1 : i32
          %scan3A_546 = arith.constant 0 : i32
          %scan3A_547 = arith.constant 25 : i32
          %scan3A_548 = arith.addi %scan3A_546, %scan3A_547 : i32
          %scan3A_549 = arith.constant 1 : i32
          %scan3A_550 = scf.for %scan3A_934 = %scan3A_546 to %scan3A_548 step %scan3A_549 iter_args(%scan3A_935 = %broadcast_in_dim3A_3) -> (vector<16xi32>)  : i32 {
            %mul3A_936 = arith.constant 16 : i32
            %mul3A_937 = arith.muli %scan3A_934, %mul3A_936 : i32
            %add3A_938 = arith.addi %mul3A_345, %mul3A_937 : i32
            %get3A_939 = arith.index_cast %add3A_938 : i32 to index
            %get3A_940 = tpu.vector_load %arg7[%get3A_939] {strides = array<i32>} : memref<20000xf32, #tpu.memory_space<vmem>>, vector<16xf32>,
            %get3A_941 = vector.shape_cast %get3A_940 : vector<16xf32> to vector<16xf32>
            %mul3A_942 = arith.constant 16 : i32
            %mul3A_943 = arith.muli %scan3A_934, %mul3A_942 : i32
            %add3A_944 = arith.addi %add3A_343, %mul3A_943 : i32
            %add3A_945 = vector.broadcast %add3A_944 : i32 to vector<16xi32>
            %add3A_946 = arith.addi %add3A_945, %iota3A : vector<16xi32>
            %eq3A_947 = vector.broadcast %squeeze3A_544 : f32 to vector<16xf32>
            %eq3A_948 = arith.cmpf oeq, %get3A_941, %eq3A_947 : vector<16xf32>
            %ne3A = vector.broadcast %squeeze3A_478 : i32 to vector<16xi32>
            %ne3A_949 = arith.cmpi ne, %add3A_946, %ne3A : vector<16xi32>
            %and3A_950 = arith.andi %eq3A_948, %ne3A_949 : vector<16xi1>
            %ne3A_951 = vector.broadcast %scan3A_545 : i32 to vector<16xi32>
            %ne3A_952 = arith.cmpi ne, %add3A_946, %ne3A_951 : vector<16xi32>
            %and3A_953 = arith.andi %and3A_950, %ne3A_952 : vector<16xi1>
            %jit3A_954 = arith.constant 2147483647 : i32
            %broadcast_in_dim3A_955 = vector.broadcast %jit3A_954 : i32 to vector<16xi32>
            %select_n3A_956 = arith.select %and3A_953, %add3A_946, %broadcast_in_dim3A_955 : vector<16xi1>, vector<16xi32>
            %min3A_957 = arith.minsi %scan3A_935, %select_n3A_956 : vector<16xi32>
            scf.yield %min3A_957 : vector<16xi32>
          }
          %scan3A_551 = arith.constant 25 : i32
          %iota3A_552 = tpu.iota {dimensions = array<i32: 0>} : vector<16xi32>
          %xor3A_553 = arith.constant 1 : i32
          %xor3A_554 = vector.broadcast %xor3A_553 : i32 to vector<16xi32>
          %xor3A_555 = arith.xori %iota3A_552, %xor3A_554 : vector<16xi32>
          %lt3A_556 = arith.constant 0 : i32
          %lt3A_557 = vector.broadcast %lt3A_556 : i32 to vector<16xi32>
          %lt3A_558 = arith.cmpi slt, %xor3A_555, %lt3A_557 : vector<16xi32>
          %add3A_559 = arith.constant 16 : i32
          %add3A_560 = vector.broadcast %add3A_559 : i32 to vector<16xi32>
          %add3A_561 = arith.addi %xor3A_555, %add3A_560 : vector<16xi32>
          %select_n3A_562 = arith.select %lt3A_558, %add3A_561, %xor3A_555 : vector<16xi1>, vector<16xi32>
          %broadcast_in_dim3A_563 = vector.shape_cast %select_n3A_562 : vector<16xi32> to vector<16x1xi32>
          %gather3A_564 = vector.shape_cast %broadcast_in_dim3A_563 : vector<16x1xi32> to vector<16xi32>
          %gather3A_565 = tpu.dynamic_gather %scan3A_550[%gather3A_564] in [0] : vector<16xi32>, vector<16xi32> -> vector<16xi32>
          %min3A_566 = arith.minsi %scan3A_550, %gather3A_565 : vector<16xi32>
          %xor3A_567 = arith.constant 2 : i32
          %xor3A_568 = vector.broadcast %xor3A_567 : i32 to vector<16xi32>
          %xor3A_569 = arith.xori %iota3A_552, %xor3A_568 : vector<16xi32>
          %lt3A_570 = arith.constant 0 : i32
          %lt3A_571 = vector.broadcast %lt3A_570 : i32 to vector<16xi32>
          %lt3A_572 = arith.cmpi slt, %xor3A_569, %lt3A_571 : vector<16xi32>
          %add3A_573 = arith.constant 16 : i32
          %add3A_574 = vector.broadcast %add3A_573 : i32 to vector<16xi32>
          %add3A_575 = arith.addi %xor3A_569, %add3A_574 : vector<16xi32>
          %select_n3A_576 = arith.select %lt3A_572, %add3A_575, %xor3A_569 : vector<16xi1>, vector<16xi32>
          %broadcast_in_dim3A_577 = vector.shape_cast %select_n3A_576 : vector<16xi32> to vector<16x1xi32>
          %gather3A_578 = vector.shape_cast %broadcast_in_dim3A_577 : vector<16x1xi32> to vector<16xi32>
          %gather3A_579 = tpu.dynamic_gather %min3A_566[%gather3A_578] in [0] : vector<16xi32>, vector<16xi32> -> vector<16xi32>
          %min3A_580 = arith.minsi %min3A_566, %gather3A_579 : vector<16xi32>
          %xor3A_581 = arith.constant 4 : i32
          %xor3A_582 = vector.broadcast %xor3A_581 : i32 to vector<16xi32>
          %xor3A_583 = arith.xori %iota3A_552, %xor3A_582 : vector<16xi32>
          %lt3A_584 = arith.constant 0 : i32
          %lt3A_585 = vector.broadcast %lt3A_584 : i32 to vector<16xi32>
          %lt3A_586 = arith.cmpi slt, %xor3A_583, %lt3A_585 : vector<16xi32>
          %add3A_587 = arith.constant 16 : i32
          %add3A_588 = vector.broadcast %add3A_587 : i32 to vector<16xi32>
          %add3A_589 = arith.addi %xor3A_583, %add3A_588 : vector<16xi32>
          %select_n3A_590 = arith.select %lt3A_586, %add3A_589, %xor3A_583 : vector<16xi1>, vector<16xi32>
          %broadcast_in_dim3A_591 = vector.shape_cast %select_n3A_590 : vector<16xi32> to vector<16x1xi32>
          %gather3A_592 = vector.shape_cast %broadcast_in_dim3A_591 : vector<16x1xi32> to vector<16xi32>
          %gather3A_593 = tpu.dynamic_gather %min3A_580[%gather3A_592] in [0] : vector<16xi32>, vector<16xi32> -> vector<16xi32>
          %min3A_594 = arith.minsi %min3A_580, %gather3A_593 : vector<16xi32>
          %xor3A_595 = arith.constant 8 : i32
          %xor3A_596 = vector.broadcast %xor3A_595 : i32 to vector<16xi32>
          %xor3A_597 = arith.xori %iota3A_552, %xor3A_596 : vector<16xi32>
          %lt3A_598 = arith.constant 0 : i32
          %lt3A_599 = vector.broadcast %lt3A_598 : i32 to vector<16xi32>
          %lt3A_600 = arith.cmpi slt, %xor3A_597, %lt3A_599 : vector<16xi32>
          %add3A_601 = arith.constant 16 : i32
          %add3A_602 = vector.broadcast %add3A_601 : i32 to vector<16xi32>
          %add3A_603 = arith.addi %xor3A_597, %add3A_602 : vector<16xi32>
          %select_n3A_604 = arith.select %lt3A_600, %add3A_603, %xor3A_597 : vector<16xi1>, vector<16xi32>
          %broadcast_in_dim3A_605 = vector.shape_cast %select_n3A_604 : vector<16xi32> to vector<16x1xi32>
          %gather3A_606 = vector.shape_cast %broadcast_in_dim3A_605 : vector<16x1xi32> to vector<16xi32>
          %gather3A_607 = tpu.dynamic_gather %min3A_594[%gather3A_606] in [0] : vector<16xi32>, vector<16xi32> -> vector<16xi32>
          %min3A_608 = arith.minsi %min3A_594, %gather3A_607 : vector<16xi32>
          %slice3A_609 = vector.extract_strided_slice %min3A_608 {offsets = [0], sizes = [1], strides = [1]} : vector<16xi32> to vector<1xi32>
          %squeeze3A_610 = vector.extract %slice3A_609[0] : i32 from vector<1xi32>
          %scan3A_611 = arith.constant 0 : i32
          %scan3A_612 = arith.constant 25 : i32
          %scan3A_613 = arith.addi %scan3A_611, %scan3A_612 : i32
          %scan3A_614 = arith.constant 1 : i32
          %scan3A_615 = scf.for %scan3A_934 = %scan3A_611 to %scan3A_613 step %scan3A_614 iter_args(%scan3A_935 = %broadcast_in_dim3A_1) -> (vector<16xf32>)  : i32 {
            %mul3A_936 = arith.constant 16 : i32
            %mul3A_937 = arith.muli %scan3A_934, %mul3A_936 : i32
            %add3A_938 = arith.addi %mul3A_345, %mul3A_937 : i32
            %get3A_939 = arith.index_cast %add3A_938 : i32 to index
            %get3A_940 = tpu.vector_load %arg7[%get3A_939] {strides = array<i32>} : memref<20000xf32, #tpu.memory_space<vmem>>, vector<16xf32>,
            %get3A_941 = vector.shape_cast %get3A_940 : vector<16xf32> to vector<16xf32>
            %mul3A_942 = arith.constant 16 : i32
            %mul3A_943 = arith.muli %scan3A_934, %mul3A_942 : i32
            %add3A_944 = arith.addi %add3A_343, %mul3A_943 : i32
            %add3A_945 = vector.broadcast %add3A_944 : i32 to vector<16xi32>
            %add3A_946 = arith.addi %add3A_945, %iota3A : vector<16xi32>
            %ne3A = vector.broadcast %squeeze3A_610 : i32 to vector<16xi32>
            %ne3A_947 = arith.cmpi ne, %add3A_946, %ne3A : vector<16xi32>
            %ne3A_948 = vector.broadcast %squeeze3A_478 : i32 to vector<16xi32>
            %ne3A_949 = arith.cmpi ne, %add3A_946, %ne3A_948 : vector<16xi32>
            %and3A_950 = arith.andi %ne3A_947, %ne3A_949 : vector<16xi1>
            %jit3A_951 = arith.constant 0xFF800000 : f32
            %broadcast_in_dim3A_952 = vector.broadcast %jit3A_951 : f32 to vector<16xf32>
            %select_n3A_953 = arith.select %and3A_950, %get3A_941, %broadcast_in_dim3A_952 : vector<16xi1>, vector<16xf32>
            %max3A_954 = arith.maximumf %scan3A_935, %select_n3A_953 : vector<16xf32>
            scf.yield %max3A_954 : vector<16xf32>
          }
          %scan3A_616 = arith.constant 25 : i32
          %iota3A_617 = tpu.iota {dimensions = array<i32: 0>} : vector<16xi32>
          %xor3A_618 = arith.constant 1 : i32
          %xor3A_619 = vector.broadcast %xor3A_618 : i32 to vector<16xi32>
          %xor3A_620 = arith.xori %iota3A_617, %xor3A_619 : vector<16xi32>
          %lt3A_621 = arith.constant 0 : i32
          %lt3A_622 = vector.broadcast %lt3A_621 : i32 to vector<16xi32>
          %lt3A_623 = arith.cmpi slt, %xor3A_620, %lt3A_622 : vector<16xi32>
          %add3A_624 = arith.constant 16 : i32
          %add3A_625 = vector.broadcast %add3A_624 : i32 to vector<16xi32>
          %add3A_626 = arith.addi %xor3A_620, %add3A_625 : vector<16xi32>
          %select_n3A_627 = arith.select %lt3A_623, %add3A_626, %xor3A_620 : vector<16xi1>, vector<16xi32>
          %broadcast_in_dim3A_628 = vector.shape_cast %select_n3A_627 : vector<16xi32> to vector<16x1xi32>
          %gather3A_629 = vector.shape_cast %broadcast_in_dim3A_628 : vector<16x1xi32> to vector<16xi32>
          %gather3A_630 = tpu.dynamic_gather %scan3A_615[%gather3A_629] in [0] : vector<16xf32>, vector<16xi32> -> vector<16xf32>
          %max3A_631 = arith.maximumf %scan3A_615, %gather3A_630 : vector<16xf32>
          %xor3A_632 = arith.constant 2 : i32
          %xor3A_633 = vector.broadcast %xor3A_632 : i32 to vector<16xi32>
          %xor3A_634 = arith.xori %iota3A_617, %xor3A_633 : vector<16xi32>
          %lt3A_635 = arith.constant 0 : i32
          %lt3A_636 = vector.broadcast %lt3A_635 : i32 to vector<16xi32>
          %lt3A_637 = arith.cmpi slt, %xor3A_634, %lt3A_636 : vector<16xi32>
          %add3A_638 = arith.constant 16 : i32
          %add3A_639 = vector.broadcast %add3A_638 : i32 to vector<16xi32>
          %add3A_640 = arith.addi %xor3A_634, %add3A_639 : vector<16xi32>
          %select_n3A_641 = arith.select %lt3A_637, %add3A_640, %xor3A_634 : vector<16xi1>, vector<16xi32>
          %broadcast_in_dim3A_642 = vector.shape_cast %select_n3A_641 : vector<16xi32> to vector<16x1xi32>
          %gather3A_643 = vector.shape_cast %broadcast_in_dim3A_642 : vector<16x1xi32> to vector<16xi32>
          %gather3A_644 = tpu.dynamic_gather %max3A_631[%gather3A_643] in [0] : vector<16xf32>, vector<16xi32> -> vector<16xf32>
          %max3A_645 = arith.maximumf %max3A_631, %gather3A_644 : vector<16xf32>
          %xor3A_646 = arith.constant 4 : i32
          %xor3A_647 = vector.broadcast %xor3A_646 : i32 to vector<16xi32>
          %xor3A_648 = arith.xori %iota3A_617, %xor3A_647 : vector<16xi32>
          %lt3A_649 = arith.constant 0 : i32
          %lt3A_650 = vector.broadcast %lt3A_649 : i32 to vector<16xi32>
          %lt3A_651 = arith.cmpi slt, %xor3A_648, %lt3A_650 : vector<16xi32>
          %add3A_652 = arith.constant 16 : i32
          %add3A_653 = vector.broadcast %add3A_652 : i32 to vector<16xi32>
          %add3A_654 = arith.addi %xor3A_648, %add3A_653 : vector<16xi32>
          %select_n3A_655 = arith.select %lt3A_651, %add3A_654, %xor3A_648 : vector<16xi1>, vector<16xi32>
          %broadcast_in_dim3A_656 = vector.shape_cast %select_n3A_655 : vector<16xi32> to vector<16x1xi32>
          %gather3A_657 = vector.shape_cast %broadcast_in_dim3A_656 : vector<16x1xi32> to vector<16xi32>
          %gather3A_658 = tpu.dynamic_gather %max3A_645[%gather3A_657] in [0] : vector<16xf32>, vector<16xi32> -> vector<16xf32>
          %max3A_659 = arith.maximumf %max3A_645, %gather3A_658 : vector<16xf32>
          %xor3A_660 = arith.constant 8 : i32
          %xor3A_661 = vector.broadcast %xor3A_660 : i32 to vector<16xi32>
          %xor3A_662 = arith.xori %iota3A_617, %xor3A_661 : vector<16xi32>
          %lt3A_663 = arith.constant 0 : i32
          %lt3A_664 = vector.broadcast %lt3A_663 : i32 to vector<16xi32>
          %lt3A_665 = arith.cmpi slt, %xor3A_662, %lt3A_664 : vector<16xi32>
          %add3A_666 = arith.constant 16 : i32
          %add3A_667 = vector.broadcast %add3A_666 : i32 to vector<16xi32>
          %add3A_668 = arith.addi %xor3A_662, %add3A_667 : vector<16xi32>
          %select_n3A_669 = arith.select %lt3A_665, %add3A_668, %xor3A_662 : vector<16xi1>, vector<16xi32>
          %broadcast_in_dim3A_670 = vector.shape_cast %select_n3A_669 : vector<16xi32> to vector<16x1xi32>
          %gather3A_671 = vector.shape_cast %broadcast_in_dim3A_670 : vector<16x1xi32> to vector<16xi32>
          %gather3A_672 = tpu.dynamic_gather %max3A_659[%gather3A_671] in [0] : vector<16xf32>, vector<16xi32> -> vector<16xf32>
          %max3A_673 = arith.maximumf %max3A_659, %gather3A_672 : vector<16xf32>
          %slice3A_674 = vector.extract_strided_slice %max3A_673 {offsets = [0], sizes = [1], strides = [1]} : vector<16xf32> to vector<1xf32>
          %squeeze3A_675 = vector.extract %slice3A_674[0] : f32 from vector<1xf32>
          %scan3A_676 = arith.constant 0 : i32
          %scan3A_677 = arith.constant 25 : i32
          %scan3A_678 = arith.addi %scan3A_676, %scan3A_677 : i32
          %scan3A_679 = arith.constant 1 : i32
          %scan3A_680 = scf.for %scan3A_934 = %scan3A_676 to %scan3A_678 step %scan3A_679 iter_args(%scan3A_935 = %broadcast_in_dim3A_3) -> (vector<16xi32>)  : i32 {
            %mul3A_936 = arith.constant 16 : i32
            %mul3A_937 = arith.muli %scan3A_934, %mul3A_936 : i32
            %add3A_938 = arith.addi %mul3A_345, %mul3A_937 : i32
            %get3A_939 = arith.index_cast %add3A_938 : i32 to index
            %get3A_940 = tpu.vector_load %arg7[%get3A_939] {strides = array<i32>} : memref<20000xf32, #tpu.memory_space<vmem>>, vector<16xf32>,
            %get3A_941 = vector.shape_cast %get3A_940 : vector<16xf32> to vector<16xf32>
            %mul3A_942 = arith.constant 16 : i32
            %mul3A_943 = arith.muli %scan3A_934, %mul3A_942 : i32
            %add3A_944 = arith.addi %add3A_343, %mul3A_943 : i32
            %add3A_945 = vector.broadcast %add3A_944 : i32 to vector<16xi32>
            %add3A_946 = arith.addi %add3A_945, %iota3A : vector<16xi32>
            %eq3A_947 = vector.broadcast %squeeze3A_675 : f32 to vector<16xf32>
            %eq3A_948 = arith.cmpf oeq, %get3A_941, %eq3A_947 : vector<16xf32>
            %ne3A = vector.broadcast %squeeze3A_610 : i32 to vector<16xi32>
            %ne3A_949 = arith.cmpi ne, %add3A_946, %ne3A : vector<16xi32>
            %and3A_950 = arith.andi %eq3A_948, %ne3A_949 : vector<16xi1>
            %ne3A_951 = vector.broadcast %squeeze3A_478 : i32 to vector<16xi32>
            %ne3A_952 = arith.cmpi ne, %add3A_946, %ne3A_951 : vector<16xi32>
            %and3A_953 = arith.andi %and3A_950, %ne3A_952 : vector<16xi1>
            %jit3A_954 = arith.constant 2147483647 : i32
            %broadcast_in_dim3A_955 = vector.broadcast %jit3A_954 : i32 to vector<16xi32>
            %select_n3A_956 = arith.select %and3A_953, %add3A_946, %broadcast_in_dim3A_955 : vector<16xi1>, vector<16xi32>
            %min3A_957 = arith.minsi %scan3A_935, %select_n3A_956 : vector<16xi32>
            scf.yield %min3A_957 : vector<16xi32>
          }
          %scan3A_681 = arith.constant 25 : i32
          %iota3A_682 = tpu.iota {dimensions = array<i32: 0>} : vector<16xi32>
          %xor3A_683 = arith.constant 1 : i32
          %xor3A_684 = vector.broadcast %xor3A_683 : i32 to vector<16xi32>
          %xor3A_685 = arith.xori %iota3A_682, %xor3A_684 : vector<16xi32>
          %lt3A_686 = arith.constant 0 : i32
          %lt3A_687 = vector.broadcast %lt3A_686 : i32 to vector<16xi32>
          %lt3A_688 = arith.cmpi slt, %xor3A_685, %lt3A_687 : vector<16xi32>
          %add3A_689 = arith.constant 16 : i32
          %add3A_690 = vector.broadcast %add3A_689 : i32 to vector<16xi32>
          %add3A_691 = arith.addi %xor3A_685, %add3A_690 : vector<16xi32>
          %select_n3A_692 = arith.select %lt3A_688, %add3A_691, %xor3A_685 : vector<16xi1>, vector<16xi32>
          %broadcast_in_dim3A_693 = vector.shape_cast %select_n3A_692 : vector<16xi32> to vector<16x1xi32>
          %gather3A_694 = vector.shape_cast %broadcast_in_dim3A_693 : vector<16x1xi32> to vector<16xi32>
          %gather3A_695 = tpu.dynamic_gather %scan3A_680[%gather3A_694] in [0] : vector<16xi32>, vector<16xi32> -> vector<16xi32>
          %min3A_696 = arith.minsi %scan3A_680, %gather3A_695 : vector<16xi32>
          %xor3A_697 = arith.constant 2 : i32
          %xor3A_698 = vector.broadcast %xor3A_697 : i32 to vector<16xi32>
          %xor3A_699 = arith.xori %iota3A_682, %xor3A_698 : vector<16xi32>
          %lt3A_700 = arith.constant 0 : i32
          %lt3A_701 = vector.broadcast %lt3A_700 : i32 to vector<16xi32>
          %lt3A_702 = arith.cmpi slt, %xor3A_699, %lt3A_701 : vector<16xi32>
          %add3A_703 = arith.constant 16 : i32
          %add3A_704 = vector.broadcast %add3A_703 : i32 to vector<16xi32>
          %add3A_705 = arith.addi %xor3A_699, %add3A_704 : vector<16xi32>
          %select_n3A_706 = arith.select %lt3A_702, %add3A_705, %xor3A_699 : vector<16xi1>, vector<16xi32>
          %broadcast_in_dim3A_707 = vector.shape_cast %select_n3A_706 : vector<16xi32> to vector<16x1xi32>
          %gather3A_708 = vector.shape_cast %broadcast_in_dim3A_707 : vector<16x1xi32> to vector<16xi32>
          %gather3A_709 = tpu.dynamic_gather %min3A_696[%gather3A_708] in [0] : vector<16xi32>, vector<16xi32> -> vector<16xi32>
          %min3A_710 = arith.minsi %min3A_696, %gather3A_709 : vector<16xi32>
          %xor3A_711 = arith.constant 4 : i32
          %xor3A_712 = vector.broadcast %xor3A_711 : i32 to vector<16xi32>
          %xor3A_713 = arith.xori %iota3A_682, %xor3A_712 : vector<16xi32>
          %lt3A_714 = arith.constant 0 : i32
          %lt3A_715 = vector.broadcast %lt3A_714 : i32 to vector<16xi32>
          %lt3A_716 = arith.cmpi slt, %xor3A_713, %lt3A_715 : vector<16xi32>
          %add3A_717 = arith.constant 16 : i32
          %add3A_718 = vector.broadcast %add3A_717 : i32 to vector<16xi32>
          %add3A_719 = arith.addi %xor3A_713, %add3A_718 : vector<16xi32>
          %select_n3A_720 = arith.select %lt3A_716, %add3A_719, %xor3A_713 : vector<16xi1>, vector<16xi32>
          %broadcast_in_dim3A_721 = vector.shape_cast %select_n3A_720 : vector<16xi32> to vector<16x1xi32>
          %gather3A_722 = vector.shape_cast %broadcast_in_dim3A_721 : vector<16x1xi32> to vector<16xi32>
          %gather3A_723 = tpu.dynamic_gather %min3A_710[%gather3A_722] in [0] : vector<16xi32>, vector<16xi32> -> vector<16xi32>
          %min3A_724 = arith.minsi %min3A_710, %gather3A_723 : vector<16xi32>
          %xor3A_725 = arith.constant 8 : i32
          %xor3A_726 = vector.broadcast %xor3A_725 : i32 to vector<16xi32>
          %xor3A_727 = arith.xori %iota3A_682, %xor3A_726 : vector<16xi32>
          %lt3A_728 = arith.constant 0 : i32
          %lt3A_729 = vector.broadcast %lt3A_728 : i32 to vector<16xi32>
          %lt3A_730 = arith.cmpi slt, %xor3A_727, %lt3A_729 : vector<16xi32>
          %add3A_731 = arith.constant 16 : i32
          %add3A_732 = vector.broadcast %add3A_731 : i32 to vector<16xi32>
          %add3A_733 = arith.addi %xor3A_727, %add3A_732 : vector<16xi32>
          %select_n3A_734 = arith.select %lt3A_730, %add3A_733, %xor3A_727 : vector<16xi1>, vector<16xi32>
          %broadcast_in_dim3A_735 = vector.shape_cast %select_n3A_734 : vector<16xi32> to vector<16x1xi32>
          %gather3A_736 = vector.shape_cast %broadcast_in_dim3A_735 : vector<16x1xi32> to vector<16xi32>
          %gather3A_737 = tpu.dynamic_gather %min3A_724[%gather3A_736] in [0] : vector<16xi32>, vector<16xi32> -> vector<16xi32>
          %min3A_738 = arith.minsi %min3A_724, %gather3A_737 : vector<16xi32>
          %slice3A_739 = vector.extract_strided_slice %min3A_738 {offsets = [0], sizes = [1], strides = [1]} : vector<16xi32> to vector<1xi32>
          %squeeze3A_740 = vector.extract %slice3A_739[0] : i32 from vector<1xi32>
          %gt3A_741 = arith.cmpf ogt, %scan3A_125, %scan3A_124 : f32
          %eq3A_742 = arith.cmpf oeq, %scan3A_125, %scan3A_124 : f32
          %lt3A_743 = arith.cmpi slt, %scan3A_128, %scan3A_127 : i32
          %and3A = arith.andi %eq3A_742, %lt3A_743 : i1
          %or3A = arith.ori %gt3A_741, %and3A : i1
          %select_n3A_744 = arith.select %or3A, %scan3A_125, %scan3A_124 : f32
          %select_n3A_745 = arith.select %or3A, %scan3A_128, %scan3A_127 : i32
          %gt3A_746 = arith.cmpf ogt, %scan3A_126, %select_n3A_744 : f32
          %eq3A_747 = arith.cmpf oeq, %scan3A_126, %select_n3A_744 : f32
          %lt3A_748 = arith.cmpi slt, %scan3A_129, %select_n3A_745 : i32
          %and3A_749 = arith.andi %eq3A_747, %lt3A_748 : i1
          %or3A_750 = arith.ori %gt3A_746, %and3A_749 : i1
          %select_n3A_751 = arith.select %or3A_750, %scan3A_126, %select_n3A_744 : f32
          %select_n3A_752 = arith.select %or3A_750, %scan3A_129, %select_n3A_745 : i32
          %gt3A_753 = arith.cmpf ogt, %squeeze3A_412, %select_n3A_751 : f32
          %eq3A_754 = arith.cmpf oeq, %squeeze3A_412, %select_n3A_751 : f32
          %lt3A_755 = arith.cmpi slt, %squeeze3A_478, %select_n3A_752 : i32
          %and3A_756 = arith.andi %eq3A_754, %lt3A_755 : i1
          %or3A_757 = arith.ori %gt3A_753, %and3A_756 : i1
          %select_n3A_758 = arith.select %or3A_757, %squeeze3A_412, %select_n3A_751 : f32
          %select_n3A_759 = arith.select %or3A_757, %squeeze3A_478, %select_n3A_752 : i32
          %gt3A_760 = arith.cmpf ogt, %squeeze3A_544, %select_n3A_758 : f32
          %eq3A_761 = arith.cmpf oeq, %squeeze3A_544, %select_n3A_758 : f32
          %lt3A_762 = arith.cmpi slt, %squeeze3A_610, %select_n3A_759 : i32
          %and3A_763 = arith.andi %eq3A_761, %lt3A_762 : i1
          %or3A_764 = arith.ori %gt3A_760, %and3A_763 : i1
          %select_n3A_765 = arith.select %or3A_764, %squeeze3A_544, %select_n3A_758 : f32
          %select_n3A_766 = arith.select %or3A_764, %squeeze3A_610, %select_n3A_759 : i32
          %gt3A_767 = arith.cmpf ogt, %squeeze3A_675, %select_n3A_765 : f32
          %eq3A_768 = arith.cmpf oeq, %squeeze3A_675, %select_n3A_765 : f32
          %lt3A_769 = arith.cmpi slt, %squeeze3A_740, %select_n3A_766 : i32
          %and3A_770 = arith.andi %eq3A_768, %lt3A_769 : i1
          %or3A_771 = arith.ori %gt3A_767, %and3A_770 : i1
          %select_n3A_772 = arith.select %or3A_771, %squeeze3A_675, %select_n3A_765 : f32
          %select_n3A_773 = arith.select %or3A_771, %squeeze3A_740, %select_n3A_766 : i32
          %eq3A_774 = arith.cmpf oeq, %scan3A_124, %select_n3A_772 : f32
          %eq3A_775 = arith.cmpi eq, %scan3A_127, %select_n3A_773 : i32
          %and3A_776 = arith.andi %eq3A_774, %eq3A_775 : i1
          %jit3A_777 = arith.constant 0xFF800000 : f32
          %select_n3A_778 = arith.select %and3A_776, %jit3A_777, %scan3A_124 : f32
          %eq3A_779 = arith.cmpf oeq, %scan3A_125, %select_n3A_772 : f32
          %eq3A_780 = arith.cmpi eq, %scan3A_128, %select_n3A_773 : i32
          %and3A_781 = arith.andi %eq3A_779, %eq3A_780 : i1
          %jit3A_782 = arith.constant 0xFF800000 : f32
          %select_n3A_783 = arith.select %and3A_781, %jit3A_782, %scan3A_125 : f32
          %eq3A_784 = arith.cmpf oeq, %scan3A_126, %select_n3A_772 : f32
          %eq3A_785 = arith.cmpi eq, %scan3A_129, %select_n3A_773 : i32
          %and3A_786 = arith.andi %eq3A_784, %eq3A_785 : i1
          %jit3A_787 = arith.constant 0xFF800000 : f32
          %select_n3A_788 = arith.select %and3A_786, %jit3A_787, %scan3A_126 : f32
          %eq3A_789 = arith.cmpf oeq, %squeeze3A_412, %select_n3A_772 : f32
          %eq3A_790 = arith.cmpi eq, %squeeze3A_478, %select_n3A_773 : i32
          %and3A_791 = arith.andi %eq3A_789, %eq3A_790 : i1
          %jit3A_792 = arith.constant 0xFF800000 : f32
          %select_n3A_793 = arith.select %and3A_791, %jit3A_792, %squeeze3A_412 : f32
          %eq3A_794 = arith.cmpf oeq, %squeeze3A_544, %select_n3A_772 : f32
          %eq3A_795 = arith.cmpi eq, %squeeze3A_610, %select_n3A_773 : i32
          %and3A_796 = arith.andi %eq3A_794, %eq3A_795 : i1
          %jit3A_797 = arith.constant 0xFF800000 : f32
          %select_n3A_798 = arith.select %and3A_796, %jit3A_797, %squeeze3A_544 : f32
          %eq3A_799 = arith.cmpf oeq, %squeeze3A_675, %select_n3A_772 : f32
          %eq3A_800 = arith.cmpi eq, %squeeze3A_740, %select_n3A_773 : i32
          %and3A_801 = arith.andi %eq3A_799, %eq3A_800 : i1
          %jit3A_802 = arith.constant 0xFF800000 : f32
          %select_n3A_803 = arith.select %and3A_801, %jit3A_802, %squeeze3A_675 : f32
          %gt3A_804 = arith.cmpf ogt, %select_n3A_783, %select_n3A_778 : f32
          %eq3A_805 = arith.cmpf oeq, %select_n3A_783, %select_n3A_778 : f32
          %lt3A_806 = arith.cmpi slt, %scan3A_128, %scan3A_127 : i32
          %and3A_807 = arith.andi %eq3A_805, %lt3A_806 : i1
          %or3A_808 = arith.ori %gt3A_804, %and3A_807 : i1
          %select_n3A_809 = arith.select %or3A_808, %select_n3A_783, %select_n3A_778 : f32
          %select_n3A_810 = arith.select %or3A_808, %scan3A_128, %scan3A_127 : i32
          %gt3A_811 = arith.cmpf ogt, %select_n3A_788, %select_n3A_809 : f32
          %eq3A_812 = arith.cmpf oeq, %select_n3A_788, %select_n3A_809 : f32
          %lt3A_813 = arith.cmpi slt, %scan3A_129, %select_n3A_810 : i32
          %and3A_814 = arith.andi %eq3A_812, %lt3A_813 : i1
          %or3A_815 = arith.ori %gt3A_811, %and3A_814 : i1
          %select_n3A_816 = arith.select %or3A_815, %select_n3A_788, %select_n3A_809 : f32
          %select_n3A_817 = arith.select %or3A_815, %scan3A_129, %select_n3A_810 : i32
          %gt3A_818 = arith.cmpf ogt, %select_n3A_793, %select_n3A_816 : f32
          %eq3A_819 = arith.cmpf oeq, %select_n3A_793, %select_n3A_816 : f32
          %lt3A_820 = arith.cmpi slt, %squeeze3A_478, %select_n3A_817 : i32
          %and3A_821 = arith.andi %eq3A_819, %lt3A_820 : i1
          %or3A_822 = arith.ori %gt3A_818, %and3A_821 : i1
          %select_n3A_823 = arith.select %or3A_822, %select_n3A_793, %select_n3A_816 : f32
          %select_n3A_824 = arith.select %or3A_822, %squeeze3A_478, %select_n3A_817 : i32
          %gt3A_825 = arith.cmpf ogt, %select_n3A_798, %select_n3A_823 : f32
          %eq3A_826 = arith.cmpf oeq, %select_n3A_798, %select_n3A_823 : f32
          %lt3A_827 = arith.cmpi slt, %squeeze3A_610, %select_n3A_824 : i32
          %and3A_828 = arith.andi %eq3A_826, %lt3A_827 : i1
          %or3A_829 = arith.ori %gt3A_825, %and3A_828 : i1
          %select_n3A_830 = arith.select %or3A_829, %select_n3A_798, %select_n3A_823 : f32
          %select_n3A_831 = arith.select %or3A_829, %squeeze3A_610, %select_n3A_824 : i32
          %gt3A_832 = arith.cmpf ogt, %select_n3A_803, %select_n3A_830 : f32
          %eq3A_833 = arith.cmpf oeq, %select_n3A_803, %select_n3A_830 : f32
          %lt3A_834 = arith.cmpi slt, %squeeze3A_740, %select_n3A_831 : i32
          %and3A_835 = arith.andi %eq3A_833, %lt3A_834 : i1
          %or3A_836 = arith.ori %gt3A_832, %and3A_835 : i1
          %select_n3A_837 = arith.select %or3A_836, %select_n3A_803, %select_n3A_830 : f32
          %select_n3A_838 = arith.select %or3A_836, %squeeze3A_740, %select_n3A_831 : i32
          %eq3A_839 = arith.cmpf oeq, %select_n3A_778, %select_n3A_837 : f32
          %eq3A_840 = arith.cmpi eq, %scan3A_127, %select_n3A_838 : i32
          %and3A_841 = arith.andi %eq3A_839, %eq3A_840 : i1
          %jit3A_842 = arith.constant 0xFF800000 : f32
          %select_n3A_843 = arith.select %and3A_841, %jit3A_842, %select_n3A_778 : f32
          %eq3A_844 = arith.cmpf oeq, %select_n3A_783, %select_n3A_837 : f32
          %eq3A_845 = arith.cmpi eq, %scan3A_128, %select_n3A_838 : i32
          %and3A_846 = arith.andi %eq3A_844, %eq3A_845 : i1
          %jit3A_847 = arith.constant 0xFF800000 : f32
          %select_n3A_848 = arith.select %and3A_846, %jit3A_847, %select_n3A_783 : f32
          %eq3A_849 = arith.cmpf oeq, %select_n3A_788, %select_n3A_837 : f32
          %eq3A_850 = arith.cmpi eq, %scan3A_129, %select_n3A_838 : i32
          %and3A_851 = arith.andi %eq3A_849, %eq3A_850 : i1
          %jit3A_852 = arith.constant 0xFF800000 : f32
          %select_n3A_853 = arith.select %and3A_851, %jit3A_852, %select_n3A_788 : f32
          %eq3A_854 = arith.cmpf oeq, %select_n3A_793, %select_n3A_837 : f32
          %eq3A_855 = arith.cmpi eq, %squeeze3A_478, %select_n3A_838 : i32
          %and3A_856 = arith.andi %eq3A_854, %eq3A_855 : i1
          %jit3A_857 = arith.constant 0xFF800000 : f32
          %select_n3A_858 = arith.select %and3A_856, %jit3A_857, %select_n3A_793 : f32
          %eq3A_859 = arith.cmpf oeq, %select_n3A_798, %select_n3A_837 : f32
          %eq3A_860 = arith.cmpi eq, %squeeze3A_610, %select_n3A_838 : i32
          %and3A_861 = arith.andi %eq3A_859, %eq3A_860 : i1
          %jit3A_862 = arith.constant 0xFF800000 : f32
          %select_n3A_863 = arith.select %and3A_861, %jit3A_862, %select_n3A_798 : f32
          %eq3A_864 = arith.cmpf oeq, %select_n3A_803, %select_n3A_837 : f32
          %eq3A_865 = arith.cmpi eq, %squeeze3A_740, %select_n3A_838 : i32
          %and3A_866 = arith.andi %eq3A_864, %eq3A_865 : i1
          %jit3A_867 = arith.constant 0xFF800000 : f32
          %select_n3A_868 = arith.select %and3A_866, %jit3A_867, %select_n3A_803 : f32
          %gt3A_869 = arith.cmpf ogt, %select_n3A_848, %select_n3A_843 : f32
          %eq3A_870 = arith.cmpf oeq, %select_n3A_848, %select_n3A_843 : f32
          %lt3A_871 = arith.cmpi slt, %scan3A_128, %scan3A_127 : i32
          %and3A_872 = arith.andi %eq3A_870, %lt3A_871 : i1
          %or3A_873 = arith.ori %gt3A_869, %and3A_872 : i1
          %select_n3A_874 = arith.select %or3A_873, %select_n3A_848, %select_n3A_843 : f32
          %select_n3A_875 = arith.select %or3A_873, %scan3A_128, %scan3A_127 : i32
          %gt3A_876 = arith.cmpf ogt, %select_n3A_853, %select_n3A_874 : f32
          %eq3A_877 = arith.cmpf oeq, %select_n3A_853, %select_n3A_874 : f32
          %lt3A_878 = arith.cmpi slt, %scan3A_129, %select_n3A_875 : i32
          %and3A_879 = arith.andi %eq3A_877, %lt3A_878 : i1
          %or3A_880 = arith.ori %gt3A_876, %and3A_879 : i1
          %select_n3A_881 = arith.select %or3A_880, %select_n3A_853, %select_n3A_874 : f32
          %select_n3A_882 = arith.select %or3A_880, %scan3A_129, %select_n3A_875 : i32
          %gt3A_883 = arith.cmpf ogt, %select_n3A_858, %select_n3A_881 : f32
          %eq3A_884 = arith.cmpf oeq, %select_n3A_858, %select_n3A_881 : f32
          %lt3A_885 = arith.cmpi slt, %squeeze3A_478, %select_n3A_882 : i32
          %and3A_886 = arith.andi %eq3A_884, %lt3A_885 : i1
          %or3A_887 = arith.ori %gt3A_883, %and3A_886 : i1
          %select_n3A_888 = arith.select %or3A_887, %select_n3A_858, %select_n3A_881 : f32
          %select_n3A_889 = arith.select %or3A_887, %squeeze3A_478, %select_n3A_882 : i32
          %gt3A_890 = arith.cmpf ogt, %select_n3A_863, %select_n3A_888 : f32
          %eq3A_891 = arith.cmpf oeq, %select_n3A_863, %select_n3A_888 : f32
          %lt3A_892 = arith.cmpi slt, %squeeze3A_610, %select_n3A_889 : i32
          %and3A_893 = arith.andi %eq3A_891, %lt3A_892 : i1
          %or3A_894 = arith.ori %gt3A_890, %and3A_893 : i1
          %select_n3A_895 = arith.select %or3A_894, %select_n3A_863, %select_n3A_888 : f32
          %select_n3A_896 = arith.select %or3A_894, %squeeze3A_610, %select_n3A_889 : i32
          %gt3A_897 = arith.cmpf ogt, %select_n3A_868, %select_n3A_895 : f32
          %eq3A_898 = arith.cmpf oeq, %select_n3A_868, %select_n3A_895 : f32
          %lt3A_899 = arith.cmpi slt, %squeeze3A_740, %select_n3A_896 : i32
          %and3A_900 = arith.andi %eq3A_898, %lt3A_899 : i1
          %or3A_901 = arith.ori %gt3A_897, %and3A_900 : i1
          %select_n3A_902 = arith.select %or3A_901, %select_n3A_868, %select_n3A_895 : f32
          %select_n3A_903 = arith.select %or3A_901, %squeeze3A_740, %select_n3A_896 : i32
          %eq3A_904 = arith.cmpf oeq, %select_n3A_843, %select_n3A_902 : f32
          %eq3A_905 = arith.cmpi eq, %scan3A_127, %select_n3A_903 : i32
          %and3A_906 = arith.andi %eq3A_904, %eq3A_905 : i1
          %jit3A_907 = arith.constant 0xFF800000 : f32
          %select_n3A_908 = arith.select %and3A_906, %jit3A_907, %select_n3A_843 : f32
          %eq3A_909 = arith.cmpf oeq, %select_n3A_848, %select_n3A_902 : f32
          %eq3A_910 = arith.cmpi eq, %scan3A_128, %select_n3A_903 : i32
          %and3A_911 = arith.andi %eq3A_909, %eq3A_910 : i1
          %jit3A_912 = arith.constant 0xFF800000 : f32
          %select_n3A_913 = arith.select %and3A_911, %jit3A_912, %select_n3A_848 : f32
          %eq3A_914 = arith.cmpf oeq, %select_n3A_853, %select_n3A_902 : f32
          %eq3A_915 = arith.cmpi eq, %scan3A_129, %select_n3A_903 : i32
          %and3A_916 = arith.andi %eq3A_914, %eq3A_915 : i1
          %jit3A_917 = arith.constant 0xFF800000 : f32
          %select_n3A_918 = arith.select %and3A_916, %jit3A_917, %select_n3A_853 : f32
          %eq3A_919 = arith.cmpf oeq, %select_n3A_858, %select_n3A_902 : f32
          %eq3A_920 = arith.cmpi eq, %squeeze3A_478, %select_n3A_903 : i32
          %and3A_921 = arith.andi %eq3A_919, %eq3A_920 : i1
          %jit3A_922 = arith.constant 0xFF800000 : f32
          %select_n3A_923 = arith.select %and3A_921, %jit3A_922, %select_n3A_858 : f32
          %eq3A_924 = arith.cmpf oeq, %select_n3A_863, %select_n3A_902 : f32
          %eq3A_925 = arith.cmpi eq, %squeeze3A_610, %select_n3A_903 : i32
          %and3A_926 = arith.andi %eq3A_924, %eq3A_925 : i1
          %jit3A_927 = arith.constant 0xFF800000 : f32
          %select_n3A_928 = arith.select %and3A_926, %jit3A_927, %select_n3A_863 : f32
          %eq3A_929 = arith.cmpf oeq, %select_n3A_868, %select_n3A_902 : f32
          %eq3A_930 = arith.cmpi eq, %squeeze3A_740, %select_n3A_903 : i32
          %and3A_931 = arith.andi %eq3A_929, %eq3A_930 : i1
          %jit3A_932 = arith.constant 0xFF800000 : f32
          %select_n3A_933 = arith.select %and3A_931, %jit3A_932, %select_n3A_868 : f32
          scf.yield %select_n3A_772, %select_n3A_837, %select_n3A_902, %select_n3A_773, %select_n3A_838, %select_n3A_903 : f32, f32, f32, i32, i32, i32
        } else {
          scf.yield %scan3A_124, %scan3A_125, %scan3A_126, %scan3A_127, %scan3A_128, %scan3A_129 : f32, f32, f32, i32, i32, i32
        }
        scf.yield %cond3A_339#0, %cond3A_339#1, %cond3A_339#2, %cond3A_339#3, %cond3A_339#4, %cond3A_339#5 : f32, f32, f32, i32, i32, i32
      }
      %scan3A_66 = arith.constant 50 : i32
      %dma_wait3A_67 = tpu.memref_slice %arg2[%add3A_31] : memref<25600000xf32, #tpu.memory_space<hbm>> -> memref<20000xf32, #tpu.memory_space<hbm>>
      %dma_wait3A_68 = tpu.memref_slice %arg2[%add3A_31] : memref<25600000xf32, #tpu.memory_space<hbm>> -> memref<20000xf32, #tpu.memory_space<hbm>>
      tpu.wait_dma2 semaphore(%arg14 : memref<!tpu.dma_semaphore, #tpu.memory_space<semaphore_mem>>) src(%dma_wait3A_68 : memref<20000xf32, #tpu.memory_space<hbm>>) dst(%arg8 : memref<20000xf32, #tpu.memory_space<vmem>>)
      %scan3A_69 = arith.constant 0 : i32
      %scan3A_70 = arith.constant 50 : i32
      %scan3A_71 = arith.addi %scan3A_69, %scan3A_70 : i32
      %scan3A_72 = arith.constant 1 : i32
      %scan3A_73:6 = scf.for %scan3A_123 = %scan3A_69 to %scan3A_71 step %scan3A_72 iter_args(%scan3A_124 = %scan3A_65#0, %scan3A_125 = %scan3A_65#1, %scan3A_126 = %scan3A_65#2, %scan3A_127 = %scan3A_65#3, %scan3A_128 = %scan3A_65#4, %scan3A_129 = %scan3A_65#5) -> (f32, f32, f32, i32, i32, i32)  : i32 {
        %mul3A_130 = arith.constant 400 : i32
        %mul3A_131 = arith.muli %scan3A_123, %mul3A_130 : i32
        %add3A_132 = arith.constant 0 : i32
        %add3A_133 = arith.addi %mul3A_131, %add3A_132 : i32
        %get3A = arith.index_cast %add3A_133 : i32 to index
        %get3A_134 = tpu.vector_load %arg8[%get3A] {strides = array<i32>} : memref<20000xf32, #tpu.memory_space<vmem>>, vector<16xf32>,
        %get3A_135 = vector.shape_cast %get3A_134 : vector<16xf32> to vector<16xf32>
        %max3A = arith.maximumf %broadcast_in_dim3A_1, %get3A_135 : vector<16xf32>
        %add3A_136 = arith.constant 16 : i32
        %add3A_137 = arith.addi %mul3A_131, %add3A_136 : i32
        %get3A_138 = arith.index_cast %add3A_137 : i32 to index
        %get3A_139 = tpu.vector_load %arg8[%get3A_138] {strides = array<i32>} : memref<20000xf32, #tpu.memory_space<vmem>>, vector<16xf32>,
        %get3A_140 = vector.shape_cast %get3A_139 : vector<16xf32> to vector<16xf32>
        %max3A_141 = arith.maximumf %broadcast_in_dim3A_1, %get3A_140 : vector<16xf32>
        %add3A_142 = arith.constant 32 : i32
        %add3A_143 = arith.addi %mul3A_131, %add3A_142 : i32
        %get3A_144 = arith.index_cast %add3A_143 : i32 to index
        %get3A_145 = tpu.vector_load %arg8[%get3A_144] {strides = array<i32>} : memref<20000xf32, #tpu.memory_space<vmem>>, vector<16xf32>,
        %get3A_146 = vector.shape_cast %get3A_145 : vector<16xf32> to vector<16xf32>
        %max3A_147 = arith.maximumf %broadcast_in_dim3A_1, %get3A_146 : vector<16xf32>
        %add3A_148 = arith.constant 48 : i32
        %add3A_149 = arith.addi %mul3A_131, %add3A_148 : i32
        %get3A_150 = arith.index_cast %add3A_149 : i32 to index
        %get3A_151 = tpu.vector_load %arg8[%get3A_150] {strides = array<i32>} : memref<20000xf32, #tpu.memory_space<vmem>>, vector<16xf32>,
        %get3A_152 = vector.shape_cast %get3A_151 : vector<16xf32> to vector<16xf32>
        %max3A_153 = arith.maximumf %broadcast_in_dim3A_1, %get3A_152 : vector<16xf32>
        %add3A_154 = arith.constant 64 : i32
        %add3A_155 = arith.addi %mul3A_131, %add3A_154 : i32
        %get3A_156 = arith.index_cast %add3A_155 : i32 to index
        %get3A_157 = tpu.vector_load %arg8[%get3A_156] {strides = array<i32>} : memref<20000xf32, #tpu.memory_space<vmem>>, vector<16xf32>,
        %get3A_158 = vector.shape_cast %get3A_157 : vector<16xf32> to vector<16xf32>
        %max3A_159 = arith.maximumf %broadcast_in_dim3A_1, %get3A_158 : vector<16xf32>
        %add3A_160 = arith.constant 80 : i32
        %add3A_161 = arith.addi %mul3A_131, %add3A_160 : i32
        %get3A_162 = arith.index_cast %add3A_161 : i32 to index
        %get3A_163 = tpu.vector_load %arg8[%get3A_162] {strides = array<i32>} : memref<20000xf32, #tpu.memory_space<vmem>>, vector<16xf32>,
        %get3A_164 = vector.shape_cast %get3A_163 : vector<16xf32> to vector<16xf32>
        %max3A_165 = arith.maximumf %max3A, %get3A_164 : vector<16xf32>
        %add3A_166 = arith.constant 96 : i32
        %add3A_167 = arith.addi %mul3A_131, %add3A_166 : i32
        %get3A_168 = arith.index_cast %add3A_167 : i32 to index
        %get3A_169 = tpu.vector_load %arg8[%get3A_168] {strides = array<i32>} : memref<20000xf32, #tpu.memory_space<vmem>>, vector<16xf32>,
        %get3A_170 = vector.shape_cast %get3A_169 : vector<16xf32> to vector<16xf32>
        %max3A_171 = arith.maximumf %max3A_141, %get3A_170 : vector<16xf32>
        %add3A_172 = arith.constant 112 : i32
        %add3A_173 = arith.addi %mul3A_131, %add3A_172 : i32
        %get3A_174 = arith.index_cast %add3A_173 : i32 to index
        %get3A_175 = tpu.vector_load %arg8[%get3A_174] {strides = array<i32>} : memref<20000xf32, #tpu.memory_space<vmem>>, vector<16xf32>,
        %get3A_176 = vector.shape_cast %get3A_175 : vector<16xf32> to vector<16xf32>
        %max3A_177 = arith.maximumf %max3A_147, %get3A_176 : vector<16xf32>
        %add3A_178 = arith.constant 128 : i32
        %add3A_179 = arith.addi %mul3A_131, %add3A_178 : i32
        %get3A_180 = arith.index_cast %add3A_179 : i32 to index
        %get3A_181 = tpu.vector_load %arg8[%get3A_180] {strides = array<i32>} : memref<20000xf32, #tpu.memory_space<vmem>>, vector<16xf32>,
        %get3A_182 = vector.shape_cast %get3A_181 : vector<16xf32> to vector<16xf32>
        %max3A_183 = arith.maximumf %max3A_153, %get3A_182 : vector<16xf32>
        %add3A_184 = arith.constant 144 : i32
        %add3A_185 = arith.addi %mul3A_131, %add3A_184 : i32
        %get3A_186 = arith.index_cast %add3A_185 : i32 to index
        %get3A_187 = tpu.vector_load %arg8[%get3A_186] {strides = array<i32>} : memref<20000xf32, #tpu.memory_space<vmem>>, vector<16xf32>,
        %get3A_188 = vector.shape_cast %get3A_187 : vector<16xf32> to vector<16xf32>
        %max3A_189 = arith.maximumf %max3A_159, %get3A_188 : vector<16xf32>
        %add3A_190 = arith.constant 160 : i32
        %add3A_191 = arith.addi %mul3A_131, %add3A_190 : i32
        %get3A_192 = arith.index_cast %add3A_191 : i32 to index
        %get3A_193 = tpu.vector_load %arg8[%get3A_192] {strides = array<i32>} : memref<20000xf32, #tpu.memory_space<vmem>>, vector<16xf32>,
        %get3A_194 = vector.shape_cast %get3A_193 : vector<16xf32> to vector<16xf32>
        %max3A_195 = arith.maximumf %max3A_165, %get3A_194 : vector<16xf32>
        %add3A_196 = arith.constant 176 : i32
        %add3A_197 = arith.addi %mul3A_131, %add3A_196 : i32
        %get3A_198 = arith.index_cast %add3A_197 : i32 to index
        %get3A_199 = tpu.vector_load %arg8[%get3A_198] {strides = array<i32>} : memref<20000xf32, #tpu.memory_space<vmem>>, vector<16xf32>,
        %get3A_200 = vector.shape_cast %get3A_199 : vector<16xf32> to vector<16xf32>
        %max3A_201 = arith.maximumf %max3A_171, %get3A_200 : vector<16xf32>
        %add3A_202 = arith.constant 192 : i32
        %add3A_203 = arith.addi %mul3A_131, %add3A_202 : i32
        %get3A_204 = arith.index_cast %add3A_203 : i32 to index
        %get3A_205 = tpu.vector_load %arg8[%get3A_204] {strides = array<i32>} : memref<20000xf32, #tpu.memory_space<vmem>>, vector<16xf32>,
        %get3A_206 = vector.shape_cast %get3A_205 : vector<16xf32> to vector<16xf32>
        %max3A_207 = arith.maximumf %max3A_177, %get3A_206 : vector<16xf32>
        %add3A_208 = arith.constant 208 : i32
        %add3A_209 = arith.addi %mul3A_131, %add3A_208 : i32
        %get3A_210 = arith.index_cast %add3A_209 : i32 to index
        %get3A_211 = tpu.vector_load %arg8[%get3A_210] {strides = array<i32>} : memref<20000xf32, #tpu.memory_space<vmem>>, vector<16xf32>,
        %get3A_212 = vector.shape_cast %get3A_211 : vector<16xf32> to vector<16xf32>
        %max3A_213 = arith.maximumf %max3A_183, %get3A_212 : vector<16xf32>
        %add3A_214 = arith.constant 224 : i32
        %add3A_215 = arith.addi %mul3A_131, %add3A_214 : i32
        %get3A_216 = arith.index_cast %add3A_215 : i32 to index
        %get3A_217 = tpu.vector_load %arg8[%get3A_216] {strides = array<i32>} : memref<20000xf32, #tpu.memory_space<vmem>>, vector<16xf32>,
        %get3A_218 = vector.shape_cast %get3A_217 : vector<16xf32> to vector<16xf32>
        %max3A_219 = arith.maximumf %max3A_189, %get3A_218 : vector<16xf32>
        %add3A_220 = arith.constant 240 : i32
        %add3A_221 = arith.addi %mul3A_131, %add3A_220 : i32
        %get3A_222 = arith.index_cast %add3A_221 : i32 to index
        %get3A_223 = tpu.vector_load %arg8[%get3A_222] {strides = array<i32>} : memref<20000xf32, #tpu.memory_space<vmem>>, vector<16xf32>,
        %get3A_224 = vector.shape_cast %get3A_223 : vector<16xf32> to vector<16xf32>
        %max3A_225 = arith.maximumf %max3A_195, %get3A_224 : vector<16xf32>
        %add3A_226 = arith.constant 256 : i32
        %add3A_227 = arith.addi %mul3A_131, %add3A_226 : i32
        %get3A_228 = arith.index_cast %add3A_227 : i32 to index
        %get3A_229 = tpu.vector_load %arg8[%get3A_228] {strides = array<i32>} : memref<20000xf32, #tpu.memory_space<vmem>>, vector<16xf32>,
        %get3A_230 = vector.shape_cast %get3A_229 : vector<16xf32> to vector<16xf32>
        %max3A_231 = arith.maximumf %max3A_201, %get3A_230 : vector<16xf32>
        %add3A_232 = arith.constant 272 : i32
        %add3A_233 = arith.addi %mul3A_131, %add3A_232 : i32
        %get3A_234 = arith.index_cast %add3A_233 : i32 to index
        %get3A_235 = tpu.vector_load %arg8[%get3A_234] {strides = array<i32>} : memref<20000xf32, #tpu.memory_space<vmem>>, vector<16xf32>,
        %get3A_236 = vector.shape_cast %get3A_235 : vector<16xf32> to vector<16xf32>
        %max3A_237 = arith.maximumf %max3A_207, %get3A_236 : vector<16xf32>
        %add3A_238 = arith.constant 288 : i32
        %add3A_239 = arith.addi %mul3A_131, %add3A_238 : i32
        %get3A_240 = arith.index_cast %add3A_239 : i32 to index
        %get3A_241 = tpu.vector_load %arg8[%get3A_240] {strides = array<i32>} : memref<20000xf32, #tpu.memory_space<vmem>>, vector<16xf32>,
        %get3A_242 = vector.shape_cast %get3A_241 : vector<16xf32> to vector<16xf32>
        %max3A_243 = arith.maximumf %max3A_213, %get3A_242 : vector<16xf32>
        %add3A_244 = arith.constant 304 : i32
        %add3A_245 = arith.addi %mul3A_131, %add3A_244 : i32
        %get3A_246 = arith.index_cast %add3A_245 : i32 to index
        %get3A_247 = tpu.vector_load %arg8[%get3A_246] {strides = array<i32>} : memref<20000xf32, #tpu.memory_space<vmem>>, vector<16xf32>,
        %get3A_248 = vector.shape_cast %get3A_247 : vector<16xf32> to vector<16xf32>
        %max3A_249 = arith.maximumf %max3A_219, %get3A_248 : vector<16xf32>
        %add3A_250 = arith.constant 320 : i32
        %add3A_251 = arith.addi %mul3A_131, %add3A_250 : i32
        %get3A_252 = arith.index_cast %add3A_251 : i32 to index
        %get3A_253 = tpu.vector_load %arg8[%get3A_252] {strides = array<i32>} : memref<20000xf32, #tpu.memory_space<vmem>>, vector<16xf32>,
        %get3A_254 = vector.shape_cast %get3A_253 : vector<16xf32> to vector<16xf32>
        %max3A_255 = arith.maximumf %max3A_225, %get3A_254 : vector<16xf32>
        %add3A_256 = arith.constant 336 : i32
        %add3A_257 = arith.addi %mul3A_131, %add3A_256 : i32
        %get3A_258 = arith.index_cast %add3A_257 : i32 to index
        %get3A_259 = tpu.vector_load %arg8[%get3A_258] {strides = array<i32>} : memref<20000xf32, #tpu.memory_space<vmem>>, vector<16xf32>,
        %get3A_260 = vector.shape_cast %get3A_259 : vector<16xf32> to vector<16xf32>
        %max3A_261 = arith.maximumf %max3A_231, %get3A_260 : vector<16xf32>
        %add3A_262 = arith.constant 352 : i32
        %add3A_263 = arith.addi %mul3A_131, %add3A_262 : i32
        %get3A_264 = arith.index_cast %add3A_263 : i32 to index
        %get3A_265 = tpu.vector_load %arg8[%get3A_264] {strides = array<i32>} : memref<20000xf32, #tpu.memory_space<vmem>>, vector<16xf32>,
        %get3A_266 = vector.shape_cast %get3A_265 : vector<16xf32> to vector<16xf32>
        %max3A_267 = arith.maximumf %max3A_237, %get3A_266 : vector<16xf32>
        %add3A_268 = arith.constant 368 : i32
        %add3A_269 = arith.addi %mul3A_131, %add3A_268 : i32
        %get3A_270 = arith.index_cast %add3A_269 : i32 to index
        %get3A_271 = tpu.vector_load %arg8[%get3A_270] {strides = array<i32>} : memref<20000xf32, #tpu.memory_space<vmem>>, vector<16xf32>,
        %get3A_272 = vector.shape_cast %get3A_271 : vector<16xf32> to vector<16xf32>
        %max3A_273 = arith.maximumf %max3A_243, %get3A_272 : vector<16xf32>
        %add3A_274 = arith.constant 384 : i32
        %add3A_275 = arith.addi %mul3A_131, %add3A_274 : i32
        %get3A_276 = arith.index_cast %add3A_275 : i32 to index
        %get3A_277 = tpu.vector_load %arg8[%get3A_276] {strides = array<i32>} : memref<20000xf32, #tpu.memory_space<vmem>>, vector<16xf32>,
        %get3A_278 = vector.shape_cast %get3A_277 : vector<16xf32> to vector<16xf32>
        %max3A_279 = arith.maximumf %max3A_249, %get3A_278 : vector<16xf32>
        %max3A_280 = arith.maximumf %max3A_255, %max3A_261 : vector<16xf32>
        %max3A_281 = arith.maximumf %max3A_280, %max3A_267 : vector<16xf32>
        %max3A_282 = arith.maximumf %max3A_281, %max3A_273 : vector<16xf32>
        %max3A_283 = arith.maximumf %max3A_282, %max3A_279 : vector<16xf32>
        %iota3A_284 = tpu.iota {dimensions = array<i32: 0>} : vector<16xi32>
        %xor3A = arith.constant 1 : i32
        %xor3A_285 = vector.broadcast %xor3A : i32 to vector<16xi32>
        %xor3A_286 = arith.xori %iota3A_284, %xor3A_285 : vector<16xi32>
        %lt3A = arith.constant 0 : i32
        %lt3A_287 = vector.broadcast %lt3A : i32 to vector<16xi32>
        %lt3A_288 = arith.cmpi slt, %xor3A_286, %lt3A_287 : vector<16xi32>
        %add3A_289 = arith.constant 16 : i32
        %add3A_290 = vector.broadcast %add3A_289 : i32 to vector<16xi32>
        %add3A_291 = arith.addi %xor3A_286, %add3A_290 : vector<16xi32>
        %select_n3A_292 = arith.select %lt3A_288, %add3A_291, %xor3A_286 : vector<16xi1>, vector<16xi32>
        %broadcast_in_dim3A_293 = vector.shape_cast %select_n3A_292 : vector<16xi32> to vector<16x1xi32>
        %gather3A = vector.shape_cast %broadcast_in_dim3A_293 : vector<16x1xi32> to vector<16xi32>
        %gather3A_294 = tpu.dynamic_gather %max3A_283[%gather3A] in [0] : vector<16xf32>, vector<16xi32> -> vector<16xf32>
        %max3A_295 = arith.maximumf %max3A_283, %gather3A_294 : vector<16xf32>
        %xor3A_296 = arith.constant 2 : i32
        %xor3A_297 = vector.broadcast %xor3A_296 : i32 to vector<16xi32>
        %xor3A_298 = arith.xori %iota3A_284, %xor3A_297 : vector<16xi32>
        %lt3A_299 = arith.constant 0 : i32
        %lt3A_300 = vector.broadcast %lt3A_299 : i32 to vector<16xi32>
        %lt3A_301 = arith.cmpi slt, %xor3A_298, %lt3A_300 : vector<16xi32>
        %add3A_302 = arith.constant 16 : i32
        %add3A_303 = vector.broadcast %add3A_302 : i32 to vector<16xi32>
        %add3A_304 = arith.addi %xor3A_298, %add3A_303 : vector<16xi32>
        %select_n3A_305 = arith.select %lt3A_301, %add3A_304, %xor3A_298 : vector<16xi1>, vector<16xi32>
        %broadcast_in_dim3A_306 = vector.shape_cast %select_n3A_305 : vector<16xi32> to vector<16x1xi32>
        %gather3A_307 = vector.shape_cast %broadcast_in_dim3A_306 : vector<16x1xi32> to vector<16xi32>
        %gather3A_308 = tpu.dynamic_gather %max3A_295[%gather3A_307] in [0] : vector<16xf32>, vector<16xi32> -> vector<16xf32>
        %max3A_309 = arith.maximumf %max3A_295, %gather3A_308 : vector<16xf32>
        %xor3A_310 = arith.constant 4 : i32
        %xor3A_311 = vector.broadcast %xor3A_310 : i32 to vector<16xi32>
        %xor3A_312 = arith.xori %iota3A_284, %xor3A_311 : vector<16xi32>
        %lt3A_313 = arith.constant 0 : i32
        %lt3A_314 = vector.broadcast %lt3A_313 : i32 to vector<16xi32>
        %lt3A_315 = arith.cmpi slt, %xor3A_312, %lt3A_314 : vector<16xi32>
        %add3A_316 = arith.constant 16 : i32
        %add3A_317 = vector.broadcast %add3A_316 : i32 to vector<16xi32>
        %add3A_318 = arith.addi %xor3A_312, %add3A_317 : vector<16xi32>
        %select_n3A_319 = arith.select %lt3A_315, %add3A_318, %xor3A_312 : vector<16xi1>, vector<16xi32>
        %broadcast_in_dim3A_320 = vector.shape_cast %select_n3A_319 : vector<16xi32> to vector<16x1xi32>
        %gather3A_321 = vector.shape_cast %broadcast_in_dim3A_320 : vector<16x1xi32> to vector<16xi32>
        %gather3A_322 = tpu.dynamic_gather %max3A_309[%gather3A_321] in [0] : vector<16xf32>, vector<16xi32> -> vector<16xf32>
        %max3A_323 = arith.maximumf %max3A_309, %gather3A_322 : vector<16xf32>
        %xor3A_324 = arith.constant 8 : i32
        %xor3A_325 = vector.broadcast %xor3A_324 : i32 to vector<16xi32>
        %xor3A_326 = arith.xori %iota3A_284, %xor3A_325 : vector<16xi32>
        %lt3A_327 = arith.constant 0 : i32
        %lt3A_328 = vector.broadcast %lt3A_327 : i32 to vector<16xi32>
        %lt3A_329 = arith.cmpi slt, %xor3A_326, %lt3A_328 : vector<16xi32>
        %add3A_330 = arith.constant 16 : i32
        %add3A_331 = vector.broadcast %add3A_330 : i32 to vector<16xi32>
        %add3A_332 = arith.addi %xor3A_326, %add3A_331 : vector<16xi32>
        %select_n3A_333 = arith.select %lt3A_329, %add3A_332, %xor3A_326 : vector<16xi1>, vector<16xi32>
        %broadcast_in_dim3A_334 = vector.shape_cast %select_n3A_333 : vector<16xi32> to vector<16x1xi32>
        %gather3A_335 = vector.shape_cast %broadcast_in_dim3A_334 : vector<16x1xi32> to vector<16xi32>
        %gather3A_336 = tpu.dynamic_gather %max3A_323[%gather3A_335] in [0] : vector<16xf32>, vector<16xi32> -> vector<16xf32>
        %max3A_337 = arith.maximumf %max3A_323, %gather3A_336 : vector<16xf32>
        %slice3A = vector.extract_strided_slice %max3A_337 {offsets = [0], sizes = [1], strides = [1]} : vector<16xf32> to vector<1xf32>
        %squeeze3A = vector.extract %slice3A[0] : f32 from vector<1xf32>
        %gt3A = arith.cmpf ogt, %squeeze3A, %scan3A_126 : f32
        %convert_element_type3A = arith.extui %gt3A : i1 to i32
        %cond3A = arith.constant 0 : i32
        %cond3A_338 = arith.cmpi ne, %convert_element_type3A, %cond3A : i32
        %cond3A_339:6 = scf.if %cond3A_338 -> (f32, f32, f32, i32, i32, i32) {
          %mul3A_340 = arith.constant 400 : i32
          %mul3A_341 = arith.muli %scan3A_123, %mul3A_340 : i32
          %add3A_342 = arith.constant 60000 : i32
          %add3A_343 = arith.addi %add3A_342, %mul3A_341 : i32
          %mul3A_344 = arith.constant 400 : i32
          %mul3A_345 = arith.muli %scan3A_123, %mul3A_344 : i32
          %scan3A_346 = arith.constant -1 : i32
          %scan3A_347 = arith.constant -1 : i32
          %scan3A_348 = arith.constant 0 : i32
          %scan3A_349 = arith.constant 25 : i32
          %scan3A_350 = arith.addi %scan3A_348, %scan3A_349 : i32
          %scan3A_351 = arith.constant 1 : i32
          %scan3A_352 = scf.for %scan3A_934 = %scan3A_348 to %scan3A_350 step %scan3A_351 iter_args(%scan3A_935 = %broadcast_in_dim3A_1) -> (vector<16xf32>)  : i32 {
            %mul3A_936 = arith.constant 16 : i32
            %mul3A_937 = arith.muli %scan3A_934, %mul3A_936 : i32
            %add3A_938 = arith.addi %mul3A_345, %mul3A_937 : i32
            %get3A_939 = arith.index_cast %add3A_938 : i32 to index
            %get3A_940 = tpu.vector_load %arg8[%get3A_939] {strides = array<i32>} : memref<20000xf32, #tpu.memory_space<vmem>>, vector<16xf32>,
            %get3A_941 = vector.shape_cast %get3A_940 : vector<16xf32> to vector<16xf32>
            %mul3A_942 = arith.constant 16 : i32
            %mul3A_943 = arith.muli %scan3A_934, %mul3A_942 : i32
            %add3A_944 = arith.addi %add3A_343, %mul3A_943 : i32
            %add3A_945 = vector.broadcast %add3A_944 : i32 to vector<16xi32>
            %add3A_946 = arith.addi %add3A_945, %iota3A : vector<16xi32>
            %ne3A = vector.broadcast %scan3A_346 : i32 to vector<16xi32>
            %ne3A_947 = arith.cmpi ne, %add3A_946, %ne3A : vector<16xi32>
            %ne3A_948 = vector.broadcast %scan3A_347 : i32 to vector<16xi32>
            %ne3A_949 = arith.cmpi ne, %add3A_946, %ne3A_948 : vector<16xi32>
            %and3A_950 = arith.andi %ne3A_947, %ne3A_949 : vector<16xi1>
            %jit3A_951 = arith.constant 0xFF800000 : f32
            %broadcast_in_dim3A_952 = vector.broadcast %jit3A_951 : f32 to vector<16xf32>
            %select_n3A_953 = arith.select %and3A_950, %get3A_941, %broadcast_in_dim3A_952 : vector<16xi1>, vector<16xf32>
            %max3A_954 = arith.maximumf %scan3A_935, %select_n3A_953 : vector<16xf32>
            scf.yield %max3A_954 : vector<16xf32>
          }
          %scan3A_353 = arith.constant 25 : i32
          %iota3A_354 = tpu.iota {dimensions = array<i32: 0>} : vector<16xi32>
          %xor3A_355 = arith.constant 1 : i32
          %xor3A_356 = vector.broadcast %xor3A_355 : i32 to vector<16xi32>
          %xor3A_357 = arith.xori %iota3A_354, %xor3A_356 : vector<16xi32>
          %lt3A_358 = arith.constant 0 : i32
          %lt3A_359 = vector.broadcast %lt3A_358 : i32 to vector<16xi32>
          %lt3A_360 = arith.cmpi slt, %xor3A_357, %lt3A_359 : vector<16xi32>
          %add3A_361 = arith.constant 16 : i32
          %add3A_362 = vector.broadcast %add3A_361 : i32 to vector<16xi32>
          %add3A_363 = arith.addi %xor3A_357, %add3A_362 : vector<16xi32>
          %select_n3A_364 = arith.select %lt3A_360, %add3A_363, %xor3A_357 : vector<16xi1>, vector<16xi32>
          %broadcast_in_dim3A_365 = vector.shape_cast %select_n3A_364 : vector<16xi32> to vector<16x1xi32>
          %gather3A_366 = vector.shape_cast %broadcast_in_dim3A_365 : vector<16x1xi32> to vector<16xi32>
          %gather3A_367 = tpu.dynamic_gather %scan3A_352[%gather3A_366] in [0] : vector<16xf32>, vector<16xi32> -> vector<16xf32>
          %max3A_368 = arith.maximumf %scan3A_352, %gather3A_367 : vector<16xf32>
          %xor3A_369 = arith.constant 2 : i32
          %xor3A_370 = vector.broadcast %xor3A_369 : i32 to vector<16xi32>
          %xor3A_371 = arith.xori %iota3A_354, %xor3A_370 : vector<16xi32>
          %lt3A_372 = arith.constant 0 : i32
          %lt3A_373 = vector.broadcast %lt3A_372 : i32 to vector<16xi32>
          %lt3A_374 = arith.cmpi slt, %xor3A_371, %lt3A_373 : vector<16xi32>
          %add3A_375 = arith.constant 16 : i32
          %add3A_376 = vector.broadcast %add3A_375 : i32 to vector<16xi32>
          %add3A_377 = arith.addi %xor3A_371, %add3A_376 : vector<16xi32>
          %select_n3A_378 = arith.select %lt3A_374, %add3A_377, %xor3A_371 : vector<16xi1>, vector<16xi32>
          %broadcast_in_dim3A_379 = vector.shape_cast %select_n3A_378 : vector<16xi32> to vector<16x1xi32>
          %gather3A_380 = vector.shape_cast %broadcast_in_dim3A_379 : vector<16x1xi32> to vector<16xi32>
          %gather3A_381 = tpu.dynamic_gather %max3A_368[%gather3A_380] in [0] : vector<16xf32>, vector<16xi32> -> vector<16xf32>
          %max3A_382 = arith.maximumf %max3A_368, %gather3A_381 : vector<16xf32>
          %xor3A_383 = arith.constant 4 : i32
          %xor3A_384 = vector.broadcast %xor3A_383 : i32 to vector<16xi32>
          %xor3A_385 = arith.xori %iota3A_354, %xor3A_384 : vector<16xi32>
          %lt3A_386 = arith.constant 0 : i32
          %lt3A_387 = vector.broadcast %lt3A_386 : i32 to vector<16xi32>
          %lt3A_388 = arith.cmpi slt, %xor3A_385, %lt3A_387 : vector<16xi32>
          %add3A_389 = arith.constant 16 : i32
          %add3A_390 = vector.broadcast %add3A_389 : i32 to vector<16xi32>
          %add3A_391 = arith.addi %xor3A_385, %add3A_390 : vector<16xi32>
          %select_n3A_392 = arith.select %lt3A_388, %add3A_391, %xor3A_385 : vector<16xi1>, vector<16xi32>
          %broadcast_in_dim3A_393 = vector.shape_cast %select_n3A_392 : vector<16xi32> to vector<16x1xi32>
          %gather3A_394 = vector.shape_cast %broadcast_in_dim3A_393 : vector<16x1xi32> to vector<16xi32>
          %gather3A_395 = tpu.dynamic_gather %max3A_382[%gather3A_394] in [0] : vector<16xf32>, vector<16xi32> -> vector<16xf32>
          %max3A_396 = arith.maximumf %max3A_382, %gather3A_395 : vector<16xf32>
          %xor3A_397 = arith.constant 8 : i32
          %xor3A_398 = vector.broadcast %xor3A_397 : i32 to vector<16xi32>
          %xor3A_399 = arith.xori %iota3A_354, %xor3A_398 : vector<16xi32>
          %lt3A_400 = arith.constant 0 : i32
          %lt3A_401 = vector.broadcast %lt3A_400 : i32 to vector<16xi32>
          %lt3A_402 = arith.cmpi slt, %xor3A_399, %lt3A_401 : vector<16xi32>
          %add3A_403 = arith.constant 16 : i32
          %add3A_404 = vector.broadcast %add3A_403 : i32 to vector<16xi32>
          %add3A_405 = arith.addi %xor3A_399, %add3A_404 : vector<16xi32>
          %select_n3A_406 = arith.select %lt3A_402, %add3A_405, %xor3A_399 : vector<16xi1>, vector<16xi32>
          %broadcast_in_dim3A_407 = vector.shape_cast %select_n3A_406 : vector<16xi32> to vector<16x1xi32>
          %gather3A_408 = vector.shape_cast %broadcast_in_dim3A_407 : vector<16x1xi32> to vector<16xi32>
          %gather3A_409 = tpu.dynamic_gather %max3A_396[%gather3A_408] in [0] : vector<16xf32>, vector<16xi32> -> vector<16xf32>
          %max3A_410 = arith.maximumf %max3A_396, %gather3A_409 : vector<16xf32>
          %slice3A_411 = vector.extract_strided_slice %max3A_410 {offsets = [0], sizes = [1], strides = [1]} : vector<16xf32> to vector<1xf32>
          %squeeze3A_412 = vector.extract %slice3A_411[0] : f32 from vector<1xf32>
          %scan3A_413 = arith.constant -1 : i32
          %scan3A_414 = arith.constant -1 : i32
          %scan3A_415 = arith.constant 0 : i32
          %scan3A_416 = arith.constant 25 : i32
          %scan3A_417 = arith.addi %scan3A_415, %scan3A_416 : i32
          %scan3A_418 = arith.constant 1 : i32
          %scan3A_419 = scf.for %scan3A_934 = %scan3A_415 to %scan3A_417 step %scan3A_418 iter_args(%scan3A_935 = %broadcast_in_dim3A_3) -> (vector<16xi32>)  : i32 {
            %mul3A_936 = arith.constant 16 : i32
            %mul3A_937 = arith.muli %scan3A_934, %mul3A_936 : i32
            %add3A_938 = arith.addi %mul3A_345, %mul3A_937 : i32
            %get3A_939 = arith.index_cast %add3A_938 : i32 to index
            %get3A_940 = tpu.vector_load %arg8[%get3A_939] {strides = array<i32>} : memref<20000xf32, #tpu.memory_space<vmem>>, vector<16xf32>,
            %get3A_941 = vector.shape_cast %get3A_940 : vector<16xf32> to vector<16xf32>
            %mul3A_942 = arith.constant 16 : i32
            %mul3A_943 = arith.muli %scan3A_934, %mul3A_942 : i32
            %add3A_944 = arith.addi %add3A_343, %mul3A_943 : i32
            %add3A_945 = vector.broadcast %add3A_944 : i32 to vector<16xi32>
            %add3A_946 = arith.addi %add3A_945, %iota3A : vector<16xi32>
            %eq3A_947 = vector.broadcast %squeeze3A_412 : f32 to vector<16xf32>
            %eq3A_948 = arith.cmpf oeq, %get3A_941, %eq3A_947 : vector<16xf32>
            %ne3A = vector.broadcast %scan3A_413 : i32 to vector<16xi32>
            %ne3A_949 = arith.cmpi ne, %add3A_946, %ne3A : vector<16xi32>
            %and3A_950 = arith.andi %eq3A_948, %ne3A_949 : vector<16xi1>
            %ne3A_951 = vector.broadcast %scan3A_414 : i32 to vector<16xi32>
            %ne3A_952 = arith.cmpi ne, %add3A_946, %ne3A_951 : vector<16xi32>
            %and3A_953 = arith.andi %and3A_950, %ne3A_952 : vector<16xi1>
            %jit3A_954 = arith.constant 2147483647 : i32
            %broadcast_in_dim3A_955 = vector.broadcast %jit3A_954 : i32 to vector<16xi32>
            %select_n3A_956 = arith.select %and3A_953, %add3A_946, %broadcast_in_dim3A_955 : vector<16xi1>, vector<16xi32>
            %min3A_957 = arith.minsi %scan3A_935, %select_n3A_956 : vector<16xi32>
            scf.yield %min3A_957 : vector<16xi32>
          }
          %scan3A_420 = arith.constant 25 : i32
          %iota3A_421 = tpu.iota {dimensions = array<i32: 0>} : vector<16xi32>
          %xor3A_422 = arith.constant 1 : i32
          %xor3A_423 = vector.broadcast %xor3A_422 : i32 to vector<16xi32>
          %xor3A_424 = arith.xori %iota3A_421, %xor3A_423 : vector<16xi32>
          %lt3A_425 = arith.constant 0 : i32
          %lt3A_426 = vector.broadcast %lt3A_425 : i32 to vector<16xi32>
          %lt3A_427 = arith.cmpi slt, %xor3A_424, %lt3A_426 : vector<16xi32>
          %add3A_428 = arith.constant 16 : i32
          %add3A_429 = vector.broadcast %add3A_428 : i32 to vector<16xi32>
          %add3A_430 = arith.addi %xor3A_424, %add3A_429 : vector<16xi32>
          %select_n3A_431 = arith.select %lt3A_427, %add3A_430, %xor3A_424 : vector<16xi1>, vector<16xi32>
          %broadcast_in_dim3A_432 = vector.shape_cast %select_n3A_431 : vector<16xi32> to vector<16x1xi32>
          %gather3A_433 = vector.shape_cast %broadcast_in_dim3A_432 : vector<16x1xi32> to vector<16xi32>
          %gather3A_434 = tpu.dynamic_gather %scan3A_419[%gather3A_433] in [0] : vector<16xi32>, vector<16xi32> -> vector<16xi32>
          %min3A = arith.minsi %scan3A_419, %gather3A_434 : vector<16xi32>
          %xor3A_435 = arith.constant 2 : i32
          %xor3A_436 = vector.broadcast %xor3A_435 : i32 to vector<16xi32>
          %xor3A_437 = arith.xori %iota3A_421, %xor3A_436 : vector<16xi32>
          %lt3A_438 = arith.constant 0 : i32
          %lt3A_439 = vector.broadcast %lt3A_438 : i32 to vector<16xi32>
          %lt3A_440 = arith.cmpi slt, %xor3A_437, %lt3A_439 : vector<16xi32>
          %add3A_441 = arith.constant 16 : i32
          %add3A_442 = vector.broadcast %add3A_441 : i32 to vector<16xi32>
          %add3A_443 = arith.addi %xor3A_437, %add3A_442 : vector<16xi32>
          %select_n3A_444 = arith.select %lt3A_440, %add3A_443, %xor3A_437 : vector<16xi1>, vector<16xi32>
          %broadcast_in_dim3A_445 = vector.shape_cast %select_n3A_444 : vector<16xi32> to vector<16x1xi32>
          %gather3A_446 = vector.shape_cast %broadcast_in_dim3A_445 : vector<16x1xi32> to vector<16xi32>
          %gather3A_447 = tpu.dynamic_gather %min3A[%gather3A_446] in [0] : vector<16xi32>, vector<16xi32> -> vector<16xi32>
          %min3A_448 = arith.minsi %min3A, %gather3A_447 : vector<16xi32>
          %xor3A_449 = arith.constant 4 : i32
          %xor3A_450 = vector.broadcast %xor3A_449 : i32 to vector<16xi32>
          %xor3A_451 = arith.xori %iota3A_421, %xor3A_450 : vector<16xi32>
          %lt3A_452 = arith.constant 0 : i32
          %lt3A_453 = vector.broadcast %lt3A_452 : i32 to vector<16xi32>
          %lt3A_454 = arith.cmpi slt, %xor3A_451, %lt3A_453 : vector<16xi32>
          %add3A_455 = arith.constant 16 : i32
          %add3A_456 = vector.broadcast %add3A_455 : i32 to vector<16xi32>
          %add3A_457 = arith.addi %xor3A_451, %add3A_456 : vector<16xi32>
          %select_n3A_458 = arith.select %lt3A_454, %add3A_457, %xor3A_451 : vector<16xi1>, vector<16xi32>
          %broadcast_in_dim3A_459 = vector.shape_cast %select_n3A_458 : vector<16xi32> to vector<16x1xi32>
          %gather3A_460 = vector.shape_cast %broadcast_in_dim3A_459 : vector<16x1xi32> to vector<16xi32>
          %gather3A_461 = tpu.dynamic_gather %min3A_448[%gather3A_460] in [0] : vector<16xi32>, vector<16xi32> -> vector<16xi32>
          %min3A_462 = arith.minsi %min3A_448, %gather3A_461 : vector<16xi32>
          %xor3A_463 = arith.constant 8 : i32
          %xor3A_464 = vector.broadcast %xor3A_463 : i32 to vector<16xi32>
          %xor3A_465 = arith.xori %iota3A_421, %xor3A_464 : vector<16xi32>
          %lt3A_466 = arith.constant 0 : i32
          %lt3A_467 = vector.broadcast %lt3A_466 : i32 to vector<16xi32>
          %lt3A_468 = arith.cmpi slt, %xor3A_465, %lt3A_467 : vector<16xi32>
          %add3A_469 = arith.constant 16 : i32
          %add3A_470 = vector.broadcast %add3A_469 : i32 to vector<16xi32>
          %add3A_471 = arith.addi %xor3A_465, %add3A_470 : vector<16xi32>
          %select_n3A_472 = arith.select %lt3A_468, %add3A_471, %xor3A_465 : vector<16xi1>, vector<16xi32>
          %broadcast_in_dim3A_473 = vector.shape_cast %select_n3A_472 : vector<16xi32> to vector<16x1xi32>
          %gather3A_474 = vector.shape_cast %broadcast_in_dim3A_473 : vector<16x1xi32> to vector<16xi32>
          %gather3A_475 = tpu.dynamic_gather %min3A_462[%gather3A_474] in [0] : vector<16xi32>, vector<16xi32> -> vector<16xi32>
          %min3A_476 = arith.minsi %min3A_462, %gather3A_475 : vector<16xi32>
          %slice3A_477 = vector.extract_strided_slice %min3A_476 {offsets = [0], sizes = [1], strides = [1]} : vector<16xi32> to vector<1xi32>
          %squeeze3A_478 = vector.extract %slice3A_477[0] : i32 from vector<1xi32>
          %scan3A_479 = arith.constant -1 : i32
          %scan3A_480 = arith.constant 0 : i32
          %scan3A_481 = arith.constant 25 : i32
          %scan3A_482 = arith.addi %scan3A_480, %scan3A_481 : i32
          %scan3A_483 = arith.constant 1 : i32
          %scan3A_484 = scf.for %scan3A_934 = %scan3A_480 to %scan3A_482 step %scan3A_483 iter_args(%scan3A_935 = %broadcast_in_dim3A_1) -> (vector<16xf32>)  : i32 {
            %mul3A_936 = arith.constant 16 : i32
            %mul3A_937 = arith.muli %scan3A_934, %mul3A_936 : i32
            %add3A_938 = arith.addi %mul3A_345, %mul3A_937 : i32
            %get3A_939 = arith.index_cast %add3A_938 : i32 to index
            %get3A_940 = tpu.vector_load %arg8[%get3A_939] {strides = array<i32>} : memref<20000xf32, #tpu.memory_space<vmem>>, vector<16xf32>,
            %get3A_941 = vector.shape_cast %get3A_940 : vector<16xf32> to vector<16xf32>
            %mul3A_942 = arith.constant 16 : i32
            %mul3A_943 = arith.muli %scan3A_934, %mul3A_942 : i32
            %add3A_944 = arith.addi %add3A_343, %mul3A_943 : i32
            %add3A_945 = vector.broadcast %add3A_944 : i32 to vector<16xi32>
            %add3A_946 = arith.addi %add3A_945, %iota3A : vector<16xi32>
            %ne3A = vector.broadcast %squeeze3A_478 : i32 to vector<16xi32>
            %ne3A_947 = arith.cmpi ne, %add3A_946, %ne3A : vector<16xi32>
            %ne3A_948 = vector.broadcast %scan3A_479 : i32 to vector<16xi32>
            %ne3A_949 = arith.cmpi ne, %add3A_946, %ne3A_948 : vector<16xi32>
            %and3A_950 = arith.andi %ne3A_947, %ne3A_949 : vector<16xi1>
            %jit3A_951 = arith.constant 0xFF800000 : f32
            %broadcast_in_dim3A_952 = vector.broadcast %jit3A_951 : f32 to vector<16xf32>
            %select_n3A_953 = arith.select %and3A_950, %get3A_941, %broadcast_in_dim3A_952 : vector<16xi1>, vector<16xf32>
            %max3A_954 = arith.maximumf %scan3A_935, %select_n3A_953 : vector<16xf32>
            scf.yield %max3A_954 : vector<16xf32>
          }
          %scan3A_485 = arith.constant 25 : i32
          %iota3A_486 = tpu.iota {dimensions = array<i32: 0>} : vector<16xi32>
          %xor3A_487 = arith.constant 1 : i32
          %xor3A_488 = vector.broadcast %xor3A_487 : i32 to vector<16xi32>
          %xor3A_489 = arith.xori %iota3A_486, %xor3A_488 : vector<16xi32>
          %lt3A_490 = arith.constant 0 : i32
          %lt3A_491 = vector.broadcast %lt3A_490 : i32 to vector<16xi32>
          %lt3A_492 = arith.cmpi slt, %xor3A_489, %lt3A_491 : vector<16xi32>
          %add3A_493 = arith.constant 16 : i32
          %add3A_494 = vector.broadcast %add3A_493 : i32 to vector<16xi32>
          %add3A_495 = arith.addi %xor3A_489, %add3A_494 : vector<16xi32>
          %select_n3A_496 = arith.select %lt3A_492, %add3A_495, %xor3A_489 : vector<16xi1>, vector<16xi32>
          %broadcast_in_dim3A_497 = vector.shape_cast %select_n3A_496 : vector<16xi32> to vector<16x1xi32>
          %gather3A_498 = vector.shape_cast %broadcast_in_dim3A_497 : vector<16x1xi32> to vector<16xi32>
          %gather3A_499 = tpu.dynamic_gather %scan3A_484[%gather3A_498] in [0] : vector<16xf32>, vector<16xi32> -> vector<16xf32>
          %max3A_500 = arith.maximumf %scan3A_484, %gather3A_499 : vector<16xf32>
          %xor3A_501 = arith.constant 2 : i32
          %xor3A_502 = vector.broadcast %xor3A_501 : i32 to vector<16xi32>
          %xor3A_503 = arith.xori %iota3A_486, %xor3A_502 : vector<16xi32>
          %lt3A_504 = arith.constant 0 : i32
          %lt3A_505 = vector.broadcast %lt3A_504 : i32 to vector<16xi32>
          %lt3A_506 = arith.cmpi slt, %xor3A_503, %lt3A_505 : vector<16xi32>
          %add3A_507 = arith.constant 16 : i32
          %add3A_508 = vector.broadcast %add3A_507 : i32 to vector<16xi32>
          %add3A_509 = arith.addi %xor3A_503, %add3A_508 : vector<16xi32>
          %select_n3A_510 = arith.select %lt3A_506, %add3A_509, %xor3A_503 : vector<16xi1>, vector<16xi32>
          %broadcast_in_dim3A_511 = vector.shape_cast %select_n3A_510 : vector<16xi32> to vector<16x1xi32>
          %gather3A_512 = vector.shape_cast %broadcast_in_dim3A_511 : vector<16x1xi32> to vector<16xi32>
          %gather3A_513 = tpu.dynamic_gather %max3A_500[%gather3A_512] in [0] : vector<16xf32>, vector<16xi32> -> vector<16xf32>
          %max3A_514 = arith.maximumf %max3A_500, %gather3A_513 : vector<16xf32>
          %xor3A_515 = arith.constant 4 : i32
          %xor3A_516 = vector.broadcast %xor3A_515 : i32 to vector<16xi32>
          %xor3A_517 = arith.xori %iota3A_486, %xor3A_516 : vector<16xi32>
          %lt3A_518 = arith.constant 0 : i32
          %lt3A_519 = vector.broadcast %lt3A_518 : i32 to vector<16xi32>
          %lt3A_520 = arith.cmpi slt, %xor3A_517, %lt3A_519 : vector<16xi32>
          %add3A_521 = arith.constant 16 : i32
          %add3A_522 = vector.broadcast %add3A_521 : i32 to vector<16xi32>
          %add3A_523 = arith.addi %xor3A_517, %add3A_522 : vector<16xi32>
          %select_n3A_524 = arith.select %lt3A_520, %add3A_523, %xor3A_517 : vector<16xi1>, vector<16xi32>
          %broadcast_in_dim3A_525 = vector.shape_cast %select_n3A_524 : vector<16xi32> to vector<16x1xi32>
          %gather3A_526 = vector.shape_cast %broadcast_in_dim3A_525 : vector<16x1xi32> to vector<16xi32>
          %gather3A_527 = tpu.dynamic_gather %max3A_514[%gather3A_526] in [0] : vector<16xf32>, vector<16xi32> -> vector<16xf32>
          %max3A_528 = arith.maximumf %max3A_514, %gather3A_527 : vector<16xf32>
          %xor3A_529 = arith.constant 8 : i32
          %xor3A_530 = vector.broadcast %xor3A_529 : i32 to vector<16xi32>
          %xor3A_531 = arith.xori %iota3A_486, %xor3A_530 : vector<16xi32>
          %lt3A_532 = arith.constant 0 : i32
          %lt3A_533 = vector.broadcast %lt3A_532 : i32 to vector<16xi32>
          %lt3A_534 = arith.cmpi slt, %xor3A_531, %lt3A_533 : vector<16xi32>
          %add3A_535 = arith.constant 16 : i32
          %add3A_536 = vector.broadcast %add3A_535 : i32 to vector<16xi32>
          %add3A_537 = arith.addi %xor3A_531, %add3A_536 : vector<16xi32>
          %select_n3A_538 = arith.select %lt3A_534, %add3A_537, %xor3A_531 : vector<16xi1>, vector<16xi32>
          %broadcast_in_dim3A_539 = vector.shape_cast %select_n3A_538 : vector<16xi32> to vector<16x1xi32>
          %gather3A_540 = vector.shape_cast %broadcast_in_dim3A_539 : vector<16x1xi32> to vector<16xi32>
          %gather3A_541 = tpu.dynamic_gather %max3A_528[%gather3A_540] in [0] : vector<16xf32>, vector<16xi32> -> vector<16xf32>
          %max3A_542 = arith.maximumf %max3A_528, %gather3A_541 : vector<16xf32>
          %slice3A_543 = vector.extract_strided_slice %max3A_542 {offsets = [0], sizes = [1], strides = [1]} : vector<16xf32> to vector<1xf32>
          %squeeze3A_544 = vector.extract %slice3A_543[0] : f32 from vector<1xf32>
          %scan3A_545 = arith.constant -1 : i32
          %scan3A_546 = arith.constant 0 : i32
          %scan3A_547 = arith.constant 25 : i32
          %scan3A_548 = arith.addi %scan3A_546, %scan3A_547 : i32
          %scan3A_549 = arith.constant 1 : i32
          %scan3A_550 = scf.for %scan3A_934 = %scan3A_546 to %scan3A_548 step %scan3A_549 iter_args(%scan3A_935 = %broadcast_in_dim3A_3) -> (vector<16xi32>)  : i32 {
            %mul3A_936 = arith.constant 16 : i32
            %mul3A_937 = arith.muli %scan3A_934, %mul3A_936 : i32
            %add3A_938 = arith.addi %mul3A_345, %mul3A_937 : i32
            %get3A_939 = arith.index_cast %add3A_938 : i32 to index
            %get3A_940 = tpu.vector_load %arg8[%get3A_939] {strides = array<i32>} : memref<20000xf32, #tpu.memory_space<vmem>>, vector<16xf32>,
            %get3A_941 = vector.shape_cast %get3A_940 : vector<16xf32> to vector<16xf32>
            %mul3A_942 = arith.constant 16 : i32
            %mul3A_943 = arith.muli %scan3A_934, %mul3A_942 : i32
            %add3A_944 = arith.addi %add3A_343, %mul3A_943 : i32
            %add3A_945 = vector.broadcast %add3A_944 : i32 to vector<16xi32>
            %add3A_946 = arith.addi %add3A_945, %iota3A : vector<16xi32>
            %eq3A_947 = vector.broadcast %squeeze3A_544 : f32 to vector<16xf32>
            %eq3A_948 = arith.cmpf oeq, %get3A_941, %eq3A_947 : vector<16xf32>
            %ne3A = vector.broadcast %squeeze3A_478 : i32 to vector<16xi32>
            %ne3A_949 = arith.cmpi ne, %add3A_946, %ne3A : vector<16xi32>
            %and3A_950 = arith.andi %eq3A_948, %ne3A_949 : vector<16xi1>
            %ne3A_951 = vector.broadcast %scan3A_545 : i32 to vector<16xi32>
            %ne3A_952 = arith.cmpi ne, %add3A_946, %ne3A_951 : vector<16xi32>
            %and3A_953 = arith.andi %and3A_950, %ne3A_952 : vector<16xi1>
            %jit3A_954 = arith.constant 2147483647 : i32
            %broadcast_in_dim3A_955 = vector.broadcast %jit3A_954 : i32 to vector<16xi32>
            %select_n3A_956 = arith.select %and3A_953, %add3A_946, %broadcast_in_dim3A_955 : vector<16xi1>, vector<16xi32>
            %min3A_957 = arith.minsi %scan3A_935, %select_n3A_956 : vector<16xi32>
            scf.yield %min3A_957 : vector<16xi32>
          }
          %scan3A_551 = arith.constant 25 : i32
          %iota3A_552 = tpu.iota {dimensions = array<i32: 0>} : vector<16xi32>
          %xor3A_553 = arith.constant 1 : i32
          %xor3A_554 = vector.broadcast %xor3A_553 : i32 to vector<16xi32>
          %xor3A_555 = arith.xori %iota3A_552, %xor3A_554 : vector<16xi32>
          %lt3A_556 = arith.constant 0 : i32
          %lt3A_557 = vector.broadcast %lt3A_556 : i32 to vector<16xi32>
          %lt3A_558 = arith.cmpi slt, %xor3A_555, %lt3A_557 : vector<16xi32>
          %add3A_559 = arith.constant 16 : i32
          %add3A_560 = vector.broadcast %add3A_559 : i32 to vector<16xi32>
          %add3A_561 = arith.addi %xor3A_555, %add3A_560 : vector<16xi32>
          %select_n3A_562 = arith.select %lt3A_558, %add3A_561, %xor3A_555 : vector<16xi1>, vector<16xi32>
          %broadcast_in_dim3A_563 = vector.shape_cast %select_n3A_562 : vector<16xi32> to vector<16x1xi32>
          %gather3A_564 = vector.shape_cast %broadcast_in_dim3A_563 : vector<16x1xi32> to vector<16xi32>
          %gather3A_565 = tpu.dynamic_gather %scan3A_550[%gather3A_564] in [0] : vector<16xi32>, vector<16xi32> -> vector<16xi32>
          %min3A_566 = arith.minsi %scan3A_550, %gather3A_565 : vector<16xi32>
          %xor3A_567 = arith.constant 2 : i32
          %xor3A_568 = vector.broadcast %xor3A_567 : i32 to vector<16xi32>
          %xor3A_569 = arith.xori %iota3A_552, %xor3A_568 : vector<16xi32>
          %lt3A_570 = arith.constant 0 : i32
          %lt3A_571 = vector.broadcast %lt3A_570 : i32 to vector<16xi32>
          %lt3A_572 = arith.cmpi slt, %xor3A_569, %lt3A_571 : vector<16xi32>
          %add3A_573 = arith.constant 16 : i32
          %add3A_574 = vector.broadcast %add3A_573 : i32 to vector<16xi32>
          %add3A_575 = arith.addi %xor3A_569, %add3A_574 : vector<16xi32>
          %select_n3A_576 = arith.select %lt3A_572, %add3A_575, %xor3A_569 : vector<16xi1>, vector<16xi32>
          %broadcast_in_dim3A_577 = vector.shape_cast %select_n3A_576 : vector<16xi32> to vector<16x1xi32>
          %gather3A_578 = vector.shape_cast %broadcast_in_dim3A_577 : vector<16x1xi32> to vector<16xi32>
          %gather3A_579 = tpu.dynamic_gather %min3A_566[%gather3A_578] in [0] : vector<16xi32>, vector<16xi32> -> vector<16xi32>
          %min3A_580 = arith.minsi %min3A_566, %gather3A_579 : vector<16xi32>
          %xor3A_581 = arith.constant 4 : i32
          %xor3A_582 = vector.broadcast %xor3A_581 : i32 to vector<16xi32>
          %xor3A_583 = arith.xori %iota3A_552, %xor3A_582 : vector<16xi32>
          %lt3A_584 = arith.constant 0 : i32
          %lt3A_585 = vector.broadcast %lt3A_584 : i32 to vector<16xi32>
          %lt3A_586 = arith.cmpi slt, %xor3A_583, %lt3A_585 : vector<16xi32>
          %add3A_587 = arith.constant 16 : i32
          %add3A_588 = vector.broadcast %add3A_587 : i32 to vector<16xi32>
          %add3A_589 = arith.addi %xor3A_583, %add3A_588 : vector<16xi32>
          %select_n3A_590 = arith.select %lt3A_586, %add3A_589, %xor3A_583 : vector<16xi1>, vector<16xi32>
          %broadcast_in_dim3A_591 = vector.shape_cast %select_n3A_590 : vector<16xi32> to vector<16x1xi32>
          %gather3A_592 = vector.shape_cast %broadcast_in_dim3A_591 : vector<16x1xi32> to vector<16xi32>
          %gather3A_593 = tpu.dynamic_gather %min3A_580[%gather3A_592] in [0] : vector<16xi32>, vector<16xi32> -> vector<16xi32>
          %min3A_594 = arith.minsi %min3A_580, %gather3A_593 : vector<16xi32>
          %xor3A_595 = arith.constant 8 : i32
          %xor3A_596 = vector.broadcast %xor3A_595 : i32 to vector<16xi32>
          %xor3A_597 = arith.xori %iota3A_552, %xor3A_596 : vector<16xi32>
          %lt3A_598 = arith.constant 0 : i32
          %lt3A_599 = vector.broadcast %lt3A_598 : i32 to vector<16xi32>
          %lt3A_600 = arith.cmpi slt, %xor3A_597, %lt3A_599 : vector<16xi32>
          %add3A_601 = arith.constant 16 : i32
          %add3A_602 = vector.broadcast %add3A_601 : i32 to vector<16xi32>
          %add3A_603 = arith.addi %xor3A_597, %add3A_602 : vector<16xi32>
          %select_n3A_604 = arith.select %lt3A_600, %add3A_603, %xor3A_597 : vector<16xi1>, vector<16xi32>
          %broadcast_in_dim3A_605 = vector.shape_cast %select_n3A_604 : vector<16xi32> to vector<16x1xi32>
          %gather3A_606 = vector.shape_cast %broadcast_in_dim3A_605 : vector<16x1xi32> to vector<16xi32>
          %gather3A_607 = tpu.dynamic_gather %min3A_594[%gather3A_606] in [0] : vector<16xi32>, vector<16xi32> -> vector<16xi32>
          %min3A_608 = arith.minsi %min3A_594, %gather3A_607 : vector<16xi32>
          %slice3A_609 = vector.extract_strided_slice %min3A_608 {offsets = [0], sizes = [1], strides = [1]} : vector<16xi32> to vector<1xi32>
          %squeeze3A_610 = vector.extract %slice3A_609[0] : i32 from vector<1xi32>
          %scan3A_611 = arith.constant 0 : i32
          %scan3A_612 = arith.constant 25 : i32
          %scan3A_613 = arith.addi %scan3A_611, %scan3A_612 : i32
          %scan3A_614 = arith.constant 1 : i32
          %scan3A_615 = scf.for %scan3A_934 = %scan3A_611 to %scan3A_613 step %scan3A_614 iter_args(%scan3A_935 = %broadcast_in_dim3A_1) -> (vector<16xf32>)  : i32 {
            %mul3A_936 = arith.constant 16 : i32
            %mul3A_937 = arith.muli %scan3A_934, %mul3A_936 : i32
            %add3A_938 = arith.addi %mul3A_345, %mul3A_937 : i32
            %get3A_939 = arith.index_cast %add3A_938 : i32 to index
            %get3A_940 = tpu.vector_load %arg8[%get3A_939] {strides = array<i32>} : memref<20000xf32, #tpu.memory_space<vmem>>, vector<16xf32>,
            %get3A_941 = vector.shape_cast %get3A_940 : vector<16xf32> to vector<16xf32>
            %mul3A_942 = arith.constant 16 : i32
            %mul3A_943 = arith.muli %scan3A_934, %mul3A_942 : i32
            %add3A_944 = arith.addi %add3A_343, %mul3A_943 : i32
            %add3A_945 = vector.broadcast %add3A_944 : i32 to vector<16xi32>
            %add3A_946 = arith.addi %add3A_945, %iota3A : vector<16xi32>
            %ne3A = vector.broadcast %squeeze3A_610 : i32 to vector<16xi32>
            %ne3A_947 = arith.cmpi ne, %add3A_946, %ne3A : vector<16xi32>
            %ne3A_948 = vector.broadcast %squeeze3A_478 : i32 to vector<16xi32>
            %ne3A_949 = arith.cmpi ne, %add3A_946, %ne3A_948 : vector<16xi32>
            %and3A_950 = arith.andi %ne3A_947, %ne3A_949 : vector<16xi1>
            %jit3A_951 = arith.constant 0xFF800000 : f32
            %broadcast_in_dim3A_952 = vector.broadcast %jit3A_951 : f32 to vector<16xf32>
            %select_n3A_953 = arith.select %and3A_950, %get3A_941, %broadcast_in_dim3A_952 : vector<16xi1>, vector<16xf32>
            %max3A_954 = arith.maximumf %scan3A_935, %select_n3A_953 : vector<16xf32>
            scf.yield %max3A_954 : vector<16xf32>
          }
          %scan3A_616 = arith.constant 25 : i32
          %iota3A_617 = tpu.iota {dimensions = array<i32: 0>} : vector<16xi32>
          %xor3A_618 = arith.constant 1 : i32
          %xor3A_619 = vector.broadcast %xor3A_618 : i32 to vector<16xi32>
          %xor3A_620 = arith.xori %iota3A_617, %xor3A_619 : vector<16xi32>
          %lt3A_621 = arith.constant 0 : i32
          %lt3A_622 = vector.broadcast %lt3A_621 : i32 to vector<16xi32>
          %lt3A_623 = arith.cmpi slt, %xor3A_620, %lt3A_622 : vector<16xi32>
          %add3A_624 = arith.constant 16 : i32
          %add3A_625 = vector.broadcast %add3A_624 : i32 to vector<16xi32>
          %add3A_626 = arith.addi %xor3A_620, %add3A_625 : vector<16xi32>
          %select_n3A_627 = arith.select %lt3A_623, %add3A_626, %xor3A_620 : vector<16xi1>, vector<16xi32>
          %broadcast_in_dim3A_628 = vector.shape_cast %select_n3A_627 : vector<16xi32> to vector<16x1xi32>
          %gather3A_629 = vector.shape_cast %broadcast_in_dim3A_628 : vector<16x1xi32> to vector<16xi32>
          %gather3A_630 = tpu.dynamic_gather %scan3A_615[%gather3A_629] in [0] : vector<16xf32>, vector<16xi32> -> vector<16xf32>
          %max3A_631 = arith.maximumf %scan3A_615, %gather3A_630 : vector<16xf32>
          %xor3A_632 = arith.constant 2 : i32
          %xor3A_633 = vector.broadcast %xor3A_632 : i32 to vector<16xi32>
          %xor3A_634 = arith.xori %iota3A_617, %xor3A_633 : vector<16xi32>
          %lt3A_635 = arith.constant 0 : i32
          %lt3A_636 = vector.broadcast %lt3A_635 : i32 to vector<16xi32>
          %lt3A_637 = arith.cmpi slt, %xor3A_634, %lt3A_636 : vector<16xi32>
          %add3A_638 = arith.constant 16 : i32
          %add3A_639 = vector.broadcast %add3A_638 : i32 to vector<16xi32>
          %add3A_640 = arith.addi %xor3A_634, %add3A_639 : vector<16xi32>
          %select_n3A_641 = arith.select %lt3A_637, %add3A_640, %xor3A_634 : vector<16xi1>, vector<16xi32>
          %broadcast_in_dim3A_642 = vector.shape_cast %select_n3A_641 : vector<16xi32> to vector<16x1xi32>
          %gather3A_643 = vector.shape_cast %broadcast_in_dim3A_642 : vector<16x1xi32> to vector<16xi32>
          %gather3A_644 = tpu.dynamic_gather %max3A_631[%gather3A_643] in [0] : vector<16xf32>, vector<16xi32> -> vector<16xf32>
          %max3A_645 = arith.maximumf %max3A_631, %gather3A_644 : vector<16xf32>
          %xor3A_646 = arith.constant 4 : i32
          %xor3A_647 = vector.broadcast %xor3A_646 : i32 to vector<16xi32>
          %xor3A_648 = arith.xori %iota3A_617, %xor3A_647 : vector<16xi32>
          %lt3A_649 = arith.constant 0 : i32
          %lt3A_650 = vector.broadcast %lt3A_649 : i32 to vector<16xi32>
          %lt3A_651 = arith.cmpi slt, %xor3A_648, %lt3A_650 : vector<16xi32>
          %add3A_652 = arith.constant 16 : i32
          %add3A_653 = vector.broadcast %add3A_652 : i32 to vector<16xi32>
          %add3A_654 = arith.addi %xor3A_648, %add3A_653 : vector<16xi32>
          %select_n3A_655 = arith.select %lt3A_651, %add3A_654, %xor3A_648 : vector<16xi1>, vector<16xi32>
          %broadcast_in_dim3A_656 = vector.shape_cast %select_n3A_655 : vector<16xi32> to vector<16x1xi32>
          %gather3A_657 = vector.shape_cast %broadcast_in_dim3A_656 : vector<16x1xi32> to vector<16xi32>
          %gather3A_658 = tpu.dynamic_gather %max3A_645[%gather3A_657] in [0] : vector<16xf32>, vector<16xi32> -> vector<16xf32>
          %max3A_659 = arith.maximumf %max3A_645, %gather3A_658 : vector<16xf32>
          %xor3A_660 = arith.constant 8 : i32
          %xor3A_661 = vector.broadcast %xor3A_660 : i32 to vector<16xi32>
          %xor3A_662 = arith.xori %iota3A_617, %xor3A_661 : vector<16xi32>
          %lt3A_663 = arith.constant 0 : i32
          %lt3A_664 = vector.broadcast %lt3A_663 : i32 to vector<16xi32>
          %lt3A_665 = arith.cmpi slt, %xor3A_662, %lt3A_664 : vector<16xi32>
          %add3A_666 = arith.constant 16 : i32
          %add3A_667 = vector.broadcast %add3A_666 : i32 to vector<16xi32>
          %add3A_668 = arith.addi %xor3A_662, %add3A_667 : vector<16xi32>
          %select_n3A_669 = arith.select %lt3A_665, %add3A_668, %xor3A_662 : vector<16xi1>, vector<16xi32>
          %broadcast_in_dim3A_670 = vector.shape_cast %select_n3A_669 : vector<16xi32> to vector<16x1xi32>
          %gather3A_671 = vector.shape_cast %broadcast_in_dim3A_670 : vector<16x1xi32> to vector<16xi32>
          %gather3A_672 = tpu.dynamic_gather %max3A_659[%gather3A_671] in [0] : vector<16xf32>, vector<16xi32> -> vector<16xf32>
          %max3A_673 = arith.maximumf %max3A_659, %gather3A_672 : vector<16xf32>
          %slice3A_674 = vector.extract_strided_slice %max3A_673 {offsets = [0], sizes = [1], strides = [1]} : vector<16xf32> to vector<1xf32>
          %squeeze3A_675 = vector.extract %slice3A_674[0] : f32 from vector<1xf32>
          %scan3A_676 = arith.constant 0 : i32
          %scan3A_677 = arith.constant 25 : i32
          %scan3A_678 = arith.addi %scan3A_676, %scan3A_677 : i32
          %scan3A_679 = arith.constant 1 : i32
          %scan3A_680 = scf.for %scan3A_934 = %scan3A_676 to %scan3A_678 step %scan3A_679 iter_args(%scan3A_935 = %broadcast_in_dim3A_3) -> (vector<16xi32>)  : i32 {
            %mul3A_936 = arith.constant 16 : i32
            %mul3A_937 = arith.muli %scan3A_934, %mul3A_936 : i32
            %add3A_938 = arith.addi %mul3A_345, %mul3A_937 : i32
            %get3A_939 = arith.index_cast %add3A_938 : i32 to index
            %get3A_940 = tpu.vector_load %arg8[%get3A_939] {strides = array<i32>} : memref<20000xf32, #tpu.memory_space<vmem>>, vector<16xf32>,
            %get3A_941 = vector.shape_cast %get3A_940 : vector<16xf32> to vector<16xf32>
            %mul3A_942 = arith.constant 16 : i32
            %mul3A_943 = arith.muli %scan3A_934, %mul3A_942 : i32
            %add3A_944 = arith.addi %add3A_343, %mul3A_943 : i32
            %add3A_945 = vector.broadcast %add3A_944 : i32 to vector<16xi32>
            %add3A_946 = arith.addi %add3A_945, %iota3A : vector<16xi32>
            %eq3A_947 = vector.broadcast %squeeze3A_675 : f32 to vector<16xf32>
            %eq3A_948 = arith.cmpf oeq, %get3A_941, %eq3A_947 : vector<16xf32>
            %ne3A = vector.broadcast %squeeze3A_610 : i32 to vector<16xi32>
            %ne3A_949 = arith.cmpi ne, %add3A_946, %ne3A : vector<16xi32>
            %and3A_950 = arith.andi %eq3A_948, %ne3A_949 : vector<16xi1>
            %ne3A_951 = vector.broadcast %squeeze3A_478 : i32 to vector<16xi32>
            %ne3A_952 = arith.cmpi ne, %add3A_946, %ne3A_951 : vector<16xi32>
            %and3A_953 = arith.andi %and3A_950, %ne3A_952 : vector<16xi1>
            %jit3A_954 = arith.constant 2147483647 : i32
            %broadcast_in_dim3A_955 = vector.broadcast %jit3A_954 : i32 to vector<16xi32>
            %select_n3A_956 = arith.select %and3A_953, %add3A_946, %broadcast_in_dim3A_955 : vector<16xi1>, vector<16xi32>
            %min3A_957 = arith.minsi %scan3A_935, %select_n3A_956 : vector<16xi32>
            scf.yield %min3A_957 : vector<16xi32>
          }
          %scan3A_681 = arith.constant 25 : i32
          %iota3A_682 = tpu.iota {dimensions = array<i32: 0>} : vector<16xi32>
          %xor3A_683 = arith.constant 1 : i32
          %xor3A_684 = vector.broadcast %xor3A_683 : i32 to vector<16xi32>
          %xor3A_685 = arith.xori %iota3A_682, %xor3A_684 : vector<16xi32>
          %lt3A_686 = arith.constant 0 : i32
          %lt3A_687 = vector.broadcast %lt3A_686 : i32 to vector<16xi32>
          %lt3A_688 = arith.cmpi slt, %xor3A_685, %lt3A_687 : vector<16xi32>
          %add3A_689 = arith.constant 16 : i32
          %add3A_690 = vector.broadcast %add3A_689 : i32 to vector<16xi32>
          %add3A_691 = arith.addi %xor3A_685, %add3A_690 : vector<16xi32>
          %select_n3A_692 = arith.select %lt3A_688, %add3A_691, %xor3A_685 : vector<16xi1>, vector<16xi32>
          %broadcast_in_dim3A_693 = vector.shape_cast %select_n3A_692 : vector<16xi32> to vector<16x1xi32>
          %gather3A_694 = vector.shape_cast %broadcast_in_dim3A_693 : vector<16x1xi32> to vector<16xi32>
          %gather3A_695 = tpu.dynamic_gather %scan3A_680[%gather3A_694] in [0] : vector<16xi32>, vector<16xi32> -> vector<16xi32>
          %min3A_696 = arith.minsi %scan3A_680, %gather3A_695 : vector<16xi32>
          %xor3A_697 = arith.constant 2 : i32
          %xor3A_698 = vector.broadcast %xor3A_697 : i32 to vector<16xi32>
          %xor3A_699 = arith.xori %iota3A_682, %xor3A_698 : vector<16xi32>
          %lt3A_700 = arith.constant 0 : i32
          %lt3A_701 = vector.broadcast %lt3A_700 : i32 to vector<16xi32>
          %lt3A_702 = arith.cmpi slt, %xor3A_699, %lt3A_701 : vector<16xi32>
          %add3A_703 = arith.constant 16 : i32
          %add3A_704 = vector.broadcast %add3A_703 : i32 to vector<16xi32>
          %add3A_705 = arith.addi %xor3A_699, %add3A_704 : vector<16xi32>
          %select_n3A_706 = arith.select %lt3A_702, %add3A_705, %xor3A_699 : vector<16xi1>, vector<16xi32>
          %broadcast_in_dim3A_707 = vector.shape_cast %select_n3A_706 : vector<16xi32> to vector<16x1xi32>
          %gather3A_708 = vector.shape_cast %broadcast_in_dim3A_707 : vector<16x1xi32> to vector<16xi32>
          %gather3A_709 = tpu.dynamic_gather %min3A_696[%gather3A_708] in [0] : vector<16xi32>, vector<16xi32> -> vector<16xi32>
          %min3A_710 = arith.minsi %min3A_696, %gather3A_709 : vector<16xi32>
          %xor3A_711 = arith.constant 4 : i32
          %xor3A_712 = vector.broadcast %xor3A_711 : i32 to vector<16xi32>
          %xor3A_713 = arith.xori %iota3A_682, %xor3A_712 : vector<16xi32>
          %lt3A_714 = arith.constant 0 : i32
          %lt3A_715 = vector.broadcast %lt3A_714 : i32 to vector<16xi32>
          %lt3A_716 = arith.cmpi slt, %xor3A_713, %lt3A_715 : vector<16xi32>
          %add3A_717 = arith.constant 16 : i32
          %add3A_718 = vector.broadcast %add3A_717 : i32 to vector<16xi32>
          %add3A_719 = arith.addi %xor3A_713, %add3A_718 : vector<16xi32>
          %select_n3A_720 = arith.select %lt3A_716, %add3A_719, %xor3A_713 : vector<16xi1>, vector<16xi32>
          %broadcast_in_dim3A_721 = vector.shape_cast %select_n3A_720 : vector<16xi32> to vector<16x1xi32>
          %gather3A_722 = vector.shape_cast %broadcast_in_dim3A_721 : vector<16x1xi32> to vector<16xi32>
          %gather3A_723 = tpu.dynamic_gather %min3A_710[%gather3A_722] in [0] : vector<16xi32>, vector<16xi32> -> vector<16xi32>
          %min3A_724 = arith.minsi %min3A_710, %gather3A_723 : vector<16xi32>
          %xor3A_725 = arith.constant 8 : i32
          %xor3A_726 = vector.broadcast %xor3A_725 : i32 to vector<16xi32>
          %xor3A_727 = arith.xori %iota3A_682, %xor3A_726 : vector<16xi32>
          %lt3A_728 = arith.constant 0 : i32
          %lt3A_729 = vector.broadcast %lt3A_728 : i32 to vector<16xi32>
          %lt3A_730 = arith.cmpi slt, %xor3A_727, %lt3A_729 : vector<16xi32>
          %add3A_731 = arith.constant 16 : i32
          %add3A_732 = vector.broadcast %add3A_731 : i32 to vector<16xi32>
          %add3A_733 = arith.addi %xor3A_727, %add3A_732 : vector<16xi32>
          %select_n3A_734 = arith.select %lt3A_730, %add3A_733, %xor3A_727 : vector<16xi1>, vector<16xi32>
          %broadcast_in_dim3A_735 = vector.shape_cast %select_n3A_734 : vector<16xi32> to vector<16x1xi32>
          %gather3A_736 = vector.shape_cast %broadcast_in_dim3A_735 : vector<16x1xi32> to vector<16xi32>
          %gather3A_737 = tpu.dynamic_gather %min3A_724[%gather3A_736] in [0] : vector<16xi32>, vector<16xi32> -> vector<16xi32>
          %min3A_738 = arith.minsi %min3A_724, %gather3A_737 : vector<16xi32>
          %slice3A_739 = vector.extract_strided_slice %min3A_738 {offsets = [0], sizes = [1], strides = [1]} : vector<16xi32> to vector<1xi32>
          %squeeze3A_740 = vector.extract %slice3A_739[0] : i32 from vector<1xi32>
          %gt3A_741 = arith.cmpf ogt, %scan3A_125, %scan3A_124 : f32
          %eq3A_742 = arith.cmpf oeq, %scan3A_125, %scan3A_124 : f32
          %lt3A_743 = arith.cmpi slt, %scan3A_128, %scan3A_127 : i32
          %and3A = arith.andi %eq3A_742, %lt3A_743 : i1
          %or3A = arith.ori %gt3A_741, %and3A : i1
          %select_n3A_744 = arith.select %or3A, %scan3A_125, %scan3A_124 : f32
          %select_n3A_745 = arith.select %or3A, %scan3A_128, %scan3A_127 : i32
          %gt3A_746 = arith.cmpf ogt, %scan3A_126, %select_n3A_744 : f32
          %eq3A_747 = arith.cmpf oeq, %scan3A_126, %select_n3A_744 : f32
          %lt3A_748 = arith.cmpi slt, %scan3A_129, %select_n3A_745 : i32
          %and3A_749 = arith.andi %eq3A_747, %lt3A_748 : i1
          %or3A_750 = arith.ori %gt3A_746, %and3A_749 : i1
          %select_n3A_751 = arith.select %or3A_750, %scan3A_126, %select_n3A_744 : f32
          %select_n3A_752 = arith.select %or3A_750, %scan3A_129, %select_n3A_745 : i32
          %gt3A_753 = arith.cmpf ogt, %squeeze3A_412, %select_n3A_751 : f32
          %eq3A_754 = arith.cmpf oeq, %squeeze3A_412, %select_n3A_751 : f32
          %lt3A_755 = arith.cmpi slt, %squeeze3A_478, %select_n3A_752 : i32
          %and3A_756 = arith.andi %eq3A_754, %lt3A_755 : i1
          %or3A_757 = arith.ori %gt3A_753, %and3A_756 : i1
          %select_n3A_758 = arith.select %or3A_757, %squeeze3A_412, %select_n3A_751 : f32
          %select_n3A_759 = arith.select %or3A_757, %squeeze3A_478, %select_n3A_752 : i32
          %gt3A_760 = arith.cmpf ogt, %squeeze3A_544, %select_n3A_758 : f32
          %eq3A_761 = arith.cmpf oeq, %squeeze3A_544, %select_n3A_758 : f32
          %lt3A_762 = arith.cmpi slt, %squeeze3A_610, %select_n3A_759 : i32
          %and3A_763 = arith.andi %eq3A_761, %lt3A_762 : i1
          %or3A_764 = arith.ori %gt3A_760, %and3A_763 : i1
          %select_n3A_765 = arith.select %or3A_764, %squeeze3A_544, %select_n3A_758 : f32
          %select_n3A_766 = arith.select %or3A_764, %squeeze3A_610, %select_n3A_759 : i32
          %gt3A_767 = arith.cmpf ogt, %squeeze3A_675, %select_n3A_765 : f32
          %eq3A_768 = arith.cmpf oeq, %squeeze3A_675, %select_n3A_765 : f32
          %lt3A_769 = arith.cmpi slt, %squeeze3A_740, %select_n3A_766 : i32
          %and3A_770 = arith.andi %eq3A_768, %lt3A_769 : i1
          %or3A_771 = arith.ori %gt3A_767, %and3A_770 : i1
          %select_n3A_772 = arith.select %or3A_771, %squeeze3A_675, %select_n3A_765 : f32
          %select_n3A_773 = arith.select %or3A_771, %squeeze3A_740, %select_n3A_766 : i32
          %eq3A_774 = arith.cmpf oeq, %scan3A_124, %select_n3A_772 : f32
          %eq3A_775 = arith.cmpi eq, %scan3A_127, %select_n3A_773 : i32
          %and3A_776 = arith.andi %eq3A_774, %eq3A_775 : i1
          %jit3A_777 = arith.constant 0xFF800000 : f32
          %select_n3A_778 = arith.select %and3A_776, %jit3A_777, %scan3A_124 : f32
          %eq3A_779 = arith.cmpf oeq, %scan3A_125, %select_n3A_772 : f32
          %eq3A_780 = arith.cmpi eq, %scan3A_128, %select_n3A_773 : i32
          %and3A_781 = arith.andi %eq3A_779, %eq3A_780 : i1
          %jit3A_782 = arith.constant 0xFF800000 : f32
          %select_n3A_783 = arith.select %and3A_781, %jit3A_782, %scan3A_125 : f32
          %eq3A_784 = arith.cmpf oeq, %scan3A_126, %select_n3A_772 : f32
          %eq3A_785 = arith.cmpi eq, %scan3A_129, %select_n3A_773 : i32
          %and3A_786 = arith.andi %eq3A_784, %eq3A_785 : i1
          %jit3A_787 = arith.constant 0xFF800000 : f32
          %select_n3A_788 = arith.select %and3A_786, %jit3A_787, %scan3A_126 : f32
          %eq3A_789 = arith.cmpf oeq, %squeeze3A_412, %select_n3A_772 : f32
          %eq3A_790 = arith.cmpi eq, %squeeze3A_478, %select_n3A_773 : i32
          %and3A_791 = arith.andi %eq3A_789, %eq3A_790 : i1
          %jit3A_792 = arith.constant 0xFF800000 : f32
          %select_n3A_793 = arith.select %and3A_791, %jit3A_792, %squeeze3A_412 : f32
          %eq3A_794 = arith.cmpf oeq, %squeeze3A_544, %select_n3A_772 : f32
          %eq3A_795 = arith.cmpi eq, %squeeze3A_610, %select_n3A_773 : i32
          %and3A_796 = arith.andi %eq3A_794, %eq3A_795 : i1
          %jit3A_797 = arith.constant 0xFF800000 : f32
          %select_n3A_798 = arith.select %and3A_796, %jit3A_797, %squeeze3A_544 : f32
          %eq3A_799 = arith.cmpf oeq, %squeeze3A_675, %select_n3A_772 : f32
          %eq3A_800 = arith.cmpi eq, %squeeze3A_740, %select_n3A_773 : i32
          %and3A_801 = arith.andi %eq3A_799, %eq3A_800 : i1
          %jit3A_802 = arith.constant 0xFF800000 : f32
          %select_n3A_803 = arith.select %and3A_801, %jit3A_802, %squeeze3A_675 : f32
          %gt3A_804 = arith.cmpf ogt, %select_n3A_783, %select_n3A_778 : f32
          %eq3A_805 = arith.cmpf oeq, %select_n3A_783, %select_n3A_778 : f32
          %lt3A_806 = arith.cmpi slt, %scan3A_128, %scan3A_127 : i32
          %and3A_807 = arith.andi %eq3A_805, %lt3A_806 : i1
          %or3A_808 = arith.ori %gt3A_804, %and3A_807 : i1
          %select_n3A_809 = arith.select %or3A_808, %select_n3A_783, %select_n3A_778 : f32
          %select_n3A_810 = arith.select %or3A_808, %scan3A_128, %scan3A_127 : i32
          %gt3A_811 = arith.cmpf ogt, %select_n3A_788, %select_n3A_809 : f32
          %eq3A_812 = arith.cmpf oeq, %select_n3A_788, %select_n3A_809 : f32
          %lt3A_813 = arith.cmpi slt, %scan3A_129, %select_n3A_810 : i32
          %and3A_814 = arith.andi %eq3A_812, %lt3A_813 : i1
          %or3A_815 = arith.ori %gt3A_811, %and3A_814 : i1
          %select_n3A_816 = arith.select %or3A_815, %select_n3A_788, %select_n3A_809 : f32
          %select_n3A_817 = arith.select %or3A_815, %scan3A_129, %select_n3A_810 : i32
          %gt3A_818 = arith.cmpf ogt, %select_n3A_793, %select_n3A_816 : f32
          %eq3A_819 = arith.cmpf oeq, %select_n3A_793, %select_n3A_816 : f32
          %lt3A_820 = arith.cmpi slt, %squeeze3A_478, %select_n3A_817 : i32
          %and3A_821 = arith.andi %eq3A_819, %lt3A_820 : i1
          %or3A_822 = arith.ori %gt3A_818, %and3A_821 : i1
          %select_n3A_823 = arith.select %or3A_822, %select_n3A_793, %select_n3A_816 : f32
          %select_n3A_824 = arith.select %or3A_822, %squeeze3A_478, %select_n3A_817 : i32
          %gt3A_825 = arith.cmpf ogt, %select_n3A_798, %select_n3A_823 : f32
          %eq3A_826 = arith.cmpf oeq, %select_n3A_798, %select_n3A_823 : f32
          %lt3A_827 = arith.cmpi slt, %squeeze3A_610, %select_n3A_824 : i32
          %and3A_828 = arith.andi %eq3A_826, %lt3A_827 : i1
          %or3A_829 = arith.ori %gt3A_825, %and3A_828 : i1
          %select_n3A_830 = arith.select %or3A_829, %select_n3A_798, %select_n3A_823 : f32
          %select_n3A_831 = arith.select %or3A_829, %squeeze3A_610, %select_n3A_824 : i32
          %gt3A_832 = arith.cmpf ogt, %select_n3A_803, %select_n3A_830 : f32
          %eq3A_833 = arith.cmpf oeq, %select_n3A_803, %select_n3A_830 : f32
          %lt3A_834 = arith.cmpi slt, %squeeze3A_740, %select_n3A_831 : i32
          %and3A_835 = arith.andi %eq3A_833, %lt3A_834 : i1
          %or3A_836 = arith.ori %gt3A_832, %and3A_835 : i1
          %select_n3A_837 = arith.select %or3A_836, %select_n3A_803, %select_n3A_830 : f32
          %select_n3A_838 = arith.select %or3A_836, %squeeze3A_740, %select_n3A_831 : i32
          %eq3A_839 = arith.cmpf oeq, %select_n3A_778, %select_n3A_837 : f32
          %eq3A_840 = arith.cmpi eq, %scan3A_127, %select_n3A_838 : i32
          %and3A_841 = arith.andi %eq3A_839, %eq3A_840 : i1
          %jit3A_842 = arith.constant 0xFF800000 : f32
          %select_n3A_843 = arith.select %and3A_841, %jit3A_842, %select_n3A_778 : f32
          %eq3A_844 = arith.cmpf oeq, %select_n3A_783, %select_n3A_837 : f32
          %eq3A_845 = arith.cmpi eq, %scan3A_128, %select_n3A_838 : i32
          %and3A_846 = arith.andi %eq3A_844, %eq3A_845 : i1
          %jit3A_847 = arith.constant 0xFF800000 : f32
          %select_n3A_848 = arith.select %and3A_846, %jit3A_847, %select_n3A_783 : f32
          %eq3A_849 = arith.cmpf oeq, %select_n3A_788, %select_n3A_837 : f32
          %eq3A_850 = arith.cmpi eq, %scan3A_129, %select_n3A_838 : i32
          %and3A_851 = arith.andi %eq3A_849, %eq3A_850 : i1
          %jit3A_852 = arith.constant 0xFF800000 : f32
          %select_n3A_853 = arith.select %and3A_851, %jit3A_852, %select_n3A_788 : f32
          %eq3A_854 = arith.cmpf oeq, %select_n3A_793, %select_n3A_837 : f32
          %eq3A_855 = arith.cmpi eq, %squeeze3A_478, %select_n3A_838 : i32
          %and3A_856 = arith.andi %eq3A_854, %eq3A_855 : i1
          %jit3A_857 = arith.constant 0xFF800000 : f32
          %select_n3A_858 = arith.select %and3A_856, %jit3A_857, %select_n3A_793 : f32
          %eq3A_859 = arith.cmpf oeq, %select_n3A_798, %select_n3A_837 : f32
          %eq3A_860 = arith.cmpi eq, %squeeze3A_610, %select_n3A_838 : i32
          %and3A_861 = arith.andi %eq3A_859, %eq3A_860 : i1
          %jit3A_862 = arith.constant 0xFF800000 : f32
          %select_n3A_863 = arith.select %and3A_861, %jit3A_862, %select_n3A_798 : f32
          %eq3A_864 = arith.cmpf oeq, %select_n3A_803, %select_n3A_837 : f32
          %eq3A_865 = arith.cmpi eq, %squeeze3A_740, %select_n3A_838 : i32
          %and3A_866 = arith.andi %eq3A_864, %eq3A_865 : i1
          %jit3A_867 = arith.constant 0xFF800000 : f32
          %select_n3A_868 = arith.select %and3A_866, %jit3A_867, %select_n3A_803 : f32
          %gt3A_869 = arith.cmpf ogt, %select_n3A_848, %select_n3A_843 : f32
          %eq3A_870 = arith.cmpf oeq, %select_n3A_848, %select_n3A_843 : f32
          %lt3A_871 = arith.cmpi slt, %scan3A_128, %scan3A_127 : i32
          %and3A_872 = arith.andi %eq3A_870, %lt3A_871 : i1
          %or3A_873 = arith.ori %gt3A_869, %and3A_872 : i1
          %select_n3A_874 = arith.select %or3A_873, %select_n3A_848, %select_n3A_843 : f32
          %select_n3A_875 = arith.select %or3A_873, %scan3A_128, %scan3A_127 : i32
          %gt3A_876 = arith.cmpf ogt, %select_n3A_853, %select_n3A_874 : f32
          %eq3A_877 = arith.cmpf oeq, %select_n3A_853, %select_n3A_874 : f32
          %lt3A_878 = arith.cmpi slt, %scan3A_129, %select_n3A_875 : i32
          %and3A_879 = arith.andi %eq3A_877, %lt3A_878 : i1
          %or3A_880 = arith.ori %gt3A_876, %and3A_879 : i1
          %select_n3A_881 = arith.select %or3A_880, %select_n3A_853, %select_n3A_874 : f32
          %select_n3A_882 = arith.select %or3A_880, %scan3A_129, %select_n3A_875 : i32
          %gt3A_883 = arith.cmpf ogt, %select_n3A_858, %select_n3A_881 : f32
          %eq3A_884 = arith.cmpf oeq, %select_n3A_858, %select_n3A_881 : f32
          %lt3A_885 = arith.cmpi slt, %squeeze3A_478, %select_n3A_882 : i32
          %and3A_886 = arith.andi %eq3A_884, %lt3A_885 : i1
          %or3A_887 = arith.ori %gt3A_883, %and3A_886 : i1
          %select_n3A_888 = arith.select %or3A_887, %select_n3A_858, %select_n3A_881 : f32
          %select_n3A_889 = arith.select %or3A_887, %squeeze3A_478, %select_n3A_882 : i32
          %gt3A_890 = arith.cmpf ogt, %select_n3A_863, %select_n3A_888 : f32
          %eq3A_891 = arith.cmpf oeq, %select_n3A_863, %select_n3A_888 : f32
          %lt3A_892 = arith.cmpi slt, %squeeze3A_610, %select_n3A_889 : i32
          %and3A_893 = arith.andi %eq3A_891, %lt3A_892 : i1
          %or3A_894 = arith.ori %gt3A_890, %and3A_893 : i1
          %select_n3A_895 = arith.select %or3A_894, %select_n3A_863, %select_n3A_888 : f32
          %select_n3A_896 = arith.select %or3A_894, %squeeze3A_610, %select_n3A_889 : i32
          %gt3A_897 = arith.cmpf ogt, %select_n3A_868, %select_n3A_895 : f32
          %eq3A_898 = arith.cmpf oeq, %select_n3A_868, %select_n3A_895 : f32
          %lt3A_899 = arith.cmpi slt, %squeeze3A_740, %select_n3A_896 : i32
          %and3A_900 = arith.andi %eq3A_898, %lt3A_899 : i1
          %or3A_901 = arith.ori %gt3A_897, %and3A_900 : i1
          %select_n3A_902 = arith.select %or3A_901, %select_n3A_868, %select_n3A_895 : f32
          %select_n3A_903 = arith.select %or3A_901, %squeeze3A_740, %select_n3A_896 : i32
          %eq3A_904 = arith.cmpf oeq, %select_n3A_843, %select_n3A_902 : f32
          %eq3A_905 = arith.cmpi eq, %scan3A_127, %select_n3A_903 : i32
          %and3A_906 = arith.andi %eq3A_904, %eq3A_905 : i1
          %jit3A_907 = arith.constant 0xFF800000 : f32
          %select_n3A_908 = arith.select %and3A_906, %jit3A_907, %select_n3A_843 : f32
          %eq3A_909 = arith.cmpf oeq, %select_n3A_848, %select_n3A_902 : f32
          %eq3A_910 = arith.cmpi eq, %scan3A_128, %select_n3A_903 : i32
          %and3A_911 = arith.andi %eq3A_909, %eq3A_910 : i1
          %jit3A_912 = arith.constant 0xFF800000 : f32
          %select_n3A_913 = arith.select %and3A_911, %jit3A_912, %select_n3A_848 : f32
          %eq3A_914 = arith.cmpf oeq, %select_n3A_853, %select_n3A_902 : f32
          %eq3A_915 = arith.cmpi eq, %scan3A_129, %select_n3A_903 : i32
          %and3A_916 = arith.andi %eq3A_914, %eq3A_915 : i1
          %jit3A_917 = arith.constant 0xFF800000 : f32
          %select_n3A_918 = arith.select %and3A_916, %jit3A_917, %select_n3A_853 : f32
          %eq3A_919 = arith.cmpf oeq, %select_n3A_858, %select_n3A_902 : f32
          %eq3A_920 = arith.cmpi eq, %squeeze3A_478, %select_n3A_903 : i32
          %and3A_921 = arith.andi %eq3A_919, %eq3A_920 : i1
          %jit3A_922 = arith.constant 0xFF800000 : f32
          %select_n3A_923 = arith.select %and3A_921, %jit3A_922, %select_n3A_858 : f32
          %eq3A_924 = arith.cmpf oeq, %select_n3A_863, %select_n3A_902 : f32
          %eq3A_925 = arith.cmpi eq, %squeeze3A_610, %select_n3A_903 : i32
          %and3A_926 = arith.andi %eq3A_924, %eq3A_925 : i1
          %jit3A_927 = arith.constant 0xFF800000 : f32
          %select_n3A_928 = arith.select %and3A_926, %jit3A_927, %select_n3A_863 : f32
          %eq3A_929 = arith.cmpf oeq, %select_n3A_868, %select_n3A_902 : f32
          %eq3A_930 = arith.cmpi eq, %squeeze3A_740, %select_n3A_903 : i32
          %and3A_931 = arith.andi %eq3A_929, %eq3A_930 : i1
          %jit3A_932 = arith.constant 0xFF800000 : f32
          %select_n3A_933 = arith.select %and3A_931, %jit3A_932, %select_n3A_868 : f32
          scf.yield %select_n3A_772, %select_n3A_837, %select_n3A_902, %select_n3A_773, %select_n3A_838, %select_n3A_903 : f32, f32, f32, i32, i32, i32
        } else {
          scf.yield %scan3A_124, %scan3A_125, %scan3A_126, %scan3A_127, %scan3A_128, %scan3A_129 : f32, f32, f32, i32, i32, i32
        }
        scf.yield %cond3A_339#0, %cond3A_339#1, %cond3A_339#2, %cond3A_339#3, %cond3A_339#4, %cond3A_339#5 : f32, f32, f32, i32, i32, i32
      }
      %scan3A_74 = arith.constant 50 : i32
      %dma_wait3A_75 = tpu.memref_slice %arg2[%add3A_48] : memref<25600000xf32, #tpu.memory_space<hbm>> -> memref<20000xf32, #tpu.memory_space<hbm>>
      %dma_wait3A_76 = tpu.memref_slice %arg2[%add3A_48] : memref<25600000xf32, #tpu.memory_space<hbm>> -> memref<20000xf32, #tpu.memory_space<hbm>>
      tpu.wait_dma2 semaphore(%arg11 : memref<!tpu.dma_semaphore, #tpu.memory_space<semaphore_mem>>) src(%dma_wait3A_76 : memref<20000xf32, #tpu.memory_space<hbm>>) dst(%arg5 : memref<20000xf32, #tpu.memory_space<vmem>>)
      %scan3A_77 = arith.constant 0 : i32
      %scan3A_78 = arith.constant 50 : i32
      %scan3A_79 = arith.addi %scan3A_77, %scan3A_78 : i32
      %scan3A_80 = arith.constant 1 : i32
      %scan3A_81:6 = scf.for %scan3A_123 = %scan3A_77 to %scan3A_79 step %scan3A_80 iter_args(%scan3A_124 = %scan3A_73#0, %scan3A_125 = %scan3A_73#1, %scan3A_126 = %scan3A_73#2, %scan3A_127 = %scan3A_73#3, %scan3A_128 = %scan3A_73#4, %scan3A_129 = %scan3A_73#5) -> (f32, f32, f32, i32, i32, i32)  : i32 {
        %mul3A_130 = arith.constant 400 : i32
        %mul3A_131 = arith.muli %scan3A_123, %mul3A_130 : i32
        %add3A_132 = arith.constant 0 : i32
        %add3A_133 = arith.addi %mul3A_131, %add3A_132 : i32
        %get3A = arith.index_cast %add3A_133 : i32 to index
        %get3A_134 = tpu.vector_load %arg5[%get3A] {strides = array<i32>} : memref<20000xf32, #tpu.memory_space<vmem>>, vector<16xf32>,
        %get3A_135 = vector.shape_cast %get3A_134 : vector<16xf32> to vector<16xf32>
        %max3A = arith.maximumf %broadcast_in_dim3A_1, %get3A_135 : vector<16xf32>
        %add3A_136 = arith.constant 16 : i32
        %add3A_137 = arith.addi %mul3A_131, %add3A_136 : i32
        %get3A_138 = arith.index_cast %add3A_137 : i32 to index
        %get3A_139 = tpu.vector_load %arg5[%get3A_138] {strides = array<i32>} : memref<20000xf32, #tpu.memory_space<vmem>>, vector<16xf32>,
        %get3A_140 = vector.shape_cast %get3A_139 : vector<16xf32> to vector<16xf32>
        %max3A_141 = arith.maximumf %broadcast_in_dim3A_1, %get3A_140 : vector<16xf32>
        %add3A_142 = arith.constant 32 : i32
        %add3A_143 = arith.addi %mul3A_131, %add3A_142 : i32
        %get3A_144 = arith.index_cast %add3A_143 : i32 to index
        %get3A_145 = tpu.vector_load %arg5[%get3A_144] {strides = array<i32>} : memref<20000xf32, #tpu.memory_space<vmem>>, vector<16xf32>,
        %get3A_146 = vector.shape_cast %get3A_145 : vector<16xf32> to vector<16xf32>
        %max3A_147 = arith.maximumf %broadcast_in_dim3A_1, %get3A_146 : vector<16xf32>
        %add3A_148 = arith.constant 48 : i32
        %add3A_149 = arith.addi %mul3A_131, %add3A_148 : i32
        %get3A_150 = arith.index_cast %add3A_149 : i32 to index
        %get3A_151 = tpu.vector_load %arg5[%get3A_150] {strides = array<i32>} : memref<20000xf32, #tpu.memory_space<vmem>>, vector<16xf32>,
        %get3A_152 = vector.shape_cast %get3A_151 : vector<16xf32> to vector<16xf32>
        %max3A_153 = arith.maximumf %broadcast_in_dim3A_1, %get3A_152 : vector<16xf32>
        %add3A_154 = arith.constant 64 : i32
        %add3A_155 = arith.addi %mul3A_131, %add3A_154 : i32
        %get3A_156 = arith.index_cast %add3A_155 : i32 to index
        %get3A_157 = tpu.vector_load %arg5[%get3A_156] {strides = array<i32>} : memref<20000xf32, #tpu.memory_space<vmem>>, vector<16xf32>,
        %get3A_158 = vector.shape_cast %get3A_157 : vector<16xf32> to vector<16xf32>
        %max3A_159 = arith.maximumf %broadcast_in_dim3A_1, %get3A_158 : vector<16xf32>
        %add3A_160 = arith.constant 80 : i32
        %add3A_161 = arith.addi %mul3A_131, %add3A_160 : i32
        %get3A_162 = arith.index_cast %add3A_161 : i32 to index
        %get3A_163 = tpu.vector_load %arg5[%get3A_162] {strides = array<i32>} : memref<20000xf32, #tpu.memory_space<vmem>>, vector<16xf32>,
        %get3A_164 = vector.shape_cast %get3A_163 : vector<16xf32> to vector<16xf32>
        %max3A_165 = arith.maximumf %max3A, %get3A_164 : vector<16xf32>
        %add3A_166 = arith.constant 96 : i32
        %add3A_167 = arith.addi %mul3A_131, %add3A_166 : i32
        %get3A_168 = arith.index_cast %add3A_167 : i32 to index
        %get3A_169 = tpu.vector_load %arg5[%get3A_168] {strides = array<i32>} : memref<20000xf32, #tpu.memory_space<vmem>>, vector<16xf32>,
        %get3A_170 = vector.shape_cast %get3A_169 : vector<16xf32> to vector<16xf32>
        %max3A_171 = arith.maximumf %max3A_141, %get3A_170 : vector<16xf32>
        %add3A_172 = arith.constant 112 : i32
        %add3A_173 = arith.addi %mul3A_131, %add3A_172 : i32
        %get3A_174 = arith.index_cast %add3A_173 : i32 to index
        %get3A_175 = tpu.vector_load %arg5[%get3A_174] {strides = array<i32>} : memref<20000xf32, #tpu.memory_space<vmem>>, vector<16xf32>,
        %get3A_176 = vector.shape_cast %get3A_175 : vector<16xf32> to vector<16xf32>
        %max3A_177 = arith.maximumf %max3A_147, %get3A_176 : vector<16xf32>
        %add3A_178 = arith.constant 128 : i32
        %add3A_179 = arith.addi %mul3A_131, %add3A_178 : i32
        %get3A_180 = arith.index_cast %add3A_179 : i32 to index
        %get3A_181 = tpu.vector_load %arg5[%get3A_180] {strides = array<i32>} : memref<20000xf32, #tpu.memory_space<vmem>>, vector<16xf32>,
        %get3A_182 = vector.shape_cast %get3A_181 : vector<16xf32> to vector<16xf32>
        %max3A_183 = arith.maximumf %max3A_153, %get3A_182 : vector<16xf32>
        %add3A_184 = arith.constant 144 : i32
        %add3A_185 = arith.addi %mul3A_131, %add3A_184 : i32
        %get3A_186 = arith.index_cast %add3A_185 : i32 to index
        %get3A_187 = tpu.vector_load %arg5[%get3A_186] {strides = array<i32>} : memref<20000xf32, #tpu.memory_space<vmem>>, vector<16xf32>,
        %get3A_188 = vector.shape_cast %get3A_187 : vector<16xf32> to vector<16xf32>
        %max3A_189 = arith.maximumf %max3A_159, %get3A_188 : vector<16xf32>
        %add3A_190 = arith.constant 160 : i32
        %add3A_191 = arith.addi %mul3A_131, %add3A_190 : i32
        %get3A_192 = arith.index_cast %add3A_191 : i32 to index
        %get3A_193 = tpu.vector_load %arg5[%get3A_192] {strides = array<i32>} : memref<20000xf32, #tpu.memory_space<vmem>>, vector<16xf32>,
        %get3A_194 = vector.shape_cast %get3A_193 : vector<16xf32> to vector<16xf32>
        %max3A_195 = arith.maximumf %max3A_165, %get3A_194 : vector<16xf32>
        %add3A_196 = arith.constant 176 : i32
        %add3A_197 = arith.addi %mul3A_131, %add3A_196 : i32
        %get3A_198 = arith.index_cast %add3A_197 : i32 to index
        %get3A_199 = tpu.vector_load %arg5[%get3A_198] {strides = array<i32>} : memref<20000xf32, #tpu.memory_space<vmem>>, vector<16xf32>,
        %get3A_200 = vector.shape_cast %get3A_199 : vector<16xf32> to vector<16xf32>
        %max3A_201 = arith.maximumf %max3A_171, %get3A_200 : vector<16xf32>
        %add3A_202 = arith.constant 192 : i32
        %add3A_203 = arith.addi %mul3A_131, %add3A_202 : i32
        %get3A_204 = arith.index_cast %add3A_203 : i32 to index
        %get3A_205 = tpu.vector_load %arg5[%get3A_204] {strides = array<i32>} : memref<20000xf32, #tpu.memory_space<vmem>>, vector<16xf32>,
        %get3A_206 = vector.shape_cast %get3A_205 : vector<16xf32> to vector<16xf32>
        %max3A_207 = arith.maximumf %max3A_177, %get3A_206 : vector<16xf32>
        %add3A_208 = arith.constant 208 : i32
        %add3A_209 = arith.addi %mul3A_131, %add3A_208 : i32
        %get3A_210 = arith.index_cast %add3A_209 : i32 to index
        %get3A_211 = tpu.vector_load %arg5[%get3A_210] {strides = array<i32>} : memref<20000xf32, #tpu.memory_space<vmem>>, vector<16xf32>,
        %get3A_212 = vector.shape_cast %get3A_211 : vector<16xf32> to vector<16xf32>
        %max3A_213 = arith.maximumf %max3A_183, %get3A_212 : vector<16xf32>
        %add3A_214 = arith.constant 224 : i32
        %add3A_215 = arith.addi %mul3A_131, %add3A_214 : i32
        %get3A_216 = arith.index_cast %add3A_215 : i32 to index
        %get3A_217 = tpu.vector_load %arg5[%get3A_216] {strides = array<i32>} : memref<20000xf32, #tpu.memory_space<vmem>>, vector<16xf32>,
        %get3A_218 = vector.shape_cast %get3A_217 : vector<16xf32> to vector<16xf32>
        %max3A_219 = arith.maximumf %max3A_189, %get3A_218 : vector<16xf32>
        %add3A_220 = arith.constant 240 : i32
        %add3A_221 = arith.addi %mul3A_131, %add3A_220 : i32
        %get3A_222 = arith.index_cast %add3A_221 : i32 to index
        %get3A_223 = tpu.vector_load %arg5[%get3A_222] {strides = array<i32>} : memref<20000xf32, #tpu.memory_space<vmem>>, vector<16xf32>,
        %get3A_224 = vector.shape_cast %get3A_223 : vector<16xf32> to vector<16xf32>
        %max3A_225 = arith.maximumf %max3A_195, %get3A_224 : vector<16xf32>
        %add3A_226 = arith.constant 256 : i32
        %add3A_227 = arith.addi %mul3A_131, %add3A_226 : i32
        %get3A_228 = arith.index_cast %add3A_227 : i32 to index
        %get3A_229 = tpu.vector_load %arg5[%get3A_228] {strides = array<i32>} : memref<20000xf32, #tpu.memory_space<vmem>>, vector<16xf32>,
        %get3A_230 = vector.shape_cast %get3A_229 : vector<16xf32> to vector<16xf32>
        %max3A_231 = arith.maximumf %max3A_201, %get3A_230 : vector<16xf32>
        %add3A_232 = arith.constant 272 : i32
        %add3A_233 = arith.addi %mul3A_131, %add3A_232 : i32
        %get3A_234 = arith.index_cast %add3A_233 : i32 to index
        %get3A_235 = tpu.vector_load %arg5[%get3A_234] {strides = array<i32>} : memref<20000xf32, #tpu.memory_space<vmem>>, vector<16xf32>,
        %get3A_236 = vector.shape_cast %get3A_235 : vector<16xf32> to vector<16xf32>
        %max3A_237 = arith.maximumf %max3A_207, %get3A_236 : vector<16xf32>
        %add3A_238 = arith.constant 288 : i32
        %add3A_239 = arith.addi %mul3A_131, %add3A_238 : i32
        %get3A_240 = arith.index_cast %add3A_239 : i32 to index
        %get3A_241 = tpu.vector_load %arg5[%get3A_240] {strides = array<i32>} : memref<20000xf32, #tpu.memory_space<vmem>>, vector<16xf32>,
        %get3A_242 = vector.shape_cast %get3A_241 : vector<16xf32> to vector<16xf32>
        %max3A_243 = arith.maximumf %max3A_213, %get3A_242 : vector<16xf32>
        %add3A_244 = arith.constant 304 : i32
        %add3A_245 = arith.addi %mul3A_131, %add3A_244 : i32
        %get3A_246 = arith.index_cast %add3A_245 : i32 to index
        %get3A_247 = tpu.vector_load %arg5[%get3A_246] {strides = array<i32>} : memref<20000xf32, #tpu.memory_space<vmem>>, vector<16xf32>,
        %get3A_248 = vector.shape_cast %get3A_247 : vector<16xf32> to vector<16xf32>
        %max3A_249 = arith.maximumf %max3A_219, %get3A_248 : vector<16xf32>
        %add3A_250 = arith.constant 320 : i32
        %add3A_251 = arith.addi %mul3A_131, %add3A_250 : i32
        %get3A_252 = arith.index_cast %add3A_251 : i32 to index
        %get3A_253 = tpu.vector_load %arg5[%get3A_252] {strides = array<i32>} : memref<20000xf32, #tpu.memory_space<vmem>>, vector<16xf32>,
        %get3A_254 = vector.shape_cast %get3A_253 : vector<16xf32> to vector<16xf32>
        %max3A_255 = arith.maximumf %max3A_225, %get3A_254 : vector<16xf32>
        %add3A_256 = arith.constant 336 : i32
        %add3A_257 = arith.addi %mul3A_131, %add3A_256 : i32
        %get3A_258 = arith.index_cast %add3A_257 : i32 to index
        %get3A_259 = tpu.vector_load %arg5[%get3A_258] {strides = array<i32>} : memref<20000xf32, #tpu.memory_space<vmem>>, vector<16xf32>,
        %get3A_260 = vector.shape_cast %get3A_259 : vector<16xf32> to vector<16xf32>
        %max3A_261 = arith.maximumf %max3A_231, %get3A_260 : vector<16xf32>
        %add3A_262 = arith.constant 352 : i32
        %add3A_263 = arith.addi %mul3A_131, %add3A_262 : i32
        %get3A_264 = arith.index_cast %add3A_263 : i32 to index
        %get3A_265 = tpu.vector_load %arg5[%get3A_264] {strides = array<i32>} : memref<20000xf32, #tpu.memory_space<vmem>>, vector<16xf32>,
        %get3A_266 = vector.shape_cast %get3A_265 : vector<16xf32> to vector<16xf32>
        %max3A_267 = arith.maximumf %max3A_237, %get3A_266 : vector<16xf32>
        %add3A_268 = arith.constant 368 : i32
        %add3A_269 = arith.addi %mul3A_131, %add3A_268 : i32
        %get3A_270 = arith.index_cast %add3A_269 : i32 to index
        %get3A_271 = tpu.vector_load %arg5[%get3A_270] {strides = array<i32>} : memref<20000xf32, #tpu.memory_space<vmem>>, vector<16xf32>,
        %get3A_272 = vector.shape_cast %get3A_271 : vector<16xf32> to vector<16xf32>
        %max3A_273 = arith.maximumf %max3A_243, %get3A_272 : vector<16xf32>
        %add3A_274 = arith.constant 384 : i32
        %add3A_275 = arith.addi %mul3A_131, %add3A_274 : i32
        %get3A_276 = arith.index_cast %add3A_275 : i32 to index
        %get3A_277 = tpu.vector_load %arg5[%get3A_276] {strides = array<i32>} : memref<20000xf32, #tpu.memory_space<vmem>>, vector<16xf32>,
        %get3A_278 = vector.shape_cast %get3A_277 : vector<16xf32> to vector<16xf32>
        %max3A_279 = arith.maximumf %max3A_249, %get3A_278 : vector<16xf32>
        %max3A_280 = arith.maximumf %max3A_255, %max3A_261 : vector<16xf32>
        %max3A_281 = arith.maximumf %max3A_280, %max3A_267 : vector<16xf32>
        %max3A_282 = arith.maximumf %max3A_281, %max3A_273 : vector<16xf32>
        %max3A_283 = arith.maximumf %max3A_282, %max3A_279 : vector<16xf32>
        %iota3A_284 = tpu.iota {dimensions = array<i32: 0>} : vector<16xi32>
        %xor3A = arith.constant 1 : i32
        %xor3A_285 = vector.broadcast %xor3A : i32 to vector<16xi32>
        %xor3A_286 = arith.xori %iota3A_284, %xor3A_285 : vector<16xi32>
        %lt3A = arith.constant 0 : i32
        %lt3A_287 = vector.broadcast %lt3A : i32 to vector<16xi32>
        %lt3A_288 = arith.cmpi slt, %xor3A_286, %lt3A_287 : vector<16xi32>
        %add3A_289 = arith.constant 16 : i32
        %add3A_290 = vector.broadcast %add3A_289 : i32 to vector<16xi32>
        %add3A_291 = arith.addi %xor3A_286, %add3A_290 : vector<16xi32>
        %select_n3A_292 = arith.select %lt3A_288, %add3A_291, %xor3A_286 : vector<16xi1>, vector<16xi32>
        %broadcast_in_dim3A_293 = vector.shape_cast %select_n3A_292 : vector<16xi32> to vector<16x1xi32>
        %gather3A = vector.shape_cast %broadcast_in_dim3A_293 : vector<16x1xi32> to vector<16xi32>
        %gather3A_294 = tpu.dynamic_gather %max3A_283[%gather3A] in [0] : vector<16xf32>, vector<16xi32> -> vector<16xf32>
        %max3A_295 = arith.maximumf %max3A_283, %gather3A_294 : vector<16xf32>
        %xor3A_296 = arith.constant 2 : i32
        %xor3A_297 = vector.broadcast %xor3A_296 : i32 to vector<16xi32>
        %xor3A_298 = arith.xori %iota3A_284, %xor3A_297 : vector<16xi32>
        %lt3A_299 = arith.constant 0 : i32
        %lt3A_300 = vector.broadcast %lt3A_299 : i32 to vector<16xi32>
        %lt3A_301 = arith.cmpi slt, %xor3A_298, %lt3A_300 : vector<16xi32>
        %add3A_302 = arith.constant 16 : i32
        %add3A_303 = vector.broadcast %add3A_302 : i32 to vector<16xi32>
        %add3A_304 = arith.addi %xor3A_298, %add3A_303 : vector<16xi32>
        %select_n3A_305 = arith.select %lt3A_301, %add3A_304, %xor3A_298 : vector<16xi1>, vector<16xi32>
        %broadcast_in_dim3A_306 = vector.shape_cast %select_n3A_305 : vector<16xi32> to vector<16x1xi32>
        %gather3A_307 = vector.shape_cast %broadcast_in_dim3A_306 : vector<16x1xi32> to vector<16xi32>
        %gather3A_308 = tpu.dynamic_gather %max3A_295[%gather3A_307] in [0] : vector<16xf32>, vector<16xi32> -> vector<16xf32>
        %max3A_309 = arith.maximumf %max3A_295, %gather3A_308 : vector<16xf32>
        %xor3A_310 = arith.constant 4 : i32
        %xor3A_311 = vector.broadcast %xor3A_310 : i32 to vector<16xi32>
        %xor3A_312 = arith.xori %iota3A_284, %xor3A_311 : vector<16xi32>
        %lt3A_313 = arith.constant 0 : i32
        %lt3A_314 = vector.broadcast %lt3A_313 : i32 to vector<16xi32>
        %lt3A_315 = arith.cmpi slt, %xor3A_312, %lt3A_314 : vector<16xi32>
        %add3A_316 = arith.constant 16 : i32
        %add3A_317 = vector.broadcast %add3A_316 : i32 to vector<16xi32>
        %add3A_318 = arith.addi %xor3A_312, %add3A_317 : vector<16xi32>
        %select_n3A_319 = arith.select %lt3A_315, %add3A_318, %xor3A_312 : vector<16xi1>, vector<16xi32>
        %broadcast_in_dim3A_320 = vector.shape_cast %select_n3A_319 : vector<16xi32> to vector<16x1xi32>
        %gather3A_321 = vector.shape_cast %broadcast_in_dim3A_320 : vector<16x1xi32> to vector<16xi32>
        %gather3A_322 = tpu.dynamic_gather %max3A_309[%gather3A_321] in [0] : vector<16xf32>, vector<16xi32> -> vector<16xf32>
        %max3A_323 = arith.maximumf %max3A_309, %gather3A_322 : vector<16xf32>
        %xor3A_324 = arith.constant 8 : i32
        %xor3A_325 = vector.broadcast %xor3A_324 : i32 to vector<16xi32>
        %xor3A_326 = arith.xori %iota3A_284, %xor3A_325 : vector<16xi32>
        %lt3A_327 = arith.constant 0 : i32
        %lt3A_328 = vector.broadcast %lt3A_327 : i32 to vector<16xi32>
        %lt3A_329 = arith.cmpi slt, %xor3A_326, %lt3A_328 : vector<16xi32>
        %add3A_330 = arith.constant 16 : i32
        %add3A_331 = vector.broadcast %add3A_330 : i32 to vector<16xi32>
        %add3A_332 = arith.addi %xor3A_326, %add3A_331 : vector<16xi32>
        %select_n3A_333 = arith.select %lt3A_329, %add3A_332, %xor3A_326 : vector<16xi1>, vector<16xi32>
        %broadcast_in_dim3A_334 = vector.shape_cast %select_n3A_333 : vector<16xi32> to vector<16x1xi32>
        %gather3A_335 = vector.shape_cast %broadcast_in_dim3A_334 : vector<16x1xi32> to vector<16xi32>
        %gather3A_336 = tpu.dynamic_gather %max3A_323[%gather3A_335] in [0] : vector<16xf32>, vector<16xi32> -> vector<16xf32>
        %max3A_337 = arith.maximumf %max3A_323, %gather3A_336 : vector<16xf32>
        %slice3A = vector.extract_strided_slice %max3A_337 {offsets = [0], sizes = [1], strides = [1]} : vector<16xf32> to vector<1xf32>
        %squeeze3A = vector.extract %slice3A[0] : f32 from vector<1xf32>
        %gt3A = arith.cmpf ogt, %squeeze3A, %scan3A_126 : f32
        %convert_element_type3A = arith.extui %gt3A : i1 to i32
        %cond3A = arith.constant 0 : i32
        %cond3A_338 = arith.cmpi ne, %convert_element_type3A, %cond3A : i32
        %cond3A_339:6 = scf.if %cond3A_338 -> (f32, f32, f32, i32, i32, i32) {
          %mul3A_340 = arith.constant 400 : i32
          %mul3A_341 = arith.muli %scan3A_123, %mul3A_340 : i32
          %add3A_342 = arith.constant 80000 : i32
          %add3A_343 = arith.addi %add3A_342, %mul3A_341 : i32
          %mul3A_344 = arith.constant 400 : i32
          %mul3A_345 = arith.muli %scan3A_123, %mul3A_344 : i32
          %scan3A_346 = arith.constant -1 : i32
          %scan3A_347 = arith.constant -1 : i32
          %scan3A_348 = arith.constant 0 : i32
          %scan3A_349 = arith.constant 25 : i32
          %scan3A_350 = arith.addi %scan3A_348, %scan3A_349 : i32
          %scan3A_351 = arith.constant 1 : i32
          %scan3A_352 = scf.for %scan3A_934 = %scan3A_348 to %scan3A_350 step %scan3A_351 iter_args(%scan3A_935 = %broadcast_in_dim3A_1) -> (vector<16xf32>)  : i32 {
            %mul3A_936 = arith.constant 16 : i32
            %mul3A_937 = arith.muli %scan3A_934, %mul3A_936 : i32
            %add3A_938 = arith.addi %mul3A_345, %mul3A_937 : i32
            %get3A_939 = arith.index_cast %add3A_938 : i32 to index
            %get3A_940 = tpu.vector_load %arg5[%get3A_939] {strides = array<i32>} : memref<20000xf32, #tpu.memory_space<vmem>>, vector<16xf32>,
            %get3A_941 = vector.shape_cast %get3A_940 : vector<16xf32> to vector<16xf32>
            %mul3A_942 = arith.constant 16 : i32
            %mul3A_943 = arith.muli %scan3A_934, %mul3A_942 : i32
            %add3A_944 = arith.addi %add3A_343, %mul3A_943 : i32
            %add3A_945 = vector.broadcast %add3A_944 : i32 to vector<16xi32>
            %add3A_946 = arith.addi %add3A_945, %iota3A : vector<16xi32>
            %ne3A = vector.broadcast %scan3A_346 : i32 to vector<16xi32>
            %ne3A_947 = arith.cmpi ne, %add3A_946, %ne3A : vector<16xi32>
            %ne3A_948 = vector.broadcast %scan3A_347 : i32 to vector<16xi32>
            %ne3A_949 = arith.cmpi ne, %add3A_946, %ne3A_948 : vector<16xi32>
            %and3A_950 = arith.andi %ne3A_947, %ne3A_949 : vector<16xi1>
            %jit3A_951 = arith.constant 0xFF800000 : f32
            %broadcast_in_dim3A_952 = vector.broadcast %jit3A_951 : f32 to vector<16xf32>
            %select_n3A_953 = arith.select %and3A_950, %get3A_941, %broadcast_in_dim3A_952 : vector<16xi1>, vector<16xf32>
            %max3A_954 = arith.maximumf %scan3A_935, %select_n3A_953 : vector<16xf32>
            scf.yield %max3A_954 : vector<16xf32>
          }
          %scan3A_353 = arith.constant 25 : i32
          %iota3A_354 = tpu.iota {dimensions = array<i32: 0>} : vector<16xi32>
          %xor3A_355 = arith.constant 1 : i32
          %xor3A_356 = vector.broadcast %xor3A_355 : i32 to vector<16xi32>
          %xor3A_357 = arith.xori %iota3A_354, %xor3A_356 : vector<16xi32>
          %lt3A_358 = arith.constant 0 : i32
          %lt3A_359 = vector.broadcast %lt3A_358 : i32 to vector<16xi32>
          %lt3A_360 = arith.cmpi slt, %xor3A_357, %lt3A_359 : vector<16xi32>
          %add3A_361 = arith.constant 16 : i32
          %add3A_362 = vector.broadcast %add3A_361 : i32 to vector<16xi32>
          %add3A_363 = arith.addi %xor3A_357, %add3A_362 : vector<16xi32>
          %select_n3A_364 = arith.select %lt3A_360, %add3A_363, %xor3A_357 : vector<16xi1>, vector<16xi32>
          %broadcast_in_dim3A_365 = vector.shape_cast %select_n3A_364 : vector<16xi32> to vector<16x1xi32>
          %gather3A_366 = vector.shape_cast %broadcast_in_dim3A_365 : vector<16x1xi32> to vector<16xi32>
          %gather3A_367 = tpu.dynamic_gather %scan3A_352[%gather3A_366] in [0] : vector<16xf32>, vector<16xi32> -> vector<16xf32>
          %max3A_368 = arith.maximumf %scan3A_352, %gather3A_367 : vector<16xf32>
          %xor3A_369 = arith.constant 2 : i32
          %xor3A_370 = vector.broadcast %xor3A_369 : i32 to vector<16xi32>
          %xor3A_371 = arith.xori %iota3A_354, %xor3A_370 : vector<16xi32>
          %lt3A_372 = arith.constant 0 : i32
          %lt3A_373 = vector.broadcast %lt3A_372 : i32 to vector<16xi32>
          %lt3A_374 = arith.cmpi slt, %xor3A_371, %lt3A_373 : vector<16xi32>
          %add3A_375 = arith.constant 16 : i32
          %add3A_376 = vector.broadcast %add3A_375 : i32 to vector<16xi32>
          %add3A_377 = arith.addi %xor3A_371, %add3A_376 : vector<16xi32>
          %select_n3A_378 = arith.select %lt3A_374, %add3A_377, %xor3A_371 : vector<16xi1>, vector<16xi32>
          %broadcast_in_dim3A_379 = vector.shape_cast %select_n3A_378 : vector<16xi32> to vector<16x1xi32>
          %gather3A_380 = vector.shape_cast %broadcast_in_dim3A_379 : vector<16x1xi32> to vector<16xi32>
          %gather3A_381 = tpu.dynamic_gather %max3A_368[%gather3A_380] in [0] : vector<16xf32>, vector<16xi32> -> vector<16xf32>
          %max3A_382 = arith.maximumf %max3A_368, %gather3A_381 : vector<16xf32>
          %xor3A_383 = arith.constant 4 : i32
          %xor3A_384 = vector.broadcast %xor3A_383 : i32 to vector<16xi32>
          %xor3A_385 = arith.xori %iota3A_354, %xor3A_384 : vector<16xi32>
          %lt3A_386 = arith.constant 0 : i32
          %lt3A_387 = vector.broadcast %lt3A_386 : i32 to vector<16xi32>
          %lt3A_388 = arith.cmpi slt, %xor3A_385, %lt3A_387 : vector<16xi32>
          %add3A_389 = arith.constant 16 : i32
          %add3A_390 = vector.broadcast %add3A_389 : i32 to vector<16xi32>
          %add3A_391 = arith.addi %xor3A_385, %add3A_390 : vector<16xi32>
          %select_n3A_392 = arith.select %lt3A_388, %add3A_391, %xor3A_385 : vector<16xi1>, vector<16xi32>
          %broadcast_in_dim3A_393 = vector.shape_cast %select_n3A_392 : vector<16xi32> to vector<16x1xi32>
          %gather3A_394 = vector.shape_cast %broadcast_in_dim3A_393 : vector<16x1xi32> to vector<16xi32>
          %gather3A_395 = tpu.dynamic_gather %max3A_382[%gather3A_394] in [0] : vector<16xf32>, vector<16xi32> -> vector<16xf32>
          %max3A_396 = arith.maximumf %max3A_382, %gather3A_395 : vector<16xf32>
          %xor3A_397 = arith.constant 8 : i32
          %xor3A_398 = vector.broadcast %xor3A_397 : i32 to vector<16xi32>
          %xor3A_399 = arith.xori %iota3A_354, %xor3A_398 : vector<16xi32>
          %lt3A_400 = arith.constant 0 : i32
          %lt3A_401 = vector.broadcast %lt3A_400 : i32 to vector<16xi32>
          %lt3A_402 = arith.cmpi slt, %xor3A_399, %lt3A_401 : vector<16xi32>
          %add3A_403 = arith.constant 16 : i32
          %add3A_404 = vector.broadcast %add3A_403 : i32 to vector<16xi32>
          %add3A_405 = arith.addi %xor3A_399, %add3A_404 : vector<16xi32>
          %select_n3A_406 = arith.select %lt3A_402, %add3A_405, %xor3A_399 : vector<16xi1>, vector<16xi32>
          %broadcast_in_dim3A_407 = vector.shape_cast %select_n3A_406 : vector<16xi32> to vector<16x1xi32>
          %gather3A_408 = vector.shape_cast %broadcast_in_dim3A_407 : vector<16x1xi32> to vector<16xi32>
          %gather3A_409 = tpu.dynamic_gather %max3A_396[%gather3A_408] in [0] : vector<16xf32>, vector<16xi32> -> vector<16xf32>
          %max3A_410 = arith.maximumf %max3A_396, %gather3A_409 : vector<16xf32>
          %slice3A_411 = vector.extract_strided_slice %max3A_410 {offsets = [0], sizes = [1], strides = [1]} : vector<16xf32> to vector<1xf32>
          %squeeze3A_412 = vector.extract %slice3A_411[0] : f32 from vector<1xf32>
          %scan3A_413 = arith.constant -1 : i32
          %scan3A_414 = arith.constant -1 : i32
          %scan3A_415 = arith.constant 0 : i32
          %scan3A_416 = arith.constant 25 : i32
          %scan3A_417 = arith.addi %scan3A_415, %scan3A_416 : i32
          %scan3A_418 = arith.constant 1 : i32
          %scan3A_419 = scf.for %scan3A_934 = %scan3A_415 to %scan3A_417 step %scan3A_418 iter_args(%scan3A_935 = %broadcast_in_dim3A_3) -> (vector<16xi32>)  : i32 {
            %mul3A_936 = arith.constant 16 : i32
            %mul3A_937 = arith.muli %scan3A_934, %mul3A_936 : i32
            %add3A_938 = arith.addi %mul3A_345, %mul3A_937 : i32
            %get3A_939 = arith.index_cast %add3A_938 : i32 to index
            %get3A_940 = tpu.vector_load %arg5[%get3A_939] {strides = array<i32>} : memref<20000xf32, #tpu.memory_space<vmem>>, vector<16xf32>,
            %get3A_941 = vector.shape_cast %get3A_940 : vector<16xf32> to vector<16xf32>
            %mul3A_942 = arith.constant 16 : i32
            %mul3A_943 = arith.muli %scan3A_934, %mul3A_942 : i32
            %add3A_944 = arith.addi %add3A_343, %mul3A_943 : i32
            %add3A_945 = vector.broadcast %add3A_944 : i32 to vector<16xi32>
            %add3A_946 = arith.addi %add3A_945, %iota3A : vector<16xi32>
            %eq3A_947 = vector.broadcast %squeeze3A_412 : f32 to vector<16xf32>
            %eq3A_948 = arith.cmpf oeq, %get3A_941, %eq3A_947 : vector<16xf32>
            %ne3A = vector.broadcast %scan3A_413 : i32 to vector<16xi32>
            %ne3A_949 = arith.cmpi ne, %add3A_946, %ne3A : vector<16xi32>
            %and3A_950 = arith.andi %eq3A_948, %ne3A_949 : vector<16xi1>
            %ne3A_951 = vector.broadcast %scan3A_414 : i32 to vector<16xi32>
            %ne3A_952 = arith.cmpi ne, %add3A_946, %ne3A_951 : vector<16xi32>
            %and3A_953 = arith.andi %and3A_950, %ne3A_952 : vector<16xi1>
            %jit3A_954 = arith.constant 2147483647 : i32
            %broadcast_in_dim3A_955 = vector.broadcast %jit3A_954 : i32 to vector<16xi32>
            %select_n3A_956 = arith.select %and3A_953, %add3A_946, %broadcast_in_dim3A_955 : vector<16xi1>, vector<16xi32>
            %min3A_957 = arith.minsi %scan3A_935, %select_n3A_956 : vector<16xi32>
            scf.yield %min3A_957 : vector<16xi32>
          }
          %scan3A_420 = arith.constant 25 : i32
          %iota3A_421 = tpu.iota {dimensions = array<i32: 0>} : vector<16xi32>
          %xor3A_422 = arith.constant 1 : i32
          %xor3A_423 = vector.broadcast %xor3A_422 : i32 to vector<16xi32>
          %xor3A_424 = arith.xori %iota3A_421, %xor3A_423 : vector<16xi32>
          %lt3A_425 = arith.constant 0 : i32
          %lt3A_426 = vector.broadcast %lt3A_425 : i32 to vector<16xi32>
          %lt3A_427 = arith.cmpi slt, %xor3A_424, %lt3A_426 : vector<16xi32>
          %add3A_428 = arith.constant 16 : i32
          %add3A_429 = vector.broadcast %add3A_428 : i32 to vector<16xi32>
          %add3A_430 = arith.addi %xor3A_424, %add3A_429 : vector<16xi32>
          %select_n3A_431 = arith.select %lt3A_427, %add3A_430, %xor3A_424 : vector<16xi1>, vector<16xi32>
          %broadcast_in_dim3A_432 = vector.shape_cast %select_n3A_431 : vector<16xi32> to vector<16x1xi32>
          %gather3A_433 = vector.shape_cast %broadcast_in_dim3A_432 : vector<16x1xi32> to vector<16xi32>
          %gather3A_434 = tpu.dynamic_gather %scan3A_419[%gather3A_433] in [0] : vector<16xi32>, vector<16xi32> -> vector<16xi32>
          %min3A = arith.minsi %scan3A_419, %gather3A_434 : vector<16xi32>
          %xor3A_435 = arith.constant 2 : i32
          %xor3A_436 = vector.broadcast %xor3A_435 : i32 to vector<16xi32>
          %xor3A_437 = arith.xori %iota3A_421, %xor3A_436 : vector<16xi32>
          %lt3A_438 = arith.constant 0 : i32
          %lt3A_439 = vector.broadcast %lt3A_438 : i32 to vector<16xi32>
          %lt3A_440 = arith.cmpi slt, %xor3A_437, %lt3A_439 : vector<16xi32>
          %add3A_441 = arith.constant 16 : i32
          %add3A_442 = vector.broadcast %add3A_441 : i32 to vector<16xi32>
          %add3A_443 = arith.addi %xor3A_437, %add3A_442 : vector<16xi32>
          %select_n3A_444 = arith.select %lt3A_440, %add3A_443, %xor3A_437 : vector<16xi1>, vector<16xi32>
          %broadcast_in_dim3A_445 = vector.shape_cast %select_n3A_444 : vector<16xi32> to vector<16x1xi32>
          %gather3A_446 = vector.shape_cast %broadcast_in_dim3A_445 : vector<16x1xi32> to vector<16xi32>
          %gather3A_447 = tpu.dynamic_gather %min3A[%gather3A_446] in [0] : vector<16xi32>, vector<16xi32> -> vector<16xi32>
          %min3A_448 = arith.minsi %min3A, %gather3A_447 : vector<16xi32>
          %xor3A_449 = arith.constant 4 : i32
          %xor3A_450 = vector.broadcast %xor3A_449 : i32 to vector<16xi32>
          %xor3A_451 = arith.xori %iota3A_421, %xor3A_450 : vector<16xi32>
          %lt3A_452 = arith.constant 0 : i32
          %lt3A_453 = vector.broadcast %lt3A_452 : i32 to vector<16xi32>
          %lt3A_454 = arith.cmpi slt, %xor3A_451, %lt3A_453 : vector<16xi32>
          %add3A_455 = arith.constant 16 : i32
          %add3A_456 = vector.broadcast %add3A_455 : i32 to vector<16xi32>
          %add3A_457 = arith.addi %xor3A_451, %add3A_456 : vector<16xi32>
          %select_n3A_458 = arith.select %lt3A_454, %add3A_457, %xor3A_451 : vector<16xi1>, vector<16xi32>
          %broadcast_in_dim3A_459 = vector.shape_cast %select_n3A_458 : vector<16xi32> to vector<16x1xi32>
          %gather3A_460 = vector.shape_cast %broadcast_in_dim3A_459 : vector<16x1xi32> to vector<16xi32>
          %gather3A_461 = tpu.dynamic_gather %min3A_448[%gather3A_460] in [0] : vector<16xi32>, vector<16xi32> -> vector<16xi32>
          %min3A_462 = arith.minsi %min3A_448, %gather3A_461 : vector<16xi32>
          %xor3A_463 = arith.constant 8 : i32
          %xor3A_464 = vector.broadcast %xor3A_463 : i32 to vector<16xi32>
          %xor3A_465 = arith.xori %iota3A_421, %xor3A_464 : vector<16xi32>
          %lt3A_466 = arith.constant 0 : i32
          %lt3A_467 = vector.broadcast %lt3A_466 : i32 to vector<16xi32>
          %lt3A_468 = arith.cmpi slt, %xor3A_465, %lt3A_467 : vector<16xi32>
          %add3A_469 = arith.constant 16 : i32
          %add3A_470 = vector.broadcast %add3A_469 : i32 to vector<16xi32>
          %add3A_471 = arith.addi %xor3A_465, %add3A_470 : vector<16xi32>
          %select_n3A_472 = arith.select %lt3A_468, %add3A_471, %xor3A_465 : vector<16xi1>, vector<16xi32>
          %broadcast_in_dim3A_473 = vector.shape_cast %select_n3A_472 : vector<16xi32> to vector<16x1xi32>
          %gather3A_474 = vector.shape_cast %broadcast_in_dim3A_473 : vector<16x1xi32> to vector<16xi32>
          %gather3A_475 = tpu.dynamic_gather %min3A_462[%gather3A_474] in [0] : vector<16xi32>, vector<16xi32> -> vector<16xi32>
          %min3A_476 = arith.minsi %min3A_462, %gather3A_475 : vector<16xi32>
          %slice3A_477 = vector.extract_strided_slice %min3A_476 {offsets = [0], sizes = [1], strides = [1]} : vector<16xi32> to vector<1xi32>
          %squeeze3A_478 = vector.extract %slice3A_477[0] : i32 from vector<1xi32>
          %scan3A_479 = arith.constant -1 : i32
          %scan3A_480 = arith.constant 0 : i32
          %scan3A_481 = arith.constant 25 : i32
          %scan3A_482 = arith.addi %scan3A_480, %scan3A_481 : i32
          %scan3A_483 = arith.constant 1 : i32
          %scan3A_484 = scf.for %scan3A_934 = %scan3A_480 to %scan3A_482 step %scan3A_483 iter_args(%scan3A_935 = %broadcast_in_dim3A_1) -> (vector<16xf32>)  : i32 {
            %mul3A_936 = arith.constant 16 : i32
            %mul3A_937 = arith.muli %scan3A_934, %mul3A_936 : i32
            %add3A_938 = arith.addi %mul3A_345, %mul3A_937 : i32
            %get3A_939 = arith.index_cast %add3A_938 : i32 to index
            %get3A_940 = tpu.vector_load %arg5[%get3A_939] {strides = array<i32>} : memref<20000xf32, #tpu.memory_space<vmem>>, vector<16xf32>,
            %get3A_941 = vector.shape_cast %get3A_940 : vector<16xf32> to vector<16xf32>
            %mul3A_942 = arith.constant 16 : i32
            %mul3A_943 = arith.muli %scan3A_934, %mul3A_942 : i32
            %add3A_944 = arith.addi %add3A_343, %mul3A_943 : i32
            %add3A_945 = vector.broadcast %add3A_944 : i32 to vector<16xi32>
            %add3A_946 = arith.addi %add3A_945, %iota3A : vector<16xi32>
            %ne3A = vector.broadcast %squeeze3A_478 : i32 to vector<16xi32>
            %ne3A_947 = arith.cmpi ne, %add3A_946, %ne3A : vector<16xi32>
            %ne3A_948 = vector.broadcast %scan3A_479 : i32 to vector<16xi32>
            %ne3A_949 = arith.cmpi ne, %add3A_946, %ne3A_948 : vector<16xi32>
            %and3A_950 = arith.andi %ne3A_947, %ne3A_949 : vector<16xi1>
            %jit3A_951 = arith.constant 0xFF800000 : f32
            %broadcast_in_dim3A_952 = vector.broadcast %jit3A_951 : f32 to vector<16xf32>
            %select_n3A_953 = arith.select %and3A_950, %get3A_941, %broadcast_in_dim3A_952 : vector<16xi1>, vector<16xf32>
            %max3A_954 = arith.maximumf %scan3A_935, %select_n3A_953 : vector<16xf32>
            scf.yield %max3A_954 : vector<16xf32>
          }
          %scan3A_485 = arith.constant 25 : i32
          %iota3A_486 = tpu.iota {dimensions = array<i32: 0>} : vector<16xi32>
          %xor3A_487 = arith.constant 1 : i32
          %xor3A_488 = vector.broadcast %xor3A_487 : i32 to vector<16xi32>
          %xor3A_489 = arith.xori %iota3A_486, %xor3A_488 : vector<16xi32>
          %lt3A_490 = arith.constant 0 : i32
          %lt3A_491 = vector.broadcast %lt3A_490 : i32 to vector<16xi32>
          %lt3A_492 = arith.cmpi slt, %xor3A_489, %lt3A_491 : vector<16xi32>
          %add3A_493 = arith.constant 16 : i32
          %add3A_494 = vector.broadcast %add3A_493 : i32 to vector<16xi32>
          %add3A_495 = arith.addi %xor3A_489, %add3A_494 : vector<16xi32>
          %select_n3A_496 = arith.select %lt3A_492, %add3A_495, %xor3A_489 : vector<16xi1>, vector<16xi32>
          %broadcast_in_dim3A_497 = vector.shape_cast %select_n3A_496 : vector<16xi32> to vector<16x1xi32>
          %gather3A_498 = vector.shape_cast %broadcast_in_dim3A_497 : vector<16x1xi32> to vector<16xi32>
          %gather3A_499 = tpu.dynamic_gather %scan3A_484[%gather3A_498] in [0] : vector<16xf32>, vector<16xi32> -> vector<16xf32>
          %max3A_500 = arith.maximumf %scan3A_484, %gather3A_499 : vector<16xf32>
          %xor3A_501 = arith.constant 2 : i32
          %xor3A_502 = vector.broadcast %xor3A_501 : i32 to vector<16xi32>
          %xor3A_503 = arith.xori %iota3A_486, %xor3A_502 : vector<16xi32>
          %lt3A_504 = arith.constant 0 : i32
          %lt3A_505 = vector.broadcast %lt3A_504 : i32 to vector<16xi32>
          %lt3A_506 = arith.cmpi slt, %xor3A_503, %lt3A_505 : vector<16xi32>
          %add3A_507 = arith.constant 16 : i32
          %add3A_508 = vector.broadcast %add3A_507 : i32 to vector<16xi32>
          %add3A_509 = arith.addi %xor3A_503, %add3A_508 : vector<16xi32>
          %select_n3A_510 = arith.select %lt3A_506, %add3A_509, %xor3A_503 : vector<16xi1>, vector<16xi32>
          %broadcast_in_dim3A_511 = vector.shape_cast %select_n3A_510 : vector<16xi32> to vector<16x1xi32>
          %gather3A_512 = vector.shape_cast %broadcast_in_dim3A_511 : vector<16x1xi32> to vector<16xi32>
          %gather3A_513 = tpu.dynamic_gather %max3A_500[%gather3A_512] in [0] : vector<16xf32>, vector<16xi32> -> vector<16xf32>
          %max3A_514 = arith.maximumf %max3A_500, %gather3A_513 : vector<16xf32>
          %xor3A_515 = arith.constant 4 : i32
          %xor3A_516 = vector.broadcast %xor3A_515 : i32 to vector<16xi32>
          %xor3A_517 = arith.xori %iota3A_486, %xor3A_516 : vector<16xi32>
          %lt3A_518 = arith.constant 0 : i32
          %lt3A_519 = vector.broadcast %lt3A_518 : i32 to vector<16xi32>
          %lt3A_520 = arith.cmpi slt, %xor3A_517, %lt3A_519 : vector<16xi32>
          %add3A_521 = arith.constant 16 : i32
          %add3A_522 = vector.broadcast %add3A_521 : i32 to vector<16xi32>
          %add3A_523 = arith.addi %xor3A_517, %add3A_522 : vector<16xi32>
          %select_n3A_524 = arith.select %lt3A_520, %add3A_523, %xor3A_517 : vector<16xi1>, vector<16xi32>
          %broadcast_in_dim3A_525 = vector.shape_cast %select_n3A_524 : vector<16xi32> to vector<16x1xi32>
          %gather3A_526 = vector.shape_cast %broadcast_in_dim3A_525 : vector<16x1xi32> to vector<16xi32>
          %gather3A_527 = tpu.dynamic_gather %max3A_514[%gather3A_526] in [0] : vector<16xf32>, vector<16xi32> -> vector<16xf32>
          %max3A_528 = arith.maximumf %max3A_514, %gather3A_527 : vector<16xf32>
          %xor3A_529 = arith.constant 8 : i32
          %xor3A_530 = vector.broadcast %xor3A_529 : i32 to vector<16xi32>
          %xor3A_531 = arith.xori %iota3A_486, %xor3A_530 : vector<16xi32>
          %lt3A_532 = arith.constant 0 : i32
          %lt3A_533 = vector.broadcast %lt3A_532 : i32 to vector<16xi32>
          %lt3A_534 = arith.cmpi slt, %xor3A_531, %lt3A_533 : vector<16xi32>
          %add3A_535 = arith.constant 16 : i32
          %add3A_536 = vector.broadcast %add3A_535 : i32 to vector<16xi32>
          %add3A_537 = arith.addi %xor3A_531, %add3A_536 : vector<16xi32>
          %select_n3A_538 = arith.select %lt3A_534, %add3A_537, %xor3A_531 : vector<16xi1>, vector<16xi32>
          %broadcast_in_dim3A_539 = vector.shape_cast %select_n3A_538 : vector<16xi32> to vector<16x1xi32>
          %gather3A_540 = vector.shape_cast %broadcast_in_dim3A_539 : vector<16x1xi32> to vector<16xi32>
          %gather3A_541 = tpu.dynamic_gather %max3A_528[%gather3A_540] in [0] : vector<16xf32>, vector<16xi32> -> vector<16xf32>
          %max3A_542 = arith.maximumf %max3A_528, %gather3A_541 : vector<16xf32>
          %slice3A_543 = vector.extract_strided_slice %max3A_542 {offsets = [0], sizes = [1], strides = [1]} : vector<16xf32> to vector<1xf32>
          %squeeze3A_544 = vector.extract %slice3A_543[0] : f32 from vector<1xf32>
          %scan3A_545 = arith.constant -1 : i32
          %scan3A_546 = arith.constant 0 : i32
          %scan3A_547 = arith.constant 25 : i32
          %scan3A_548 = arith.addi %scan3A_546, %scan3A_547 : i32
          %scan3A_549 = arith.constant 1 : i32
          %scan3A_550 = scf.for %scan3A_934 = %scan3A_546 to %scan3A_548 step %scan3A_549 iter_args(%scan3A_935 = %broadcast_in_dim3A_3) -> (vector<16xi32>)  : i32 {
            %mul3A_936 = arith.constant 16 : i32
            %mul3A_937 = arith.muli %scan3A_934, %mul3A_936 : i32
            %add3A_938 = arith.addi %mul3A_345, %mul3A_937 : i32
            %get3A_939 = arith.index_cast %add3A_938 : i32 to index
            %get3A_940 = tpu.vector_load %arg5[%get3A_939] {strides = array<i32>} : memref<20000xf32, #tpu.memory_space<vmem>>, vector<16xf32>,
            %get3A_941 = vector.shape_cast %get3A_940 : vector<16xf32> to vector<16xf32>
            %mul3A_942 = arith.constant 16 : i32
            %mul3A_943 = arith.muli %scan3A_934, %mul3A_942 : i32
            %add3A_944 = arith.addi %add3A_343, %mul3A_943 : i32
            %add3A_945 = vector.broadcast %add3A_944 : i32 to vector<16xi32>
            %add3A_946 = arith.addi %add3A_945, %iota3A : vector<16xi32>
            %eq3A_947 = vector.broadcast %squeeze3A_544 : f32 to vector<16xf32>
            %eq3A_948 = arith.cmpf oeq, %get3A_941, %eq3A_947 : vector<16xf32>
            %ne3A = vector.broadcast %squeeze3A_478 : i32 to vector<16xi32>
            %ne3A_949 = arith.cmpi ne, %add3A_946, %ne3A : vector<16xi32>
            %and3A_950 = arith.andi %eq3A_948, %ne3A_949 : vector<16xi1>
            %ne3A_951 = vector.broadcast %scan3A_545 : i32 to vector<16xi32>
            %ne3A_952 = arith.cmpi ne, %add3A_946, %ne3A_951 : vector<16xi32>
            %and3A_953 = arith.andi %and3A_950, %ne3A_952 : vector<16xi1>
            %jit3A_954 = arith.constant 2147483647 : i32
            %broadcast_in_dim3A_955 = vector.broadcast %jit3A_954 : i32 to vector<16xi32>
            %select_n3A_956 = arith.select %and3A_953, %add3A_946, %broadcast_in_dim3A_955 : vector<16xi1>, vector<16xi32>
            %min3A_957 = arith.minsi %scan3A_935, %select_n3A_956 : vector<16xi32>
            scf.yield %min3A_957 : vector<16xi32>
          }
          %scan3A_551 = arith.constant 25 : i32
          %iota3A_552 = tpu.iota {dimensions = array<i32: 0>} : vector<16xi32>
          %xor3A_553 = arith.constant 1 : i32
          %xor3A_554 = vector.broadcast %xor3A_553 : i32 to vector<16xi32>
          %xor3A_555 = arith.xori %iota3A_552, %xor3A_554 : vector<16xi32>
          %lt3A_556 = arith.constant 0 : i32
          %lt3A_557 = vector.broadcast %lt3A_556 : i32 to vector<16xi32>
          %lt3A_558 = arith.cmpi slt, %xor3A_555, %lt3A_557 : vector<16xi32>
          %add3A_559 = arith.constant 16 : i32
          %add3A_560 = vector.broadcast %add3A_559 : i32 to vector<16xi32>
          %add3A_561 = arith.addi %xor3A_555, %add3A_560 : vector<16xi32>
          %select_n3A_562 = arith.select %lt3A_558, %add3A_561, %xor3A_555 : vector<16xi1>, vector<16xi32>
          %broadcast_in_dim3A_563 = vector.shape_cast %select_n3A_562 : vector<16xi32> to vector<16x1xi32>
          %gather3A_564 = vector.shape_cast %broadcast_in_dim3A_563 : vector<16x1xi32> to vector<16xi32>
          %gather3A_565 = tpu.dynamic_gather %scan3A_550[%gather3A_564] in [0] : vector<16xi32>, vector<16xi32> -> vector<16xi32>
          %min3A_566 = arith.minsi %scan3A_550, %gather3A_565 : vector<16xi32>
          %xor3A_567 = arith.constant 2 : i32
          %xor3A_568 = vector.broadcast %xor3A_567 : i32 to vector<16xi32>
          %xor3A_569 = arith.xori %iota3A_552, %xor3A_568 : vector<16xi32>
          %lt3A_570 = arith.constant 0 : i32
          %lt3A_571 = vector.broadcast %lt3A_570 : i32 to vector<16xi32>
          %lt3A_572 = arith.cmpi slt, %xor3A_569, %lt3A_571 : vector<16xi32>
          %add3A_573 = arith.constant 16 : i32
          %add3A_574 = vector.broadcast %add3A_573 : i32 to vector<16xi32>
          %add3A_575 = arith.addi %xor3A_569, %add3A_574 : vector<16xi32>
          %select_n3A_576 = arith.select %lt3A_572, %add3A_575, %xor3A_569 : vector<16xi1>, vector<16xi32>
          %broadcast_in_dim3A_577 = vector.shape_cast %select_n3A_576 : vector<16xi32> to vector<16x1xi32>
          %gather3A_578 = vector.shape_cast %broadcast_in_dim3A_577 : vector<16x1xi32> to vector<16xi32>
          %gather3A_579 = tpu.dynamic_gather %min3A_566[%gather3A_578] in [0] : vector<16xi32>, vector<16xi32> -> vector<16xi32>
          %min3A_580 = arith.minsi %min3A_566, %gather3A_579 : vector<16xi32>
          %xor3A_581 = arith.constant 4 : i32
          %xor3A_582 = vector.broadcast %xor3A_581 : i32 to vector<16xi32>
          %xor3A_583 = arith.xori %iota3A_552, %xor3A_582 : vector<16xi32>
          %lt3A_584 = arith.constant 0 : i32
          %lt3A_585 = vector.broadcast %lt3A_584 : i32 to vector<16xi32>
          %lt3A_586 = arith.cmpi slt, %xor3A_583, %lt3A_585 : vector<16xi32>
          %add3A_587 = arith.constant 16 : i32
          %add3A_588 = vector.broadcast %add3A_587 : i32 to vector<16xi32>
          %add3A_589 = arith.addi %xor3A_583, %add3A_588 : vector<16xi32>
          %select_n3A_590 = arith.select %lt3A_586, %add3A_589, %xor3A_583 : vector<16xi1>, vector<16xi32>
          %broadcast_in_dim3A_591 = vector.shape_cast %select_n3A_590 : vector<16xi32> to vector<16x1xi32>
          %gather3A_592 = vector.shape_cast %broadcast_in_dim3A_591 : vector<16x1xi32> to vector<16xi32>
          %gather3A_593 = tpu.dynamic_gather %min3A_580[%gather3A_592] in [0] : vector<16xi32>, vector<16xi32> -> vector<16xi32>
          %min3A_594 = arith.minsi %min3A_580, %gather3A_593 : vector<16xi32>
          %xor3A_595 = arith.constant 8 : i32
          %xor3A_596 = vector.broadcast %xor3A_595 : i32 to vector<16xi32>
          %xor3A_597 = arith.xori %iota3A_552, %xor3A_596 : vector<16xi32>
          %lt3A_598 = arith.constant 0 : i32
          %lt3A_599 = vector.broadcast %lt3A_598 : i32 to vector<16xi32>
          %lt3A_600 = arith.cmpi slt, %xor3A_597, %lt3A_599 : vector<16xi32>
          %add3A_601 = arith.constant 16 : i32
          %add3A_602 = vector.broadcast %add3A_601 : i32 to vector<16xi32>
          %add3A_603 = arith.addi %xor3A_597, %add3A_602 : vector<16xi32>
          %select_n3A_604 = arith.select %lt3A_600, %add3A_603, %xor3A_597 : vector<16xi1>, vector<16xi32>
          %broadcast_in_dim3A_605 = vector.shape_cast %select_n3A_604 : vector<16xi32> to vector<16x1xi32>
          %gather3A_606 = vector.shape_cast %broadcast_in_dim3A_605 : vector<16x1xi32> to vector<16xi32>
          %gather3A_607 = tpu.dynamic_gather %min3A_594[%gather3A_606] in [0] : vector<16xi32>, vector<16xi32> -> vector<16xi32>
          %min3A_608 = arith.minsi %min3A_594, %gather3A_607 : vector<16xi32>
          %slice3A_609 = vector.extract_strided_slice %min3A_608 {offsets = [0], sizes = [1], strides = [1]} : vector<16xi32> to vector<1xi32>
          %squeeze3A_610 = vector.extract %slice3A_609[0] : i32 from vector<1xi32>
          %scan3A_611 = arith.constant 0 : i32
          %scan3A_612 = arith.constant 25 : i32
          %scan3A_613 = arith.addi %scan3A_611, %scan3A_612 : i32
          %scan3A_614 = arith.constant 1 : i32
          %scan3A_615 = scf.for %scan3A_934 = %scan3A_611 to %scan3A_613 step %scan3A_614 iter_args(%scan3A_935 = %broadcast_in_dim3A_1) -> (vector<16xf32>)  : i32 {
            %mul3A_936 = arith.constant 16 : i32
            %mul3A_937 = arith.muli %scan3A_934, %mul3A_936 : i32
            %add3A_938 = arith.addi %mul3A_345, %mul3A_937 : i32
            %get3A_939 = arith.index_cast %add3A_938 : i32 to index
            %get3A_940 = tpu.vector_load %arg5[%get3A_939] {strides = array<i32>} : memref<20000xf32, #tpu.memory_space<vmem>>, vector<16xf32>,
            %get3A_941 = vector.shape_cast %get3A_940 : vector<16xf32> to vector<16xf32>
            %mul3A_942 = arith.constant 16 : i32
            %mul3A_943 = arith.muli %scan3A_934, %mul3A_942 : i32
            %add3A_944 = arith.addi %add3A_343, %mul3A_943 : i32
            %add3A_945 = vector.broadcast %add3A_944 : i32 to vector<16xi32>
            %add3A_946 = arith.addi %add3A_945, %iota3A : vector<16xi32>
            %ne3A = vector.broadcast %squeeze3A_610 : i32 to vector<16xi32>
            %ne3A_947 = arith.cmpi ne, %add3A_946, %ne3A : vector<16xi32>
            %ne3A_948 = vector.broadcast %squeeze3A_478 : i32 to vector<16xi32>
            %ne3A_949 = arith.cmpi ne, %add3A_946, %ne3A_948 : vector<16xi32>
            %and3A_950 = arith.andi %ne3A_947, %ne3A_949 : vector<16xi1>
            %jit3A_951 = arith.constant 0xFF800000 : f32
            %broadcast_in_dim3A_952 = vector.broadcast %jit3A_951 : f32 to vector<16xf32>
            %select_n3A_953 = arith.select %and3A_950, %get3A_941, %broadcast_in_dim3A_952 : vector<16xi1>, vector<16xf32>
            %max3A_954 = arith.maximumf %scan3A_935, %select_n3A_953 : vector<16xf32>
            scf.yield %max3A_954 : vector<16xf32>
          }
          %scan3A_616 = arith.constant 25 : i32
          %iota3A_617 = tpu.iota {dimensions = array<i32: 0>} : vector<16xi32>
          %xor3A_618 = arith.constant 1 : i32
          %xor3A_619 = vector.broadcast %xor3A_618 : i32 to vector<16xi32>
          %xor3A_620 = arith.xori %iota3A_617, %xor3A_619 : vector<16xi32>
          %lt3A_621 = arith.constant 0 : i32
          %lt3A_622 = vector.broadcast %lt3A_621 : i32 to vector<16xi32>
          %lt3A_623 = arith.cmpi slt, %xor3A_620, %lt3A_622 : vector<16xi32>
          %add3A_624 = arith.constant 16 : i32
          %add3A_625 = vector.broadcast %add3A_624 : i32 to vector<16xi32>
          %add3A_626 = arith.addi %xor3A_620, %add3A_625 : vector<16xi32>
          %select_n3A_627 = arith.select %lt3A_623, %add3A_626, %xor3A_620 : vector<16xi1>, vector<16xi32>
          %broadcast_in_dim3A_628 = vector.shape_cast %select_n3A_627 : vector<16xi32> to vector<16x1xi32>
          %gather3A_629 = vector.shape_cast %broadcast_in_dim3A_628 : vector<16x1xi32> to vector<16xi32>
          %gather3A_630 = tpu.dynamic_gather %scan3A_615[%gather3A_629] in [0] : vector<16xf32>, vector<16xi32> -> vector<16xf32>
          %max3A_631 = arith.maximumf %scan3A_615, %gather3A_630 : vector<16xf32>
          %xor3A_632 = arith.constant 2 : i32
          %xor3A_633 = vector.broadcast %xor3A_632 : i32 to vector<16xi32>
          %xor3A_634 = arith.xori %iota3A_617, %xor3A_633 : vector<16xi32>
          %lt3A_635 = arith.constant 0 : i32
          %lt3A_636 = vector.broadcast %lt3A_635 : i32 to vector<16xi32>
          %lt3A_637 = arith.cmpi slt, %xor3A_634, %lt3A_636 : vector<16xi32>
          %add3A_638 = arith.constant 16 : i32
          %add3A_639 = vector.broadcast %add3A_638 : i32 to vector<16xi32>
          %add3A_640 = arith.addi %xor3A_634, %add3A_639 : vector<16xi32>
          %select_n3A_641 = arith.select %lt3A_637, %add3A_640, %xor3A_634 : vector<16xi1>, vector<16xi32>
          %broadcast_in_dim3A_642 = vector.shape_cast %select_n3A_641 : vector<16xi32> to vector<16x1xi32>
          %gather3A_643 = vector.shape_cast %broadcast_in_dim3A_642 : vector<16x1xi32> to vector<16xi32>
          %gather3A_644 = tpu.dynamic_gather %max3A_631[%gather3A_643] in [0] : vector<16xf32>, vector<16xi32> -> vector<16xf32>
          %max3A_645 = arith.maximumf %max3A_631, %gather3A_644 : vector<16xf32>
          %xor3A_646 = arith.constant 4 : i32
          %xor3A_647 = vector.broadcast %xor3A_646 : i32 to vector<16xi32>
          %xor3A_648 = arith.xori %iota3A_617, %xor3A_647 : vector<16xi32>
          %lt3A_649 = arith.constant 0 : i32
          %lt3A_650 = vector.broadcast %lt3A_649 : i32 to vector<16xi32>
          %lt3A_651 = arith.cmpi slt, %xor3A_648, %lt3A_650 : vector<16xi32>
          %add3A_652 = arith.constant 16 : i32
          %add3A_653 = vector.broadcast %add3A_652 : i32 to vector<16xi32>
          %add3A_654 = arith.addi %xor3A_648, %add3A_653 : vector<16xi32>
          %select_n3A_655 = arith.select %lt3A_651, %add3A_654, %xor3A_648 : vector<16xi1>, vector<16xi32>
          %broadcast_in_dim3A_656 = vector.shape_cast %select_n3A_655 : vector<16xi32> to vector<16x1xi32>
          %gather3A_657 = vector.shape_cast %broadcast_in_dim3A_656 : vector<16x1xi32> to vector<16xi32>
          %gather3A_658 = tpu.dynamic_gather %max3A_645[%gather3A_657] in [0] : vector<16xf32>, vector<16xi32> -> vector<16xf32>
          %max3A_659 = arith.maximumf %max3A_645, %gather3A_658 : vector<16xf32>
          %xor3A_660 = arith.constant 8 : i32
          %xor3A_661 = vector.broadcast %xor3A_660 : i32 to vector<16xi32>
          %xor3A_662 = arith.xori %iota3A_617, %xor3A_661 : vector<16xi32>
          %lt3A_663 = arith.constant 0 : i32
          %lt3A_664 = vector.broadcast %lt3A_663 : i32 to vector<16xi32>
          %lt3A_665 = arith.cmpi slt, %xor3A_662, %lt3A_664 : vector<16xi32>
          %add3A_666 = arith.constant 16 : i32
          %add3A_667 = vector.broadcast %add3A_666 : i32 to vector<16xi32>
          %add3A_668 = arith.addi %xor3A_662, %add3A_667 : vector<16xi32>
          %select_n3A_669 = arith.select %lt3A_665, %add3A_668, %xor3A_662 : vector<16xi1>, vector<16xi32>
          %broadcast_in_dim3A_670 = vector.shape_cast %select_n3A_669 : vector<16xi32> to vector<16x1xi32>
          %gather3A_671 = vector.shape_cast %broadcast_in_dim3A_670 : vector<16x1xi32> to vector<16xi32>
          %gather3A_672 = tpu.dynamic_gather %max3A_659[%gather3A_671] in [0] : vector<16xf32>, vector<16xi32> -> vector<16xf32>
          %max3A_673 = arith.maximumf %max3A_659, %gather3A_672 : vector<16xf32>
          %slice3A_674 = vector.extract_strided_slice %max3A_673 {offsets = [0], sizes = [1], strides = [1]} : vector<16xf32> to vector<1xf32>
          %squeeze3A_675 = vector.extract %slice3A_674[0] : f32 from vector<1xf32>
          %scan3A_676 = arith.constant 0 : i32
          %scan3A_677 = arith.constant 25 : i32
          %scan3A_678 = arith.addi %scan3A_676, %scan3A_677 : i32
          %scan3A_679 = arith.constant 1 : i32
          %scan3A_680 = scf.for %scan3A_934 = %scan3A_676 to %scan3A_678 step %scan3A_679 iter_args(%scan3A_935 = %broadcast_in_dim3A_3) -> (vector<16xi32>)  : i32 {
            %mul3A_936 = arith.constant 16 : i32
            %mul3A_937 = arith.muli %scan3A_934, %mul3A_936 : i32
            %add3A_938 = arith.addi %mul3A_345, %mul3A_937 : i32
            %get3A_939 = arith.index_cast %add3A_938 : i32 to index
            %get3A_940 = tpu.vector_load %arg5[%get3A_939] {strides = array<i32>} : memref<20000xf32, #tpu.memory_space<vmem>>, vector<16xf32>,
            %get3A_941 = vector.shape_cast %get3A_940 : vector<16xf32> to vector<16xf32>
            %mul3A_942 = arith.constant 16 : i32
            %mul3A_943 = arith.muli %scan3A_934, %mul3A_942 : i32
            %add3A_944 = arith.addi %add3A_343, %mul3A_943 : i32
            %add3A_945 = vector.broadcast %add3A_944 : i32 to vector<16xi32>
            %add3A_946 = arith.addi %add3A_945, %iota3A : vector<16xi32>
            %eq3A_947 = vector.broadcast %squeeze3A_675 : f32 to vector<16xf32>
            %eq3A_948 = arith.cmpf oeq, %get3A_941, %eq3A_947 : vector<16xf32>
            %ne3A = vector.broadcast %squeeze3A_610 : i32 to vector<16xi32>
            %ne3A_949 = arith.cmpi ne, %add3A_946, %ne3A : vector<16xi32>
            %and3A_950 = arith.andi %eq3A_948, %ne3A_949 : vector<16xi1>
            %ne3A_951 = vector.broadcast %squeeze3A_478 : i32 to vector<16xi32>
            %ne3A_952 = arith.cmpi ne, %add3A_946, %ne3A_951 : vector<16xi32>
            %and3A_953 = arith.andi %and3A_950, %ne3A_952 : vector<16xi1>
            %jit3A_954 = arith.constant 2147483647 : i32
            %broadcast_in_dim3A_955 = vector.broadcast %jit3A_954 : i32 to vector<16xi32>
            %select_n3A_956 = arith.select %and3A_953, %add3A_946, %broadcast_in_dim3A_955 : vector<16xi1>, vector<16xi32>
            %min3A_957 = arith.minsi %scan3A_935, %select_n3A_956 : vector<16xi32>
            scf.yield %min3A_957 : vector<16xi32>
          }
          %scan3A_681 = arith.constant 25 : i32
          %iota3A_682 = tpu.iota {dimensions = array<i32: 0>} : vector<16xi32>
          %xor3A_683 = arith.constant 1 : i32
          %xor3A_684 = vector.broadcast %xor3A_683 : i32 to vector<16xi32>
          %xor3A_685 = arith.xori %iota3A_682, %xor3A_684 : vector<16xi32>
          %lt3A_686 = arith.constant 0 : i32
          %lt3A_687 = vector.broadcast %lt3A_686 : i32 to vector<16xi32>
          %lt3A_688 = arith.cmpi slt, %xor3A_685, %lt3A_687 : vector<16xi32>
          %add3A_689 = arith.constant 16 : i32
          %add3A_690 = vector.broadcast %add3A_689 : i32 to vector<16xi32>
          %add3A_691 = arith.addi %xor3A_685, %add3A_690 : vector<16xi32>
          %select_n3A_692 = arith.select %lt3A_688, %add3A_691, %xor3A_685 : vector<16xi1>, vector<16xi32>
          %broadcast_in_dim3A_693 = vector.shape_cast %select_n3A_692 : vector<16xi32> to vector<16x1xi32>
          %gather3A_694 = vector.shape_cast %broadcast_in_dim3A_693 : vector<16x1xi32> to vector<16xi32>
          %gather3A_695 = tpu.dynamic_gather %scan3A_680[%gather3A_694] in [0] : vector<16xi32>, vector<16xi32> -> vector<16xi32>
          %min3A_696 = arith.minsi %scan3A_680, %gather3A_695 : vector<16xi32>
          %xor3A_697 = arith.constant 2 : i32
          %xor3A_698 = vector.broadcast %xor3A_697 : i32 to vector<16xi32>
          %xor3A_699 = arith.xori %iota3A_682, %xor3A_698 : vector<16xi32>
          %lt3A_700 = arith.constant 0 : i32
          %lt3A_701 = vector.broadcast %lt3A_700 : i32 to vector<16xi32>
          %lt3A_702 = arith.cmpi slt, %xor3A_699, %lt3A_701 : vector<16xi32>
          %add3A_703 = arith.constant 16 : i32
          %add3A_704 = vector.broadcast %add3A_703 : i32 to vector<16xi32>
          %add3A_705 = arith.addi %xor3A_699, %add3A_704 : vector<16xi32>
          %select_n3A_706 = arith.select %lt3A_702, %add3A_705, %xor3A_699 : vector<16xi1>, vector<16xi32>
          %broadcast_in_dim3A_707 = vector.shape_cast %select_n3A_706 : vector<16xi32> to vector<16x1xi32>
          %gather3A_708 = vector.shape_cast %broadcast_in_dim3A_707 : vector<16x1xi32> to vector<16xi32>
          %gather3A_709 = tpu.dynamic_gather %min3A_696[%gather3A_708] in [0] : vector<16xi32>, vector<16xi32> -> vector<16xi32>
          %min3A_710 = arith.minsi %min3A_696, %gather3A_709 : vector<16xi32>
          %xor3A_711 = arith.constant 4 : i32
          %xor3A_712 = vector.broadcast %xor3A_711 : i32 to vector<16xi32>
          %xor3A_713 = arith.xori %iota3A_682, %xor3A_712 : vector<16xi32>
          %lt3A_714 = arith.constant 0 : i32
          %lt3A_715 = vector.broadcast %lt3A_714 : i32 to vector<16xi32>
          %lt3A_716 = arith.cmpi slt, %xor3A_713, %lt3A_715 : vector<16xi32>
          %add3A_717 = arith.constant 16 : i32
          %add3A_718 = vector.broadcast %add3A_717 : i32 to vector<16xi32>
          %add3A_719 = arith.addi %xor3A_713, %add3A_718 : vector<16xi32>
          %select_n3A_720 = arith.select %lt3A_716, %add3A_719, %xor3A_713 : vector<16xi1>, vector<16xi32>
          %broadcast_in_dim3A_721 = vector.shape_cast %select_n3A_720 : vector<16xi32> to vector<16x1xi32>
          %gather3A_722 = vector.shape_cast %broadcast_in_dim3A_721 : vector<16x1xi32> to vector<16xi32>
          %gather3A_723 = tpu.dynamic_gather %min3A_710[%gather3A_722] in [0] : vector<16xi32>, vector<16xi32> -> vector<16xi32>
          %min3A_724 = arith.minsi %min3A_710, %gather3A_723 : vector<16xi32>
          %xor3A_725 = arith.constant 8 : i32
          %xor3A_726 = vector.broadcast %xor3A_725 : i32 to vector<16xi32>
          %xor3A_727 = arith.xori %iota3A_682, %xor3A_726 : vector<16xi32>
          %lt3A_728 = arith.constant 0 : i32
          %lt3A_729 = vector.broadcast %lt3A_728 : i32 to vector<16xi32>
          %lt3A_730 = arith.cmpi slt, %xor3A_727, %lt3A_729 : vector<16xi32>
          %add3A_731 = arith.constant 16 : i32
          %add3A_732 = vector.broadcast %add3A_731 : i32 to vector<16xi32>
          %add3A_733 = arith.addi %xor3A_727, %add3A_732 : vector<16xi32>
          %select_n3A_734 = arith.select %lt3A_730, %add3A_733, %xor3A_727 : vector<16xi1>, vector<16xi32>
          %broadcast_in_dim3A_735 = vector.shape_cast %select_n3A_734 : vector<16xi32> to vector<16x1xi32>
          %gather3A_736 = vector.shape_cast %broadcast_in_dim3A_735 : vector<16x1xi32> to vector<16xi32>
          %gather3A_737 = tpu.dynamic_gather %min3A_724[%gather3A_736] in [0] : vector<16xi32>, vector<16xi32> -> vector<16xi32>
          %min3A_738 = arith.minsi %min3A_724, %gather3A_737 : vector<16xi32>
          %slice3A_739 = vector.extract_strided_slice %min3A_738 {offsets = [0], sizes = [1], strides = [1]} : vector<16xi32> to vector<1xi32>
          %squeeze3A_740 = vector.extract %slice3A_739[0] : i32 from vector<1xi32>
          %gt3A_741 = arith.cmpf ogt, %scan3A_125, %scan3A_124 : f32
          %eq3A_742 = arith.cmpf oeq, %scan3A_125, %scan3A_124 : f32
          %lt3A_743 = arith.cmpi slt, %scan3A_128, %scan3A_127 : i32
          %and3A = arith.andi %eq3A_742, %lt3A_743 : i1
          %or3A = arith.ori %gt3A_741, %and3A : i1
          %select_n3A_744 = arith.select %or3A, %scan3A_125, %scan3A_124 : f32
          %select_n3A_745 = arith.select %or3A, %scan3A_128, %scan3A_127 : i32
          %gt3A_746 = arith.cmpf ogt, %scan3A_126, %select_n3A_744 : f32
          %eq3A_747 = arith.cmpf oeq, %scan3A_126, %select_n3A_744 : f32
          %lt3A_748 = arith.cmpi slt, %scan3A_129, %select_n3A_745 : i32
          %and3A_749 = arith.andi %eq3A_747, %lt3A_748 : i1
          %or3A_750 = arith.ori %gt3A_746, %and3A_749 : i1
          %select_n3A_751 = arith.select %or3A_750, %scan3A_126, %select_n3A_744 : f32
          %select_n3A_752 = arith.select %or3A_750, %scan3A_129, %select_n3A_745 : i32
          %gt3A_753 = arith.cmpf ogt, %squeeze3A_412, %select_n3A_751 : f32
          %eq3A_754 = arith.cmpf oeq, %squeeze3A_412, %select_n3A_751 : f32
          %lt3A_755 = arith.cmpi slt, %squeeze3A_478, %select_n3A_752 : i32
          %and3A_756 = arith.andi %eq3A_754, %lt3A_755 : i1
          %or3A_757 = arith.ori %gt3A_753, %and3A_756 : i1
          %select_n3A_758 = arith.select %or3A_757, %squeeze3A_412, %select_n3A_751 : f32
          %select_n3A_759 = arith.select %or3A_757, %squeeze3A_478, %select_n3A_752 : i32
          %gt3A_760 = arith.cmpf ogt, %squeeze3A_544, %select_n3A_758 : f32
          %eq3A_761 = arith.cmpf oeq, %squeeze3A_544, %select_n3A_758 : f32
          %lt3A_762 = arith.cmpi slt, %squeeze3A_610, %select_n3A_759 : i32
          %and3A_763 = arith.andi %eq3A_761, %lt3A_762 : i1
          %or3A_764 = arith.ori %gt3A_760, %and3A_763 : i1
          %select_n3A_765 = arith.select %or3A_764, %squeeze3A_544, %select_n3A_758 : f32
          %select_n3A_766 = arith.select %or3A_764, %squeeze3A_610, %select_n3A_759 : i32
          %gt3A_767 = arith.cmpf ogt, %squeeze3A_675, %select_n3A_765 : f32
          %eq3A_768 = arith.cmpf oeq, %squeeze3A_675, %select_n3A_765 : f32
          %lt3A_769 = arith.cmpi slt, %squeeze3A_740, %select_n3A_766 : i32
          %and3A_770 = arith.andi %eq3A_768, %lt3A_769 : i1
          %or3A_771 = arith.ori %gt3A_767, %and3A_770 : i1
          %select_n3A_772 = arith.select %or3A_771, %squeeze3A_675, %select_n3A_765 : f32
          %select_n3A_773 = arith.select %or3A_771, %squeeze3A_740, %select_n3A_766 : i32
          %eq3A_774 = arith.cmpf oeq, %scan3A_124, %select_n3A_772 : f32
          %eq3A_775 = arith.cmpi eq, %scan3A_127, %select_n3A_773 : i32
          %and3A_776 = arith.andi %eq3A_774, %eq3A_775 : i1
          %jit3A_777 = arith.constant 0xFF800000 : f32
          %select_n3A_778 = arith.select %and3A_776, %jit3A_777, %scan3A_124 : f32
          %eq3A_779 = arith.cmpf oeq, %scan3A_125, %select_n3A_772 : f32
          %eq3A_780 = arith.cmpi eq, %scan3A_128, %select_n3A_773 : i32
          %and3A_781 = arith.andi %eq3A_779, %eq3A_780 : i1
          %jit3A_782 = arith.constant 0xFF800000 : f32
          %select_n3A_783 = arith.select %and3A_781, %jit3A_782, %scan3A_125 : f32
          %eq3A_784 = arith.cmpf oeq, %scan3A_126, %select_n3A_772 : f32
          %eq3A_785 = arith.cmpi eq, %scan3A_129, %select_n3A_773 : i32
          %and3A_786 = arith.andi %eq3A_784, %eq3A_785 : i1
          %jit3A_787 = arith.constant 0xFF800000 : f32
          %select_n3A_788 = arith.select %and3A_786, %jit3A_787, %scan3A_126 : f32
          %eq3A_789 = arith.cmpf oeq, %squeeze3A_412, %select_n3A_772 : f32
          %eq3A_790 = arith.cmpi eq, %squeeze3A_478, %select_n3A_773 : i32
          %and3A_791 = arith.andi %eq3A_789, %eq3A_790 : i1
          %jit3A_792 = arith.constant 0xFF800000 : f32
          %select_n3A_793 = arith.select %and3A_791, %jit3A_792, %squeeze3A_412 : f32
          %eq3A_794 = arith.cmpf oeq, %squeeze3A_544, %select_n3A_772 : f32
          %eq3A_795 = arith.cmpi eq, %squeeze3A_610, %select_n3A_773 : i32
          %and3A_796 = arith.andi %eq3A_794, %eq3A_795 : i1
          %jit3A_797 = arith.constant 0xFF800000 : f32
          %select_n3A_798 = arith.select %and3A_796, %jit3A_797, %squeeze3A_544 : f32
          %eq3A_799 = arith.cmpf oeq, %squeeze3A_675, %select_n3A_772 : f32
          %eq3A_800 = arith.cmpi eq, %squeeze3A_740, %select_n3A_773 : i32
          %and3A_801 = arith.andi %eq3A_799, %eq3A_800 : i1
          %jit3A_802 = arith.constant 0xFF800000 : f32
          %select_n3A_803 = arith.select %and3A_801, %jit3A_802, %squeeze3A_675 : f32
          %gt3A_804 = arith.cmpf ogt, %select_n3A_783, %select_n3A_778 : f32
          %eq3A_805 = arith.cmpf oeq, %select_n3A_783, %select_n3A_778 : f32
          %lt3A_806 = arith.cmpi slt, %scan3A_128, %scan3A_127 : i32
          %and3A_807 = arith.andi %eq3A_805, %lt3A_806 : i1
          %or3A_808 = arith.ori %gt3A_804, %and3A_807 : i1
          %select_n3A_809 = arith.select %or3A_808, %select_n3A_783, %select_n3A_778 : f32
          %select_n3A_810 = arith.select %or3A_808, %scan3A_128, %scan3A_127 : i32
          %gt3A_811 = arith.cmpf ogt, %select_n3A_788, %select_n3A_809 : f32
          %eq3A_812 = arith.cmpf oeq, %select_n3A_788, %select_n3A_809 : f32
          %lt3A_813 = arith.cmpi slt, %scan3A_129, %select_n3A_810 : i32
          %and3A_814 = arith.andi %eq3A_812, %lt3A_813 : i1
          %or3A_815 = arith.ori %gt3A_811, %and3A_814 : i1
          %select_n3A_816 = arith.select %or3A_815, %select_n3A_788, %select_n3A_809 : f32
          %select_n3A_817 = arith.select %or3A_815, %scan3A_129, %select_n3A_810 : i32
          %gt3A_818 = arith.cmpf ogt, %select_n3A_793, %select_n3A_816 : f32
          %eq3A_819 = arith.cmpf oeq, %select_n3A_793, %select_n3A_816 : f32
          %lt3A_820 = arith.cmpi slt, %squeeze3A_478, %select_n3A_817 : i32
          %and3A_821 = arith.andi %eq3A_819, %lt3A_820 : i1
          %or3A_822 = arith.ori %gt3A_818, %and3A_821 : i1
          %select_n3A_823 = arith.select %or3A_822, %select_n3A_793, %select_n3A_816 : f32
          %select_n3A_824 = arith.select %or3A_822, %squeeze3A_478, %select_n3A_817 : i32
          %gt3A_825 = arith.cmpf ogt, %select_n3A_798, %select_n3A_823 : f32
          %eq3A_826 = arith.cmpf oeq, %select_n3A_798, %select_n3A_823 : f32
          %lt3A_827 = arith.cmpi slt, %squeeze3A_610, %select_n3A_824 : i32
          %and3A_828 = arith.andi %eq3A_826, %lt3A_827 : i1
          %or3A_829 = arith.ori %gt3A_825, %and3A_828 : i1
          %select_n3A_830 = arith.select %or3A_829, %select_n3A_798, %select_n3A_823 : f32
          %select_n3A_831 = arith.select %or3A_829, %squeeze3A_610, %select_n3A_824 : i32
          %gt3A_832 = arith.cmpf ogt, %select_n3A_803, %select_n3A_830 : f32
          %eq3A_833 = arith.cmpf oeq, %select_n3A_803, %select_n3A_830 : f32
          %lt3A_834 = arith.cmpi slt, %squeeze3A_740, %select_n3A_831 : i32
          %and3A_835 = arith.andi %eq3A_833, %lt3A_834 : i1
          %or3A_836 = arith.ori %gt3A_832, %and3A_835 : i1
          %select_n3A_837 = arith.select %or3A_836, %select_n3A_803, %select_n3A_830 : f32
          %select_n3A_838 = arith.select %or3A_836, %squeeze3A_740, %select_n3A_831 : i32
          %eq3A_839 = arith.cmpf oeq, %select_n3A_778, %select_n3A_837 : f32
          %eq3A_840 = arith.cmpi eq, %scan3A_127, %select_n3A_838 : i32
          %and3A_841 = arith.andi %eq3A_839, %eq3A_840 : i1
          %jit3A_842 = arith.constant 0xFF800000 : f32
          %select_n3A_843 = arith.select %and3A_841, %jit3A_842, %select_n3A_778 : f32
          %eq3A_844 = arith.cmpf oeq, %select_n3A_783, %select_n3A_837 : f32
          %eq3A_845 = arith.cmpi eq, %scan3A_128, %select_n3A_838 : i32
          %and3A_846 = arith.andi %eq3A_844, %eq3A_845 : i1
          %jit3A_847 = arith.constant 0xFF800000 : f32
          %select_n3A_848 = arith.select %and3A_846, %jit3A_847, %select_n3A_783 : f32
          %eq3A_849 = arith.cmpf oeq, %select_n3A_788, %select_n3A_837 : f32
          %eq3A_850 = arith.cmpi eq, %scan3A_129, %select_n3A_838 : i32
          %and3A_851 = arith.andi %eq3A_849, %eq3A_850 : i1
          %jit3A_852 = arith.constant 0xFF800000 : f32
          %select_n3A_853 = arith.select %and3A_851, %jit3A_852, %select_n3A_788 : f32
          %eq3A_854 = arith.cmpf oeq, %select_n3A_793, %select_n3A_837 : f32
          %eq3A_855 = arith.cmpi eq, %squeeze3A_478, %select_n3A_838 : i32
          %and3A_856 = arith.andi %eq3A_854, %eq3A_855 : i1
          %jit3A_857 = arith.constant 0xFF800000 : f32
          %select_n3A_858 = arith.select %and3A_856, %jit3A_857, %select_n3A_793 : f32
          %eq3A_859 = arith.cmpf oeq, %select_n3A_798, %select_n3A_837 : f32
          %eq3A_860 = arith.cmpi eq, %squeeze3A_610, %select_n3A_838 : i32
          %and3A_861 = arith.andi %eq3A_859, %eq3A_860 : i1
          %jit3A_862 = arith.constant 0xFF800000 : f32
          %select_n3A_863 = arith.select %and3A_861, %jit3A_862, %select_n3A_798 : f32
          %eq3A_864 = arith.cmpf oeq, %select_n3A_803, %select_n3A_837 : f32
          %eq3A_865 = arith.cmpi eq, %squeeze3A_740, %select_n3A_838 : i32
          %and3A_866 = arith.andi %eq3A_864, %eq3A_865 : i1
          %jit3A_867 = arith.constant 0xFF800000 : f32
          %select_n3A_868 = arith.select %and3A_866, %jit3A_867, %select_n3A_803 : f32
          %gt3A_869 = arith.cmpf ogt, %select_n3A_848, %select_n3A_843 : f32
          %eq3A_870 = arith.cmpf oeq, %select_n3A_848, %select_n3A_843 : f32
          %lt3A_871 = arith.cmpi slt, %scan3A_128, %scan3A_127 : i32
          %and3A_872 = arith.andi %eq3A_870, %lt3A_871 : i1
          %or3A_873 = arith.ori %gt3A_869, %and3A_872 : i1
          %select_n3A_874 = arith.select %or3A_873, %select_n3A_848, %select_n3A_843 : f32
          %select_n3A_875 = arith.select %or3A_873, %scan3A_128, %scan3A_127 : i32
          %gt3A_876 = arith.cmpf ogt, %select_n3A_853, %select_n3A_874 : f32
          %eq3A_877 = arith.cmpf oeq, %select_n3A_853, %select_n3A_874 : f32
          %lt3A_878 = arith.cmpi slt, %scan3A_129, %select_n3A_875 : i32
          %and3A_879 = arith.andi %eq3A_877, %lt3A_878 : i1
          %or3A_880 = arith.ori %gt3A_876, %and3A_879 : i1
          %select_n3A_881 = arith.select %or3A_880, %select_n3A_853, %select_n3A_874 : f32
          %select_n3A_882 = arith.select %or3A_880, %scan3A_129, %select_n3A_875 : i32
          %gt3A_883 = arith.cmpf ogt, %select_n3A_858, %select_n3A_881 : f32
          %eq3A_884 = arith.cmpf oeq, %select_n3A_858, %select_n3A_881 : f32
          %lt3A_885 = arith.cmpi slt, %squeeze3A_478, %select_n3A_882 : i32
          %and3A_886 = arith.andi %eq3A_884, %lt3A_885 : i1
          %or3A_887 = arith.ori %gt3A_883, %and3A_886 : i1
          %select_n3A_888 = arith.select %or3A_887, %select_n3A_858, %select_n3A_881 : f32
          %select_n3A_889 = arith.select %or3A_887, %squeeze3A_478, %select_n3A_882 : i32
          %gt3A_890 = arith.cmpf ogt, %select_n3A_863, %select_n3A_888 : f32
          %eq3A_891 = arith.cmpf oeq, %select_n3A_863, %select_n3A_888 : f32
          %lt3A_892 = arith.cmpi slt, %squeeze3A_610, %select_n3A_889 : i32
          %and3A_893 = arith.andi %eq3A_891, %lt3A_892 : i1
          %or3A_894 = arith.ori %gt3A_890, %and3A_893 : i1
          %select_n3A_895 = arith.select %or3A_894, %select_n3A_863, %select_n3A_888 : f32
          %select_n3A_896 = arith.select %or3A_894, %squeeze3A_610, %select_n3A_889 : i32
          %gt3A_897 = arith.cmpf ogt, %select_n3A_868, %select_n3A_895 : f32
          %eq3A_898 = arith.cmpf oeq, %select_n3A_868, %select_n3A_895 : f32
          %lt3A_899 = arith.cmpi slt, %squeeze3A_740, %select_n3A_896 : i32
          %and3A_900 = arith.andi %eq3A_898, %lt3A_899 : i1
          %or3A_901 = arith.ori %gt3A_897, %and3A_900 : i1
          %select_n3A_902 = arith.select %or3A_901, %select_n3A_868, %select_n3A_895 : f32
          %select_n3A_903 = arith.select %or3A_901, %squeeze3A_740, %select_n3A_896 : i32
          %eq3A_904 = arith.cmpf oeq, %select_n3A_843, %select_n3A_902 : f32
          %eq3A_905 = arith.cmpi eq, %scan3A_127, %select_n3A_903 : i32
          %and3A_906 = arith.andi %eq3A_904, %eq3A_905 : i1
          %jit3A_907 = arith.constant 0xFF800000 : f32
          %select_n3A_908 = arith.select %and3A_906, %jit3A_907, %select_n3A_843 : f32
          %eq3A_909 = arith.cmpf oeq, %select_n3A_848, %select_n3A_902 : f32
          %eq3A_910 = arith.cmpi eq, %scan3A_128, %select_n3A_903 : i32
          %and3A_911 = arith.andi %eq3A_909, %eq3A_910 : i1
          %jit3A_912 = arith.constant 0xFF800000 : f32
          %select_n3A_913 = arith.select %and3A_911, %jit3A_912, %select_n3A_848 : f32
          %eq3A_914 = arith.cmpf oeq, %select_n3A_853, %select_n3A_902 : f32
          %eq3A_915 = arith.cmpi eq, %scan3A_129, %select_n3A_903 : i32
          %and3A_916 = arith.andi %eq3A_914, %eq3A_915 : i1
          %jit3A_917 = arith.constant 0xFF800000 : f32
          %select_n3A_918 = arith.select %and3A_916, %jit3A_917, %select_n3A_853 : f32
          %eq3A_919 = arith.cmpf oeq, %select_n3A_858, %select_n3A_902 : f32
          %eq3A_920 = arith.cmpi eq, %squeeze3A_478, %select_n3A_903 : i32
          %and3A_921 = arith.andi %eq3A_919, %eq3A_920 : i1
          %jit3A_922 = arith.constant 0xFF800000 : f32
          %select_n3A_923 = arith.select %and3A_921, %jit3A_922, %select_n3A_858 : f32
          %eq3A_924 = arith.cmpf oeq, %select_n3A_863, %select_n3A_902 : f32
          %eq3A_925 = arith.cmpi eq, %squeeze3A_610, %select_n3A_903 : i32
          %and3A_926 = arith.andi %eq3A_924, %eq3A_925 : i1
          %jit3A_927 = arith.constant 0xFF800000 : f32
          %select_n3A_928 = arith.select %and3A_926, %jit3A_927, %select_n3A_863 : f32
          %eq3A_929 = arith.cmpf oeq, %select_n3A_868, %select_n3A_902 : f32
          %eq3A_930 = arith.cmpi eq, %squeeze3A_740, %select_n3A_903 : i32
          %and3A_931 = arith.andi %eq3A_929, %eq3A_930 : i1
          %jit3A_932 = arith.constant 0xFF800000 : f32
          %select_n3A_933 = arith.select %and3A_931, %jit3A_932, %select_n3A_868 : f32
          scf.yield %select_n3A_772, %select_n3A_837, %select_n3A_902, %select_n3A_773, %select_n3A_838, %select_n3A_903 : f32, f32, f32, i32, i32, i32
        } else {
          scf.yield %scan3A_124, %scan3A_125, %scan3A_126, %scan3A_127, %scan3A_128, %scan3A_129 : f32, f32, f32, i32, i32, i32
        }
        scf.yield %cond3A_339#0, %cond3A_339#1, %cond3A_339#2, %cond3A_339#3, %cond3A_339#4, %cond3A_339#5 : f32, f32, f32, i32, i32, i32
      }
      %scan3A_82 = arith.constant 50 : i32
      %eq3A = arith.constant 0 : i32
      %eq3A_83 = vector.broadcast %eq3A : i32 to vector<16xi32>
      %eq3A_84 = arith.cmpi eq, %iota3A, %eq3A_83 : vector<16xi32>
      %eq3A_85 = arith.constant 1 : i32
      %eq3A_86 = vector.broadcast %eq3A_85 : i32 to vector<16xi32>
      %eq3A_87 = arith.cmpi eq, %iota3A, %eq3A_86 : vector<16xi32>
      %eq3A_88 = arith.constant 2 : i32
      %eq3A_89 = vector.broadcast %eq3A_88 : i32 to vector<16xi32>
      %eq3A_90 = arith.cmpi eq, %iota3A, %eq3A_89 : vector<16xi32>
      %jit3A = arith.constant 0.000000e+00 : f32
      %broadcast_in_dim3A_91 = vector.broadcast %scan3A_81#2 : f32 to vector<16xf32>
      %broadcast_in_dim3A_92 = vector.broadcast %jit3A : f32 to vector<16xf32>
      %select_n3A = arith.select %eq3A_90, %broadcast_in_dim3A_91, %broadcast_in_dim3A_92 : vector<16xi1>, vector<16xf32>
      %broadcast_in_dim3A_93 = vector.broadcast %scan3A_81#1 : f32 to vector<16xf32>
      %select_n3A_94 = arith.select %eq3A_87, %broadcast_in_dim3A_93, %select_n3A : vector<16xi1>, vector<16xf32>
      %broadcast_in_dim3A_95 = vector.broadcast %scan3A_81#0 : f32 to vector<16xf32>
      %select_n3A_96 = arith.select %eq3A_84, %broadcast_in_dim3A_95, %select_n3A_94 : vector<16xi1>, vector<16xf32>
      %swap3A = arith.index_cast %scan3A_13 : i32 to index
      %swap3A_97 = arith.constant 0 : index
      %swap3A_98 = tpu.vector_load %arg9[%swap3A, %swap3A_97] {strides = array<i32>} : memref<8x16xf32, #tpu.memory_space<vmem>>, vector<1x16xf32>,
      %swap3A_99 = vector.shape_cast %swap3A_98 : vector<1x16xf32> to vector<16xf32>
      %swap3A_100 = vector.shape_cast %select_n3A_96 : vector<16xf32> to vector<1x16xf32>
      tpu.vector_store %arg9[%swap3A, %swap3A_97], %swap3A_100 {strides = array<i32>} : memref<8x16xf32, #tpu.memory_space<vmem>>, vector<1x16xf32>,
      %eq3A_101 = arith.constant 0 : i32
      %eq3A_102 = vector.broadcast %eq3A_101 : i32 to vector<16xi32>
      %eq3A_103 = arith.cmpi eq, %iota3A, %eq3A_102 : vector<16xi32>
      %eq3A_104 = arith.constant 1 : i32
      %eq3A_105 = vector.broadcast %eq3A_104 : i32 to vector<16xi32>
      %eq3A_106 = arith.cmpi eq, %iota3A, %eq3A_105 : vector<16xi32>
      %eq3A_107 = arith.constant 2 : i32
      %eq3A_108 = vector.broadcast %eq3A_107 : i32 to vector<16xi32>
      %eq3A_109 = arith.cmpi eq, %iota3A, %eq3A_108 : vector<16xi32>
      %jit3A_110 = arith.constant 0 : i32
      %broadcast_in_dim3A_111 = vector.broadcast %scan3A_81#5 : i32 to vector<16xi32>
      %broadcast_in_dim3A_112 = vector.broadcast %jit3A_110 : i32 to vector<16xi32>
      %select_n3A_113 = arith.select %eq3A_109, %broadcast_in_dim3A_111, %broadcast_in_dim3A_112 : vector<16xi1>, vector<16xi32>
      %broadcast_in_dim3A_114 = vector.broadcast %scan3A_81#4 : i32 to vector<16xi32>
      %select_n3A_115 = arith.select %eq3A_106, %broadcast_in_dim3A_114, %select_n3A_113 : vector<16xi1>, vector<16xi32>
      %broadcast_in_dim3A_116 = vector.broadcast %scan3A_81#3 : i32 to vector<16xi32>
      %select_n3A_117 = arith.select %eq3A_103, %broadcast_in_dim3A_116, %select_n3A_115 : vector<16xi1>, vector<16xi32>
      %swap3A_118 = arith.index_cast %scan3A_13 : i32 to index
      %swap3A_119 = arith.constant 0 : index
      %swap3A_120 = tpu.vector_load %arg10[%swap3A_118, %swap3A_119] {strides = array<i32>} : memref<8x16xi32, #tpu.memory_space<vmem>>, vector<1x16xi32>,
      %swap3A_121 = vector.shape_cast %swap3A_120 : vector<1x16xi32> to vector<16xi32>
      %swap3A_122 = vector.shape_cast %select_n3A_117 : vector<16xi32> to vector<1x16xi32>
      tpu.vector_store %arg10[%swap3A_118, %swap3A_119], %swap3A_122 {strides = array<i32>} : memref<8x16xi32, #tpu.memory_space<vmem>>, vector<1x16xi32>,
    }
    %scan3A_8 = arith.constant 8 : i32
    %mul3A_9 = arith.constant 8 : i32
    %mul3A_10 = arith.muli %add3A, %mul3A_9 : i32
    "tpu.region"() ({
      %run_scoped3A = tpu.sem_alloc : memref<!tpu.dma_semaphore, #tpu.memory_space<semaphore_mem>>
      %dma_start3A = arith.constant 0 : i32
      %dma_start3A_13 = tpu.memref_slice %arg3[%mul3A_10, %dma_start3A] : memref<256x16xf32, #tpu.memory_space<hbm>> -> memref<8x16xf32, #tpu.memory_space<hbm>>
      %dma_start3A_14 = arith.constant 0 : i32
      %dma_start3A_15 = tpu.memref_slice %arg3[%mul3A_10, %dma_start3A_14] : memref<256x16xf32, #tpu.memory_space<hbm>> -> memref<8x16xf32, #tpu.memory_space<hbm>>
      tpu.enqueue_dma source(%arg9 : memref<8x16xf32, #tpu.memory_space<vmem>>) target(%dma_start3A_15 : memref<8x16xf32, #tpu.memory_space<hbm>>) target_semaphore(%run_scoped3A : memref<!tpu.dma_semaphore, #tpu.memory_space<semaphore_mem>>)
      %dma_wait3A = arith.constant 0 : i32
      %dma_wait3A_16 = tpu.memref_slice %arg3[%mul3A_10, %dma_wait3A] : memref<256x16xf32, #tpu.memory_space<hbm>> -> memref<8x16xf32, #tpu.memory_space<hbm>>
      %dma_wait3A_17 = arith.constant 0 : i32
      %dma_wait3A_18 = tpu.memref_slice %arg3[%mul3A_10, %dma_wait3A_17] : memref<256x16xf32, #tpu.memory_space<hbm>> -> memref<8x16xf32, #tpu.memory_space<hbm>>
      tpu.wait_dma2 semaphore(%run_scoped3A : memref<!tpu.dma_semaphore, #tpu.memory_space<semaphore_mem>>) src(%arg9 : memref<8x16xf32, #tpu.memory_space<vmem>>) dst(%dma_wait3A_18 : memref<8x16xf32, #tpu.memory_space<hbm>>)
      tpu.yield
    }) : () -> ()
    %mul3A_11 = arith.constant 8 : i32
    %mul3A_12 = arith.muli %add3A, %mul3A_11 : i32
    "tpu.region"() ({
      %run_scoped3A = tpu.sem_alloc : memref<!tpu.dma_semaphore, #tpu.memory_space<semaphore_mem>>
      %dma_start3A = arith.constant 0 : i32
      %dma_start3A_13 = tpu.memref_slice %arg4[%mul3A_12, %dma_start3A] : memref<256x16xi32, #tpu.memory_space<hbm>> -> memref<8x16xi32, #tpu.memory_space<hbm>>
      %dma_start3A_14 = arith.constant 0 : i32
      %dma_start3A_15 = tpu.memref_slice %arg4[%mul3A_12, %dma_start3A_14] : memref<256x16xi32, #tpu.memory_space<hbm>> -> memref<8x16xi32, #tpu.memory_space<hbm>>
      tpu.enqueue_dma source(%arg10 : memref<8x16xi32, #tpu.memory_space<vmem>>) target(%dma_start3A_15 : memref<8x16xi32, #tpu.memory_space<hbm>>) target_semaphore(%run_scoped3A : memref<!tpu.dma_semaphore, #tpu.memory_space<semaphore_mem>>)
      %dma_wait3A = arith.constant 0 : i32
      %dma_wait3A_16 = tpu.memref_slice %arg4[%mul3A_12, %dma_wait3A] : memref<256x16xi32, #tpu.memory_space<hbm>> -> memref<8x16xi32, #tpu.memory_space<hbm>>
      %dma_wait3A_17 = arith.constant 0 : i32
      %dma_wait3A_18 = tpu.memref_slice %arg4[%mul3A_12, %dma_wait3A_17] : memref<256x16xi32, #tpu.memory_space<hbm>> -> memref<8x16xi32, #tpu.memory_space<hbm>>
      tpu.wait_dma2 semaphore(%run_scoped3A : memref<!tpu.dma_semaphore, #tpu.memory_space<semaphore_mem>>) src(%arg10 : memref<8x16xi32, #tpu.memory_space<vmem>>) dst(%dma_wait3A_18 : memref<8x16xi32, #tpu.memory_space<hbm>>)
      tpu.yield
    }) : () -> ()
    return
  }
}

module attributes {stable_mosaic.version = 14 : i64} {
  func.func @_tc_entropy_body(%arg0: i32, %arg1: memref<256x2048xf32, #tpu.memory_space<vmem>>, %arg2: memref<256x1xf32, #tpu.memory_space<vmem>>, %arg3: memref<256x1xf32, #tpu.memory_space<vmem>>, %arg4: memref<256x2048xf32, #tpu.memory_space<vmem>>, %arg5: memref<256x2048xf32, #tpu.memory_space<vmem>>) attributes {dimension_semantics = [#tpu.dimension_semantics<arbitrary>], iteration_bounds = array<i64: 49>, scalar_prefetch = 0 : i64, scratch_operands = 2 : i64, tpu.core_type = #tpu.core_type<tc>, window_params = [{transform_indices = @transform_0, window_bounds = array<i64: 256, 2048>}, {pipeline_mode = #tpu.pipeline_mode<synchronous>, transform_indices = @transform_1, window_bounds = array<i64: 256, 1>}, {pipeline_mode = #tpu.pipeline_mode<synchronous>, transform_indices = @transform_2, window_bounds = array<i64: 256, 1>}]} {
    %eq3A = arith.constant 0 : i32
    %eq3A_0 = arith.cmpi eq, %arg0, %eq3A : i32
    %convert_element_type3A = arith.extui %eq3A_0 : i1 to i32
    %cond3A = arith.constant 0 : i32
    %cond3A_1 = arith.cmpi ne, %convert_element_type3A, %cond3A : i32
    scf.if %cond3A_1 {
      %broadcast_in_dim3A = arith.constant 0.000000e+00 : f32
      %broadcast_in_dim3A_11 = vector.broadcast %broadcast_in_dim3A : f32 to vector<256x2048xf32>
      %swap3A = arith.constant 0 : index
      %swap3A_12 = arith.constant 0 : index
      %swap3A_13 = vector.load %arg4[%swap3A, %swap3A_12] : memref<256x2048xf32, #tpu.memory_space<vmem>>, vector<256x2048xf32>
      tpu.vector_store %arg4[%swap3A, %swap3A_12], %broadcast_in_dim3A_11 {strides = array<i32>} : memref<256x2048xf32, #tpu.memory_space<vmem>>, vector<256x2048xf32>,
      %broadcast_in_dim3A_14 = arith.constant 0.000000e+00 : f32
      %broadcast_in_dim3A_15 = vector.broadcast %broadcast_in_dim3A_14 : f32 to vector<256x2048xf32>
      %swap3A_16 = arith.constant 0 : index
      %swap3A_17 = arith.constant 0 : index
      %swap3A_18 = vector.load %arg5[%swap3A_16, %swap3A_17] : memref<256x2048xf32, #tpu.memory_space<vmem>>, vector<256x2048xf32>
      tpu.vector_store %arg5[%swap3A_16, %swap3A_17], %broadcast_in_dim3A_15 {strides = array<i32>} : memref<256x2048xf32, #tpu.memory_space<vmem>>, vector<256x2048xf32>,
    } else {
    }
    %lt3A = arith.constant 48 : i32
    %lt3A_2 = arith.cmpi slt, %arg0, %lt3A : i32
    %convert_element_type3A_3 = arith.extui %lt3A_2 : i1 to i32
    %cond3A_4 = arith.constant 0 : i32
    %cond3A_5 = arith.cmpi ne, %convert_element_type3A_3, %cond3A_4 : i32
    scf.if %cond3A_5 {
      %get3A = arith.constant 0 : index
      %get3A_11 = arith.constant 0 : index
      %get3A_12 = vector.load %arg1[%get3A, %get3A_11] : memref<256x2048xf32, #tpu.memory_space<vmem>>, vector<256x2048xf32>
      %exp3A = math.exp %get3A_12 : vector<256x2048xf32>
      %get3A_13 = arith.constant 0 : index
      %get3A_14 = arith.constant 0 : index
      %get3A_15 = vector.load %arg4[%get3A_13, %get3A_14] : memref<256x2048xf32, #tpu.memory_space<vmem>>, vector<256x2048xf32>
      %add3A = arith.addf %get3A_15, %exp3A : vector<256x2048xf32>
      %swap3A = arith.constant 0 : index
      %swap3A_16 = arith.constant 0 : index
      %swap3A_17 = vector.load %arg4[%swap3A, %swap3A_16] : memref<256x2048xf32, #tpu.memory_space<vmem>>, vector<256x2048xf32>
      tpu.vector_store %arg4[%swap3A, %swap3A_16], %add3A {strides = array<i32>} : memref<256x2048xf32, #tpu.memory_space<vmem>>, vector<256x2048xf32>,
      %get3A_18 = arith.constant 0 : index
      %get3A_19 = arith.constant 0 : index
      %get3A_20 = vector.load %arg5[%get3A_18, %get3A_19] : memref<256x2048xf32, #tpu.memory_space<vmem>>, vector<256x2048xf32>
      %mul3A = arith.mulf %get3A_12, %exp3A : vector<256x2048xf32>
      %add3A_21 = arith.addf %get3A_20, %mul3A : vector<256x2048xf32>
      %swap3A_22 = arith.constant 0 : index
      %swap3A_23 = arith.constant 0 : index
      %swap3A_24 = vector.load %arg5[%swap3A_22, %swap3A_23] : memref<256x2048xf32, #tpu.memory_space<vmem>>, vector<256x2048xf32>
      tpu.vector_store %arg5[%swap3A_22, %swap3A_23], %add3A_21 {strides = array<i32>} : memref<256x2048xf32, #tpu.memory_space<vmem>>, vector<256x2048xf32>,
    } else {
    }
    %eq3A_6 = arith.constant 48 : i32
    %eq3A_7 = arith.cmpi eq, %arg0, %eq3A_6 : i32
    %convert_element_type3A_8 = arith.extui %eq3A_7 : i1 to i32
    %cond3A_9 = arith.constant 0 : i32
    %cond3A_10 = arith.cmpi ne, %convert_element_type3A_8, %cond3A_9 : i32
    scf.if %cond3A_10 {
      %get3A = arith.constant 0 : index
      %get3A_11 = arith.constant 0 : index
      %get3A_12 = vector.load %arg1[%get3A, %get3A_11] : memref<256x2048xf32, #tpu.memory_space<vmem>>, vector<256x2048xf32>
      %mul3A = arith.constant 2048 : i32
      %mul3A_13 = arith.muli %arg0, %mul3A : i32
      %iota3A = tpu.iota {dimensions = array<i32: 1>} : vector<256x2048xi32>
      %add3A = vector.broadcast %mul3A_13 : i32 to vector<256x2048xi32>
      %add3A_14 = arith.addi %add3A, %iota3A : vector<256x2048xi32>
      %lt3A_15 = arith.constant 100000 : i32
      %lt3A_16 = vector.broadcast %lt3A_15 : i32 to vector<256x2048xi32>
      %lt3A_17 = arith.cmpi slt, %add3A_14, %lt3A_16 : vector<256x2048xi32>
      %exp3A = math.exp %get3A_12 : vector<256x2048xf32>
      %jit3A = arith.constant 0.000000e+00 : f32
      %broadcast_in_dim3A = vector.broadcast %jit3A : f32 to vector<256x2048xf32>
      %select_n3A = arith.select %lt3A_17, %exp3A, %broadcast_in_dim3A : vector<256x2048xi1>, vector<256x2048xf32>
      %get3A_18 = arith.constant 0 : index
      %get3A_19 = arith.constant 0 : index
      %get3A_20 = vector.load %arg4[%get3A_18, %get3A_19] : memref<256x2048xf32, #tpu.memory_space<vmem>>, vector<256x2048xf32>
      %add3A_21 = arith.addf %get3A_20, %select_n3A : vector<256x2048xf32>
      %swap3A = arith.constant 0 : index
      %swap3A_22 = arith.constant 0 : index
      %swap3A_23 = vector.load %arg4[%swap3A, %swap3A_22] : memref<256x2048xf32, #tpu.memory_space<vmem>>, vector<256x2048xf32>
      tpu.vector_store %arg4[%swap3A, %swap3A_22], %add3A_21 {strides = array<i32>} : memref<256x2048xf32, #tpu.memory_space<vmem>>, vector<256x2048xf32>,
      %get3A_24 = arith.constant 0 : index
      %get3A_25 = arith.constant 0 : index
      %get3A_26 = vector.load %arg5[%get3A_24, %get3A_25] : memref<256x2048xf32, #tpu.memory_space<vmem>>, vector<256x2048xf32>
      %mul3A_27 = arith.mulf %get3A_12, %select_n3A : vector<256x2048xf32>
      %jit3A_28 = arith.constant 0.000000e+00 : f32
      %broadcast_in_dim3A_29 = vector.broadcast %jit3A_28 : f32 to vector<256x2048xf32>
      %select_n3A_30 = arith.select %lt3A_17, %mul3A_27, %broadcast_in_dim3A_29 : vector<256x2048xi1>, vector<256x2048xf32>
      %add3A_31 = arith.addf %get3A_26, %select_n3A_30 : vector<256x2048xf32>
      %swap3A_32 = arith.constant 0 : index
      %swap3A_33 = arith.constant 0 : index
      %swap3A_34 = vector.load %arg5[%swap3A_32, %swap3A_33] : memref<256x2048xf32, #tpu.memory_space<vmem>>, vector<256x2048xf32>
      tpu.vector_store %arg5[%swap3A_32, %swap3A_33], %add3A_31 {strides = array<i32>} : memref<256x2048xf32, #tpu.memory_space<vmem>>, vector<256x2048xf32>,
      %get3A_35 = arith.constant 0 : index
      %get3A_36 = arith.constant 0 : index
      %get3A_37 = vector.load %arg4[%get3A_35, %get3A_36] : memref<256x2048xf32, #tpu.memory_space<vmem>>, vector<256x2048xf32>
      %reduce_sum3A = arith.constant dense<0.000000e+00> : vector<256xf32>
      %reduce_sum3A_38 = vector.multi_reduction <add>, %get3A_37, %reduce_sum3A [1] : vector<256x2048xf32> to vector<256xf32>
      %broadcast_in_dim3A_39 = vector.shape_cast %reduce_sum3A_38 : vector<256xf32> to vector<256x1xf32>
      %swap3A_40 = arith.constant 0 : index
      %swap3A_41 = arith.constant 0 : index
      %swap3A_42 = vector.load %arg2[%swap3A_40, %swap3A_41] : memref<256x1xf32, #tpu.memory_space<vmem>>, vector<256x1xf32>
      tpu.vector_store %arg2[%swap3A_40, %swap3A_41], %broadcast_in_dim3A_39 {strides = array<i32>} : memref<256x1xf32, #tpu.memory_space<vmem>>, vector<256x1xf32>,
      %get3A_43 = arith.constant 0 : index
      %get3A_44 = arith.constant 0 : index
      %get3A_45 = vector.load %arg5[%get3A_43, %get3A_44] : memref<256x2048xf32, #tpu.memory_space<vmem>>, vector<256x2048xf32>
      %reduce_sum3A_46 = arith.constant dense<0.000000e+00> : vector<256xf32>
      %reduce_sum3A_47 = vector.multi_reduction <add>, %get3A_45, %reduce_sum3A_46 [1] : vector<256x2048xf32> to vector<256xf32>
      %broadcast_in_dim3A_48 = vector.shape_cast %reduce_sum3A_47 : vector<256xf32> to vector<256x1xf32>
      %swap3A_49 = arith.constant 0 : index
      %swap3A_50 = arith.constant 0 : index
      %swap3A_51 = vector.load %arg3[%swap3A_49, %swap3A_50] : memref<256x1xf32, #tpu.memory_space<vmem>>, vector<256x1xf32>
      tpu.vector_store %arg3[%swap3A_49, %swap3A_50], %broadcast_in_dim3A_48 {strides = array<i32>} : memref<256x1xf32, #tpu.memory_space<vmem>>, vector<256x1xf32>,
    } else {
    }
    return
  }
  func.func @transform_0(%arg0: i32) -> (i32, i32) {
    %c0_i32 = arith.constant 0 : i32
    %c0_i32_0 = arith.constant 0 : i32
    return %c0_i32, %arg0 : i32, i32
  }
  func.func @transform_1(%arg0: i32) -> (i32, i32) {
    %c0_i32 = arith.constant 0 : i32
    %c0_i32_0 = arith.constant 0 : i32
    %c0_i32_1 = arith.constant 0 : i32
    return %c0_i32, %c0_i32_0 : i32, i32
  }
  func.func @transform_2(%arg0: i32) -> (i32, i32) {
    %c0_i32 = arith.constant 0 : i32
    %c0_i32_0 = arith.constant 0 : i32
    %c0_i32_1 = arith.constant 0 : i32
    return %c0_i32, %c0_i32_0 : i32, i32
  }
}

module attributes {stable_mosaic.version = 14 : i64} {
  func.func @_assemble_body(%arg0: memref<256x1xi32, #tpu.memory_space<vmem>>, %arg1: memref<1x3xf32, #tpu.memory_space<smem>>, %arg2: memref<256x1xf32, #tpu.memory_space<vmem>>, %arg3: memref<256x1xf32, #tpu.memory_space<vmem>>, %arg4: memref<256x16xf32, #tpu.memory_space<vmem>>, %arg5: memref<256x16xi32, #tpu.memory_space<vmem>>, %arg6: memref<256x4xi32, #tpu.memory_space<vmem>>, %arg7: memref<256x4xf32, #tpu.memory_space<vmem>>) attributes {dimension_semantics = [], scalar_prefetch = 0 : i64, scratch_operands = 0 : i64, tpu.core_type = #tpu.core_type<tc>} {
    %get3A = arith.constant 0 : index
    %get3A_0 = arith.constant 0 : index
    %get3A_1 = vector.load %arg2[%get3A, %get3A_0] : memref<256x1xf32, #tpu.memory_space<vmem>>, vector<256x1xf32>
    %get3A_2 = arith.constant 0 : index
    %get3A_3 = arith.constant 0 : index
    %get3A_4 = vector.load %arg3[%get3A_2, %get3A_3] : memref<256x1xf32, #tpu.memory_space<vmem>>, vector<256x1xf32>
    %div3A = arith.divf %get3A_4, %get3A_1 : vector<256x1xf32>
    %log3A = math.log %get3A_1 : vector<256x1xf32>
    %sub3A = arith.subf %div3A, %log3A : vector<256x1xf32>
    %get3A_5 = arith.constant 0 : index
    %get3A_6 = arith.constant 0 : index
    %get3A_7 = memref.load %arg1[%get3A_5, %get3A_6] : memref<1x3xf32, #tpu.memory_space<smem>>
    %get3A_8 = arith.constant 0 : index
    %get3A_9 = arith.constant 1 : index
    %get3A_10 = memref.load %arg1[%get3A_8, %get3A_9] : memref<1x3xf32, #tpu.memory_space<smem>>
    %get3A_11 = arith.constant 0 : index
    %get3A_12 = arith.constant 2 : index
    %get3A_13 = memref.load %arg1[%get3A_11, %get3A_12] : memref<1x3xf32, #tpu.memory_space<smem>>
    %get3A_14 = arith.constant 0 : index
    %get3A_15 = arith.constant 0 : index
    %get3A_16 = vector.load %arg0[%get3A_14, %get3A_15] : memref<256x1xi32, #tpu.memory_space<vmem>>, vector<256x1xi32>
    %eq3A = arith.constant 5 : i32
    %eq3A_17 = vector.broadcast %eq3A : i32 to vector<256x1xi32>
    %eq3A_18 = arith.cmpi eq, %get3A_16, %eq3A_17 : vector<256x1xi32>
    %sub3A_19 = vector.broadcast %get3A_10 : f32 to vector<256x1xf32>
    %sub3A_20 = arith.subf %sub3A, %sub3A_19 : vector<256x1xf32>
    %mul3A = vector.broadcast %get3A_13 : f32 to vector<256x1xf32>
    %mul3A_21 = arith.mulf %mul3A, %sub3A_20 : vector<256x1xf32>
    %logistic3A = arith.negf %mul3A_21 : vector<256x1xf32>
    %logistic3A_22 = math.exp %logistic3A : vector<256x1xf32>
    %logistic3A_23 = arith.constant 1.000000e+00 : f32
    %logistic3A_24 = vector.broadcast %logistic3A_23 : f32 to vector<256x1xf32>
    %logistic3A_25 = arith.addf %logistic3A_24, %logistic3A_22 : vector<256x1xf32>
    %logistic3A_26 = arith.divf %logistic3A_24, %logistic3A_25 : vector<256x1xf32>
    %mul3A_27 = vector.broadcast %get3A_7 : f32 to vector<256x1xf32>
    %mul3A_28 = arith.mulf %mul3A_27, %logistic3A_26 : vector<256x1xf32>
    %jit3A = arith.constant 0.000000e+00 : f32
    %broadcast_in_dim3A = vector.broadcast %jit3A : f32 to vector<256x1xf32>
    %select_n3A = arith.select %eq3A_18, %mul3A_28, %broadcast_in_dim3A : vector<256x1xi1>, vector<256x1xf32>
    %get3A_29 = arith.constant 0 : index
    %get3A_30 = arith.constant 0 : index
    %get3A_31 = vector.load %arg4[%get3A_29, %get3A_30] : memref<256x16xf32, #tpu.memory_space<vmem>>, vector<256x3xf32>
    %get3A_32 = arith.constant 0 : index
    %get3A_33 = arith.constant 0 : index
    %get3A_34 = vector.load %arg5[%get3A_32, %get3A_33] : memref<256x16xi32, #tpu.memory_space<vmem>>, vector<256x3xi32>
    %jit3A_35 = arith.constant 0 : i32
    %broadcast_in_dim3A_36 = vector.shape_cast %eq3A_18 : vector<256x1xi1> to vector<256x1xi1>
    %broadcast_in_dim3A_37 = vector.broadcast %broadcast_in_dim3A_36 : vector<256x1xi1> to vector<256x3xi1>
    %broadcast_in_dim3A_38 = vector.broadcast %jit3A_35 : i32 to vector<256x3xi32>
    %select_n3A_39 = arith.select %broadcast_in_dim3A_37, %get3A_34, %broadcast_in_dim3A_38 : vector<256x3xi1>, vector<256x3xi32>
    %reduce_max3A = arith.constant dense<0xFF800000> : vector<256xf32>
    %reduce_max3A_40 = vector.multi_reduction <maximumf>, %get3A_31, %reduce_max3A [1] : vector<256x3xf32> to vector<256xf32>
    %broadcast_in_dim3A_41 = vector.shape_cast %reduce_max3A_40 : vector<256xf32> to vector<256x1xf32>
    %sub3A_42 = vector.broadcast %broadcast_in_dim3A_41 : vector<256x1xf32> to vector<256x3xf32>
    %sub3A_43 = arith.subf %get3A_31, %sub3A_42 : vector<256x3xf32>
    %exp3A = math.exp %sub3A_43 : vector<256x3xf32>
    %reduce_sum3A = arith.constant dense<0.000000e+00> : vector<256xf32>
    %reduce_sum3A_44 = vector.multi_reduction <add>, %exp3A, %reduce_sum3A [1] : vector<256x3xf32> to vector<256xf32>
    %broadcast_in_dim3A_45 = vector.shape_cast %reduce_sum3A_44 : vector<256xf32> to vector<256x1xf32>
    %div3A_46 = vector.broadcast %broadcast_in_dim3A_45 : vector<256x1xf32> to vector<256x3xf32>
    %div3A_47 = arith.divf %exp3A, %div3A_46 : vector<256x3xf32>
    %concatenate3A = tpu.concatenate %get3A_16, %select_n3A_39 in 1 : vector<256x1xi32>, vector<256x3xi32> -> vector<256x4xi32>
    %swap3A = arith.constant 0 : index
    %swap3A_48 = arith.constant 0 : index
    %swap3A_49 = vector.load %arg6[%swap3A, %swap3A_48] : memref<256x4xi32, #tpu.memory_space<vmem>>, vector<256x4xi32>
    tpu.vector_store %arg6[%swap3A, %swap3A_48], %concatenate3A {strides = array<i32>} : memref<256x4xi32, #tpu.memory_space<vmem>>, vector<256x4xi32>,
    %sub3A_50 = arith.constant 1.000000e+00 : f32
    %sub3A_51 = vector.broadcast %sub3A_50 : f32 to vector<256x1xf32>
    %sub3A_52 = arith.subf %sub3A_51, %select_n3A : vector<256x1xf32>
    %mul3A_53 = vector.broadcast %select_n3A : vector<256x1xf32> to vector<256x3xf32>
    %mul3A_54 = arith.mulf %mul3A_53, %div3A_47 : vector<256x3xf32>
    %concatenate3A_55 = tpu.concatenate %sub3A_52, %mul3A_54 in 1 : vector<256x1xf32>, vector<256x3xf32> -> vector<256x4xf32>
    %swap3A_56 = arith.constant 0 : index
    %swap3A_57 = arith.constant 0 : index
    %swap3A_58 = vector.load %arg7[%swap3A_56, %swap3A_57] : memref<256x4xf32, #tpu.memory_space<vmem>>, vector<256x4xf32>
    tpu.vector_store %arg7[%swap3A_56, %swap3A_57], %concatenate3A_55 {strides = array<i32>} : memref<256x4xf32, #tpu.memory_space<vmem>>, vector<256x4xf32>,
    return
  }
}

</mosaic_0001>

<sc_bundles>
// kernel: kernel.5.cloned.1.call-start
scs
__scs_entry_jumppad:
0x0: {  	(pc) =	sbr.rel $0x88, $3  }
0x1: {  	(tag) =	ssettag $0x0;
	lr =	simm.s32 $0x1  }
0x2: {  	[smem:$0x3F9C] =	sst lr;
	_ =	strace $0xD0000000  }
0x3: {  	_ = 	snop  }
0x4: {  	_ = 	snop  }
0x5: {  	_ = 	snop  }
0x6: {  	_ = 	snop  }
0x7: {  	_ = 	snop  }
__scs_overlays_trampoline_lowered:
0x8: {  	[smem:$0x3FAB] =	sst s0  }
0x9: {  	[smem:$0x3FAC] =	sst s1  }
0xa: {  	[smem:$0x3FAD] =	sst s2  }
0xb: {  	[smem:$0x3FAE] =	sst s3  }
0xc: {  	[smem:$0x3FAF] =	sst s4  }
0xd: {  	[smem:$0x3FB0] =	sst s5  }
0xe: {  	[smem:$0x3FB1] =	sst s6  }
0xf: {  	[smem:$0x3FB2] =	sst s7  }
0x10: {  	[smem:$0x3FB3] =	sst s8  }
0x11: {  	[smem:$0x3FB4] =	sst s9;
	s0 =	simm.s32 @!p0 $0x0  }
0x12: {  	s1 =	sld [smem:$0x3F9A];
	s0 =	simm.s32 @p0 $0x1  }
0x13: {  	[smem:$0x3FB5] =	sst s0;
	s0 =	simm.s32 @!p1 $0x0  }
0x14: {  	s2 =	sld [smem:$0x3F99];
	s0 =	simm.s32 @p1 $0x1  }
0x15: {  	[smem:$0x3FB6] =	sst s0;
	s0 =	simm.s32 @!p2 $0x0  }
0x16: {  	s3 =	sld [smem:$0x3FDB];
	s0 =	simm.s32 @p2 $0x1  }
0x17: {  	s4 =	simm.s32 $0x1BF5;
	[smem:$0x3FB8] =	sst s0  }
0x18: {  	s0 =	sld [smem:$0x3F9B];
	_ =	swait.ge [sflag:s4], $0x0  }
0x19: {  	s7 =	sld [smem:$0x3F9C]  }
0x1a: {  	s8 =	sadd.s32 $0xFFFFE003, lr  }
0x1b: {  	s9 =	sadd.s32 $0xFFFFFEF7, lr;
	s5 =	simm.s32 $0xFFFFFFFF;
	p2 =	slt.u32 s8, $0xFFFFF086  }
0x1c: {  	p1 =	slt.u32 s9, $0xF7A;
	s5 =	simm.s32 @!p2 $0x0  }
0x1d: {  	s5 =	simm.s32 @p1 $0x1;
	p0 =	seq.s32 s7, s2  }
0x1e: {  	s7 =	smul.u32 @!p0 $0xF7A, s2;
	p2 =	seq.s32 @!p0 s5, $0x0  }
0x1f: {  	s9 =	smul.u32 $0xF7A, s1;
	s8 =	simm.s32 @!p0 $0x1BF5;
	p2 =	por !p2, p0  }
0x20: {  	[sflag:s8] =	ssyncset.s32 @!p0 $0xFFFFF086;
	s6 =	sadd.s32 @!p0 s3, s7;
	s7 =	simm.s32 @!p0 $0x108  }
0x21: {  	s3 =	sadd.s32 s3, s9;
	s6 =	sadd.s32 @!p0 $0x88, s6;
	s7 =	simm.s32 @p2 $0x1082  }
0x22: {  	[simem:s7], [sflag:s8] =	dma.local @!p0 [hbm:s6], $0xF7A  }
0x23: {  	s9 =	sor.u32 $0xD0000000, s2;
	s6 =	simm.s32 $0x108;
	_ =	swait.ge @!p0 [sflag:s8], $0x0  }
0x24: {  	s3 =	sadd.s32 $0x88, s3;
	s6 =	simm.s32 @!p1 $0x1082;
	[sflag:s4] =	ssyncset.s32 $0xFFFFF086  }
0x25: {  	[simem:s6], [sflag:s4] =	dma.local [hbm:s3], $0xF7A  }
0x26: {  	[smem:$0x3F9C] =	sst s1;
	(tag) =	ssettag s2;
	_ =	strace s9  }
0x27: {  	s1 =	sld [smem:$0x3FAC]  }
0x28: {  	s2 =	sld [smem:$0x3FAD]  }
0x29: {  	s4 =	sld [smem:$0x3FAF]  }
0x2a: {  	p0 =	seq.s32 s5, $0x0;
	s5 =	sld [smem:$0x3FB0]  }
0x2b: {  	s6 =	sld [smem:$0x3FB1]  }
0x2c: {  	s7 =	sld [smem:$0x3FB2]  }
0x2d: {  	s3 =	simm.s32 $0x108;
	s8 =	sld [smem:$0x3FB3]  }
0x2e: {  	s3 =	simm.s32 @!p0 $0x1082;
	s9 =	sld [smem:$0x3FB4]  }
0x2f: {  	lr =	sadd.s32 s0, s3;
	s0 =	sld [smem:$0x3FAB]  }
0x30: {  	s3 =	sld [smem:$0x3FAE]  }
0x31: {  	[smem:$0x3FB7] =	sst s10  }
0x32: {  	s10 =	sld [smem:$0x3FB5];
	_ =	sdelay $0x3  }
0x33: {  	p0 =	seq.s32 s10, $0x1;
	s10 =	sld [smem:$0x3FB7];
	_ =	sdelay $0x3  }
0x34: {  	[smem:$0x3FB7] =	sst s10  }
0x35: {  	s10 =	sld [smem:$0x3FB6];
	_ =	sdelay $0x3  }
0x36: {  	p1 =	seq.s32 s10, $0x1;
	s10 =	sld [smem:$0x3FB7];
	_ =	sdelay $0x3  }
0x37: {  	[smem:$0x3FB7] =	sst s10  }
0x38: {  	s10 =	sld [smem:$0x3FB8]  }
0x39: {  	_ = 	snop;
	(pc) =	sbr.ind lr, $3  }
0x3a: {  	_ = 	snop  }
0x3b: {  	_ = 	snop  }
0x3c: {  	p2 =	seq.s32 s10, $0x1;
	s10 =	sld [smem:$0x3FB7]  }
0x3d: {  	_ =	shalt  }
0x3e: {  	_ =	shalt  }
0x3f: {  	_ =	shalt  }
0x40: {  	_ =	shalt  }
0x41: {  	_ =	shalt  }
0x42: {  	_ =	shalt  }
0x43: {  	_ =	shalt  }
0x44: {  	_ =	shalt  }
0x45: {  	_ =	shalt  }
0x46: {  	_ =	shalt  }
0x47: {  	_ =	shalt  }
0x48: {  	_ =	shalt  }
0x49: {  	_ =	shalt  }
0x4a: {  	_ =	shalt  }
0x4b: {  	_ =	shalt  }
0x4c: {  	_ =	shalt  }
0x4d: {  	_ =	shalt  }
0x4e: {  	_ =	shalt  }
0x4f: {  	_ =	shalt  }
0x50: {  	_ =	shalt  }
0x51: {  	_ =	shalt  }
0x52: {  	_ =	shalt  }
0x53: {  	_ =	shalt  }
0x54: {  	_ =	shalt  }
0x55: {  	_ =	shalt  }
0x56: {  	_ =	shalt  }
0x57: {  	_ =	shalt  }
0x58: {  	_ =	shalt  }
0x59: {  	_ =	shalt  }
0x5a: {  	_ =	shalt  }
0x5b: {  	_ =	shalt  }
0x5c: {  	_ =	shalt  }
0x5d: {  	_ =	shalt  }
0x5e: {  	_ =	shalt  }
0x5f: {  	_ =	shalt  }
0x60: {  	_ =	shalt  }
0x61: {  	_ =	shalt  }
0x62: {  	_ =	shalt  }
0x63: {  	_ =	shalt  }
0x64: {  	_ =	shalt  }
0x65: {  	_ =	shalt  }
0x66: {  	_ =	shalt  }
0x67: {  	_ =	shalt  }
0x68: {  	_ =	shalt  }
0x69: {  	_ =	shalt  }
0x6a: {  	_ =	shalt  }
0x6b: {  	_ =	shalt  }
0x6c: {  	_ =	shalt  }
0x6d: {  	_ =	shalt  }
0x6e: {  	_ =	shalt  }
0x6f: {  	_ =	shalt  }
0x70: {  	_ =	shalt  }
0x71: {  	_ =	shalt  }
0x72: {  	_ =	shalt  }
0x73: {  	_ =	shalt  }
0x74: {  	_ =	shalt  }
0x75: {  	_ =	shalt  }
0x76: {  	_ =	shalt  }
0x77: {  	_ =	shalt  }
0x78: {  	_ =	shalt  }
0x79: {  	_ =	shalt  }
0x7a: {  	_ =	shalt  }
0x7b: {  	_ =	shalt  }
0x7c: {  	_ =	shalt  }
0x7d: {  	_ =	shalt  }
0x7e: {  	_ =	shalt  }
0x7f: {  	_ =	shalt  }
0x80: {  	_ =	shalt  }
0x81: {  	_ =	shalt  }
0x82: {  	_ =	shalt  }
0x83: {  	_ =	shalt  }
0x84: {  	_ =	shalt  }
0x85: {  	_ =	shalt  }
0x86: {  	_ =	shalt  }
0x87: {  	_ =	shalt  }
.Lfunc_end0:
.L_simem_size_0:
called_computation_lowered:
.L_overlay_start_0:
0x88: {  	s2 =	sld [smem:$0x3FD9]  }
0x89: {  	s3 =	sld [smem:$0x3FFE];
	_ =	sdelay $0x1  }
0x8a: {  	s1 =	srdreg.scid  }
0x8b: {  	s0 =	sand.u32 $0x1, s1  }
0x8c: {  	s16 =	sshll.u32 s0, $0xA;
	s2 =	sadd.s32 s3, s2  }
0x8d: {  	s2 =	sadd.s32 s2, s16  }
0x8e: {  	[smem:$0x3FC3] =	sst s2  }
0x8f: {  	_ = 	snop  }
0x90: {  	(tm) =	ssettm $0x1  }
0x91: {  	s17 =	sld [smem:$0x3FFB];
	_ =	sdelay $0x3  }
0x92: {  	_ =	strace s17  }
0x93: {  	s2 =	sld [smem:$0x3FFC];
	_ =	sdelay $0x3  }
0x94: {  	_ =	strace s2  }
0x95: {  	s2 =	sld [smem:$0x3FFD];
	_ =	sdelay $0x3  }
0x96: {  	_ =	strace s2  }
0x97: {  	_ =	strace $0x8FFFFFFF  }
0x98: {  	s18 =	sld [smem:$0x3FDB];
	_ =	sdelay $0x1  }
0x99: {  	s19 =	simm.s32 $_scs_section_size  }
0x9a: {  	s4 =	simm.s32 $_size__tile_overlayer_lowered;
	s5 =	simm.s32 $_tile_overlayer_lowered  }
0x9b: {  	s22 =	simm.s32 $0x1BFF;
	s21 =	sshll.u32 s5, $0x1;
	s2 =	sadd.s32 s19, s18  }
0x9c: {  	s6 =	simm.s32 $0x0;
	s20 =	sshll.u32 s4, $0x1;
	s4 =	sadd.s32 s21, s2  }
0x9d: {  	[timem:s6], [sflag:s22] =	dma.local [hbm:s4], s20  }
0x9e: {  	_ =	swait.ge [sflag:s22], s20  }
0x9f: {  	s3 =	ssub.s32 $0x0, s20;
	[sflag:s22] =	ssyncset.done $0x0  }
0xa0: {  	[sflag:s22] =	ssyncadd.s32 s3;
	_ =	sdelay $0x1  }
0xa1: {  	s23 =	simm.s32 $0x1B8B  }
0xa2: {  	_ =	swait.ge [sflag:s23], $0x1  }
0xa3: {  	[sflag:s23] =	ssyncset.done $0x0  }
0xa4: {  	s25 =	simm.s32 $0x1B8E;
	s24 =	sld [smem:$0x3FFE];
	[sflag:s23] =	ssyncadd.s32 $0xFFFFFFFF  }
0xa5: {  	s26 =	simm.s32 $execute0_lowered;
	[smem:$0x3FD2] =	sst s25  }
0xa6: {  	s4 =	sshll.u32 s26, $0x1;
	_ =	strace $0x80000046;
	[dreg:$0x1] =	wrdreg $0xFFFFFFFF  }
0xa7: {  	s28 =	simm.s32 $_size_execute0_lowered;
	s2 =	sadd.s32 s2, s4;
	[dreg:$0x0] =	wrdreg $0x0  }
0xa8: {  	s4 =	sshll.u32 s28, $0x1;
	[dreg:$0x2] =	wrdreg s2  }
0xa9: {  	[dreg:$0x3] =	wrdreg s4  }
0xaa: {  	[dreg:$0x4] =	wrdreg $0xC0  }
0xab: {  	_ =	task [dreg:s6], $0x5FFFF  }
0xac: {  	[dreg:$0x1] =	wrdreg $0xFFFFFFFF  }
0xad: {  	[dreg:$0x0] =	wrdreg $0x60  }
0xae: {  	[dreg:$0x2] =	wrdreg s24  }
0xaf: {  	[dreg:$0x3] =	wrdreg $0x9  }
0xb0: {  	_ =	task.clear_ibuf [dreg:s6], $0x4FFFF;
	_ =	strace $0x90000046  }
0xb1: {  	s29 =	simm.s32 $0x9;
	_ =	strace $0x80000048  }
0xb2: {  	_ =	swait.ge [sflag:s29], $0x1  }
0xb3: {  	[sflag:s29] =	ssyncadd.s32 $0xFFFFFFFF  }
0xb4: {  	_ =	strace $0x90000048  }
0xb5: {  	_ =	sfence  }
0xb6: {  	s30 =	sld [smem:$0x0];
	_ =	sdelay $0x2  }
0xb7: {  	s31 =	sshll.u32 s1, $0xD;
	s1 =	sshrl.u32 s1, $0x2  }
0xb8: {  	s3 =	sand.u32 $0x4000, s31;
	s1 =	sadd.s32 s1, s30  }
0xb9: {  	s0 =	sor.u32 s3, s0;
	s1 =	sshll.u32 s1, $0x11  }
0xba: {  	s0 =	sor.u32 s1, s0  }
0xbb: {  	s0 =	sadd.s32 $0x8F2B, s0  }
0xbc: {  	[sflag:s0] =	ssyncadd.remote.s32 $0x1  }
0xbd: {  	_ =	sfence.sel $0xFFFF  }
0xbe: {  	[dreg:$0x0] =	wrdreg $0xFFFFFFFF;
	(pc) =	sbr.abs _section_cstart, $3  }
0xbf: {  	[dreg:$0x1] =	wrdreg $0xFFFFFFFF  }
0xc0: {  	_ =	task.clear_ibuf [dreg:s6], $0x2FFFF;
	_ =	strace $0x9FFFFFFF  }
0xc1: {  	(tm) =	ssettm $0x7FFFFFFF  }
tec
execute0_lowered:
.L_overlay_start_1:
0x0: {  	(tag) =	ssettag $0x1  }
0x1: {  	v0 =	vimm.s32 $0xEFCDAB89  }
0x2: {  	s0 =	rddreg [dreg:$0x0];
	v1 =	vimm.s32 $0x67452301;
	v2 =	vimm.s32 $0xDCFE98BA;
	v3 =	vimm.s32 $0x54761032  }
0x3: {  	s1 =	srdreg.scid;
	s2 =	stileid.u32;
	v4 =	vimm.s32 $0xBA98FEDC;
	v5 =	vimm.s32 $0xFEDCBA98;
	v6 =	vimm.s32 $0x32107654  }
0x4: {  	s3 =	simm.s32 $0x0;
	v7 =	vimm.s32 $0x76543210;
	s9 =	simm.s32 $0x9D00;
	s10 =	simm.s32 $0xEB80;
	vm0 =	vcmask $0x300  }
0x5: {  	s11 =	simm.s32 $0x1;
	vm1 =	vcmask $0x704;
	vm2 =	vcmask $0xB08;
	v0 =	vunpack.c.l.s4.s8 v0;
	s1 =	sand.u32 $0x1, s1;
	s2 =	sshll.u32 s2, $0x1  }
0x6: {  	s12 =	simm.s32 $0x2;
	s13 =	simm.s32 $0x3;
	v1 =	vunpack.c.l.s4.s8 v1;
	v2 =	vunpack.c.l.s4.s8 v2;
	v3 =	vunpack.c.l.s4.s8 v3;
	s2 =	sor.u32 s1, s2  }
0x7: {  	[smem:$0x7FF] =	sst s3;
	v5 =	vunpack.c.l.s4.s8 v5;
	s3 =	sadd.s32 $0x1200, s0;
	v4 =	vunpack.c.l.s4.s8 v4;
	v6 =	vunpack.c.l.s4.s8 v6;
	s4 =	sshll.u32 s2, $0x7  }
.Ltmp0:
0x8: {  	v7 =	vunpack.c.l.s4.s8 v7;
	s1 =	ssub.s32 $0x2, s1;
	v0 =	vunpack.c.0.s8.s32 v0;
	v1 =	vunpack.c.0.s8.s32 v1;
	s0 =	sadd.s32 s4, s0;
	(pc) =	sbr.rel .LBB2_1-.Ltmp0, $4  }
0x9: {  	_ =	strace $0x80000047;
	s5 =	sshrl.u32 s1, $0x1;
	v2 =	vunpack.c.0.s8.s32 v2;
	v3 =	vunpack.c.0.s8.s32 v3;
	v5 =	vunpack.c.0.s8.s32 v5;
	s30 =	sadd.s32 $0x30E600, s0  }
0xa: {  	v4 =	vunpack.c.0.s8.s32 v4;
	v6 =	vunpack.c.0.s8.s32 v6;
	v7 =	vunpack.c.0.s8.s32 v7;
	s1 =	ssub.s32 s1, s5;
	s0 =	sadd.s32 $0x30F600, s0;
	[dreg:$0x2] =	wrdreg s30  }
0xb: {  	s14 =	simm.s32 $0x4;
	s31 =	smax.u32 s1, $0x1;
	v0 =	vcombine.low v1, v0;
	v1 =	vcombine.low v3, v2;
	v3 =	vand.u32 $0xF, v5;
	[dreg:$0x3] =	wrdreg s0  }
0xc: {  	s4 =	sshll.u32 s2, $0x3;
	v2 =	vcombine.low v6, v4;
	v4 =	vlaneseq.u32;
	s1 =	simm.s32 $0x0;
	[dreg:$0x4] =	wrdreg s31;
	v3 =	vcombine.low v3, v7  }
.LBB2_73:
0xd: {  	s0 =	simm.s32 $0x0  }
0xe: {  	s1 =	rddreg [dreg:$0x2];
	s2 =	simm.s32 $0x13A00;
	s28 =	simm.s32 $0x5  }
0xf: {  	[hbm4b:s1+s0] =	stream.linear.scatter [tilespmem:s2], [sflag:$0x5], $0x400, $0x38;
	[tilespmem:$0x14200] =	vst v63  }
0x10: {  	_ =	swait.ge [sflag:s28], $0x400  }
0x11: {  	[sflag:s28] =	ssyncset.done $0x0  }
0x12: {  	s5 =	simm.s32 $0x13E00;
	s29 =	rddreg [dreg:$0x3];
	[sflag:s28] =	ssyncadd.s32 $0xFFFFFC00  }
0x13: {  	[hbm4b:s29+s0] =	stream.linear.scatter [tilespmem:s5], [sflag:$0x5], $0x400, $0x38;
	[tilespmem:$0x14200] =	vst v63  }
0x14: {  	_ =	swait.ge [sflag:s28], $0x400  }
0x15: {  	s30 =	rddreg [dreg:$0x5]  }
0x16: {  	s31 =	rddreg [dreg:$0x4];
	s1 =	sadd.s32 $0x1, s30  }
0x17: {  	p0 =	sne.s32 s1, s31  }
.Ltmp1:
0x18: {  	_ = 	snop;
	(pc) =	sbr.rel @!p0 .LBB2_74-.Ltmp1, $3  }
0x19: {  	_ =	sdelay $0x1  }
0x1a: {  	[sflag:s28] =	ssyncset.done $0x0  }
0x1b: {  	[sflag:s28] =	ssyncadd.s32 $0xFFFFFC00  }
.LBB2_1:
.Ltmp2:
0x1c: {  	(pc) =	sbr.rel .LBB2_2-.Ltmp2, $2  }
0x1d: {  	_ =	sdelay $0x2  }
0x1e: {  	[dreg:$0x5] =	wrdreg s1;
	s19 =	simm.s32 $0x0  }
.LBB2_72:
0x1f: {  	s1 =	sshll.u32 s19, $0x7;
	s19 =	sadd.s32 $0x1, s19  }
0x20: {  	v5 =	vmov s20;
	p0 =	sne.s32 s19, $0x8  }
.Ltmp3:
0x21: {  	v6 =	vmov s22;
	v5 =	vnsel vm0, $0x0, v5;
	(pc) =	sbr.rel @!p0 .LBB2_73-.Ltmp3, $4  }
0x22: {  	v6 =	vnsel vm0, $0x0, v6;
	v5 =	vsel vm1, s8, v5  }
0x23: {  	v6 =	vsel vm1, s16, v6;
	v5 =	vsel vm2, s23, v5  }
0x24: {  	[tilespmem:s1+$0x13A00] =	vst v5;
	v5 =	vsel vm2, s0, v6  }
0x25: {  	[tilespmem:s1+$0x13E00] =	vst v5  }
.LBB2_2:
0x26: {  	s0 =	sadd.s32 s4, s19  }
0x27: {  	s0 =	smul.u32 $0x186A0, s0;
	_ =	sdelay $0x1  }
0x28: {  	s0 =	sshrl.u32 s0, $0x3  }
0x29: {  	s28 =	simm.s32 $0x0;
	s26 =	sadd.s32 s3, s0  }
0x2a: {  	[tilespmem:s28], [sflag:$0x1] =	stream.linear.gather [hbm4b:s26+s28], $0x4E20, $0x38;
	[tilespmem:$0x14200] =	vst v63  }
0x2b: {  	s1 =	simm.s32 $0x4E80;
	s0 =	sadd.s32 $0x9C4, s26  }
0x2c: {  	[tilespmem:s1], [sflag:$0x2] =	stream.linear.gather [hbm4b:s0+s28], $0x4E20, $0x38;
	[tilespmem:$0x14200] =	vst v63  }
0x2d: {  	s23 =	simm.f32 $-Inf;
	s25 =	sadd.s32 $0x1388, s26  }
0x2e: {  	[tilespmem:s9], [sflag:$0x3] =	stream.linear.gather [hbm4b:s25+s28], $0x4E20, $0x38;
	[tilespmem:$0x14200] =	vst v63  }
.Ltmp4:
0x2f: {  	s29 =	simm.s32 $0x0;
	s31 =	sadd.s32 $0x1D4C, s26;
	(pc) =	sbr.rel .LBB2_3-.Ltmp4, $4  }
0x30: {  	[tilespmem:s10], [sflag:$0x4] =	stream.linear.gather [hbm4b:s31+s28], $0x4E20, $0x38;
	[tilespmem:$0x14200] =	vst v63  }
0x31: {  	s16 =	simm.s32 $0x0;
	s22 =	simm.s32 $0x0;
	_ =	swait.ge [sflag:s11], $0x4E20  }
0x32: {  	s8 =	simm.f32 $-Inf;
	s20 =	simm.f32 $-Inf;
	[sflag:s11] =	ssyncset.done $0x0  }
0x33: {  	s30 =	simm.s32 $0x0;
	s0 =	simm.s32 $0x0;
	[sflag:s11] =	ssyncadd.s32 $0xFFFFB1E0  }
.LBB2_14:
0x34: {  	vm3 =	vne.s32 v16, v11;
	vm4 =	vne.s32 v16, v8  }
0x35: {  	vm5 =	veq.f32 v15, v14;
	vm3 =	vmand vm3, vm4  }
0x36: {  	vm3 =	vmand vm3, vm5  }
0x37: {  	v6 =	vnsel vm3, $0x7FFFFFFF, v16  }
0x38: {  	vm3 =	vlt.s32 v13, v6  }
0x39: {  	v6 =	vsel vm3, v13, v6  }
0x3a: {  	v63 =	vperm.xlane v6, v0;
	_ =	sdelay $0x1  }
0x3b: {  	vm3 =	vlt.s32 v6, v63  }
0x3c: {  	(v2sf) =	vpush v5, $0x0;
	v5 =	vsel vm3, v6, v63  }
0x3d: {  	(v2sf) =	vpush v7, $0x0;
	v6 =	vperm.xlane v5, v1;
	_ =	sdelay $0x1  }
0x3e: {  	vm3 =	vlt.s32 v5, v6  }
0x3f: {  	p1 =	seq.f32 s8, s20;
	v5 =	vsel vm3, v5, v6  }
0x40: {  	p0 =	slt.s32 s16, s22;
	v6 =	vperm.xlane v5, v2  }
0x41: {  	p2 =	sgt.f32 s8, s20;
	(v2sf) =	vpush v9, $0x0;
	p1 =	por !p1, !p0  }
0x42: {  	(v2sf) =	vpush v10, $0x0;
	p1 =	por !p1, !p1;
	vm3 =	vlt.s32 v5, v6  }
0x43: {  	s31 =	smov.u32 s20;
	p1 =	por p2, p1;
	v5 =	vsel vm3, v5, v6  }
0x44: {  	s21 =	smov.u32 s22;
	s31 =	smov.u32 @p1 s8;
	v6 =	vperm.xlane v5, v3  }
0x45: {  	s21 =	smov.u32 @p1 s16;
	p5 =	seq.f32 s23, s31  }
0x46: {  	p6 =	slt.s32 s0, s21;
	vm3 =	vlt.s32 v5, v6  }
0x47: {  	(v2sf) =	vpush v12, $0x0;
	p3 =	sgt.f32 s23, s31;
	p1 =	por !p5, !p6;
	v5 =	vsel vm3, v5, v6  }
0x48: {  	p1 =	por !p1, !p1;
	(v2sf) =	vpush v5, $0x0  }
0x49: {  	p1 =	por p3, p1  }
0x4a: {  	s31 =	smov.u32 @p1 s23;
	s18 =	spop (v2sf)  }
0x4b: {  	s21 =	smov.u32 @p1 s0;
	s6 =	spop (v2sf);
	p4 =	seq.f32 s18, s31  }
0x4c: {  	p5 =	slt.s32 s6, s21  }
0x4d: {  	p6 =	sgt.f32 s18, s31;
	p1 =	por !p4, !p5  }
0x4e: {  	p1 =	por !p1, !p1  }
0x4f: {  	p1 =	por p6, p1  }
0x50: {  	s1 =	spop (v2sf);
	s31 =	smov.u32 @p1 s18  }
0x51: {  	s17 =	spop (v2sf);
	s21 =	smov.u32 @p1 s6;
	p4 =	seq.f32 s1, s31  }
0x52: {  	p5 =	slt.s32 s17, s21  }
0x53: {  	p6 =	sgt.f32 s1, s31;
	p1 =	por !p4, !p5  }
0x54: {  	p1 =	por !p1, !p1  }
0x55: {  	p1 =	por p6, p1  }
0x56: {  	s15 =	spop (v2sf);
	s31 =	smov.u32 @p1 s1  }
0x57: {  	s21 =	smov.u32 @p1 s17;
	p3 =	seq.f32 s15, s31;
	s2 =	spop (v2sf)  }
0x58: {  	p4 =	slt.s32 s2, s21  }
0x59: {  	p5 =	sgt.f32 s15, s31;
	p1 =	por !p3, !p4  }
0x5a: {  	p1 =	por !p1, !p1  }
0x5b: {  	p1 =	por p5, p1  }
0x5c: {  	s24 =	smov.u32 s20;
	s31 =	smov.u32 @p1 s15  }
0x5d: {  	s25 =	smov.u32 s8;
	s21 =	smov.u32 @p1 s2;
	p1 =	seq.f32 s20, s31  }
0x5e: {  	p2 =	seq.s32 s22, s21;
	p3 =	seq.f32 s8, s31;
	p4 =	seq.s32 s16, s21  }
0x5f: {  	s24 =	simm.s32 @p2 $0xFF800000;
	s25 =	simm.s32 @p4 $0xFF800000  }
0x60: {  	s20 =	smov.u32 @p1 s24;
	s8 =	smov.u32 @p3 s25  }
0x61: {  	p1 =	seq.f32 s8, s20;
	_ =	sdelay $0x1  }
0x62: {  	p4 =	seq.s32 s0, s21;
	p6 =	sgt.f32 s8, s20;
	p1 =	por !p0, !p1  }
0x63: {  	p3 =	seq.f32 s23, s31;
	s24 =	smov.u32 s23;
	p1 =	por !p1, !p1  }
0x64: {  	s24 =	simm.s32 @p4 $0xFF800000;
	s25 =	smov.u32 s20;
	p1 =	por p6, p1  }
0x65: {  	s23 =	smov.u32 @p3 s24;
	s24 =	smov.u32 s22;
	s25 =	smov.u32 @p1 s8  }
0x66: {  	s24 =	smov.u32 @p1 s16;
	p5 =	seq.f32 s23, s25  }
0x67: {  	p6 =	slt.s32 s0, s24  }
0x68: {  	s5 =	smov.u32 s18;
	p3 =	sgt.f32 s23, s25;
	p1 =	por !p5, !p6  }
0x69: {  	p2 =	seq.f32 s18, s31;
	p4 =	seq.s32 s6, s21;
	p1 =	por !p1, !p1  }
0x6a: {  	s5 =	simm.s32 @p4 $0xFF800000;
	p1 =	por p3, p1  }
0x6b: {  	s18 =	smov.u32 @p2 s5;
	s25 =	smov.u32 @p1 s23  }
0x6c: {  	s24 =	smov.u32 @p1 s0;
	p4 =	seq.f32 s18, s25  }
0x6d: {  	p5 =	slt.s32 s6, s24  }
0x6e: {  	p2 =	seq.f32 s1, s31;
	p6 =	sgt.f32 s18, s25;
	p1 =	por !p4, !p5  }
0x6f: {  	s5 =	smov.u32 s1;
	p4 =	seq.s32 s17, s21;
	p1 =	por !p1, !p1  }
0x70: {  	s5 =	simm.s32 @p4 $0xFF800000;
	p1 =	por p6, p1  }
0x71: {  	s1 =	smov.u32 @p2 s5;
	s25 =	smov.u32 @p1 s18  }
0x72: {  	s24 =	smov.u32 @p1 s6;
	p4 =	seq.f32 s1, s25  }
0x73: {  	p5 =	slt.s32 s17, s24  }
0x74: {  	p2 =	seq.f32 s15, s31;
	p6 =	sgt.f32 s1, s25;
	p1 =	por !p4, !p5  }
0x75: {  	s5 =	smov.u32 s15;
	p4 =	seq.s32 s2, s21;
	p1 =	por !p1, !p1  }
0x76: {  	s5 =	simm.s32 @p4 $0xFF800000;
	p1 =	por p6, p1  }
0x77: {  	s15 =	smov.u32 @p2 s5;
	s25 =	smov.u32 @p1 s1  }
0x78: {  	s24 =	smov.u32 @p1 s17;
	p3 =	seq.f32 s15, s25  }
0x79: {  	p4 =	slt.s32 s2, s24  }
0x7a: {  	p5 =	sgt.f32 s15, s25;
	p1 =	por !p3, !p4  }
0x7b: {  	p1 =	por !p1, !p1  }
0x7c: {  	p1 =	por p5, p1  }
0x7d: {  	s7 =	smov.u32 s8;
	s25 =	smov.u32 @p1 s15  }
0x7e: {  	s5 =	smov.u32 s20;
	s24 =	smov.u32 @p1 s2;
	p1 =	seq.f32 s20, s25  }
0x7f: {  	p2 =	seq.s32 s22, s24;
	p3 =	seq.f32 s8, s25;
	p4 =	seq.s32 s16, s24  }
0x80: {  	s5 =	simm.s32 @p2 $0xFF800000;
	s7 =	simm.s32 @p4 $0xFF800000  }
0x81: {  	s20 =	smov.u32 @p1 s5;
	s8 =	smov.u32 @p3 s7  }
0x82: {  	p1 =	seq.f32 s8, s20;
	_ =	sdelay $0x1  }
0x83: {  	p3 =	seq.s32 s0, s24;
	p6 =	sgt.f32 s8, s20;
	p0 =	por !p0, !p1  }
0x84: {  	s5 =	smov.u32 s23;
	p1 =	seq.f32 s23, s25;
	p0 =	por !p0, !p0  }
0x85: {  	s5 =	simm.s32 @p3 $0xFF800000;
	p0 =	por p6, p0  }
0x86: {  	s23 =	smov.u32 @p1 s5;
	s20 =	smov.u32 @p0 s8  }
0x87: {  	s22 =	smov.u32 @p0 s16;
	p4 =	seq.f32 s23, s20  }
0x88: {  	p5 =	slt.s32 s0, s22  }
0x89: {  	p3 =	seq.s32 s6, s24;
	p6 =	sgt.f32 s23, s20;
	p0 =	por !p4, !p5  }
0x8a: {  	p1 =	seq.f32 s18, s25;
	s5 =	smov.u32 s18;
	p0 =	por !p0, !p0  }
0x8b: {  	s5 =	simm.s32 @p3 $0xFF800000;
	p0 =	por p6, p0  }
0x8c: {  	s18 =	smov.u32 @p1 s5;
	s20 =	smov.u32 @p0 s23  }
0x8d: {  	s22 =	smov.u32 @p0 s0;
	p4 =	seq.f32 s18, s20  }
0x8e: {  	p5 =	slt.s32 s6, s22  }
0x8f: {  	p3 =	seq.s32 s17, s24;
	p6 =	sgt.f32 s18, s20;
	p0 =	por !p4, !p5  }
0x90: {  	p1 =	seq.f32 s1, s25;
	s0 =	smov.u32 s1;
	p0 =	por !p0, !p0  }
0x91: {  	s0 =	simm.s32 @p3 $0xFF800000;
	p0 =	por p6, p0  }
0x92: {  	s1 =	smov.u32 @p1 s0;
	s20 =	smov.u32 @p0 s18  }
0x93: {  	s22 =	smov.u32 @p0 s6;
	p4 =	seq.f32 s1, s20  }
0x94: {  	p5 =	slt.s32 s17, s22  }
0x95: {  	p3 =	seq.s32 s2, s24;
	p6 =	sgt.f32 s1, s20;
	p0 =	por !p4, !p5  }
0x96: {  	p1 =	seq.f32 s15, s25;
	s0 =	smov.u32 s15;
	p0 =	por !p0, !p0  }
0x97: {  	s0 =	simm.s32 @p3 $0xFF800000;
	p0 =	por p6, p0  }
0x98: {  	s15 =	smov.u32 @p1 s0;
	s20 =	smov.u32 @p0 s1  }
0x99: {  	s22 =	smov.u32 @p0 s17;
	p4 =	seq.f32 s15, s20  }
0x9a: {  	p5 =	slt.s32 s2, s22  }
0x9b: {  	s8 =	smov.u32 s25;
	p6 =	sgt.f32 s15, s20;
	p0 =	por !p4, !p5  }
0x9c: {  	s16 =	smov.u32 s24;
	s23 =	smov.u32 s20;
	p0 =	por !p0, !p0  }
0x9d: {  	s0 =	smov.u32 s22;
	s20 =	smov.u32 s31;
	p0 =	por p6, p0  }
0x9e: {  	s22 =	smov.u32 s21;
	s23 =	smov.u32 @p0 s15;
	s0 =	smov.u32 @p0 s2  }
.LBB2_15:
0x9f: {  	s30 =	sadd.s32 $0x1, s30  }
0xa0: {  	p0 =	sne.s32 s30, $0x32  }
.Ltmp5:
0xa1: {  	_ = 	snop;
	(pc) =	sbr.rel @!p0 .LBB2_16-.Ltmp5, $2  }
0xa2: {  	_ =	sdelay $0x2  }
0xa3: {  	s29 =	sadd.s32 $0x190, s29;
	s28 =	sadd.s32 $0x190, s28  }
.LBB2_3:
0xa4: {  	s1 =	smul.u32 $0x190, s30;
	_ =	sdelay $0x1  }
0xa5: {  	v7 =	vld [tilespmem:s1+$0x0]  }
0xa6: {  	v19 =	vld [tilespmem:s1+$0x10]  }
0xa7: {  	v20 =	vld [tilespmem:s1+$0x20]  }
0xa8: {  	v21 =	vld [tilespmem:s1+$0x30]  }
0xa9: {  	v8 =	vld [tilespmem:s1+$0x40]  }
0xaa: {  	v9 =	vld [tilespmem:s1+$0x50]  }
0xab: {  	v10 =	vld [tilespmem:s1+$0x60]  }
0xac: {  	v11 =	vld [tilespmem:s1+$0x70]  }
0xad: {  	v22 =	vld [tilespmem:s1+$0x90]  }
0xae: {  	v23 =	vld [tilespmem:s1+$0xA0]  }
0xaf: {  	v24 =	vld [tilespmem:s1+$0xB0]  }
0xb0: {  	v12 =	vld [tilespmem:s1+$0xC0]  }
0xb1: {  	v13 =	vld [tilespmem:s1+$0xD0]  }
0xb2: {  	v14 =	vld [tilespmem:s1+$0xE0]  }
0xb3: {  	v15 =	vld [tilespmem:s1+$0xF0]  }
0xb4: {  	v16 =	vld [tilespmem:s1+$0x110]  }
0xb5: {  	v17 =	vld [tilespmem:s1+$0x120]  }
0xb6: {  	s2 =	sand.u32 $0x7FF0, s1;
	v18 =	vld [tilespmem:s1+$0x130]  }
0xb7: {  	v26 =	vld [tilespmem:s2+$0x80]  }
0xb8: {  	v5 =	vld [tilespmem:s1+$0x140]  }
0xb9: {  	v27 =	vld [tilespmem:s2+$0x100]  }
0xba: {  	v6 =	vld [tilespmem:s1+$0x150]  }
0xbb: {  	v25 =	vld [tilespmem:s1+$0x160];
	v28 =	vmax.f32 v7, v9;
	v29 =	vmax.f32 v19, v10;
	v30 =	vmax.f32 v20, v11  }
0xbc: {  	v32 =	vmax.f32 v8, v22;
	v31 =	vmax.f32 v21, v26;
	v29 =	vmax.f32 v29, v24;
	v26 =	vld [tilespmem:s1+$0x170]  }
0xbd: {  	v62 =	vld [tilespmem:s2+$0x180];
	v28 =	vmax.f32 v28, v23;
	v30 =	vmax.f32 v30, v12;
	v32 =	vmax.f32 v32, v14  }
0xbe: {  	v27 =	vmax.f32 v29, v27;
	v31 =	vmax.f32 v31, v13;
	v28 =	vmax.f32 v28, v15  }
0xbf: {  	v30 =	vmax.f32 v30, v16;
	v28 =	vmax.f32 v28, v5;
	v27 =	vmax.f32 v27, v6  }
0xc0: {  	v31 =	vmax.f32 v31, v17;
	v30 =	vmax.f32 v30, v25;
	v27 =	vmax.f32 v28, v27  }
0xc1: {  	v63 =	vmax.f32 v32, v18;
	v27 =	vmax.f32 v27, v30;
	v31 =	vmax.f32 v31, v26  }
0xc2: {  	v28 =	vmax.f32 v63, v62;
	v27 =	vmax.f32 v27, v31  }
0xc3: {  	v27 =	vmax.f32 v27, v28  }
0xc4: {  	v28 =	vperm.xlane v27, v0;
	_ =	sdelay $0x1  }
0xc5: {  	v27 =	vmax.f32 v27, v28  }
0xc6: {  	v28 =	vperm.xlane v27, v1;
	_ =	sdelay $0x1  }
0xc7: {  	v27 =	vmax.f32 v27, v28  }
0xc8: {  	v28 =	vperm.xlane v27, v2;
	_ =	sdelay $0x1  }
0xc9: {  	v27 =	vmax.f32 v27, v28  }
0xca: {  	v28 =	vperm.xlane v27, v3;
	_ =	sdelay $0x1  }
0xcb: {  	v27 =	vmax.f32 v27, v28  }
0xcc: {  	(v2sf) =	vpush v27, $0x0;
	_ =	sdelay $0xe  }
0xcd: {  	s31 =	spop (v2sf)  }
0xce: {  	p0 =	sgt.f32 s31, s23  }
.Ltmp6:
0xcf: {  	_ = 	snop;
	(pc) =	sbr.rel @!p0 .LBB2_15-.Ltmp6, $1  }
0xd0: {  	_ =	sdelay $0x3  }
0xd1: {  	v7 =	vmax.f32 v7, v19  }
0xd2: {  	v7 =	vmax.f32 v7, v20  }
0xd3: {  	v63 =	vld [tilespmem:s1+$0x80];
	v7 =	vmax.f32 v7, v21  }
0xd4: {  	v7 =	vmax.f32 v7, v8  }
0xd5: {  	v7 =	vmax.f32 v7, v9  }
0xd6: {  	v7 =	vmax.f32 v7, v10  }
0xd7: {  	v7 =	vmax.f32 v7, v11  }
0xd8: {  	v7 =	vmax.f32 v7, v63  }
0xd9: {  	v7 =	vmax.f32 v7, v22  }
0xda: {  	v7 =	vmax.f32 v7, v23  }
0xdb: {  	v8 =	vld [tilespmem:s1+$0x100];
	v7 =	vmax.f32 v7, v24  }
0xdc: {  	v7 =	vmax.f32 v7, v12  }
0xdd: {  	v7 =	vmax.f32 v7, v13  }
0xde: {  	v7 =	vmax.f32 v7, v14  }
0xdf: {  	v7 =	vmax.f32 v7, v15  }
0xe0: {  	v7 =	vmax.f32 v7, v8  }
0xe1: {  	v7 =	vmax.f32 v7, v16  }
0xe2: {  	v7 =	vmax.f32 v7, v17  }
0xe3: {  	v8 =	vld [tilespmem:s1+$0x180];
	v7 =	vmax.f32 v7, v18  }
0xe4: {  	v5 =	vmax.f32 v7, v5  }
0xe5: {  	v5 =	vmax.f32 v5, v6  }
0xe6: {  	v5 =	vmax.f32 v5, v25  }
0xe7: {  	v5 =	vmax.f32 v5, v26  }
0xe8: {  	v5 =	vmax.f32 v5, v8  }
0xe9: {  	v6 =	vperm.xlane v5, v0;
	_ =	sdelay $0x1  }
0xea: {  	v5 =	vmax.f32 v5, v6  }
0xeb: {  	v6 =	vperm.xlane v5, v1;
	_ =	sdelay $0x1  }
0xec: {  	v5 =	vmax.f32 v5, v6;
	v6 =	vmov s29;
	_ =	sdelay $0x1  }
0xed: {  	v7 =	vperm.xlane v5, v2;
	_ =	sdelay $0x1  }
0xee: {  	s2 =	simm.s32 $0x0;
	v5 =	vmax.f32 v5, v7  }
0xef: {  	v7 =	vperm.xlane v5, v3;
	v9 =	vld.idx.msk [tilespmem:v6+s2+$0x0 ss:$0x1], $0xffff;
	_ =	sdelay $0x1  }
0xf0: {  	v5 =	vmax.f32 v5, v7  }
0xf1: {  	s1 =	simm.s32 $0x40;
	s2 =	smov.u32 s28;
	v7 =	vimm.s32 $0x7FFFFFFF;
	v8 =	vbroadcast v5, $0x0  }
.LBB2_5:
0xf2: {  	s5 =	sshra.s32 s1, $0x2;
	p0 =	sne.s32 s1, $0x600;
	s1 =	sadd.s32 $0x40, s1  }
.Ltmp7:
0xf3: {  	v10 =	vor.u32 s2, v4;
	vm3 =	veq.f32 v9, v8;
	v9 =	vld.idx.msk [tilespmem:v6+s5+$0x0 ss:$0x1], $0xffff;
	(pc) =	sbr.rel @p0 .LBB2_5-.Ltmp7, $4  }
0xf4: {  	v10 =	vnsel vm3, $0x7FFFFFFF, v10  }
0xf5: {  	vm3 =	vlt.s32 v7, v10  }
0xf6: {  	v7 =	vsel vm3, v7, v10  }
0xf7: {  	s2 =	sadd.s32 $0x10, s2  }
0xf8: {  	v10 =	vor.u32 s2, v4;
	vm3 =	veq.f32 v9, v8  }
0xf9: {  	v8 =	vnsel vm3, $0x7FFFFFFF, v10  }
0xfa: {  	vm3 =	vlt.s32 v7, v8  }
0xfb: {  	v7 =	vsel vm3, v7, v8  }
0xfc: {  	v8 =	vperm.xlane v7, v0;
	_ =	sdelay $0x1  }
0xfd: {  	vm3 =	vlt.s32 v7, v8  }
0xfe: {  	v7 =	vsel vm3, v7, v8  }
0xff: {  	v8 =	vperm.xlane v7, v1;
	_ =	sdelay $0x1  }
0x100: {  	vm3 =	vlt.s32 v7, v8  }
0x101: {  	v7 =	vsel vm3, v7, v8  }
0x102: {  	v8 =	vperm.xlane v7, v2;
	_ =	sdelay $0x1  }
0x103: {  	vm3 =	vlt.s32 v7, v8  }
0x104: {  	v7 =	vsel vm3, v7, v8  }
0x105: {  	v8 =	vperm.xlane v7, v3  }
0x106: {  	s31 =	simm.s32 $0x0  }
0x107: {  	v10 =	vld.idx.msk [tilespmem:v6+s31+$0x0 ss:$0x1], $0xffff;
	vm3 =	vlt.s32 v7, v8  }
0x108: {  	v7 =	vsel vm3, v7, v8  }
0x109: {  	v8 =	vbroadcast v7, $0x0  }
0x10a: {  	v9 =	vimm.f32 $-Inf;
	s1 =	simm.s32 $0x40;
	s2 =	smov.u32 s28  }
.LBB2_7:
0x10b: {  	s5 =	sshra.s32 s1, $0x2;
	p0 =	sne.s32 s1, $0x600;
	s1 =	sadd.s32 $0x40, s1;
	v11 =	vor.u32 s2, v4  }
.Ltmp8:
0x10c: {  	vm3 =	veq.s32 v11, v8;
	v11 =	vmax.f32 v9, v10;
	v10 =	vld.idx.msk [tilespmem:v6+s5+$0x0 ss:$0x1], $0xffff;
	(pc) =	sbr.rel @p0 .LBB2_7-.Ltmp8, $2  }
0x10d: {  	v9 =	vsel vm3, v9, v11;
	_ =	sdelay $0x2  }
0x10e: {  	s2 =	sadd.s32 $0x10, s2  }
0x10f: {  	v11 =	vor.u32 s2, v4  }
0x110: {  	v10 =	vmax.f32 v9, v10;
	vm3 =	veq.s32 v11, v8  }
0x111: {  	v9 =	vsel vm3, v9, v10  }
0x112: {  	v10 =	vperm.xlane v9, v0;
	_ =	sdelay $0x1  }
0x113: {  	v9 =	vmax.f32 v9, v10  }
0x114: {  	v10 =	vperm.xlane v9, v1;
	_ =	sdelay $0x1  }
0x115: {  	v9 =	vmax.f32 v9, v10  }
0x116: {  	v10 =	vperm.xlane v9, v2;
	_ =	sdelay $0x1  }
0x117: {  	s31 =	simm.s32 $0x0;
	v9 =	vmax.f32 v9, v10  }
0x118: {  	v12 =	vld.idx.msk [tilespmem:v6+s31+$0x0 ss:$0x1], $0xffff;
	v10 =	vperm.xlane v9, v3;
	_ =	sdelay $0x1  }
0x119: {  	v9 =	vmax.f32 v9, v10  }
0x11a: {  	s1 =	simm.s32 $0x40;
	s2 =	smov.u32 s28;
	v10 =	vimm.s32 $0x7FFFFFFF;
	v11 =	vbroadcast v9, $0x0  }
.LBB2_9:
0x11b: {  	s5 =	sshra.s32 s1, $0x2;
	p0 =	sne.s32 s1, $0x600;
	s1 =	sadd.s32 $0x40, s1;
	v13 =	vor.u32 s2, v4  }
.Ltmp9:
0x11c: {  	vm3 =	veq.f32 v12, v11;
	v12 =	vld.idx.msk [tilespmem:v6+s5+$0x0 ss:$0x1], $0xffff;
	vm4 =	vne.s32 v13, v8;
	(pc) =	sbr.rel @p0 .LBB2_9-.Ltmp9, $4  }
0x11d: {  	vm3 =	vmand vm4, vm3  }
0x11e: {  	v13 =	vnsel vm3, $0x7FFFFFFF, v13  }
0x11f: {  	vm3 =	vlt.s32 v10, v13  }
0x120: {  	s2 =	sadd.s32 $0x10, s2;
	v10 =	vsel vm3, v10, v13  }
0x121: {  	v13 =	vor.u32 s2, v4  }
0x122: {  	vm3 =	veq.f32 v12, v11;
	vm4 =	vne.s32 v13, v8  }
0x123: {  	vm3 =	vmand vm4, vm3  }
0x124: {  	v11 =	vnsel vm3, $0x7FFFFFFF, v13  }
0x125: {  	vm3 =	vlt.s32 v10, v11  }
0x126: {  	v10 =	vsel vm3, v10, v11  }
0x127: {  	v11 =	vperm.xlane v10, v0;
	_ =	sdelay $0x1  }
0x128: {  	vm3 =	vlt.s32 v10, v11  }
0x129: {  	v10 =	vsel vm3, v10, v11  }
0x12a: {  	v11 =	vperm.xlane v10, v1;
	_ =	sdelay $0x1  }
0x12b: {  	vm3 =	vlt.s32 v10, v11  }
0x12c: {  	v10 =	vsel vm3, v10, v11  }
0x12d: {  	v11 =	vperm.xlane v10, v2;
	_ =	sdelay $0x1  }
0x12e: {  	vm3 =	vlt.s32 v10, v11  }
0x12f: {  	v10 =	vsel vm3, v10, v11  }
0x130: {  	v11 =	vperm.xlane v10, v3  }
0x131: {  	s31 =	simm.s32 $0x0  }
0x132: {  	v13 =	vld.idx.msk [tilespmem:v6+s31+$0x0 ss:$0x1], $0xffff;
	vm3 =	vlt.s32 v10, v11  }
0x133: {  	v10 =	vsel vm3, v10, v11  }
0x134: {  	v11 =	vbroadcast v10, $0x0  }
0x135: {  	v12 =	vimm.f32 $-Inf;
	s1 =	simm.s32 $0x40;
	v14 =	vor.u32 s28, v4;
	s2 =	smov.u32 s28  }
.LBB2_11:
0x136: {  	s5 =	sshra.s32 s1, $0x2;
	p0 =	sne.s32 s1, $0x600;
	s1 =	sadd.s32 $0x40, s1;
	vm3 =	vne.s32 v14, v11;
	vm4 =	vne.s32 v14, v8  }
.Ltmp10:
0x137: {  	v14 =	vmax.f32 v12, v13;
	vm3 =	vmand vm3, vm4;
	v13 =	vld.idx.msk [tilespmem:v6+s5+$0x0 ss:$0x1], $0xffff;
	(pc) =	sbr.rel @p0 .LBB2_11-.Ltmp10, $3  }
0x138: {  	v12 =	vsel vm3, v14, v12;
	_ =	sdelay $0x1  }
0x139: {  	s2 =	sadd.s32 $0x10, s2  }
0x13a: {  	v14 =	vor.u32 s2, v4  }
0x13b: {  	vm3 =	vne.s32 v14, v11;
	vm4 =	vne.s32 v14, v8  }
0x13c: {  	v13 =	vmax.f32 v12, v13;
	vm3 =	vmand vm3, vm4  }
0x13d: {  	v12 =	vsel vm3, v13, v12  }
0x13e: {  	v13 =	vperm.xlane v12, v0;
	_ =	sdelay $0x1  }
0x13f: {  	v12 =	vmax.f32 v12, v13  }
0x140: {  	v13 =	vperm.xlane v12, v1;
	_ =	sdelay $0x1  }
0x141: {  	v12 =	vmax.f32 v12, v13  }
0x142: {  	v13 =	vperm.xlane v12, v2;
	_ =	sdelay $0x1  }
0x143: {  	s2 =	simm.s32 $0x0;
	v12 =	vmax.f32 v12, v13  }
0x144: {  	v15 =	vld.idx.msk [tilespmem:v6+s2+$0x0 ss:$0x1], $0xffff;
	v13 =	vperm.xlane v12, v3;
	_ =	sdelay $0x1  }
0x145: {  	v12 =	vmax.f32 v12, v13  }
0x146: {  	s1 =	simm.s32 $0x40;
	v16 =	vor.u32 s28, v4;
	s2 =	smov.u32 s28;
	v13 =	vimm.s32 $0x7FFFFFFF;
	v14 =	vbroadcast v12, $0x0  }
.LBB2_13:
0x147: {  	s5 =	sshra.s32 s1, $0x2;
	p0 =	sne.s32 s1, $0x600;
	s1 =	sadd.s32 $0x40, s1;
	vm3 =	vne.s32 v16, v11;
	vm4 =	vne.s32 v16, v8  }
.Ltmp11:
0x148: {  	vm5 =	veq.f32 v15, v14;
	v15 =	vld.idx.msk [tilespmem:v6+s5+$0x0 ss:$0x1], $0xffff;
	vm3 =	vmand vm3, vm4;
	(pc) =	sbr.rel @p0 .LBB2_13-.Ltmp11, $4  }
0x149: {  	vm3 =	vmand vm3, vm5  }
0x14a: {  	v17 =	vnsel vm3, $0x7FFFFFFF, v16  }
0x14b: {  	s2 =	sadd.s32 $0x10, s2;
	vm3 =	vlt.s32 v13, v17  }
0x14c: {  	v16 =	vor.u32 s2, v4;
	v13 =	vsel vm3, v13, v17  }
.Ltmp12:
0x14d: {  	_ = 	snop;
	(pc) =	sbr.rel .LBB2_14-.Ltmp12, $1  }
0x14e: {  	_ =	sdelay $0x3  }
.LBB2_16:
.Ltmp13:
0x14f: {  	s1 =	sadd.s32 $0x2710, s26;
	s26 =	simm.s32 $0x0;
	(pc) =	sbr.rel .LBB2_17-.Ltmp13, $4  }
0x150: {  	[tilespmem:s26], [sflag:$0x1] =	stream.linear.gather [hbm4b:s1+s26], $0x4E20, $0x38;
	[tilespmem:$0x14200] =	vst v63  }
0x151: {  	_ =	swait.ge [sflag:s12], $0x4E20  }
0x152: {  	[sflag:s12] =	ssyncset.done $0x0  }
0x153: {  	s28 =	simm.s32 $0x4E80;
	s29 =	simm.s32 $0x4E20;
	[sflag:s12] =	ssyncadd.s32 $0xFFFFB1E0  }
.LBB2_28:
0x154: {  	vm3 =	vne.s32 v16, v11;
	vm4 =	vne.s32 v16, v8  }
0x155: {  	vm5 =	veq.f32 v15, v14;
	vm3 =	vmand vm3, vm4  }
0x156: {  	vm3 =	vmand vm3, vm5  }
0x157: {  	v6 =	vnsel vm3, $0x7FFFFFFF, v16  }
0x158: {  	vm3 =	vlt.s32 v13, v6  }
0x159: {  	v6 =	vsel vm3, v13, v6  }
0x15a: {  	v63 =	vperm.xlane v6, v0;
	_ =	sdelay $0x1  }
0x15b: {  	vm3 =	vlt.s32 v6, v63  }
0x15c: {  	(v2sf) =	vpush v5, $0x0;
	v5 =	vsel vm3, v6, v63  }
0x15d: {  	(v2sf) =	vpush v7, $0x0;
	v6 =	vperm.xlane v5, v1;
	_ =	sdelay $0x1  }
0x15e: {  	vm3 =	vlt.s32 v5, v6  }
0x15f: {  	p1 =	seq.f32 s8, s20;
	v5 =	vsel vm3, v5, v6  }
0x160: {  	p0 =	slt.s32 s16, s22;
	v6 =	vperm.xlane v5, v2  }
0x161: {  	p2 =	sgt.f32 s8, s20;
	(v2sf) =	vpush v9, $0x0;
	p1 =	por !p1, !p0  }
0x162: {  	(v2sf) =	vpush v10, $0x0;
	p1 =	por !p1, !p1;
	vm3 =	vlt.s32 v5, v6  }
0x163: {  	s21 =	smov.u32 s20;
	p1 =	por p2, p1;
	v5 =	vsel vm3, v5, v6  }
0x164: {  	s30 =	smov.u32 s22;
	s21 =	smov.u32 @p1 s8;
	v6 =	vperm.xlane v5, v3  }
0x165: {  	s30 =	smov.u32 @p1 s16;
	p5 =	seq.f32 s23, s21  }
0x166: {  	p6 =	slt.s32 s0, s30;
	vm3 =	vlt.s32 v5, v6  }
0x167: {  	(v2sf) =	vpush v12, $0x0;
	p3 =	sgt.f32 s23, s21;
	p1 =	por !p5, !p6;
	v5 =	vsel vm3, v5, v6  }
0x168: {  	p1 =	por !p1, !p1;
	(v2sf) =	vpush v5, $0x0  }
0x169: {  	p1 =	por p3, p1  }
0x16a: {  	s21 =	smov.u32 @p1 s23;
	s5 =	spop (v2sf)  }
0x16b: {  	s30 =	smov.u32 @p1 s0;
	s6 =	spop (v2sf);
	p4 =	seq.f32 s5, s21  }
0x16c: {  	p5 =	slt.s32 s6, s30  }
0x16d: {  	p6 =	sgt.f32 s5, s21;
	p1 =	por !p4, !p5  }
0x16e: {  	p1 =	por !p1, !p1  }
0x16f: {  	p1 =	por p6, p1  }
0x170: {  	s1 =	spop (v2sf);
	s21 =	smov.u32 @p1 s5  }
0x171: {  	s2 =	spop (v2sf);
	s30 =	smov.u32 @p1 s6;
	p4 =	seq.f32 s1, s21  }
0x172: {  	p5 =	slt.s32 s2, s30  }
0x173: {  	p6 =	sgt.f32 s1, s21;
	p1 =	por !p4, !p5  }
0x174: {  	p1 =	por !p1, !p1  }
0x175: {  	p1 =	por p6, p1  }
0x176: {  	s15 =	spop (v2sf);
	s21 =	smov.u32 @p1 s1  }
0x177: {  	s30 =	smov.u32 @p1 s2;
	p3 =	seq.f32 s15, s21;
	s17 =	spop (v2sf)  }
0x178: {  	p4 =	slt.s32 s17, s30  }
0x179: {  	p5 =	sgt.f32 s15, s21;
	p1 =	por !p3, !p4  }
0x17a: {  	p1 =	por !p1, !p1  }
0x17b: {  	p1 =	por p5, p1  }
0x17c: {  	s7 =	smov.u32 s20;
	s21 =	smov.u32 @p1 s15  }
0x17d: {  	s18 =	smov.u32 s8;
	s30 =	smov.u32 @p1 s17;
	p1 =	seq.f32 s20, s21  }
0x17e: {  	p2 =	seq.s32 s22, s30;
	p3 =	seq.f32 s8, s21;
	p4 =	seq.s32 s16, s30  }
0x17f: {  	s7 =	simm.s32 @p2 $0xFF800000;
	s18 =	simm.s32 @p4 $0xFF800000  }
0x180: {  	s20 =	smov.u32 @p1 s7;
	s8 =	smov.u32 @p3 s18  }
0x181: {  	p1 =	seq.f32 s8, s20;
	_ =	sdelay $0x1  }
0x182: {  	p4 =	seq.s32 s0, s30;
	p6 =	sgt.f32 s8, s20;
	p1 =	por !p0, !p1  }
0x183: {  	p3 =	seq.f32 s23, s21;
	s7 =	smov.u32 s23;
	p1 =	por !p1, !p1  }
0x184: {  	s7 =	simm.s32 @p4 $0xFF800000;
	s25 =	smov.u32 s20;
	p1 =	por p6, p1  }
0x185: {  	s24 =	smov.u32 s22;
	s23 =	smov.u32 @p3 s7;
	s25 =	smov.u32 @p1 s8  }
0x186: {  	s24 =	smov.u32 @p1 s16;
	p5 =	seq.f32 s23, s25  }
0x187: {  	p6 =	slt.s32 s0, s24  }
0x188: {  	p2 =	seq.f32 s5, s21;
	p3 =	sgt.f32 s23, s25;
	p1 =	por !p5, !p6  }
0x189: {  	p4 =	seq.s32 s6, s30;
	s7 =	smov.u32 s5;
	p1 =	por !p1, !p1  }
0x18a: {  	s7 =	simm.s32 @p4 $0xFF800000;
	p1 =	por p3, p1  }
0x18b: {  	s5 =	smov.u32 @p2 s7;
	s25 =	smov.u32 @p1 s23  }
0x18c: {  	s24 =	smov.u32 @p1 s0;
	p4 =	seq.f32 s5, s25  }
0x18d: {  	p5 =	slt.s32 s6, s24  }
0x18e: {  	p2 =	seq.f32 s1, s21;
	p6 =	sgt.f32 s5, s25;
	p1 =	por !p4, !p5  }
0x18f: {  	s7 =	smov.u32 s1;
	p4 =	seq.s32 s2, s30;
	p1 =	por !p1, !p1  }
0x190: {  	s7 =	simm.s32 @p4 $0xFF800000;
	p1 =	por p6, p1  }
0x191: {  	s1 =	smov.u32 @p2 s7;
	s25 =	smov.u32 @p1 s5  }
0x192: {  	s24 =	smov.u32 @p1 s6;
	p4 =	seq.f32 s1, s25  }
0x193: {  	p5 =	slt.s32 s2, s24  }
0x194: {  	p2 =	seq.f32 s15, s21;
	p6 =	sgt.f32 s1, s25;
	p1 =	por !p4, !p5  }
0x195: {  	s7 =	smov.u32 s15;
	p4 =	seq.s32 s17, s30;
	p1 =	por !p1, !p1  }
0x196: {  	s7 =	simm.s32 @p4 $0xFF800000;
	p1 =	por p6, p1  }
0x197: {  	s15 =	smov.u32 @p2 s7;
	s25 =	smov.u32 @p1 s1  }
0x198: {  	s24 =	smov.u32 @p1 s2;
	p3 =	seq.f32 s15, s25  }
0x199: {  	p4 =	slt.s32 s17, s24  }
0x19a: {  	p5 =	sgt.f32 s15, s25;
	p1 =	por !p3, !p4  }
0x19b: {  	p1 =	por !p1, !p1  }
0x19c: {  	p1 =	por p5, p1  }
0x19d: {  	s18 =	smov.u32 s8;
	s25 =	smov.u32 @p1 s15  }
0x19e: {  	s7 =	smov.u32 s20;
	s24 =	smov.u32 @p1 s17;
	p1 =	seq.f32 s20, s25  }
0x19f: {  	p2 =	seq.s32 s22, s24;
	p3 =	seq.f32 s8, s25;
	p4 =	seq.s32 s16, s24  }
0x1a0: {  	s7 =	simm.s32 @p2 $0xFF800000;
	s18 =	simm.s32 @p4 $0xFF800000  }
0x1a1: {  	s20 =	smov.u32 @p1 s7;
	s8 =	smov.u32 @p3 s18  }
0x1a2: {  	p1 =	seq.f32 s8, s20;
	_ =	sdelay $0x1  }
0x1a3: {  	p3 =	seq.s32 s0, s24;
	p6 =	sgt.f32 s8, s20;
	p0 =	por !p0, !p1  }
0x1a4: {  	s7 =	smov.u32 s23;
	p1 =	seq.f32 s23, s25;
	p0 =	por !p0, !p0  }
0x1a5: {  	s7 =	simm.s32 @p3 $0xFF800000;
	p0 =	por p6, p0  }
0x1a6: {  	s23 =	smov.u32 @p1 s7;
	s20 =	smov.u32 @p0 s8  }
0x1a7: {  	s22 =	smov.u32 @p0 s16;
	p4 =	seq.f32 s23, s20  }
0x1a8: {  	p5 =	slt.s32 s0, s22  }
0x1a9: {  	p3 =	seq.s32 s6, s24;
	p6 =	sgt.f32 s23, s20;
	p0 =	por !p4, !p5  }
0x1aa: {  	p1 =	seq.f32 s5, s25;
	s7 =	smov.u32 s5;
	p0 =	por !p0, !p0  }
0x1ab: {  	s7 =	simm.s32 @p3 $0xFF800000;
	p0 =	por p6, p0  }
0x1ac: {  	s5 =	smov.u32 @p1 s7;
	s20 =	smov.u32 @p0 s23  }
0x1ad: {  	s22 =	smov.u32 @p0 s0;
	p4 =	seq.f32 s5, s20  }
0x1ae: {  	p5 =	slt.s32 s6, s22  }
0x1af: {  	p3 =	seq.s32 s2, s24;
	p6 =	sgt.f32 s5, s20;
	p0 =	por !p4, !p5  }
0x1b0: {  	p1 =	seq.f32 s1, s25;
	s0 =	smov.u32 s1;
	p0 =	por !p0, !p0  }
0x1b1: {  	s0 =	simm.s32 @p3 $0xFF800000;
	p0 =	por p6, p0  }
0x1b2: {  	s1 =	smov.u32 @p1 s0;
	s20 =	smov.u32 @p0 s5  }
0x1b3: {  	s22 =	smov.u32 @p0 s6;
	p4 =	seq.f32 s1, s20  }
0x1b4: {  	p5 =	slt.s32 s2, s22  }
0x1b5: {  	p3 =	seq.s32 s17, s24;
	p6 =	sgt.f32 s1, s20;
	p0 =	por !p4, !p5  }
0x1b6: {  	p1 =	seq.f32 s15, s25;
	s0 =	smov.u32 s15;
	p0 =	por !p0, !p0  }
0x1b7: {  	s0 =	simm.s32 @p3 $0xFF800000;
	p0 =	por p6, p0  }
0x1b8: {  	s15 =	smov.u32 @p1 s0;
	s20 =	smov.u32 @p0 s1  }
0x1b9: {  	s22 =	smov.u32 @p0 s2;
	p4 =	seq.f32 s15, s20  }
0x1ba: {  	p5 =	slt.s32 s17, s22  }
0x1bb: {  	s8 =	smov.u32 s25;
	p6 =	sgt.f32 s15, s20;
	p0 =	por !p4, !p5  }
0x1bc: {  	s16 =	smov.u32 s24;
	s23 =	smov.u32 s20;
	p0 =	por !p0, !p0  }
0x1bd: {  	s0 =	smov.u32 s22;
	s20 =	smov.u32 s21;
	p0 =	por p6, p0  }
0x1be: {  	s22 =	smov.u32 s30;
	s23 =	smov.u32 @p0 s15;
	s0 =	smov.u32 @p0 s17  }
.LBB2_29:
0x1bf: {  	s26 =	sadd.s32 $0x1, s26  }
0x1c0: {  	p0 =	sne.s32 s26, $0x32  }
.Ltmp14:
0x1c1: {  	_ = 	snop;
	(pc) =	sbr.rel @!p0 .LBB2_30-.Ltmp14, $2  }
0x1c2: {  	_ =	sdelay $0x2  }
0x1c3: {  	s28 =	sadd.s32 $0x190, s28;
	s29 =	sadd.s32 $0x190, s29  }
.LBB2_17:
0x1c4: {  	s1 =	smul.u32 $0x190, s26;
	_ =	sdelay $0x1  }
0x1c5: {  	v7 =	vld [tilespmem:s1+$0x4E80]  }
0x1c6: {  	v19 =	vld [tilespmem:s1+$0x4E90]  }
0x1c7: {  	v20 =	vld [tilespmem:s1+$0x4EA0]  }
0x1c8: {  	v21 =	vld [tilespmem:s1+$0x4EB0]  }
0x1c9: {  	v8 =	vld [tilespmem:s1+$0x4EC0]  }
0x1ca: {  	v9 =	vld [tilespmem:s1+$0x4ED0]  }
0x1cb: {  	v10 =	vld [tilespmem:s1+$0x4EE0]  }
0x1cc: {  	v11 =	vld [tilespmem:s1+$0x4EF0]  }
0x1cd: {  	v22 =	vld [tilespmem:s1+$0x4F10]  }
0x1ce: {  	v23 =	vld [tilespmem:s1+$0x4F20]  }
0x1cf: {  	v24 =	vld [tilespmem:s1+$0x4F30]  }
0x1d0: {  	v12 =	vld [tilespmem:s1+$0x4F40]  }
0x1d1: {  	v13 =	vld [tilespmem:s1+$0x4F50]  }
0x1d2: {  	v14 =	vld [tilespmem:s1+$0x4F60]  }
0x1d3: {  	v15 =	vld [tilespmem:s1+$0x4F70]  }
0x1d4: {  	v16 =	vld [tilespmem:s1+$0x4F90]  }
0x1d5: {  	v17 =	vld [tilespmem:s1+$0x4FA0]  }
0x1d6: {  	s2 =	sand.u32 $0x7FF0, s1;
	v18 =	vld [tilespmem:s1+$0x4FB0]  }
0x1d7: {  	v26 =	vld [tilespmem:s2+$0x4F00]  }
0x1d8: {  	v5 =	vld [tilespmem:s1+$0x4FC0]  }
0x1d9: {  	v27 =	vld [tilespmem:s2+$0x4F80]  }
0x1da: {  	v6 =	vld [tilespmem:s1+$0x4FD0]  }
0x1db: {  	v25 =	vld [tilespmem:s1+$0x4FE0];
	v28 =	vmax.f32 v7, v9;
	v29 =	vmax.f32 v19, v10;
	v30 =	vmax.f32 v20, v11  }
0x1dc: {  	v32 =	vmax.f32 v8, v22;
	v31 =	vmax.f32 v21, v26;
	v29 =	vmax.f32 v29, v24;
	v26 =	vld [tilespmem:s1+$0x4FF0]  }
0x1dd: {  	v62 =	vld [tilespmem:s2+$0x5000];
	v28 =	vmax.f32 v28, v23;
	v30 =	vmax.f32 v30, v12;
	v32 =	vmax.f32 v32, v14  }
0x1de: {  	v27 =	vmax.f32 v29, v27;
	v31 =	vmax.f32 v31, v13;
	v28 =	vmax.f32 v28, v15  }
0x1df: {  	v30 =	vmax.f32 v30, v16;
	v28 =	vmax.f32 v28, v5;
	v27 =	vmax.f32 v27, v6  }
0x1e0: {  	v31 =	vmax.f32 v31, v17;
	v30 =	vmax.f32 v30, v25;
	v27 =	vmax.f32 v28, v27  }
0x1e1: {  	v63 =	vmax.f32 v32, v18;
	v27 =	vmax.f32 v27, v30;
	v31 =	vmax.f32 v31, v26  }
0x1e2: {  	v28 =	vmax.f32 v63, v62;
	v27 =	vmax.f32 v27, v31  }
0x1e3: {  	v27 =	vmax.f32 v27, v28  }
0x1e4: {  	v28 =	vperm.xlane v27, v0;
	_ =	sdelay $0x1  }
0x1e5: {  	v27 =	vmax.f32 v27, v28  }
0x1e6: {  	v28 =	vperm.xlane v27, v1;
	_ =	sdelay $0x1  }
0x1e7: {  	v27 =	vmax.f32 v27, v28  }
0x1e8: {  	v28 =	vperm.xlane v27, v2;
	_ =	sdelay $0x1  }
0x1e9: {  	v27 =	vmax.f32 v27, v28  }
0x1ea: {  	v28 =	vperm.xlane v27, v3;
	_ =	sdelay $0x1  }
0x1eb: {  	v27 =	vmax.f32 v27, v28  }
0x1ec: {  	(v2sf) =	vpush v27, $0x0;
	_ =	sdelay $0xe  }
0x1ed: {  	s31 =	spop (v2sf)  }
0x1ee: {  	p0 =	sgt.f32 s31, s23  }
.Ltmp15:
0x1ef: {  	_ = 	snop;
	(pc) =	sbr.rel @!p0 .LBB2_29-.Ltmp15, $1  }
0x1f0: {  	_ =	sdelay $0x3  }
0x1f1: {  	v7 =	vmax.f32 v7, v19  }
0x1f2: {  	v7 =	vmax.f32 v7, v20  }
0x1f3: {  	v63 =	vld [tilespmem:s1+$0x4F00];
	v7 =	vmax.f32 v7, v21  }
0x1f4: {  	v7 =	vmax.f32 v7, v8  }
0x1f5: {  	v7 =	vmax.f32 v7, v9  }
0x1f6: {  	v7 =	vmax.f32 v7, v10  }
0x1f7: {  	v7 =	vmax.f32 v7, v11  }
0x1f8: {  	v7 =	vmax.f32 v7, v63  }
0x1f9: {  	v7 =	vmax.f32 v7, v22  }
0x1fa: {  	v7 =	vmax.f32 v7, v23  }
0x1fb: {  	v8 =	vld [tilespmem:s1+$0x4F80];
	v7 =	vmax.f32 v7, v24  }
0x1fc: {  	v7 =	vmax.f32 v7, v12  }
0x1fd: {  	v7 =	vmax.f32 v7, v13  }
0x1fe: {  	v7 =	vmax.f32 v7, v14  }
0x1ff: {  	v7 =	vmax.f32 v7, v15  }
0x200: {  	v7 =	vmax.f32 v7, v8  }
0x201: {  	v7 =	vmax.f32 v7, v16  }
0x202: {  	v7 =	vmax.f32 v7, v17  }
0x203: {  	v8 =	vld [tilespmem:s1+$0x5000];
	v7 =	vmax.f32 v7, v18  }
0x204: {  	v5 =	vmax.f32 v7, v5  }
0x205: {  	v5 =	vmax.f32 v5, v6  }
0x206: {  	v5 =	vmax.f32 v5, v25  }
0x207: {  	v5 =	vmax.f32 v5, v26  }
0x208: {  	v5 =	vmax.f32 v5, v8  }
0x209: {  	v6 =	vperm.xlane v5, v0;
	_ =	sdelay $0x1  }
0x20a: {  	v5 =	vmax.f32 v5, v6  }
0x20b: {  	v6 =	vperm.xlane v5, v1;
	_ =	sdelay $0x1  }
0x20c: {  	v5 =	vmax.f32 v5, v6;
	v6 =	vmov s28;
	_ =	sdelay $0x1  }
0x20d: {  	v7 =	vperm.xlane v5, v2;
	_ =	sdelay $0x1  }
0x20e: {  	s2 =	simm.s32 $0x0;
	v5 =	vmax.f32 v5, v7  }
0x20f: {  	v7 =	vperm.xlane v5, v3;
	v9 =	vld.idx.msk [tilespmem:v6+s2+$0x0 ss:$0x1], $0xffff;
	_ =	sdelay $0x1  }
0x210: {  	v5 =	vmax.f32 v5, v7  }
0x211: {  	s1 =	simm.s32 $0x40;
	s2 =	smov.u32 s29;
	v7 =	vimm.s32 $0x7FFFFFFF;
	v8 =	vbroadcast v5, $0x0  }
.LBB2_19:
0x212: {  	s5 =	sshra.s32 s1, $0x2;
	p0 =	sne.s32 s1, $0x600;
	s1 =	sadd.s32 $0x40, s1  }
.Ltmp16:
0x213: {  	v10 =	vor.u32 s2, v4;
	vm3 =	veq.f32 v9, v8;
	v9 =	vld.idx.msk [tilespmem:v6+s5+$0x0 ss:$0x1], $0xffff;
	(pc) =	sbr.rel @p0 .LBB2_19-.Ltmp16, $4  }
0x214: {  	v10 =	vnsel vm3, $0x7FFFFFFF, v10  }
0x215: {  	vm3 =	vlt.s32 v7, v10  }
0x216: {  	v7 =	vsel vm3, v7, v10  }
0x217: {  	s2 =	sadd.s32 $0x10, s2  }
0x218: {  	v10 =	vor.u32 s2, v4;
	vm3 =	veq.f32 v9, v8  }
0x219: {  	v8 =	vnsel vm3, $0x7FFFFFFF, v10  }
0x21a: {  	vm3 =	vlt.s32 v7, v8  }
0x21b: {  	v7 =	vsel vm3, v7, v8  }
0x21c: {  	v8 =	vperm.xlane v7, v0;
	_ =	sdelay $0x1  }
0x21d: {  	vm3 =	vlt.s32 v7, v8  }
0x21e: {  	v7 =	vsel vm3, v7, v8  }
0x21f: {  	v8 =	vperm.xlane v7, v1;
	_ =	sdelay $0x1  }
0x220: {  	vm3 =	vlt.s32 v7, v8  }
0x221: {  	v7 =	vsel vm3, v7, v8  }
0x222: {  	v8 =	vperm.xlane v7, v2;
	_ =	sdelay $0x1  }
0x223: {  	vm3 =	vlt.s32 v7, v8  }
0x224: {  	v7 =	vsel vm3, v7, v8  }
0x225: {  	v8 =	vperm.xlane v7, v3  }
0x226: {  	s31 =	simm.s32 $0x0  }
0x227: {  	v10 =	vld.idx.msk [tilespmem:v6+s31+$0x0 ss:$0x1], $0xffff;
	vm3 =	vlt.s32 v7, v8  }
0x228: {  	v7 =	vsel vm3, v7, v8  }
0x229: {  	v8 =	vbroadcast v7, $0x0  }
0x22a: {  	v9 =	vimm.f32 $-Inf;
	s1 =	simm.s32 $0x40;
	s2 =	smov.u32 s29  }
.LBB2_21:
0x22b: {  	s5 =	sshra.s32 s1, $0x2;
	p0 =	sne.s32 s1, $0x600;
	s1 =	sadd.s32 $0x40, s1;
	v11 =	vor.u32 s2, v4  }
.Ltmp17:
0x22c: {  	vm3 =	veq.s32 v11, v8;
	v11 =	vmax.f32 v9, v10;
	v10 =	vld.idx.msk [tilespmem:v6+s5+$0x0 ss:$0x1], $0xffff;
	(pc) =	sbr.rel @p0 .LBB2_21-.Ltmp17, $2  }
0x22d: {  	v9 =	vsel vm3, v9, v11;
	_ =	sdelay $0x2  }
0x22e: {  	s2 =	sadd.s32 $0x10, s2  }
0x22f: {  	v11 =	vor.u32 s2, v4  }
0x230: {  	v10 =	vmax.f32 v9, v10;
	vm3 =	veq.s32 v11, v8  }
0x231: {  	v9 =	vsel vm3, v9, v10  }
0x232: {  	v10 =	vperm.xlane v9, v0;
	_ =	sdelay $0x1  }
0x233: {  	v9 =	vmax.f32 v9, v10  }
0x234: {  	v10 =	vperm.xlane v9, v1;
	_ =	sdelay $0x1  }
0x235: {  	v9 =	vmax.f32 v9, v10  }
0x236: {  	v10 =	vperm.xlane v9, v2;
	_ =	sdelay $0x1  }
0x237: {  	s31 =	simm.s32 $0x0;
	v9 =	vmax.f32 v9, v10  }
0x238: {  	v12 =	vld.idx.msk [tilespmem:v6+s31+$0x0 ss:$0x1], $0xffff;
	v10 =	vperm.xlane v9, v3;
	_ =	sdelay $0x1  }
0x239: {  	v9 =	vmax.f32 v9, v10  }
0x23a: {  	s1 =	simm.s32 $0x40;
	s2 =	smov.u32 s29;
	v10 =	vimm.s32 $0x7FFFFFFF;
	v11 =	vbroadcast v9, $0x0  }
.LBB2_23:
0x23b: {  	s5 =	sshra.s32 s1, $0x2;
	p0 =	sne.s32 s1, $0x600;
	s1 =	sadd.s32 $0x40, s1;
	v13 =	vor.u32 s2, v4  }
.Ltmp18:
0x23c: {  	vm3 =	veq.f32 v12, v11;
	v12 =	vld.idx.msk [tilespmem:v6+s5+$0x0 ss:$0x1], $0xffff;
	vm4 =	vne.s32 v13, v8;
	(pc) =	sbr.rel @p0 .LBB2_23-.Ltmp18, $4  }
0x23d: {  	vm3 =	vmand vm4, vm3  }
0x23e: {  	v13 =	vnsel vm3, $0x7FFFFFFF, v13  }
0x23f: {  	vm3 =	vlt.s32 v10, v13  }
0x240: {  	s2 =	sadd.s32 $0x10, s2;
	v10 =	vsel vm3, v10, v13  }
0x241: {  	v13 =	vor.u32 s2, v4  }
0x242: {  	vm3 =	veq.f32 v12, v11;
	vm4 =	vne.s32 v13, v8  }
0x243: {  	vm3 =	vmand vm4, vm3  }
0x244: {  	v11 =	vnsel vm3, $0x7FFFFFFF, v13  }
0x245: {  	vm3 =	vlt.s32 v10, v11  }
0x246: {  	v10 =	vsel vm3, v10, v11  }
0x247: {  	v11 =	vperm.xlane v10, v0;
	_ =	sdelay $0x1  }
0x248: {  	vm3 =	vlt.s32 v10, v11  }
0x249: {  	v10 =	vsel vm3, v10, v11  }
0x24a: {  	v11 =	vperm.xlane v10, v1;
	_ =	sdelay $0x1  }
0x24b: {  	vm3 =	vlt.s32 v10, v11  }
0x24c: {  	v10 =	vsel vm3, v10, v11  }
0x24d: {  	v11 =	vperm.xlane v10, v2;
	_ =	sdelay $0x1  }
0x24e: {  	vm3 =	vlt.s32 v10, v11  }
0x24f: {  	v10 =	vsel vm3, v10, v11  }
0x250: {  	v11 =	vperm.xlane v10, v3  }
0x251: {  	s31 =	simm.s32 $0x0  }
0x252: {  	v13 =	vld.idx.msk [tilespmem:v6+s31+$0x0 ss:$0x1], $0xffff;
	vm3 =	vlt.s32 v10, v11  }
0x253: {  	v10 =	vsel vm3, v10, v11  }
0x254: {  	v11 =	vbroadcast v10, $0x0  }
0x255: {  	v12 =	vimm.f32 $-Inf;
	s1 =	simm.s32 $0x40;
	v14 =	vor.u32 s29, v4;
	s2 =	smov.u32 s29  }
.LBB2_25:
0x256: {  	s5 =	sshra.s32 s1, $0x2;
	p0 =	sne.s32 s1, $0x600;
	s1 =	sadd.s32 $0x40, s1;
	vm3 =	vne.s32 v14, v11;
	vm4 =	vne.s32 v14, v8  }
.Ltmp19:
0x257: {  	v14 =	vmax.f32 v12, v13;
	vm3 =	vmand vm3, vm4;
	v13 =	vld.idx.msk [tilespmem:v6+s5+$0x0 ss:$0x1], $0xffff;
	(pc) =	sbr.rel @p0 .LBB2_25-.Ltmp19, $3  }
0x258: {  	v12 =	vsel vm3, v14, v12;
	_ =	sdelay $0x1  }
0x259: {  	s2 =	sadd.s32 $0x10, s2  }
0x25a: {  	v14 =	vor.u32 s2, v4  }
0x25b: {  	vm3 =	vne.s32 v14, v11;
	vm4 =	vne.s32 v14, v8  }
0x25c: {  	v13 =	vmax.f32 v12, v13;
	vm3 =	vmand vm3, vm4  }
0x25d: {  	v12 =	vsel vm3, v13, v12  }
0x25e: {  	v13 =	vperm.xlane v12, v0;
	_ =	sdelay $0x1  }
0x25f: {  	v12 =	vmax.f32 v12, v13  }
0x260: {  	v13 =	vperm.xlane v12, v1;
	_ =	sdelay $0x1  }
0x261: {  	v12 =	vmax.f32 v12, v13  }
0x262: {  	v13 =	vperm.xlane v12, v2;
	_ =	sdelay $0x1  }
0x263: {  	s2 =	simm.s32 $0x0;
	v12 =	vmax.f32 v12, v13  }
0x264: {  	v15 =	vld.idx.msk [tilespmem:v6+s2+$0x0 ss:$0x1], $0xffff;
	v13 =	vperm.xlane v12, v3;
	_ =	sdelay $0x1  }
0x265: {  	v12 =	vmax.f32 v12, v13  }
0x266: {  	s1 =	simm.s32 $0x40;
	v16 =	vor.u32 s29, v4;
	s2 =	smov.u32 s29;
	v13 =	vimm.s32 $0x7FFFFFFF;
	v14 =	vbroadcast v12, $0x0  }
.LBB2_27:
0x267: {  	s5 =	sshra.s32 s1, $0x2;
	p0 =	sne.s32 s1, $0x600;
	s1 =	sadd.s32 $0x40, s1;
	vm3 =	vne.s32 v16, v11;
	vm4 =	vne.s32 v16, v8  }
.Ltmp20:
0x268: {  	vm5 =	veq.f32 v15, v14;
	v15 =	vld.idx.msk [tilespmem:v6+s5+$0x0 ss:$0x1], $0xffff;
	vm3 =	vmand vm3, vm4;
	(pc) =	sbr.rel @p0 .LBB2_27-.Ltmp20, $4  }
0x269: {  	vm3 =	vmand vm3, vm5  }
0x26a: {  	v17 =	vnsel vm3, $0x7FFFFFFF, v16  }
0x26b: {  	s2 =	sadd.s32 $0x10, s2;
	vm3 =	vlt.s32 v13, v17  }
0x26c: {  	v16 =	vor.u32 s2, v4;
	v13 =	vsel vm3, v13, v17  }
.Ltmp21:
0x26d: {  	_ = 	snop;
	(pc) =	sbr.rel .LBB2_28-.Ltmp21, $1  }
0x26e: {  	_ =	sdelay $0x3  }
.LBB2_30:
.Ltmp22:
0x26f: {  	(pc) =	sbr.rel .LBB2_31-.Ltmp22, $4  }
0x270: {  	_ = 	snop  }
0x271: {  	_ =	swait.ge [sflag:s13], $0x4E20  }
0x272: {  	s26 =	simm.s32 $0x0;
	[sflag:s13] =	ssyncset.done $0x0  }
0x273: {  	s28 =	simm.s32 $0x9D00;
	s29 =	simm.s32 $0x9C40;
	[sflag:s13] =	ssyncadd.s32 $0xFFFFB1E0  }
.LBB2_42:
0x274: {  	vm3 =	vne.s32 v16, v11;
	vm4 =	vne.s32 v16, v8  }
0x275: {  	vm5 =	veq.f32 v15, v14;
	vm3 =	vmand vm3, vm4  }
0x276: {  	vm3 =	vmand vm3, vm5  }
0x277: {  	v6 =	vnsel vm3, $0x7FFFFFFF, v16  }
0x278: {  	vm3 =	vlt.s32 v13, v6  }
0x279: {  	v6 =	vsel vm3, v13, v6  }
0x27a: {  	v63 =	vperm.xlane v6, v0;
	_ =	sdelay $0x1  }
0x27b: {  	vm3 =	vlt.s32 v6, v63  }
0x27c: {  	(v2sf) =	vpush v5, $0x0;
	v5 =	vsel vm3, v6, v63  }
0x27d: {  	(v2sf) =	vpush v7, $0x0;
	v6 =	vperm.xlane v5, v1;
	_ =	sdelay $0x1  }
0x27e: {  	vm3 =	vlt.s32 v5, v6  }
0x27f: {  	p1 =	seq.f32 s8, s20;
	v5 =	vsel vm3, v5, v6  }
0x280: {  	p0 =	slt.s32 s16, s22;
	v6 =	vperm.xlane v5, v2  }
0x281: {  	p2 =	sgt.f32 s8, s20;
	(v2sf) =	vpush v9, $0x0;
	p1 =	por !p1, !p0  }
0x282: {  	(v2sf) =	vpush v10, $0x0;
	p1 =	por !p1, !p1;
	vm3 =	vlt.s32 v5, v6  }
0x283: {  	s21 =	smov.u32 s20;
	p1 =	por p2, p1;
	v5 =	vsel vm3, v5, v6  }
0x284: {  	s30 =	smov.u32 s22;
	s21 =	smov.u32 @p1 s8;
	v6 =	vperm.xlane v5, v3  }
0x285: {  	s30 =	smov.u32 @p1 s16;
	p5 =	seq.f32 s23, s21  }
0x286: {  	p6 =	slt.s32 s0, s30;
	vm3 =	vlt.s32 v5, v6  }
0x287: {  	(v2sf) =	vpush v12, $0x0;
	p3 =	sgt.f32 s23, s21;
	p1 =	por !p5, !p6;
	v5 =	vsel vm3, v5, v6  }
0x288: {  	p1 =	por !p1, !p1;
	(v2sf) =	vpush v5, $0x0  }
0x289: {  	p1 =	por p3, p1  }
0x28a: {  	s21 =	smov.u32 @p1 s23;
	s5 =	spop (v2sf)  }
0x28b: {  	s30 =	smov.u32 @p1 s0;
	s6 =	spop (v2sf);
	p4 =	seq.f32 s5, s21  }
0x28c: {  	p5 =	slt.s32 s6, s30  }
0x28d: {  	p6 =	sgt.f32 s5, s21;
	p1 =	por !p4, !p5  }
0x28e: {  	p1 =	por !p1, !p1  }
0x28f: {  	p1 =	por p6, p1  }
0x290: {  	s1 =	spop (v2sf);
	s21 =	smov.u32 @p1 s5  }
0x291: {  	s2 =	spop (v2sf);
	s30 =	smov.u32 @p1 s6;
	p4 =	seq.f32 s1, s21  }
0x292: {  	p5 =	slt.s32 s2, s30  }
0x293: {  	p6 =	sgt.f32 s1, s21;
	p1 =	por !p4, !p5  }
0x294: {  	p1 =	por !p1, !p1  }
0x295: {  	p1 =	por p6, p1  }
0x296: {  	s15 =	spop (v2sf);
	s21 =	smov.u32 @p1 s1  }
0x297: {  	s30 =	smov.u32 @p1 s2;
	p3 =	seq.f32 s15, s21;
	s17 =	spop (v2sf)  }
0x298: {  	p4 =	slt.s32 s17, s30  }
0x299: {  	p5 =	sgt.f32 s15, s21;
	p1 =	por !p3, !p4  }
0x29a: {  	p1 =	por !p1, !p1  }
0x29b: {  	p1 =	por p5, p1  }
0x29c: {  	s7 =	smov.u32 s20;
	s21 =	smov.u32 @p1 s15  }
0x29d: {  	s18 =	smov.u32 s8;
	s30 =	smov.u32 @p1 s17;
	p1 =	seq.f32 s20, s21  }
0x29e: {  	p2 =	seq.s32 s22, s30;
	p3 =	seq.f32 s8, s21;
	p4 =	seq.s32 s16, s30  }
0x29f: {  	s7 =	simm.s32 @p2 $0xFF800000;
	s18 =	simm.s32 @p4 $0xFF800000  }
0x2a0: {  	s20 =	smov.u32 @p1 s7;
	s8 =	smov.u32 @p3 s18  }
0x2a1: {  	p1 =	seq.f32 s8, s20;
	_ =	sdelay $0x1  }
0x2a2: {  	p4 =	seq.s32 s0, s30;
	p6 =	sgt.f32 s8, s20;
	p1 =	por !p0, !p1  }
0x2a3: {  	p3 =	seq.f32 s23, s21;
	s7 =	smov.u32 s23;
	p1 =	por !p1, !p1  }
0x2a4: {  	s7 =	simm.s32 @p4 $0xFF800000;
	s25 =	smov.u32 s20;
	p1 =	por p6, p1  }
0x2a5: {  	s24 =	smov.u32 s22;
	s23 =	smov.u32 @p3 s7;
	s25 =	smov.u32 @p1 s8  }
0x2a6: {  	s24 =	smov.u32 @p1 s16;
	p5 =	seq.f32 s23, s25  }
0x2a7: {  	p6 =	slt.s32 s0, s24  }
0x2a8: {  	p2 =	seq.f32 s5, s21;
	p3 =	sgt.f32 s23, s25;
	p1 =	por !p5, !p6  }
0x2a9: {  	p4 =	seq.s32 s6, s30;
	s7 =	smov.u32 s5;
	p1 =	por !p1, !p1  }
0x2aa: {  	s7 =	simm.s32 @p4 $0xFF800000;
	p1 =	por p3, p1  }
0x2ab: {  	s5 =	smov.u32 @p2 s7;
	s25 =	smov.u32 @p1 s23  }
0x2ac: {  	s24 =	smov.u32 @p1 s0;
	p4 =	seq.f32 s5, s25  }
0x2ad: {  	p5 =	slt.s32 s6, s24  }
0x2ae: {  	p2 =	seq.f32 s1, s21;
	p6 =	sgt.f32 s5, s25;
	p1 =	por !p4, !p5  }
0x2af: {  	s7 =	smov.u32 s1;
	p4 =	seq.s32 s2, s30;
	p1 =	por !p1, !p1  }
0x2b0: {  	s7 =	simm.s32 @p4 $0xFF800000;
	p1 =	por p6, p1  }
0x2b1: {  	s1 =	smov.u32 @p2 s7;
	s25 =	smov.u32 @p1 s5  }
0x2b2: {  	s24 =	smov.u32 @p1 s6;
	p4 =	seq.f32 s1, s25  }
0x2b3: {  	p5 =	slt.s32 s2, s24  }
0x2b4: {  	p2 =	seq.f32 s15, s21;
	p6 =	sgt.f32 s1, s25;
	p1 =	por !p4, !p5  }
0x2b5: {  	s7 =	smov.u32 s15;
	p4 =	seq.s32 s17, s30;
	p1 =	por !p1, !p1  }
0x2b6: {  	s7 =	simm.s32 @p4 $0xFF800000;
	p1 =	por p6, p1  }
0x2b7: {  	s15 =	smov.u32 @p2 s7;
	s25 =	smov.u32 @p1 s1  }
0x2b8: {  	s24 =	smov.u32 @p1 s2;
	p3 =	seq.f32 s15, s25  }
0x2b9: {  	p4 =	slt.s32 s17, s24  }
0x2ba: {  	p5 =	sgt.f32 s15, s25;
	p1 =	por !p3, !p4  }
0x2bb: {  	p1 =	por !p1, !p1  }
0x2bc: {  	p1 =	por p5, p1  }
0x2bd: {  	s18 =	smov.u32 s8;
	s25 =	smov.u32 @p1 s15  }
0x2be: {  	s7 =	smov.u32 s20;
	s24 =	smov.u32 @p1 s17;
	p1 =	seq.f32 s20, s25  }
0x2bf: {  	p2 =	seq.s32 s22, s24;
	p3 =	seq.f32 s8, s25;
	p4 =	seq.s32 s16, s24  }
0x2c0: {  	s7 =	simm.s32 @p2 $0xFF800000;
	s18 =	simm.s32 @p4 $0xFF800000  }
0x2c1: {  	s20 =	smov.u32 @p1 s7;
	s8 =	smov.u32 @p3 s18  }
0x2c2: {  	p1 =	seq.f32 s8, s20;
	_ =	sdelay $0x1  }
0x2c3: {  	p3 =	seq.s32 s0, s24;
	p6 =	sgt.f32 s8, s20;
	p0 =	por !p0, !p1  }
0x2c4: {  	s7 =	smov.u32 s23;
	p1 =	seq.f32 s23, s25;
	p0 =	por !p0, !p0  }
0x2c5: {  	s7 =	simm.s32 @p3 $0xFF800000;
	p0 =	por p6, p0  }
0x2c6: {  	s23 =	smov.u32 @p1 s7;
	s20 =	smov.u32 @p0 s8  }
0x2c7: {  	s22 =	smov.u32 @p0 s16;
	p4 =	seq.f32 s23, s20  }
0x2c8: {  	p5 =	slt.s32 s0, s22  }
0x2c9: {  	p3 =	seq.s32 s6, s24;
	p6 =	sgt.f32 s23, s20;
	p0 =	por !p4, !p5  }
0x2ca: {  	p1 =	seq.f32 s5, s25;
	s7 =	smov.u32 s5;
	p0 =	por !p0, !p0  }
0x2cb: {  	s7 =	simm.s32 @p3 $0xFF800000;
	p0 =	por p6, p0  }
0x2cc: {  	s5 =	smov.u32 @p1 s7;
	s20 =	smov.u32 @p0 s23  }
0x2cd: {  	s22 =	smov.u32 @p0 s0;
	p4 =	seq.f32 s5, s20  }
0x2ce: {  	p5 =	slt.s32 s6, s22  }
0x2cf: {  	p3 =	seq.s32 s2, s24;
	p6 =	sgt.f32 s5, s20;
	p0 =	por !p4, !p5  }
0x2d0: {  	p1 =	seq.f32 s1, s25;
	s0 =	smov.u32 s1;
	p0 =	por !p0, !p0  }
0x2d1: {  	s0 =	simm.s32 @p3 $0xFF800000;
	p0 =	por p6, p0  }
0x2d2: {  	s1 =	smov.u32 @p1 s0;
	s20 =	smov.u32 @p0 s5  }
0x2d3: {  	s22 =	smov.u32 @p0 s6;
	p4 =	seq.f32 s1, s20  }
0x2d4: {  	p5 =	slt.s32 s2, s22  }
0x2d5: {  	p3 =	seq.s32 s17, s24;
	p6 =	sgt.f32 s1, s20;
	p0 =	por !p4, !p5  }
0x2d6: {  	p1 =	seq.f32 s15, s25;
	s0 =	smov.u32 s15;
	p0 =	por !p0, !p0  }
0x2d7: {  	s0 =	simm.s32 @p3 $0xFF800000;
	p0 =	por p6, p0  }
0x2d8: {  	s15 =	smov.u32 @p1 s0;
	s20 =	smov.u32 @p0 s1  }
0x2d9: {  	s22 =	smov.u32 @p0 s2;
	p4 =	seq.f32 s15, s20  }
0x2da: {  	p5 =	slt.s32 s17, s22  }
0x2db: {  	s8 =	smov.u32 s25;
	p6 =	sgt.f32 s15, s20;
	p0 =	por !p4, !p5  }
0x2dc: {  	s16 =	smov.u32 s24;
	s23 =	smov.u32 s20;
	p0 =	por !p0, !p0  }
0x2dd: {  	s0 =	smov.u32 s22;
	s20 =	smov.u32 s21;
	p0 =	por p6, p0  }
0x2de: {  	s22 =	smov.u32 s30;
	s23 =	smov.u32 @p0 s15;
	s0 =	smov.u32 @p0 s17  }
.LBB2_43:
0x2df: {  	s26 =	sadd.s32 $0x1, s26  }
0x2e0: {  	p0 =	sne.s32 s26, $0x32  }
.Ltmp23:
0x2e1: {  	_ = 	snop;
	(pc) =	sbr.rel @!p0 .LBB2_44-.Ltmp23, $2  }
0x2e2: {  	_ =	sdelay $0x2  }
0x2e3: {  	s28 =	sadd.s32 $0x190, s28;
	s29 =	sadd.s32 $0x190, s29  }
.LBB2_31:
0x2e4: {  	s1 =	smul.u32 $0x190, s26;
	_ =	sdelay $0x1  }
0x2e5: {  	v7 =	vld [tilespmem:s1+$0x9D00]  }
0x2e6: {  	v19 =	vld [tilespmem:s1+$0x9D10]  }
0x2e7: {  	v20 =	vld [tilespmem:s1+$0x9D20]  }
0x2e8: {  	v21 =	vld [tilespmem:s1+$0x9D30]  }
0x2e9: {  	v8 =	vld [tilespmem:s1+$0x9D40]  }
0x2ea: {  	v9 =	vld [tilespmem:s1+$0x9D50]  }
0x2eb: {  	v10 =	vld [tilespmem:s1+$0x9D60]  }
0x2ec: {  	v11 =	vld [tilespmem:s1+$0x9D70]  }
0x2ed: {  	v22 =	vld [tilespmem:s1+$0x9D90]  }
0x2ee: {  	v23 =	vld [tilespmem:s1+$0x9DA0]  }
0x2ef: {  	v24 =	vld [tilespmem:s1+$0x9DB0]  }
0x2f0: {  	v12 =	vld [tilespmem:s1+$0x9DC0]  }
0x2f1: {  	v13 =	vld [tilespmem:s1+$0x9DD0]  }
0x2f2: {  	v14 =	vld [tilespmem:s1+$0x9DE0]  }
0x2f3: {  	v15 =	vld [tilespmem:s1+$0x9DF0]  }
0x2f4: {  	v16 =	vld [tilespmem:s1+$0x9E10]  }
0x2f5: {  	v17 =	vld [tilespmem:s1+$0x9E20]  }
0x2f6: {  	s2 =	sand.u32 $0x7FF0, s1;
	v18 =	vld [tilespmem:s1+$0x9E30]  }
0x2f7: {  	v26 =	vld [tilespmem:s2+$0x9D80]  }
0x2f8: {  	v5 =	vld [tilespmem:s1+$0x9E40]  }
0x2f9: {  	v27 =	vld [tilespmem:s2+$0x9E00]  }
0x2fa: {  	v6 =	vld [tilespmem:s1+$0x9E50]  }
0x2fb: {  	v25 =	vld [tilespmem:s1+$0x9E60];
	v28 =	vmax.f32 v7, v9;
	v29 =	vmax.f32 v19, v10;
	v30 =	vmax.f32 v20, v11  }
0x2fc: {  	v32 =	vmax.f32 v8, v22;
	v31 =	vmax.f32 v21, v26;
	v29 =	vmax.f32 v29, v24;
	v26 =	vld [tilespmem:s1+$0x9E70]  }
0x2fd: {  	v62 =	vld [tilespmem:s2+$0x9E80];
	v28 =	vmax.f32 v28, v23;
	v30 =	vmax.f32 v30, v12;
	v32 =	vmax.f32 v32, v14  }
0x2fe: {  	v27 =	vmax.f32 v29, v27;
	v31 =	vmax.f32 v31, v13;
	v28 =	vmax.f32 v28, v15  }
0x2ff: {  	v30 =	vmax.f32 v30, v16;
	v28 =	vmax.f32 v28, v5;
	v27 =	vmax.f32 v27, v6  }
0x300: {  	v31 =	vmax.f32 v31, v17;
	v30 =	vmax.f32 v30, v25;
	v27 =	vmax.f32 v28, v27  }
0x301: {  	v63 =	vmax.f32 v32, v18;
	v27 =	vmax.f32 v27, v30;
	v31 =	vmax.f32 v31, v26  }
0x302: {  	v28 =	vmax.f32 v63, v62;
	v27 =	vmax.f32 v27, v31  }
0x303: {  	v27 =	vmax.f32 v27, v28  }
0x304: {  	v28 =	vperm.xlane v27, v0;
	_ =	sdelay $0x1  }
0x305: {  	v27 =	vmax.f32 v27, v28  }
0x306: {  	v28 =	vperm.xlane v27, v1;
	_ =	sdelay $0x1  }
0x307: {  	v27 =	vmax.f32 v27, v28  }
0x308: {  	v28 =	vperm.xlane v27, v2;
	_ =	sdelay $0x1  }
0x309: {  	v27 =	vmax.f32 v27, v28  }
0x30a: {  	v28 =	vperm.xlane v27, v3;
	_ =	sdelay $0x1  }
0x30b: {  	v27 =	vmax.f32 v27, v28  }
0x30c: {  	(v2sf) =	vpush v27, $0x0;
	_ =	sdelay $0xe  }
0x30d: {  	s31 =	spop (v2sf)  }
0x30e: {  	p0 =	sgt.f32 s31, s23  }
.Ltmp24:
0x30f: {  	_ = 	snop;
	(pc) =	sbr.rel @!p0 .LBB2_43-.Ltmp24, $1  }
0x310: {  	_ =	sdelay $0x3  }
0x311: {  	v7 =	vmax.f32 v7, v19  }
0x312: {  	v7 =	vmax.f32 v7, v20  }
0x313: {  	v63 =	vld [tilespmem:s1+$0x9D80];
	v7 =	vmax.f32 v7, v21  }
0x314: {  	v7 =	vmax.f32 v7, v8  }
0x315: {  	v7 =	vmax.f32 v7, v9  }
0x316: {  	v7 =	vmax.f32 v7, v10  }
0x317: {  	v7 =	vmax.f32 v7, v11  }
0x318: {  	v7 =	vmax.f32 v7, v63  }
0x319: {  	v7 =	vmax.f32 v7, v22  }
0x31a: {  	v7 =	vmax.f32 v7, v23  }
0x31b: {  	v8 =	vld [tilespmem:s1+$0x9E00];
	v7 =	vmax.f32 v7, v24  }
0x31c: {  	v7 =	vmax.f32 v7, v12  }
0x31d: {  	v7 =	vmax.f32 v7, v13  }
0x31e: {  	v7 =	vmax.f32 v7, v14  }
0x31f: {  	v7 =	vmax.f32 v7, v15  }
0x320: {  	v7 =	vmax.f32 v7, v8  }
0x321: {  	v7 =	vmax.f32 v7, v16  }
0x322: {  	v7 =	vmax.f32 v7, v17  }
0x323: {  	v8 =	vld [tilespmem:s1+$0x9E80];
	v7 =	vmax.f32 v7, v18  }
0x324: {  	v5 =	vmax.f32 v7, v5  }
0x325: {  	v5 =	vmax.f32 v5, v6  }
0x326: {  	v5 =	vmax.f32 v5, v25  }
0x327: {  	v5 =	vmax.f32 v5, v26  }
0x328: {  	v5 =	vmax.f32 v5, v8  }
0x329: {  	v6 =	vperm.xlane v5, v0;
	_ =	sdelay $0x1  }
0x32a: {  	v5 =	vmax.f32 v5, v6  }
0x32b: {  	v6 =	vperm.xlane v5, v1;
	_ =	sdelay $0x1  }
0x32c: {  	v5 =	vmax.f32 v5, v6;
	v6 =	vmov s28;
	_ =	sdelay $0x1  }
0x32d: {  	v7 =	vperm.xlane v5, v2;
	_ =	sdelay $0x1  }
0x32e: {  	s2 =	simm.s32 $0x0;
	v5 =	vmax.f32 v5, v7  }
0x32f: {  	v7 =	vperm.xlane v5, v3;
	v9 =	vld.idx.msk [tilespmem:v6+s2+$0x0 ss:$0x1], $0xffff;
	_ =	sdelay $0x1  }
0x330: {  	v5 =	vmax.f32 v5, v7  }
0x331: {  	s1 =	simm.s32 $0x40;
	s2 =	smov.u32 s29;
	v7 =	vimm.s32 $0x7FFFFFFF;
	v8 =	vbroadcast v5, $0x0  }
.LBB2_33:
0x332: {  	s5 =	sshra.s32 s1, $0x2;
	p0 =	sne.s32 s1, $0x600;
	s1 =	sadd.s32 $0x40, s1  }
.Ltmp25:
0x333: {  	v10 =	vor.u32 s2, v4;
	vm3 =	veq.f32 v9, v8;
	v9 =	vld.idx.msk [tilespmem:v6+s5+$0x0 ss:$0x1], $0xffff;
	(pc) =	sbr.rel @p0 .LBB2_33-.Ltmp25, $4  }
0x334: {  	v10 =	vnsel vm3, $0x7FFFFFFF, v10  }
0x335: {  	vm3 =	vlt.s32 v7, v10  }
0x336: {  	v7 =	vsel vm3, v7, v10  }
0x337: {  	s2 =	sadd.s32 $0x10, s2  }
0x338: {  	v10 =	vor.u32 s2, v4;
	vm3 =	veq.f32 v9, v8  }
0x339: {  	v8 =	vnsel vm3, $0x7FFFFFFF, v10  }
0x33a: {  	vm3 =	vlt.s32 v7, v8  }
0x33b: {  	v7 =	vsel vm3, v7, v8  }
0x33c: {  	v8 =	vperm.xlane v7, v0;
	_ =	sdelay $0x1  }
0x33d: {  	vm3 =	vlt.s32 v7, v8  }
0x33e: {  	v7 =	vsel vm3, v7, v8  }
0x33f: {  	v8 =	vperm.xlane v7, v1;
	_ =	sdelay $0x1  }
0x340: {  	vm3 =	vlt.s32 v7, v8  }
0x341: {  	v7 =	vsel vm3, v7, v8  }
0x342: {  	v8 =	vperm.xlane v7, v2;
	_ =	sdelay $0x1  }
0x343: {  	vm3 =	vlt.s32 v7, v8  }
0x344: {  	v7 =	vsel vm3, v7, v8  }
0x345: {  	v8 =	vperm.xlane v7, v3  }
0x346: {  	s31 =	simm.s32 $0x0  }
0x347: {  	v10 =	vld.idx.msk [tilespmem:v6+s31+$0x0 ss:$0x1], $0xffff;
	vm3 =	vlt.s32 v7, v8  }
0x348: {  	v7 =	vsel vm3, v7, v8  }
0x349: {  	v8 =	vbroadcast v7, $0x0  }
0x34a: {  	v9 =	vimm.f32 $-Inf;
	s1 =	simm.s32 $0x40;
	s2 =	smov.u32 s29  }
.LBB2_35:
0x34b: {  	s5 =	sshra.s32 s1, $0x2;
	p0 =	sne.s32 s1, $0x600;
	s1 =	sadd.s32 $0x40, s1;
	v11 =	vor.u32 s2, v4  }
.Ltmp26:
0x34c: {  	vm3 =	veq.s32 v11, v8;
	v11 =	vmax.f32 v9, v10;
	v10 =	vld.idx.msk [tilespmem:v6+s5+$0x0 ss:$0x1], $0xffff;
	(pc) =	sbr.rel @p0 .LBB2_35-.Ltmp26, $2  }
0x34d: {  	v9 =	vsel vm3, v9, v11;
	_ =	sdelay $0x2  }
0x34e: {  	s2 =	sadd.s32 $0x10, s2  }
0x34f: {  	v11 =	vor.u32 s2, v4  }
0x350: {  	v10 =	vmax.f32 v9, v10;
	vm3 =	veq.s32 v11, v8  }
0x351: {  	v9 =	vsel vm3, v9, v10  }
0x352: {  	v10 =	vperm.xlane v9, v0;
	_ =	sdelay $0x1  }
0x353: {  	v9 =	vmax.f32 v9, v10  }
0x354: {  	v10 =	vperm.xlane v9, v1;
	_ =	sdelay $0x1  }
0x355: {  	v9 =	vmax.f32 v9, v10  }
0x356: {  	v10 =	vperm.xlane v9, v2;
	_ =	sdelay $0x1  }
0x357: {  	s31 =	simm.s32 $0x0;
	v9 =	vmax.f32 v9, v10  }
0x358: {  	v12 =	vld.idx.msk [tilespmem:v6+s31+$0x0 ss:$0x1], $0xffff;
	v10 =	vperm.xlane v9, v3;
	_ =	sdelay $0x1  }
0x359: {  	v9 =	vmax.f32 v9, v10  }
0x35a: {  	s1 =	simm.s32 $0x40;
	s2 =	smov.u32 s29;
	v10 =	vimm.s32 $0x7FFFFFFF;
	v11 =	vbroadcast v9, $0x0  }
.LBB2_37:
0x35b: {  	s5 =	sshra.s32 s1, $0x2;
	p0 =	sne.s32 s1, $0x600;
	s1 =	sadd.s32 $0x40, s1;
	v13 =	vor.u32 s2, v4  }
.Ltmp27:
0x35c: {  	vm3 =	veq.f32 v12, v11;
	v12 =	vld.idx.msk [tilespmem:v6+s5+$0x0 ss:$0x1], $0xffff;
	vm4 =	vne.s32 v13, v8;
	(pc) =	sbr.rel @p0 .LBB2_37-.Ltmp27, $4  }
0x35d: {  	vm3 =	vmand vm4, vm3  }
0x35e: {  	v13 =	vnsel vm3, $0x7FFFFFFF, v13  }
0x35f: {  	vm3 =	vlt.s32 v10, v13  }
0x360: {  	s2 =	sadd.s32 $0x10, s2;
	v10 =	vsel vm3, v10, v13  }
0x361: {  	v13 =	vor.u32 s2, v4  }
0x362: {  	vm3 =	veq.f32 v12, v11;
	vm4 =	vne.s32 v13, v8  }
0x363: {  	vm3 =	vmand vm4, vm3  }
0x364: {  	v11 =	vnsel vm3, $0x7FFFFFFF, v13  }
0x365: {  	vm3 =	vlt.s32 v10, v11  }
0x366: {  	v10 =	vsel vm3, v10, v11  }
0x367: {  	v11 =	vperm.xlane v10, v0;
	_ =	sdelay $0x1  }
0x368: {  	vm3 =	vlt.s32 v10, v11  }
0x369: {  	v10 =	vsel vm3, v10, v11  }
0x36a: {  	v11 =	vperm.xlane v10, v1;
	_ =	sdelay $0x1  }
0x36b: {  	vm3 =	vlt.s32 v10, v11  }
0x36c: {  	v10 =	vsel vm3, v10, v11  }
0x36d: {  	v11 =	vperm.xlane v10, v2;
	_ =	sdelay $0x1  }
0x36e: {  	vm3 =	vlt.s32 v10, v11  }
0x36f: {  	v10 =	vsel vm3, v10, v11  }
0x370: {  	v11 =	vperm.xlane v10, v3  }
0x371: {  	s31 =	simm.s32 $0x0  }
0x372: {  	v13 =	vld.idx.msk [tilespmem:v6+s31+$0x0 ss:$0x1], $0xffff;
	vm3 =	vlt.s32 v10, v11  }
0x373: {  	v10 =	vsel vm3, v10, v11  }
0x374: {  	v11 =	vbroadcast v10, $0x0  }
0x375: {  	v12 =	vimm.f32 $-Inf;
	s1 =	simm.s32 $0x40;
	v14 =	vor.u32 s29, v4;
	s2 =	smov.u32 s29  }
.LBB2_39:
0x376: {  	s5 =	sshra.s32 s1, $0x2;
	p0 =	sne.s32 s1, $0x600;
	s1 =	sadd.s32 $0x40, s1;
	vm3 =	vne.s32 v14, v11;
	vm4 =	vne.s32 v14, v8  }
.Ltmp28:
0x377: {  	v14 =	vmax.f32 v12, v13;
	vm3 =	vmand vm3, vm4;
	v13 =	vld.idx.msk [tilespmem:v6+s5+$0x0 ss:$0x1], $0xffff;
	(pc) =	sbr.rel @p0 .LBB2_39-.Ltmp28, $3  }
0x378: {  	v12 =	vsel vm3, v14, v12;
	_ =	sdelay $0x1  }
0x379: {  	s2 =	sadd.s32 $0x10, s2  }
0x37a: {  	v14 =	vor.u32 s2, v4  }
0x37b: {  	vm3 =	vne.s32 v14, v11;
	vm4 =	vne.s32 v14, v8  }
0x37c: {  	v13 =	vmax.f32 v12, v13;
	vm3 =	vmand vm3, vm4  }
0x37d: {  	v12 =	vsel vm3, v13, v12  }
0x37e: {  	v13 =	vperm.xlane v12, v0;
	_ =	sdelay $0x1  }
0x37f: {  	v12 =	vmax.f32 v12, v13  }
0x380: {  	v13 =	vperm.xlane v12, v1;
	_ =	sdelay $0x1  }
0x381: {  	v12 =	vmax.f32 v12, v13  }
0x382: {  	v13 =	vperm.xlane v12, v2;
	_ =	sdelay $0x1  }
0x383: {  	s2 =	simm.s32 $0x0;
	v12 =	vmax.f32 v12, v13  }
0x384: {  	v15 =	vld.idx.msk [tilespmem:v6+s2+$0x0 ss:$0x1], $0xffff;
	v13 =	vperm.xlane v12, v3;
	_ =	sdelay $0x1  }
0x385: {  	v12 =	vmax.f32 v12, v13  }
0x386: {  	s1 =	simm.s32 $0x40;
	v16 =	vor.u32 s29, v4;
	s2 =	smov.u32 s29;
	v13 =	vimm.s32 $0x7FFFFFFF;
	v14 =	vbroadcast v12, $0x0  }
.LBB2_41:
0x387: {  	s5 =	sshra.s32 s1, $0x2;
	p0 =	sne.s32 s1, $0x600;
	s1 =	sadd.s32 $0x40, s1;
	vm3 =	vne.s32 v16, v11;
	vm4 =	vne.s32 v16, v8  }
.Ltmp29:
0x388: {  	vm5 =	veq.f32 v15, v14;
	v15 =	vld.idx.msk [tilespmem:v6+s5+$0x0 ss:$0x1], $0xffff;
	vm3 =	vmand vm3, vm4;
	(pc) =	sbr.rel @p0 .LBB2_41-.Ltmp29, $4  }
0x389: {  	vm3 =	vmand vm3, vm5  }
0x38a: {  	v17 =	vnsel vm3, $0x7FFFFFFF, v16  }
0x38b: {  	s2 =	sadd.s32 $0x10, s2;
	vm3 =	vlt.s32 v13, v17  }
0x38c: {  	v16 =	vor.u32 s2, v4;
	v13 =	vsel vm3, v13, v17  }
.Ltmp30:
0x38d: {  	_ = 	snop;
	(pc) =	sbr.rel .LBB2_42-.Ltmp30, $1  }
0x38e: {  	_ =	sdelay $0x3  }
.LBB2_44:
.Ltmp31:
0x38f: {  	(pc) =	sbr.rel .LBB2_45-.Ltmp31, $4  }
0x390: {  	_ = 	snop  }
0x391: {  	_ =	swait.ge [sflag:s14], $0x4E20  }
0x392: {  	s26 =	simm.s32 $0x0;
	[sflag:s14] =	ssyncset.done $0x0  }
0x393: {  	s28 =	simm.s32 $0xEB80;
	s29 =	simm.s32 $0xEA60;
	[sflag:s14] =	ssyncadd.s32 $0xFFFFB1E0  }
.LBB2_56:
0x394: {  	vm3 =	vne.s32 v16, v11;
	vm4 =	vne.s32 v16, v8  }
0x395: {  	vm5 =	veq.f32 v15, v14;
	vm3 =	vmand vm3, vm4  }
0x396: {  	vm3 =	vmand vm3, vm5  }
0x397: {  	v6 =	vnsel vm3, $0x7FFFFFFF, v16  }
0x398: {  	vm3 =	vlt.s32 v13, v6  }
0x399: {  	v6 =	vsel vm3, v13, v6  }
0x39a: {  	v63 =	vperm.xlane v6, v0;
	_ =	sdelay $0x1  }
0x39b: {  	vm3 =	vlt.s32 v6, v63  }
0x39c: {  	(v2sf) =	vpush v5, $0x0;
	v5 =	vsel vm3, v6, v63  }
0x39d: {  	(v2sf) =	vpush v7, $0x0;
	v6 =	vperm.xlane v5, v1;
	_ =	sdelay $0x1  }
0x39e: {  	vm3 =	vlt.s32 v5, v6  }
0x39f: {  	p1 =	seq.f32 s8, s20;
	v5 =	vsel vm3, v5, v6  }
0x3a0: {  	p0 =	slt.s32 s16, s22;
	v6 =	vperm.xlane v5, v2  }
0x3a1: {  	p2 =	sgt.f32 s8, s20;
	(v2sf) =	vpush v9, $0x0;
	p1 =	por !p1, !p0  }
0x3a2: {  	(v2sf) =	vpush v10, $0x0;
	p1 =	por !p1, !p1;
	vm3 =	vlt.s32 v5, v6  }
0x3a3: {  	s21 =	smov.u32 s20;
	p1 =	por p2, p1;
	v5 =	vsel vm3, v5, v6  }
0x3a4: {  	s30 =	smov.u32 s22;
	s21 =	smov.u32 @p1 s8;
	v6 =	vperm.xlane v5, v3  }
0x3a5: {  	s30 =	smov.u32 @p1 s16;
	p5 =	seq.f32 s23, s21  }
0x3a6: {  	p6 =	slt.s32 s0, s30;
	vm3 =	vlt.s32 v5, v6  }
0x3a7: {  	(v2sf) =	vpush v12, $0x0;
	p3 =	sgt.f32 s23, s21;
	p1 =	por !p5, !p6;
	v5 =	vsel vm3, v5, v6  }
0x3a8: {  	p1 =	por !p1, !p1;
	(v2sf) =	vpush v5, $0x0  }
0x3a9: {  	p1 =	por p3, p1  }
0x3aa: {  	s21 =	smov.u32 @p1 s23;
	s5 =	spop (v2sf)  }
0x3ab: {  	s30 =	smov.u32 @p1 s0;
	s6 =	spop (v2sf);
	p4 =	seq.f32 s5, s21  }
0x3ac: {  	p5 =	slt.s32 s6, s30  }
0x3ad: {  	p6 =	sgt.f32 s5, s21;
	p1 =	por !p4, !p5  }
0x3ae: {  	p1 =	por !p1, !p1  }
0x3af: {  	p1 =	por p6, p1  }
0x3b0: {  	s1 =	spop (v2sf);
	s21 =	smov.u32 @p1 s5  }
0x3b1: {  	s2 =	spop (v2sf);
	s30 =	smov.u32 @p1 s6;
	p4 =	seq.f32 s1, s21  }
0x3b2: {  	p5 =	slt.s32 s2, s30  }
0x3b3: {  	p6 =	sgt.f32 s1, s21;
	p1 =	por !p4, !p5  }
0x3b4: {  	p1 =	por !p1, !p1  }
0x3b5: {  	p1 =	por p6, p1  }
0x3b6: {  	s15 =	spop (v2sf);
	s21 =	smov.u32 @p1 s1  }
0x3b7: {  	s30 =	smov.u32 @p1 s2;
	p3 =	seq.f32 s15, s21;
	s17 =	spop (v2sf)  }
0x3b8: {  	p4 =	slt.s32 s17, s30  }
0x3b9: {  	p5 =	sgt.f32 s15, s21;
	p1 =	por !p3, !p4  }
0x3ba: {  	p1 =	por !p1, !p1  }
0x3bb: {  	p1 =	por p5, p1  }
0x3bc: {  	s7 =	smov.u32 s20;
	s21 =	smov.u32 @p1 s15  }
0x3bd: {  	s18 =	smov.u32 s8;
	s30 =	smov.u32 @p1 s17;
	p1 =	seq.f32 s20, s21  }
0x3be: {  	p2 =	seq.s32 s22, s30;
	p3 =	seq.f32 s8, s21;
	p4 =	seq.s32 s16, s30  }
0x3bf: {  	s7 =	simm.s32 @p2 $0xFF800000;
	s18 =	simm.s32 @p4 $0xFF800000  }
0x3c0: {  	s20 =	smov.u32 @p1 s7;
	s8 =	smov.u32 @p3 s18  }
0x3c1: {  	p1 =	seq.f32 s8, s20;
	_ =	sdelay $0x1  }
0x3c2: {  	p4 =	seq.s32 s0, s30;
	p6 =	sgt.f32 s8, s20;
	p1 =	por !p0, !p1  }
0x3c3: {  	p3 =	seq.f32 s23, s21;
	s7 =	smov.u32 s23;
	p1 =	por !p1, !p1  }
0x3c4: {  	s7 =	simm.s32 @p4 $0xFF800000;
	s25 =	smov.u32 s20;
	p1 =	por p6, p1  }
0x3c5: {  	s24 =	smov.u32 s22;
	s23 =	smov.u32 @p3 s7;
	s25 =	smov.u32 @p1 s8  }
0x3c6: {  	s24 =	smov.u32 @p1 s16;
	p5 =	seq.f32 s23, s25  }
0x3c7: {  	p6 =	slt.s32 s0, s24  }
0x3c8: {  	p2 =	seq.f32 s5, s21;
	p3 =	sgt.f32 s23, s25;
	p1 =	por !p5, !p6  }
0x3c9: {  	p4 =	seq.s32 s6, s30;
	s7 =	smov.u32 s5;
	p1 =	por !p1, !p1  }
0x3ca: {  	s7 =	simm.s32 @p4 $0xFF800000;
	p1 =	por p3, p1  }
0x3cb: {  	s5 =	smov.u32 @p2 s7;
	s25 =	smov.u32 @p1 s23  }
0x3cc: {  	s24 =	smov.u32 @p1 s0;
	p4 =	seq.f32 s5, s25  }
0x3cd: {  	p5 =	slt.s32 s6, s24  }
0x3ce: {  	p2 =	seq.f32 s1, s21;
	p6 =	sgt.f32 s5, s25;
	p1 =	por !p4, !p5  }
0x3cf: {  	s7 =	smov.u32 s1;
	p4 =	seq.s32 s2, s30;
	p1 =	por !p1, !p1  }
0x3d0: {  	s7 =	simm.s32 @p4 $0xFF800000;
	p1 =	por p6, p1  }
0x3d1: {  	s1 =	smov.u32 @p2 s7;
	s25 =	smov.u32 @p1 s5  }
0x3d2: {  	s24 =	smov.u32 @p1 s6;
	p4 =	seq.f32 s1, s25  }
0x3d3: {  	p5 =	slt.s32 s2, s24  }
0x3d4: {  	p2 =	seq.f32 s15, s21;
	p6 =	sgt.f32 s1, s25;
	p1 =	por !p4, !p5  }
0x3d5: {  	s7 =	smov.u32 s15;
	p4 =	seq.s32 s17, s30;
	p1 =	por !p1, !p1  }
0x3d6: {  	s7 =	simm.s32 @p4 $0xFF800000;
	p1 =	por p6, p1  }
0x3d7: {  	s15 =	smov.u32 @p2 s7;
	s25 =	smov.u32 @p1 s1  }
0x3d8: {  	s24 =	smov.u32 @p1 s2;
	p3 =	seq.f32 s15, s25  }
0x3d9: {  	p4 =	slt.s32 s17, s24  }
0x3da: {  	p5 =	sgt.f32 s15, s25;
	p1 =	por !p3, !p4  }
0x3db: {  	p1 =	por !p1, !p1  }
0x3dc: {  	p1 =	por p5, p1  }
0x3dd: {  	s18 =	smov.u32 s8;
	s25 =	smov.u32 @p1 s15  }
0x3de: {  	s7 =	smov.u32 s20;
	s24 =	smov.u32 @p1 s17;
	p1 =	seq.f32 s20, s25  }
0x3df: {  	p2 =	seq.s32 s22, s24;
	p3 =	seq.f32 s8, s25;
	p4 =	seq.s32 s16, s24  }
0x3e0: {  	s7 =	simm.s32 @p2 $0xFF800000;
	s18 =	simm.s32 @p4 $0xFF800000  }
0x3e1: {  	s20 =	smov.u32 @p1 s7;
	s8 =	smov.u32 @p3 s18  }
0x3e2: {  	p1 =	seq.f32 s8, s20;
	_ =	sdelay $0x1  }
0x3e3: {  	p3 =	seq.s32 s0, s24;
	p6 =	sgt.f32 s8, s20;
	p0 =	por !p0, !p1  }
0x3e4: {  	s7 =	smov.u32 s23;
	p1 =	seq.f32 s23, s25;
	p0 =	por !p0, !p0  }
0x3e5: {  	s7 =	simm.s32 @p3 $0xFF800000;
	p0 =	por p6, p0  }
0x3e6: {  	s23 =	smov.u32 @p1 s7;
	s20 =	smov.u32 @p0 s8  }
0x3e7: {  	s22 =	smov.u32 @p0 s16;
	p4 =	seq.f32 s23, s20  }
0x3e8: {  	p5 =	slt.s32 s0, s22  }
0x3e9: {  	p3 =	seq.s32 s6, s24;
	p6 =	sgt.f32 s23, s20;
	p0 =	por !p4, !p5  }
0x3ea: {  	p1 =	seq.f32 s5, s25;
	s7 =	smov.u32 s5;
	p0 =	por !p0, !p0  }
0x3eb: {  	s7 =	simm.s32 @p3 $0xFF800000;
	p0 =	por p6, p0  }
0x3ec: {  	s5 =	smov.u32 @p1 s7;
	s20 =	smov.u32 @p0 s23  }
0x3ed: {  	s22 =	smov.u32 @p0 s0;
	p4 =	seq.f32 s5, s20  }
0x3ee: {  	p5 =	slt.s32 s6, s22  }
0x3ef: {  	p3 =	seq.s32 s2, s24;
	p6 =	sgt.f32 s5, s20;
	p0 =	por !p4, !p5  }
0x3f0: {  	p1 =	seq.f32 s1, s25;
	s0 =	smov.u32 s1;
	p0 =	por !p0, !p0  }
0x3f1: {  	s0 =	simm.s32 @p3 $0xFF800000;
	p0 =	por p6, p0  }
0x3f2: {  	s1 =	smov.u32 @p1 s0;
	s20 =	smov.u32 @p0 s5  }
0x3f3: {  	s22 =	smov.u32 @p0 s6;
	p4 =	seq.f32 s1, s20  }
0x3f4: {  	p5 =	slt.s32 s2, s22  }
0x3f5: {  	p3 =	seq.s32 s17, s24;
	p6 =	sgt.f32 s1, s20;
	p0 =	por !p4, !p5  }
0x3f6: {  	p1 =	seq.f32 s15, s25;
	s0 =	smov.u32 s15;
	p0 =	por !p0, !p0  }
0x3f7: {  	s0 =	simm.s32 @p3 $0xFF800000;
	p0 =	por p6, p0  }
0x3f8: {  	s15 =	smov.u32 @p1 s0;
	s20 =	smov.u32 @p0 s1  }
0x3f9: {  	s22 =	smov.u32 @p0 s2;
	p4 =	seq.f32 s15, s20  }
0x3fa: {  	p5 =	slt.s32 s17, s22  }
0x3fb: {  	s8 =	smov.u32 s25;
	p6 =	sgt.f32 s15, s20;
	p0 =	por !p4, !p5  }
0x3fc: {  	s16 =	smov.u32 s24;
	s23 =	smov.u32 s20;
	p0 =	por !p0, !p0  }
0x3fd: {  	s0 =	smov.u32 s22;
	s20 =	smov.u32 s21;
	p0 =	por p6, p0  }
0x3fe: {  	s22 =	smov.u32 s30;
	s23 =	smov.u32 @p0 s15;
	s0 =	smov.u32 @p0 s17  }
.LBB2_57:
0x3ff: {  	s26 =	sadd.s32 $0x1, s26  }
0x400: {  	p0 =	sne.s32 s26, $0x32  }
.Ltmp32:
0x401: {  	_ = 	snop;
	(pc) =	sbr.rel @!p0 .LBB2_58-.Ltmp32, $2  }
0x402: {  	_ =	sdelay $0x2  }
0x403: {  	s28 =	sadd.s32 $0x190, s28;
	s29 =	sadd.s32 $0x190, s29  }
.LBB2_45:
0x404: {  	s1 =	smul.u32 $0x190, s26;
	_ =	sdelay $0x1  }
0x405: {  	v7 =	vld [tilespmem:s1+$0xEB80]  }
0x406: {  	v19 =	vld [tilespmem:s1+$0xEB90]  }
0x407: {  	v20 =	vld [tilespmem:s1+$0xEBA0]  }
0x408: {  	v21 =	vld [tilespmem:s1+$0xEBB0]  }
0x409: {  	v8 =	vld [tilespmem:s1+$0xEBC0]  }
0x40a: {  	v9 =	vld [tilespmem:s1+$0xEBD0]  }
0x40b: {  	v10 =	vld [tilespmem:s1+$0xEBE0]  }
0x40c: {  	v11 =	vld [tilespmem:s1+$0xEBF0]  }
0x40d: {  	v22 =	vld [tilespmem:s1+$0xEC10]  }
0x40e: {  	v23 =	vld [tilespmem:s1+$0xEC20]  }
0x40f: {  	v24 =	vld [tilespmem:s1+$0xEC30]  }
0x410: {  	v12 =	vld [tilespmem:s1+$0xEC40]  }
0x411: {  	v13 =	vld [tilespmem:s1+$0xEC50]  }
0x412: {  	v14 =	vld [tilespmem:s1+$0xEC60]  }
0x413: {  	v15 =	vld [tilespmem:s1+$0xEC70]  }
0x414: {  	v16 =	vld [tilespmem:s1+$0xEC90]  }
0x415: {  	v17 =	vld [tilespmem:s1+$0xECA0]  }
0x416: {  	s2 =	sand.u32 $0x7FF0, s1;
	v18 =	vld [tilespmem:s1+$0xECB0]  }
0x417: {  	v26 =	vld [tilespmem:s2+$0xEC00]  }
0x418: {  	v5 =	vld [tilespmem:s1+$0xECC0]  }
0x419: {  	v27 =	vld [tilespmem:s2+$0xEC80]  }
0x41a: {  	v6 =	vld [tilespmem:s1+$0xECD0]  }
0x41b: {  	v25 =	vld [tilespmem:s1+$0xECE0];
	v28 =	vmax.f32 v7, v9;
	v29 =	vmax.f32 v19, v10;
	v30 =	vmax.f32 v20, v11  }
0x41c: {  	v32 =	vmax.f32 v8, v22;
	v31 =	vmax.f32 v21, v26;
	v29 =	vmax.f32 v29, v24;
	v26 =	vld [tilespmem:s1+$0xECF0]  }
0x41d: {  	v62 =	vld [tilespmem:s2+$0xED00];
	v28 =	vmax.f32 v28, v23;
	v30 =	vmax.f32 v30, v12;
	v32 =	vmax.f32 v32, v14  }
0x41e: {  	v27 =	vmax.f32 v29, v27;
	v31 =	vmax.f32 v31, v13;
	v28 =	vmax.f32 v28, v15  }
0x41f: {  	v30 =	vmax.f32 v30, v16;
	v28 =	vmax.f32 v28, v5;
	v27 =	vmax.f32 v27, v6  }
0x420: {  	v31 =	vmax.f32 v31, v17;
	v30 =	vmax.f32 v30, v25;
	v27 =	vmax.f32 v28, v27  }
0x421: {  	v63 =	vmax.f32 v32, v18;
	v27 =	vmax.f32 v27, v30;
	v31 =	vmax.f32 v31, v26  }
0x422: {  	v28 =	vmax.f32 v63, v62;
	v27 =	vmax.f32 v27, v31  }
0x423: {  	v27 =	vmax.f32 v27, v28  }
0x424: {  	v28 =	vperm.xlane v27, v0;
	_ =	sdelay $0x1  }
0x425: {  	v27 =	vmax.f32 v27, v28  }
0x426: {  	v28 =	vperm.xlane v27, v1;
	_ =	sdelay $0x1  }
0x427: {  	v27 =	vmax.f32 v27, v28  }
0x428: {  	v28 =	vperm.xlane v27, v2;
	_ =	sdelay $0x1  }
0x429: {  	v27 =	vmax.f32 v27, v28  }
0x42a: {  	v28 =	vperm.xlane v27, v3;
	_ =	sdelay $0x1  }
0x42b: {  	v27 =	vmax.f32 v27, v28  }
0x42c: {  	(v2sf) =	vpush v27, $0x0;
	_ =	sdelay $0xe  }
0x42d: {  	s31 =	spop (v2sf)  }
0x42e: {  	p0 =	sgt.f32 s31, s23  }
.Ltmp33:
0x42f: {  	_ = 	snop;
	(pc) =	sbr.rel @!p0 .LBB2_57-.Ltmp33, $1  }
0x430: {  	_ =	sdelay $0x3  }
0x431: {  	v7 =	vmax.f32 v7, v19  }
0x432: {  	v7 =	vmax.f32 v7, v20  }
0x433: {  	v63 =	vld [tilespmem:s1+$0xEC00];
	v7 =	vmax.f32 v7, v21  }
0x434: {  	v7 =	vmax.f32 v7, v8  }
0x435: {  	v7 =	vmax.f32 v7, v9  }
0x436: {  	v7 =	vmax.f32 v7, v10  }
0x437: {  	v7 =	vmax.f32 v7, v11  }
0x438: {  	v7 =	vmax.f32 v7, v63  }
0x439: {  	v7 =	vmax.f32 v7, v22  }
0x43a: {  	v7 =	vmax.f32 v7, v23  }
0x43b: {  	v8 =	vld [tilespmem:s1+$0xEC80];
	v7 =	vmax.f32 v7, v24  }
0x43c: {  	v7 =	vmax.f32 v7, v12  }
0x43d: {  	v7 =	vmax.f32 v7, v13  }
0x43e: {  	v7 =	vmax.f32 v7, v14  }
0x43f: {  	v7 =	vmax.f32 v7, v15  }
0x440: {  	v7 =	vmax.f32 v7, v8  }
0x441: {  	v7 =	vmax.f32 v7, v16  }
0x442: {  	v7 =	vmax.f32 v7, v17  }
0x443: {  	v8 =	vld [tilespmem:s1+$0xED00];
	v7 =	vmax.f32 v7, v18  }
0x444: {  	v5 =	vmax.f32 v7, v5  }
0x445: {  	v5 =	vmax.f32 v5, v6  }
0x446: {  	v5 =	vmax.f32 v5, v25  }
0x447: {  	v5 =	vmax.f32 v5, v26  }
0x448: {  	v5 =	vmax.f32 v5, v8  }
0x449: {  	v6 =	vperm.xlane v5, v0;
	_ =	sdelay $0x1  }
0x44a: {  	v5 =	vmax.f32 v5, v6  }
0x44b: {  	v6 =	vperm.xlane v5, v1;
	_ =	sdelay $0x1  }
0x44c: {  	v5 =	vmax.f32 v5, v6;
	v6 =	vmov s28;
	_ =	sdelay $0x1  }
0x44d: {  	v7 =	vperm.xlane v5, v2;
	_ =	sdelay $0x1  }
0x44e: {  	s2 =	simm.s32 $0x0;
	v5 =	vmax.f32 v5, v7  }
0x44f: {  	v7 =	vperm.xlane v5, v3;
	v9 =	vld.idx.msk [tilespmem:v6+s2+$0x0 ss:$0x1], $0xffff;
	_ =	sdelay $0x1  }
0x450: {  	v5 =	vmax.f32 v5, v7  }
0x451: {  	s1 =	simm.s32 $0x40;
	s2 =	smov.u32 s29;
	v7 =	vimm.s32 $0x7FFFFFFF;
	v8 =	vbroadcast v5, $0x0  }
.LBB2_47:
0x452: {  	s5 =	sshra.s32 s1, $0x2;
	p0 =	sne.s32 s1, $0x600;
	s1 =	sadd.s32 $0x40, s1  }
.Ltmp34:
0x453: {  	v10 =	vor.u32 s2, v4;
	vm3 =	veq.f32 v9, v8;
	v9 =	vld.idx.msk [tilespmem:v6+s5+$0x0 ss:$0x1], $0xffff;
	(pc) =	sbr.rel @p0 .LBB2_47-.Ltmp34, $4  }
0x454: {  	v10 =	vnsel vm3, $0x7FFFFFFF, v10  }
0x455: {  	vm3 =	vlt.s32 v7, v10  }
0x456: {  	v7 =	vsel vm3, v7, v10  }
0x457: {  	s2 =	sadd.s32 $0x10, s2  }
0x458: {  	v10 =	vor.u32 s2, v4;
	vm3 =	veq.f32 v9, v8  }
0x459: {  	v8 =	vnsel vm3, $0x7FFFFFFF, v10  }
0x45a: {  	vm3 =	vlt.s32 v7, v8  }
0x45b: {  	v7 =	vsel vm3, v7, v8  }
0x45c: {  	v8 =	vperm.xlane v7, v0;
	_ =	sdelay $0x1  }
0x45d: {  	vm3 =	vlt.s32 v7, v8  }
0x45e: {  	v7 =	vsel vm3, v7, v8  }
0x45f: {  	v8 =	vperm.xlane v7, v1;
	_ =	sdelay $0x1  }
0x460: {  	vm3 =	vlt.s32 v7, v8  }
0x461: {  	v7 =	vsel vm3, v7, v8  }
0x462: {  	v8 =	vperm.xlane v7, v2;
	_ =	sdelay $0x1  }
0x463: {  	vm3 =	vlt.s32 v7, v8  }
0x464: {  	v7 =	vsel vm3, v7, v8  }
0x465: {  	v8 =	vperm.xlane v7, v3  }
0x466: {  	s31 =	simm.s32 $0x0  }
0x467: {  	v10 =	vld.idx.msk [tilespmem:v6+s31+$0x0 ss:$0x1], $0xffff;
	vm3 =	vlt.s32 v7, v8  }
0x468: {  	v7 =	vsel vm3, v7, v8  }
0x469: {  	v8 =	vbroadcast v7, $0x0  }
0x46a: {  	v9 =	vimm.f32 $-Inf;
	s1 =	simm.s32 $0x40;
	s2 =	smov.u32 s29  }
.LBB2_49:
0x46b: {  	s5 =	sshra.s32 s1, $0x2;
	p0 =	sne.s32 s1, $0x600;
	s1 =	sadd.s32 $0x40, s1;
	v11 =	vor.u32 s2, v4  }
.Ltmp35:
0x46c: {  	vm3 =	veq.s32 v11, v8;
	v11 =	vmax.f32 v9, v10;
	v10 =	vld.idx.msk [tilespmem:v6+s5+$0x0 ss:$0x1], $0xffff;
	(pc) =	sbr.rel @p0 .LBB2_49-.Ltmp35, $2  }
0x46d: {  	v9 =	vsel vm3, v9, v11;
	_ =	sdelay $0x2  }
0x46e: {  	s2 =	sadd.s32 $0x10, s2  }
0x46f: {  	v11 =	vor.u32 s2, v4  }
0x470: {  	v10 =	vmax.f32 v9, v10;
	vm3 =	veq.s32 v11, v8  }
0x471: {  	v9 =	vsel vm3, v9, v10  }
0x472: {  	v10 =	vperm.xlane v9, v0;
	_ =	sdelay $0x1  }
0x473: {  	v9 =	vmax.f32 v9, v10  }
0x474: {  	v10 =	vperm.xlane v9, v1;
	_ =	sdelay $0x1  }
0x475: {  	v9 =	vmax.f32 v9, v10  }
0x476: {  	v10 =	vperm.xlane v9, v2;
	_ =	sdelay $0x1  }
0x477: {  	s31 =	simm.s32 $0x0;
	v9 =	vmax.f32 v9, v10  }
0x478: {  	v12 =	vld.idx.msk [tilespmem:v6+s31+$0x0 ss:$0x1], $0xffff;
	v10 =	vperm.xlane v9, v3;
	_ =	sdelay $0x1  }
0x479: {  	v9 =	vmax.f32 v9, v10  }
0x47a: {  	s1 =	simm.s32 $0x40;
	s2 =	smov.u32 s29;
	v10 =	vimm.s32 $0x7FFFFFFF;
	v11 =	vbroadcast v9, $0x0  }
.LBB2_51:
0x47b: {  	s5 =	sshra.s32 s1, $0x2;
	p0 =	sne.s32 s1, $0x600;
	s1 =	sadd.s32 $0x40, s1;
	v13 =	vor.u32 s2, v4  }
.Ltmp36:
0x47c: {  	vm3 =	veq.f32 v12, v11;
	v12 =	vld.idx.msk [tilespmem:v6+s5+$0x0 ss:$0x1], $0xffff;
	vm4 =	vne.s32 v13, v8;
	(pc) =	sbr.rel @p0 .LBB2_51-.Ltmp36, $4  }
0x47d: {  	vm3 =	vmand vm4, vm3  }
0x47e: {  	v13 =	vnsel vm3, $0x7FFFFFFF, v13  }
0x47f: {  	vm3 =	vlt.s32 v10, v13  }
0x480: {  	s2 =	sadd.s32 $0x10, s2;
	v10 =	vsel vm3, v10, v13  }
0x481: {  	v13 =	vor.u32 s2, v4  }
0x482: {  	vm3 =	veq.f32 v12, v11;
	vm4 =	vne.s32 v13, v8  }
0x483: {  	vm3 =	vmand vm4, vm3  }
0x484: {  	v11 =	vnsel vm3, $0x7FFFFFFF, v13  }
0x485: {  	vm3 =	vlt.s32 v10, v11  }
0x486: {  	v10 =	vsel vm3, v10, v11  }
0x487: {  	v11 =	vperm.xlane v10, v0;
	_ =	sdelay $0x1  }
0x488: {  	vm3 =	vlt.s32 v10, v11  }
0x489: {  	v10 =	vsel vm3, v10, v11  }
0x48a: {  	v11 =	vperm.xlane v10, v1;
	_ =	sdelay $0x1  }
0x48b: {  	vm3 =	vlt.s32 v10, v11  }
0x48c: {  	v10 =	vsel vm3, v10, v11  }
0x48d: {  	v11 =	vperm.xlane v10, v2;
	_ =	sdelay $0x1  }
0x48e: {  	vm3 =	vlt.s32 v10, v11  }
0x48f: {  	v10 =	vsel vm3, v10, v11  }
0x490: {  	v11 =	vperm.xlane v10, v3  }
0x491: {  	s31 =	simm.s32 $0x0  }
0x492: {  	v13 =	vld.idx.msk [tilespmem:v6+s31+$0x0 ss:$0x1], $0xffff;
	vm3 =	vlt.s32 v10, v11  }
0x493: {  	v10 =	vsel vm3, v10, v11  }
0x494: {  	v11 =	vbroadcast v10, $0x0  }
0x495: {  	v12 =	vimm.f32 $-Inf;
	s1 =	simm.s32 $0x40;
	v14 =	vor.u32 s29, v4;
	s2 =	smov.u32 s29  }
.LBB2_53:
0x496: {  	s5 =	sshra.s32 s1, $0x2;
	p0 =	sne.s32 s1, $0x600;
	s1 =	sadd.s32 $0x40, s1;
	vm3 =	vne.s32 v14, v11;
	vm4 =	vne.s32 v14, v8  }
.Ltmp37:
0x497: {  	v14 =	vmax.f32 v12, v13;
	vm3 =	vmand vm3, vm4;
	v13 =	vld.idx.msk [tilespmem:v6+s5+$0x0 ss:$0x1], $0xffff;
	(pc) =	sbr.rel @p0 .LBB2_53-.Ltmp37, $3  }
0x498: {  	v12 =	vsel vm3, v14, v12;
	_ =	sdelay $0x1  }
0x499: {  	s2 =	sadd.s32 $0x10, s2  }
0x49a: {  	v14 =	vor.u32 s2, v4  }
0x49b: {  	vm3 =	vne.s32 v14, v11;
	vm4 =	vne.s32 v14, v8  }
0x49c: {  	v13 =	vmax.f32 v12, v13;
	vm3 =	vmand vm3, vm4  }
0x49d: {  	v12 =	vsel vm3, v13, v12  }
0x49e: {  	v13 =	vperm.xlane v12, v0;
	_ =	sdelay $0x1  }
0x49f: {  	v12 =	vmax.f32 v12, v13  }
0x4a0: {  	v13 =	vperm.xlane v12, v1;
	_ =	sdelay $0x1  }
0x4a1: {  	v12 =	vmax.f32 v12, v13  }
0x4a2: {  	v13 =	vperm.xlane v12, v2;
	_ =	sdelay $0x1  }
0x4a3: {  	s2 =	simm.s32 $0x0;
	v12 =	vmax.f32 v12, v13  }
0x4a4: {  	v15 =	vld.idx.msk [tilespmem:v6+s2+$0x0 ss:$0x1], $0xffff;
	v13 =	vperm.xlane v12, v3;
	_ =	sdelay $0x1  }
0x4a5: {  	v12 =	vmax.f32 v12, v13  }
0x4a6: {  	s1 =	simm.s32 $0x40;
	v16 =	vor.u32 s29, v4;
	s2 =	smov.u32 s29;
	v13 =	vimm.s32 $0x7FFFFFFF;
	v14 =	vbroadcast v12, $0x0  }
.LBB2_55:
0x4a7: {  	s5 =	sshra.s32 s1, $0x2;
	p0 =	sne.s32 s1, $0x600;
	s1 =	sadd.s32 $0x40, s1;
	vm3 =	vne.s32 v16, v11;
	vm4 =	vne.s32 v16, v8  }
.Ltmp38:
0x4a8: {  	vm5 =	veq.f32 v15, v14;
	v15 =	vld.idx.msk [tilespmem:v6+s5+$0x0 ss:$0x1], $0xffff;
	vm3 =	vmand vm3, vm4;
	(pc) =	sbr.rel @p0 .LBB2_55-.Ltmp38, $4  }
0x4a9: {  	vm3 =	vmand vm3, vm5  }
0x4aa: {  	v17 =	vnsel vm3, $0x7FFFFFFF, v16  }
0x4ab: {  	s2 =	sadd.s32 $0x10, s2;
	vm3 =	vlt.s32 v13, v17  }
0x4ac: {  	v16 =	vor.u32 s2, v4;
	v13 =	vsel vm3, v13, v17  }
.Ltmp39:
0x4ad: {  	_ = 	snop;
	(pc) =	sbr.rel .LBB2_56-.Ltmp39, $1  }
0x4ae: {  	_ =	sdelay $0x3  }
.LBB2_58:
.Ltmp40:
0x4af: {  	(pc) =	sbr.rel .LBB2_59-.Ltmp40, $4  }
0x4b0: {  	_ = 	snop  }
0x4b1: {  	_ =	swait.ge [sflag:s11], $0x4E20  }
0x4b2: {  	s26 =	simm.s32 $0x0;
	[sflag:s11] =	ssyncset.done $0x0  }
0x4b3: {  	s28 =	simm.s32 $0x13880;
	s29 =	simm.s32 $0x0;
	[sflag:s11] =	ssyncadd.s32 $0xFFFFB1E0  }
.LBB2_70:
0x4b4: {  	vm3 =	vne.s32 v16, v11;
	vm4 =	vne.s32 v16, v8  }
0x4b5: {  	vm5 =	veq.f32 v15, v14;
	vm3 =	vmand vm3, vm4  }
0x4b6: {  	vm3 =	vmand vm3, vm5  }
0x4b7: {  	v6 =	vnsel vm3, $0x7FFFFFFF, v16  }
0x4b8: {  	vm3 =	vlt.s32 v13, v6  }
0x4b9: {  	v6 =	vsel vm3, v13, v6  }
0x4ba: {  	v63 =	vperm.xlane v6, v0;
	_ =	sdelay $0x1  }
0x4bb: {  	vm3 =	vlt.s32 v6, v63  }
0x4bc: {  	(v2sf) =	vpush v5, $0x0;
	v5 =	vsel vm3, v6, v63  }
0x4bd: {  	(v2sf) =	vpush v7, $0x0;
	v6 =	vperm.xlane v5, v1;
	_ =	sdelay $0x1  }
0x4be: {  	vm3 =	vlt.s32 v5, v6  }
0x4bf: {  	p1 =	seq.f32 s8, s20;
	v5 =	vsel vm3, v5, v6  }
0x4c0: {  	p0 =	slt.s32 s16, s22;
	v6 =	vperm.xlane v5, v2  }
0x4c1: {  	p2 =	sgt.f32 s8, s20;
	(v2sf) =	vpush v9, $0x0;
	p1 =	por !p1, !p0  }
0x4c2: {  	(v2sf) =	vpush v10, $0x0;
	p1 =	por !p1, !p1;
	vm3 =	vlt.s32 v5, v6  }
0x4c3: {  	s21 =	smov.u32 s20;
	p1 =	por p2, p1;
	v5 =	vsel vm3, v5, v6  }
0x4c4: {  	s30 =	smov.u32 s22;
	s21 =	smov.u32 @p1 s8;
	v6 =	vperm.xlane v5, v3  }
0x4c5: {  	s30 =	smov.u32 @p1 s16;
	p5 =	seq.f32 s23, s21  }
0x4c6: {  	p6 =	slt.s32 s0, s30;
	vm3 =	vlt.s32 v5, v6  }
0x4c7: {  	(v2sf) =	vpush v12, $0x0;
	p3 =	sgt.f32 s23, s21;
	p1 =	por !p5, !p6;
	v5 =	vsel vm3, v5, v6  }
0x4c8: {  	p1 =	por !p1, !p1;
	(v2sf) =	vpush v5, $0x0  }
0x4c9: {  	p1 =	por p3, p1  }
0x4ca: {  	s21 =	smov.u32 @p1 s23;
	s5 =	spop (v2sf)  }
0x4cb: {  	s30 =	smov.u32 @p1 s0;
	s6 =	spop (v2sf);
	p4 =	seq.f32 s5, s21  }
0x4cc: {  	p5 =	slt.s32 s6, s30  }
0x4cd: {  	p6 =	sgt.f32 s5, s21;
	p1 =	por !p4, !p5  }
0x4ce: {  	p1 =	por !p1, !p1  }
0x4cf: {  	p1 =	por p6, p1  }
0x4d0: {  	s1 =	spop (v2sf);
	s21 =	smov.u32 @p1 s5  }
0x4d1: {  	s2 =	spop (v2sf);
	s30 =	smov.u32 @p1 s6;
	p4 =	seq.f32 s1, s21  }
0x4d2: {  	p5 =	slt.s32 s2, s30  }
0x4d3: {  	p6 =	sgt.f32 s1, s21;
	p1 =	por !p4, !p5  }
0x4d4: {  	p1 =	por !p1, !p1  }
0x4d5: {  	p1 =	por p6, p1  }
0x4d6: {  	s15 =	spop (v2sf);
	s21 =	smov.u32 @p1 s1  }
0x4d7: {  	s30 =	smov.u32 @p1 s2;
	p3 =	seq.f32 s15, s21;
	s17 =	spop (v2sf)  }
0x4d8: {  	p4 =	slt.s32 s17, s30  }
0x4d9: {  	p5 =	sgt.f32 s15, s21;
	p1 =	por !p3, !p4  }
0x4da: {  	p1 =	por !p1, !p1  }
0x4db: {  	p1 =	por p5, p1  }
0x4dc: {  	s7 =	smov.u32 s20;
	s21 =	smov.u32 @p1 s15  }
0x4dd: {  	s18 =	smov.u32 s8;
	s30 =	smov.u32 @p1 s17;
	p1 =	seq.f32 s20, s21  }
0x4de: {  	p2 =	seq.s32 s22, s30;
	p3 =	seq.f32 s8, s21;
	p4 =	seq.s32 s16, s30  }
0x4df: {  	s7 =	simm.s32 @p2 $0xFF800000;
	s18 =	simm.s32 @p4 $0xFF800000  }
0x4e0: {  	s20 =	smov.u32 @p1 s7;
	s8 =	smov.u32 @p3 s18  }
0x4e1: {  	p1 =	seq.f32 s8, s20;
	_ =	sdelay $0x1  }
0x4e2: {  	p4 =	seq.s32 s0, s30;
	p6 =	sgt.f32 s8, s20;
	p1 =	por !p0, !p1  }
0x4e3: {  	p3 =	seq.f32 s23, s21;
	s7 =	smov.u32 s23;
	p1 =	por !p1, !p1  }
0x4e4: {  	s7 =	simm.s32 @p4 $0xFF800000;
	s25 =	smov.u32 s20;
	p1 =	por p6, p1  }
0x4e5: {  	s24 =	smov.u32 s22;
	s23 =	smov.u32 @p3 s7;
	s25 =	smov.u32 @p1 s8  }
0x4e6: {  	s24 =	smov.u32 @p1 s16;
	p5 =	seq.f32 s23, s25  }
0x4e7: {  	p6 =	slt.s32 s0, s24  }
0x4e8: {  	p2 =	seq.f32 s5, s21;
	p3 =	sgt.f32 s23, s25;
	p1 =	por !p5, !p6  }
0x4e9: {  	p4 =	seq.s32 s6, s30;
	s7 =	smov.u32 s5;
	p1 =	por !p1, !p1  }
0x4ea: {  	s7 =	simm.s32 @p4 $0xFF800000;
	p1 =	por p3, p1  }
0x4eb: {  	s5 =	smov.u32 @p2 s7;
	s25 =	smov.u32 @p1 s23  }
0x4ec: {  	s24 =	smov.u32 @p1 s0;
	p4 =	seq.f32 s5, s25  }
0x4ed: {  	p5 =	slt.s32 s6, s24  }
0x4ee: {  	p2 =	seq.f32 s1, s21;
	p6 =	sgt.f32 s5, s25;
	p1 =	por !p4, !p5  }
0x4ef: {  	s7 =	smov.u32 s1;
	p4 =	seq.s32 s2, s30;
	p1 =	por !p1, !p1  }
0x4f0: {  	s7 =	simm.s32 @p4 $0xFF800000;
	p1 =	por p6, p1  }
0x4f1: {  	s1 =	smov.u32 @p2 s7;
	s25 =	smov.u32 @p1 s5  }
0x4f2: {  	s24 =	smov.u32 @p1 s6;
	p4 =	seq.f32 s1, s25  }
0x4f3: {  	p5 =	slt.s32 s2, s24  }
0x4f4: {  	p2 =	seq.f32 s15, s21;
	p6 =	sgt.f32 s1, s25;
	p1 =	por !p4, !p5  }
0x4f5: {  	s7 =	smov.u32 s15;
	p4 =	seq.s32 s17, s30;
	p1 =	por !p1, !p1  }
0x4f6: {  	s7 =	simm.s32 @p4 $0xFF800000;
	p1 =	por p6, p1  }
0x4f7: {  	s15 =	smov.u32 @p2 s7;
	s25 =	smov.u32 @p1 s1  }
0x4f8: {  	s24 =	smov.u32 @p1 s2;
	p3 =	seq.f32 s15, s25  }
0x4f9: {  	p4 =	slt.s32 s17, s24  }
0x4fa: {  	p5 =	sgt.f32 s15, s25;
	p1 =	por !p3, !p4  }
0x4fb: {  	p1 =	por !p1, !p1  }
0x4fc: {  	p1 =	por p5, p1  }
0x4fd: {  	s18 =	smov.u32 s8;
	s25 =	smov.u32 @p1 s15  }
0x4fe: {  	s7 =	smov.u32 s20;
	s24 =	smov.u32 @p1 s17;
	p1 =	seq.f32 s20, s25  }
0x4ff: {  	p2 =	seq.s32 s22, s24;
	p3 =	seq.f32 s8, s25;
	p4 =	seq.s32 s16, s24  }
0x500: {  	s7 =	simm.s32 @p2 $0xFF800000;
	s18 =	simm.s32 @p4 $0xFF800000  }
0x501: {  	s20 =	smov.u32 @p1 s7;
	s8 =	smov.u32 @p3 s18  }
0x502: {  	p1 =	seq.f32 s8, s20;
	_ =	sdelay $0x1  }
0x503: {  	p3 =	seq.s32 s0, s24;
	p6 =	sgt.f32 s8, s20;
	p0 =	por !p0, !p1  }
0x504: {  	s7 =	smov.u32 s23;
	p1 =	seq.f32 s23, s25;
	p0 =	por !p0, !p0  }
0x505: {  	s7 =	simm.s32 @p3 $0xFF800000;
	p0 =	por p6, p0  }
0x506: {  	s23 =	smov.u32 @p1 s7;
	s20 =	smov.u32 @p0 s8  }
0x507: {  	s22 =	smov.u32 @p0 s16;
	p4 =	seq.f32 s23, s20  }
0x508: {  	p5 =	slt.s32 s0, s22  }
0x509: {  	p3 =	seq.s32 s6, s24;
	p6 =	sgt.f32 s23, s20;
	p0 =	por !p4, !p5  }
0x50a: {  	p1 =	seq.f32 s5, s25;
	s7 =	smov.u32 s5;
	p0 =	por !p0, !p0  }
0x50b: {  	s7 =	simm.s32 @p3 $0xFF800000;
	p0 =	por p6, p0  }
0x50c: {  	s5 =	smov.u32 @p1 s7;
	s20 =	smov.u32 @p0 s23  }
0x50d: {  	s22 =	smov.u32 @p0 s0;
	p4 =	seq.f32 s5, s20  }
0x50e: {  	p5 =	slt.s32 s6, s22  }
0x50f: {  	p3 =	seq.s32 s2, s24;
	p6 =	sgt.f32 s5, s20;
	p0 =	por !p4, !p5  }
0x510: {  	p1 =	seq.f32 s1, s25;
	s0 =	smov.u32 s1;
	p0 =	por !p0, !p0  }
0x511: {  	s0 =	simm.s32 @p3 $0xFF800000;
	p0 =	por p6, p0  }
0x512: {  	s1 =	smov.u32 @p1 s0;
	s20 =	smov.u32 @p0 s5  }
0x513: {  	s22 =	smov.u32 @p0 s6;
	p4 =	seq.f32 s1, s20  }
0x514: {  	p5 =	slt.s32 s2, s22  }
0x515: {  	p3 =	seq.s32 s17, s24;
	p6 =	sgt.f32 s1, s20;
	p0 =	por !p4, !p5  }
0x516: {  	p1 =	seq.f32 s15, s25;
	s0 =	smov.u32 s15;
	p0 =	por !p0, !p0  }
0x517: {  	s0 =	simm.s32 @p3 $0xFF800000;
	p0 =	por p6, p0  }
0x518: {  	s15 =	smov.u32 @p1 s0;
	s20 =	smov.u32 @p0 s1  }
0x519: {  	s22 =	smov.u32 @p0 s2;
	p4 =	seq.f32 s15, s20  }
0x51a: {  	p5 =	slt.s32 s17, s22  }
0x51b: {  	s8 =	smov.u32 s25;
	p6 =	sgt.f32 s15, s20;
	p0 =	por !p4, !p5  }
0x51c: {  	s16 =	smov.u32 s24;
	s23 =	smov.u32 s20;
	p0 =	por !p0, !p0  }
0x51d: {  	s0 =	smov.u32 s22;
	s20 =	smov.u32 s21;
	p0 =	por p6, p0  }
0x51e: {  	s22 =	smov.u32 s30;
	s23 =	smov.u32 @p0 s15;
	s0 =	smov.u32 @p0 s17  }
.LBB2_71:
0x51f: {  	s29 =	sadd.s32 $0x1, s29  }
0x520: {  	p0 =	sne.s32 s29, $0x32  }
.Ltmp41:
0x521: {  	_ = 	snop;
	(pc) =	sbr.rel @!p0 .LBB2_72-.Ltmp41, $2  }
0x522: {  	_ =	sdelay $0x2  }
0x523: {  	s26 =	sadd.s32 $0x190, s26;
	s28 =	sadd.s32 $0x190, s28  }
.LBB2_59:
0x524: {  	s1 =	smul.u32 $0x190, s29;
	_ =	sdelay $0x1  }
0x525: {  	v7 =	vld [tilespmem:s1+$0x0]  }
0x526: {  	v19 =	vld [tilespmem:s1+$0x10]  }
0x527: {  	v20 =	vld [tilespmem:s1+$0x20]  }
0x528: {  	v21 =	vld [tilespmem:s1+$0x30]  }
0x529: {  	v8 =	vld [tilespmem:s1+$0x40]  }
0x52a: {  	v9 =	vld [tilespmem:s1+$0x50]  }
0x52b: {  	v10 =	vld [tilespmem:s1+$0x60]  }
0x52c: {  	v11 =	vld [tilespmem:s1+$0x70]  }
0x52d: {  	v22 =	vld [tilespmem:s1+$0x90]  }
0x52e: {  	v23 =	vld [tilespmem:s1+$0xA0]  }
0x52f: {  	v24 =	vld [tilespmem:s1+$0xB0]  }
0x530: {  	v12 =	vld [tilespmem:s1+$0xC0]  }
0x531: {  	v13 =	vld [tilespmem:s1+$0xD0]  }
0x532: {  	v14 =	vld [tilespmem:s1+$0xE0]  }
0x533: {  	v15 =	vld [tilespmem:s1+$0xF0]  }
0x534: {  	v16 =	vld [tilespmem:s1+$0x110]  }
0x535: {  	v17 =	vld [tilespmem:s1+$0x120]  }
0x536: {  	s2 =	sand.u32 $0x7FF0, s1;
	v18 =	vld [tilespmem:s1+$0x130]  }
0x537: {  	v26 =	vld [tilespmem:s2+$0x80]  }
0x538: {  	v5 =	vld [tilespmem:s1+$0x140]  }
0x539: {  	v27 =	vld [tilespmem:s2+$0x100]  }
0x53a: {  	v6 =	vld [tilespmem:s1+$0x150]  }
0x53b: {  	v25 =	vld [tilespmem:s1+$0x160];
	v28 =	vmax.f32 v7, v9;
	v29 =	vmax.f32 v19, v10;
	v30 =	vmax.f32 v20, v11  }
0x53c: {  	v32 =	vmax.f32 v8, v22;
	v31 =	vmax.f32 v21, v26;
	v29 =	vmax.f32 v29, v24;
	v26 =	vld [tilespmem:s1+$0x170]  }
0x53d: {  	v62 =	vld [tilespmem:s2+$0x180];
	v28 =	vmax.f32 v28, v23;
	v30 =	vmax.f32 v30, v12;
	v32 =	vmax.f32 v32, v14  }
0x53e: {  	v27 =	vmax.f32 v29, v27;
	v31 =	vmax.f32 v31, v13;
	v28 =	vmax.f32 v28, v15  }
0x53f: {  	v30 =	vmax.f32 v30, v16;
	v28 =	vmax.f32 v28, v5;
	v27 =	vmax.f32 v27, v6  }
0x540: {  	v31 =	vmax.f32 v31, v17;
	v30 =	vmax.f32 v30, v25;
	v27 =	vmax.f32 v28, v27  }
0x541: {  	v63 =	vmax.f32 v32, v18;
	v27 =	vmax.f32 v27, v30;
	v31 =	vmax.f32 v31, v26  }
0x542: {  	v28 =	vmax.f32 v63, v62;
	v27 =	vmax.f32 v27, v31  }
0x543: {  	v27 =	vmax.f32 v27, v28  }
0x544: {  	v28 =	vperm.xlane v27, v0;
	_ =	sdelay $0x1  }
0x545: {  	v27 =	vmax.f32 v27, v28  }
0x546: {  	v28 =	vperm.xlane v27, v1;
	_ =	sdelay $0x1  }
0x547: {  	v27 =	vmax.f32 v27, v28  }
0x548: {  	v28 =	vperm.xlane v27, v2;
	_ =	sdelay $0x1  }
0x549: {  	v27 =	vmax.f32 v27, v28  }
0x54a: {  	v28 =	vperm.xlane v27, v3;
	_ =	sdelay $0x1  }
0x54b: {  	v27 =	vmax.f32 v27, v28  }
0x54c: {  	(v2sf) =	vpush v27, $0x0;
	_ =	sdelay $0xe  }
0x54d: {  	s31 =	spop (v2sf)  }
0x54e: {  	p0 =	sgt.f32 s31, s23  }
.Ltmp42:
0x54f: {  	_ = 	snop;
	(pc) =	sbr.rel @!p0 .LBB2_71-.Ltmp42, $1  }
0x550: {  	_ =	sdelay $0x3  }
0x551: {  	v7 =	vmax.f32 v7, v19  }
0x552: {  	v7 =	vmax.f32 v7, v20  }
0x553: {  	v63 =	vld [tilespmem:s1+$0x80];
	v7 =	vmax.f32 v7, v21  }
0x554: {  	v7 =	vmax.f32 v7, v8  }
0x555: {  	v7 =	vmax.f32 v7, v9  }
0x556: {  	v7 =	vmax.f32 v7, v10  }
0x557: {  	v7 =	vmax.f32 v7, v11  }
0x558: {  	v7 =	vmax.f32 v7, v63  }
0x559: {  	v7 =	vmax.f32 v7, v22  }
0x55a: {  	v7 =	vmax.f32 v7, v23  }
0x55b: {  	v8 =	vld [tilespmem:s1+$0x100];
	v7 =	vmax.f32 v7, v24  }
0x55c: {  	v7 =	vmax.f32 v7, v12  }
0x55d: {  	v7 =	vmax.f32 v7, v13  }
0x55e: {  	v7 =	vmax.f32 v7, v14  }
0x55f: {  	v7 =	vmax.f32 v7, v15  }
0x560: {  	v7 =	vmax.f32 v7, v8  }
0x561: {  	v7 =	vmax.f32 v7, v16  }
0x562: {  	v7 =	vmax.f32 v7, v17  }
0x563: {  	v8 =	vld [tilespmem:s1+$0x180];
	v7 =	vmax.f32 v7, v18  }
0x564: {  	v5 =	vmax.f32 v7, v5  }
0x565: {  	v5 =	vmax.f32 v5, v6  }
0x566: {  	v5 =	vmax.f32 v5, v25  }
0x567: {  	v5 =	vmax.f32 v5, v26  }
0x568: {  	v5 =	vmax.f32 v5, v8  }
0x569: {  	v6 =	vperm.xlane v5, v0;
	_ =	sdelay $0x1  }
0x56a: {  	v5 =	vmax.f32 v5, v6  }
0x56b: {  	v6 =	vperm.xlane v5, v1;
	_ =	sdelay $0x1  }
0x56c: {  	v5 =	vmax.f32 v5, v6;
	v6 =	vmov s26;
	_ =	sdelay $0x1  }
0x56d: {  	v7 =	vperm.xlane v5, v2;
	_ =	sdelay $0x1  }
0x56e: {  	s2 =	simm.s32 $0x0;
	v5 =	vmax.f32 v5, v7  }
0x56f: {  	v7 =	vperm.xlane v5, v3;
	v9 =	vld.idx.msk [tilespmem:v6+s2+$0x0 ss:$0x1], $0xffff;
	_ =	sdelay $0x1  }
0x570: {  	v5 =	vmax.f32 v5, v7  }
0x571: {  	s1 =	simm.s32 $0x40;
	s2 =	smov.u32 s28;
	v7 =	vimm.s32 $0x7FFFFFFF;
	v8 =	vbroadcast v5, $0x0  }
.LBB2_61:
0x572: {  	s5 =	sshra.s32 s1, $0x2;
	p0 =	sne.s32 s1, $0x600;
	s1 =	sadd.s32 $0x40, s1  }
.Ltmp43:
0x573: {  	v10 =	vor.u32 s2, v4;
	vm3 =	veq.f32 v9, v8;
	v9 =	vld.idx.msk [tilespmem:v6+s5+$0x0 ss:$0x1], $0xffff;
	(pc) =	sbr.rel @p0 .LBB2_61-.Ltmp43, $4  }
0x574: {  	v10 =	vnsel vm3, $0x7FFFFFFF, v10  }
0x575: {  	vm3 =	vlt.s32 v7, v10  }
0x576: {  	v7 =	vsel vm3, v7, v10  }
0x577: {  	s2 =	sadd.s32 $0x10, s2  }
0x578: {  	v10 =	vor.u32 s2, v4;
	vm3 =	veq.f32 v9, v8  }
0x579: {  	v8 =	vnsel vm3, $0x7FFFFFFF, v10  }
0x57a: {  	vm3 =	vlt.s32 v7, v8  }
0x57b: {  	v7 =	vsel vm3, v7, v8  }
0x57c: {  	v8 =	vperm.xlane v7, v0;
	_ =	sdelay $0x1  }
0x57d: {  	vm3 =	vlt.s32 v7, v8  }
0x57e: {  	v7 =	vsel vm3, v7, v8  }
0x57f: {  	v8 =	vperm.xlane v7, v1;
	_ =	sdelay $0x1  }
0x580: {  	vm3 =	vlt.s32 v7, v8  }
0x581: {  	v7 =	vsel vm3, v7, v8  }
0x582: {  	v8 =	vperm.xlane v7, v2;
	_ =	sdelay $0x1  }
0x583: {  	vm3 =	vlt.s32 v7, v8  }
0x584: {  	v7 =	vsel vm3, v7, v8  }
0x585: {  	v8 =	vperm.xlane v7, v3  }
0x586: {  	s31 =	simm.s32 $0x0  }
0x587: {  	v10 =	vld.idx.msk [tilespmem:v6+s31+$0x0 ss:$0x1], $0xffff;
	vm3 =	vlt.s32 v7, v8  }
0x588: {  	v7 =	vsel vm3, v7, v8  }
0x589: {  	v8 =	vbroadcast v7, $0x0  }
0x58a: {  	v9 =	vimm.f32 $-Inf;
	s1 =	simm.s32 $0x40;
	s2 =	smov.u32 s28  }
.LBB2_63:
0x58b: {  	s5 =	sshra.s32 s1, $0x2;
	p0 =	sne.s32 s1, $0x600;
	s1 =	sadd.s32 $0x40, s1;
	v11 =	vor.u32 s2, v4  }
.Ltmp44:
0x58c: {  	vm3 =	veq.s32 v11, v8;
	v11 =	vmax.f32 v9, v10;
	v10 =	vld.idx.msk [tilespmem:v6+s5+$0x0 ss:$0x1], $0xffff;
	(pc) =	sbr.rel @p0 .LBB2_63-.Ltmp44, $2  }
0x58d: {  	v9 =	vsel vm3, v9, v11;
	_ =	sdelay $0x2  }
0x58e: {  	s2 =	sadd.s32 $0x10, s2  }
0x58f: {  	v11 =	vor.u32 s2, v4  }
0x590: {  	v10 =	vmax.f32 v9, v10;
	vm3 =	veq.s32 v11, v8  }
0x591: {  	v9 =	vsel vm3, v9, v10  }
0x592: {  	v10 =	vperm.xlane v9, v0;
	_ =	sdelay $0x1  }
0x593: {  	v9 =	vmax.f32 v9, v10  }
0x594: {  	v10 =	vperm.xlane v9, v1;
	_ =	sdelay $0x1  }
0x595: {  	v9 =	vmax.f32 v9, v10  }
0x596: {  	v10 =	vperm.xlane v9, v2;
	_ =	sdelay $0x1  }
0x597: {  	s31 =	simm.s32 $0x0;
	v9 =	vmax.f32 v9, v10  }
0x598: {  	v12 =	vld.idx.msk [tilespmem:v6+s31+$0x0 ss:$0x1], $0xffff;
	v10 =	vperm.xlane v9, v3;
	_ =	sdelay $0x1  }
0x599: {  	v9 =	vmax.f32 v9, v10  }
0x59a: {  	s1 =	simm.s32 $0x40;
	s2 =	smov.u32 s28;
	v10 =	vimm.s32 $0x7FFFFFFF;
	v11 =	vbroadcast v9, $0x0  }
.LBB2_65:
0x59b: {  	s5 =	sshra.s32 s1, $0x2;
	p0 =	sne.s32 s1, $0x600;
	s1 =	sadd.s32 $0x40, s1;
	v13 =	vor.u32 s2, v4  }
.Ltmp45:
0x59c: {  	vm3 =	veq.f32 v12, v11;
	v12 =	vld.idx.msk [tilespmem:v6+s5+$0x0 ss:$0x1], $0xffff;
	vm4 =	vne.s32 v13, v8;
	(pc) =	sbr.rel @p0 .LBB2_65-.Ltmp45, $4  }
0x59d: {  	vm3 =	vmand vm4, vm3  }
0x59e: {  	v13 =	vnsel vm3, $0x7FFFFFFF, v13  }
0x59f: {  	vm3 =	vlt.s32 v10, v13  }
0x5a0: {  	s2 =	sadd.s32 $0x10, s2;
	v10 =	vsel vm3, v10, v13  }
0x5a1: {  	v13 =	vor.u32 s2, v4  }
0x5a2: {  	vm3 =	veq.f32 v12, v11;
	vm4 =	vne.s32 v13, v8  }
0x5a3: {  	vm3 =	vmand vm4, vm3  }
0x5a4: {  	v11 =	vnsel vm3, $0x7FFFFFFF, v13  }
0x5a5: {  	vm3 =	vlt.s32 v10, v11  }
0x5a6: {  	v10 =	vsel vm3, v10, v11  }
0x5a7: {  	v11 =	vperm.xlane v10, v0;
	_ =	sdelay $0x1  }
0x5a8: {  	vm3 =	vlt.s32 v10, v11  }
0x5a9: {  	v10 =	vsel vm3, v10, v11  }
0x5aa: {  	v11 =	vperm.xlane v10, v1;
	_ =	sdelay $0x1  }
0x5ab: {  	vm3 =	vlt.s32 v10, v11  }
0x5ac: {  	v10 =	vsel vm3, v10, v11  }
0x5ad: {  	v11 =	vperm.xlane v10, v2;
	_ =	sdelay $0x1  }
0x5ae: {  	vm3 =	vlt.s32 v10, v11  }
0x5af: {  	v10 =	vsel vm3, v10, v11  }
0x5b0: {  	v11 =	vperm.xlane v10, v3  }
0x5b1: {  	s31 =	simm.s32 $0x0  }
0x5b2: {  	v13 =	vld.idx.msk [tilespmem:v6+s31+$0x0 ss:$0x1], $0xffff;
	vm3 =	vlt.s32 v10, v11  }
0x5b3: {  	v10 =	vsel vm3, v10, v11  }
0x5b4: {  	v11 =	vbroadcast v10, $0x0  }
0x5b5: {  	v12 =	vimm.f32 $-Inf;
	s1 =	simm.s32 $0x40;
	v14 =	vor.u32 s28, v4;
	s2 =	smov.u32 s28  }
.LBB2_67:
0x5b6: {  	s5 =	sshra.s32 s1, $0x2;
	p0 =	sne.s32 s1, $0x600;
	s1 =	sadd.s32 $0x40, s1;
	vm3 =	vne.s32 v14, v11;
	vm4 =	vne.s32 v14, v8  }
.Ltmp46:
0x5b7: {  	v14 =	vmax.f32 v12, v13;
	vm3 =	vmand vm3, vm4;
	v13 =	vld.idx.msk [tilespmem:v6+s5+$0x0 ss:$0x1], $0xffff;
	(pc) =	sbr.rel @p0 .LBB2_67-.Ltmp46, $3  }
0x5b8: {  	v12 =	vsel vm3, v14, v12;
	_ =	sdelay $0x1  }
0x5b9: {  	s2 =	sadd.s32 $0x10, s2  }
0x5ba: {  	v14 =	vor.u32 s2, v4  }
0x5bb: {  	vm3 =	vne.s32 v14, v11;
	vm4 =	vne.s32 v14, v8  }
0x5bc: {  	v13 =	vmax.f32 v12, v13;
	vm3 =	vmand vm3, vm4  }
0x5bd: {  	v12 =	vsel vm3, v13, v12  }
0x5be: {  	v13 =	vperm.xlane v12, v0;
	_ =	sdelay $0x1  }
0x5bf: {  	v12 =	vmax.f32 v12, v13  }
0x5c0: {  	v13 =	vperm.xlane v12, v1;
	_ =	sdelay $0x1  }
0x5c1: {  	v12 =	vmax.f32 v12, v13  }
0x5c2: {  	v13 =	vperm.xlane v12, v2;
	_ =	sdelay $0x1  }
0x5c3: {  	s2 =	simm.s32 $0x0;
	v12 =	vmax.f32 v12, v13  }
0x5c4: {  	v15 =	vld.idx.msk [tilespmem:v6+s2+$0x0 ss:$0x1], $0xffff;
	v13 =	vperm.xlane v12, v3;
	_ =	sdelay $0x1  }
0x5c5: {  	v12 =	vmax.f32 v12, v13  }
0x5c6: {  	s1 =	simm.s32 $0x40;
	v16 =	vor.u32 s28, v4;
	s2 =	smov.u32 s28;
	v13 =	vimm.s32 $0x7FFFFFFF;
	v14 =	vbroadcast v12, $0x0  }
.LBB2_69:
0x5c7: {  	s5 =	sshra.s32 s1, $0x2;
	p0 =	sne.s32 s1, $0x600;
	s1 =	sadd.s32 $0x40, s1;
	vm3 =	vne.s32 v16, v11;
	vm4 =	vne.s32 v16, v8  }
.Ltmp47:
0x5c8: {  	vm5 =	veq.f32 v15, v14;
	v15 =	vld.idx.msk [tilespmem:v6+s5+$0x0 ss:$0x1], $0xffff;
	vm3 =	vmand vm3, vm4;
	(pc) =	sbr.rel @p0 .LBB2_69-.Ltmp47, $4  }
0x5c9: {  	vm3 =	vmand vm3, vm5  }
0x5ca: {  	v17 =	vnsel vm3, $0x7FFFFFFF, v16  }
0x5cb: {  	s2 =	sadd.s32 $0x10, s2;
	vm3 =	vlt.s32 v13, v17  }
0x5cc: {  	v16 =	vor.u32 s2, v4;
	v13 =	vsel vm3, v13, v17  }
.Ltmp48:
0x5cd: {  	_ = 	snop;
	(pc) =	sbr.rel .LBB2_70-.Ltmp48, $1  }
0x5ce: {  	_ =	sdelay $0x3  }
.LBB2_74:
0x5cf: {  	_ =	sfence.sel $0x180000  }
0x5d0: {  	[bflag:$0x0] =	sbarrier.arrive $0xFFFF  }
0x5d1: {  	_ =	strace $0x90000047  }
0x5d2: {  	s0 =	stileid.u32;
	[bflag:$0x2] =	sbarrier.arrive $0xFFFF  }
0x5d3: {  	p0 =	sne.s32 s0, $0x0;
	s0 =	rddreg [dreg:$0x1]  }
0x5d4: {  	s0 =	sadd.s32 @!p0 $0x100000, s0  }
0x5d5: {  	[sflag:s0] =	ssyncadd.tile.s32 @!p0 $0x1;
	_ =	shalt  }
.Lfunc_end2:
_tile_overlayer_lowered:
.L_overlay_start_2:
0x5d6: {  	(tag) =	ssettag $0x2  }
0x5d7: {  	s0 =	rddreg [dreg:$0x0];
	s2 =	stileid.u32  }
0x5d8: {  	s1 =	rddreg [dreg:$0x1];
	p0 =	sne.s32 s2, $0x0  }
0x5d9: {  	s3 =	rddreg [dreg:$0x2];
	[bflag:$0x3] =	sbarrier.arrive $0xFFFF;
	s2 =	simm.s32 @!p0 $0x1C05  }
0x5da: {  	[timem:s3], [sflag:s2] =	dma.local @!p0 [hbm:s0], s1  }
0x5db: {  	s0 =	simm.s32 @!p0 $0x5  }
0x5dc: {  	_ =	swait.ge @!p0 [sflag:s0], s1  }
0x5dd: {  	s1 =	ssub.s32 @!p0 $0x0, s1;
	[sflag:s0] =	ssyncset.done @!p0 $0x0  }
0x5de: {  	[sflag:s0] =	ssyncadd.s32 @!p0 s1  }
0x5df: {  	[bflag:$0x3] =	sbarrier.arrive $0xFFFF  }
0x5e0: {  	_ =	shalt  }

</sc_bundles>
